<compile_context>
chip_gen: v7x
topology: tpu7x:2x2x1
jax: 0.10.2.dev20260603
libtpu: 0.0.44.dev20260713+nightly
codegen_flags: <defaults>
</compile_context>

<pallas_src>
import functools

import jax
import jax.numpy as jnp
from jax import lax
from jax.experimental import pallas as pl
from jax.experimental.pallas import tpu as pltpu
from jax.experimental.pallas import tpu_sc as plsc

N = 10000
E = 320000
G = 128
NC = 2
NS = 16
NW = NC * NS
EPW = E // NW
CKS = {16: 1000, 32: 400, 64: 200}
RPT = 624
RREM = N - NS * RPT

BLK = 2000
NB = N // BLK



def _make_agg(F):
    CK = CKS[F]
    CH = EPW // CK
    mesh = plsc.VectorSubcoreMesh(core_axis_name="c", subcore_axis_name="s")

    NBUF = 4

    def body(src_hbm, dst_hbm, h_hbm, z_hbm, out_hbm, src_v, dst_v,
             r0, r1, r2, r3, acc_sh, g0, g1, g2, g3, s0, s1, s2, s3):
        rows = [r0, r1, r2, r3]
        gs = [g0, g1, g2, g3]
        ss = [s0, s1, s2, s3]
        c = lax.axis_index("c")
        s = lax.axis_index("s")
        pltpu.sync_copy(z_hbm.at[pl.ds(s * RPT, RPT)],
                        acc_sh.at[pl.ds(s * RPT, RPT)])

        @pl.when(s == 0)
        def _zrem():
            pltpu.sync_copy(z_hbm.at[pl.ds(NS * RPT, RREM)],
                            acc_sh.at[pl.ds(NS * RPT, RREM)])

        plsc.subcore_barrier()
        wid = s * NC + c
        pltpu.sync_copy(src_hbm.at[wid], src_v)
        pltpu.sync_copy(dst_hbm.at[wid], dst_v)

        def gather(j, b):
            pltpu.async_copy(h_hbm.at[src_v.at[j]], rows[b], gs[b])

        def gwait(j, b):
            pltpu.make_async_copy(h_hbm.at[src_v.at[j]], rows[b],
                                  gs[b]).wait()

        def scat(j, b):
            pltpu.async_copy(rows[b], acc_sh.at[dst_v.at[j]], ss[b],
                             add=True)

        def swait(b):
            pltpu.make_async_copy(rows[b], acc_sh.at[dst_v.at[0]],
                                  ss[b]).wait()

        def substep(j, b):
            @pl.when(j + 2 < CH)
            def _refill():
                @pl.when(j >= 2)
                def _free():
                    swait((b + 2) % NBUF)

                gather(j + 2, (b + 2) % NBUF)

            gwait(j, b)
            scat(j, b)

        gather(0, 0)
        gather(1, 1)

        def step(i, carry):
            j0 = NBUF * i
            for b in range(NBUF):
                substep(j0 + b, b)
            return carry

        lax.fori_loop(0, CH // NBUF, step, 0)
        for j in range((CH // NBUF) * NBUF, CH):
            substep(jnp.int32(j), j % NBUF)
        for j in range(max(CH - 4, 0), CH):
            swait(j % NBUF)
        plsc.subcore_barrier()
        pltpu.sync_copy(acc_sh.at[pl.ds(s * RPT, RPT)],
                        out_hbm.at[c, pl.ds(s * RPT, RPT)])

        @pl.when(s == 0)
        def _orem():
            pltpu.sync_copy(acc_sh.at[pl.ds(NS * RPT, RREM)],
                            out_hbm.at[c, pl.ds(NS * RPT, RREM)])

    return pl.kernel(
        body,
        out_type=jax.ShapeDtypeStruct((NC, N, F), jnp.float32),
        mesh=mesh,
        compiler_params=pltpu.CompilerParams(use_tc_tiling_on_sc=False),
        scratch_types=(
            [pltpu.VMEM((CH, CK), jnp.int32)] * 2
            + [pltpu.VMEM((CK, F), jnp.float32)] * 4
            + [pltpu.VMEM_SHARED((N, F), jnp.float32)]
            + [pltpu.SemaphoreType.DMA] * 8
        ),
    )


_agg16 = _make_agg(16)
_agg32 = _make_agg(32)
_agg64 = _make_agg(64)



_DN = (((1,), (1,)), ((), ()))


def _root_body(x_ref, w_ref, b_ref, r_ref):
    r_ref[...] = lax.dot_general(
        x_ref[...], w_ref[...], _DN,
        preferred_element_type=jnp.float32) + b_ref[...]


def _make_root(din, dout):
    return pl.pallas_call(
        _root_body,
        grid=(NB,),
        in_specs=[
            pl.BlockSpec((BLK, din), lambda i: (i, 0)),
            pl.BlockSpec((dout, din), lambda i: (0, 0)),
            pl.BlockSpec((1, dout), lambda i: (0, 0)),
        ],
        out_specs=pl.BlockSpec((BLK, dout), lambda i: (i, 0)),
        out_shape=jax.ShapeDtypeStruct((N, dout), jnp.float32),
    )


def _proj_body(x_ref, w_ref, p_ref):
    p_ref[...] = lax.dot_general(x_ref[...], w_ref[...], _DN,
                                 preferred_element_type=jnp.float32)


_proj1 = pl.pallas_call(
    _proj_body,
    grid=(NB,),
    in_specs=[
        pl.BlockSpec((BLK, 128), lambda i: (i, 0)),
        pl.BlockSpec((16, 128), lambda i: (0, 0)),
    ],
    out_specs=pl.BlockSpec((BLK, 16), lambda i: (i, 0)),
    out_shape=jax.ShapeDtypeStruct((N, 16), jnp.float32),
)


def _crit2_body(a_ref, r_ref, h_ref):
    h_ref[...] = jnp.maximum(a_ref[0] + a_ref[1] + r_ref[...], 0.0)


_crit2 = pl.pallas_call(
    _crit2_body,
    grid=(NB,),
    in_specs=[
        pl.BlockSpec((NC, BLK, 16), lambda i: (0, i, 0)),
        pl.BlockSpec((BLK, 16), lambda i: (i, 0)),
    ],
    out_specs=pl.BlockSpec((BLK, 16), lambda i: (i, 0)),
    out_shape=jax.ShapeDtypeStruct((N, 16), jnp.float32),
)


def _crit_body(a_ref, hp_ref, wrel_ref, wroot_ref, b_ref, h_ref):
    agg = lax.dot_general(a_ref[0] + a_ref[1], wrel_ref[...], _DN,
                          preferred_element_type=jnp.float32)
    root = lax.dot_general(hp_ref[...], wroot_ref[...], _DN,
                           preferred_element_type=jnp.float32)
    h_ref[...] = jnp.maximum(agg + root + b_ref[...], 0.0)


def _make_crit(din, dprev, dmid):
    return pl.pallas_call(
        _crit_body,
        grid=(NB,),
        in_specs=[
            pl.BlockSpec((NC, BLK, din), lambda i: (0, i, 0)),
            pl.BlockSpec((BLK, dprev), lambda i: (i, 0)),
            pl.BlockSpec((dmid, din), lambda i: (0, 0)),
            pl.BlockSpec((dmid, dprev), lambda i: (0, 0)),
            pl.BlockSpec((1, dmid), lambda i: (0, 0)),
        ],
        out_specs=pl.BlockSpec((BLK, dmid), lambda i: (i, 0)),
        out_shape=jax.ShapeDtypeStruct((N, dmid), jnp.float32),
    )


_root1 = _make_root(128, 16)
_crit3 = _make_crit(16, 16, 32)
_crit4 = _make_crit(32, 32, 64)


def _final_body(a_ref, h3_ref, w4_ref, w4r_ref, b4_ref, batch_ref, linw_ref,
                linb_ref, o_ref, pool_acc, cnt_acc):
    i = pl.program_id(0)

    @pl.when(i == 0)
    def _init():
        pool_acc[...] = jnp.zeros_like(pool_acc)
        cnt_acc[...] = jnp.zeros_like(cnt_acc)

    agg = lax.dot_general(a_ref[0] + a_ref[1], w4_ref[...], _DN,
                          preferred_element_type=jnp.float32)
    root = lax.dot_general(h3_ref[...], w4r_ref[...], _DN,
                           preferred_element_type=jnp.float32)
    h4 = jnp.maximum(agg + root + b4_ref[...], 0.0)
    b = batch_ref[0]
    onehot = (b == lax.broadcasted_iota(jnp.int32, (BLK, G), 1)
              ).astype(jnp.float32)
    pool_acc[...] += lax.dot_general(
        onehot, h4, (((0,), (0,)), ((), ())),
        preferred_element_type=jnp.float32)
    cnt_acc[...] += lax.dot_general(
        onehot, jnp.ones((BLK, 1), jnp.float32), (((0,), (0,)), ((), ())),
        preferred_element_type=jnp.float32)

    @pl.when(i == NB - 1)
    def _fin():
        pooled = pool_acc[...] / jnp.maximum(cnt_acc[...], 1.0)
        o_ref[...] = lax.dot_general(
            pooled, linw_ref[...], _DN,
            preferred_element_type=jnp.float32) + linb_ref[...]


_k6 = pl.pallas_call(
    _final_body,
    grid=(NB,),
    in_specs=[
        pl.BlockSpec((NC, BLK, 64), lambda i: (0, i, 0)),
        pl.BlockSpec((BLK, 64), lambda i: (i, 0)),
        pl.BlockSpec((128, 64), lambda i: (0, 0)),
        pl.BlockSpec((128, 64), lambda i: (0, 0)),
        pl.BlockSpec((1, 128), lambda i: (0, 0)),
        pl.BlockSpec((1, BLK, 1), lambda i: (i, 0, 0)),
        pl.BlockSpec((10, 128), lambda i: (0, 0)),
        pl.BlockSpec((1, 10), lambda i: (0, 0)),
    ],
    out_specs=pl.BlockSpec((G, 10), lambda i: (0, 0)),
    out_shape=jax.ShapeDtypeStruct((G, 10), jnp.float32),
    scratch_shapes=[
        pltpu.VMEM((G, 128), jnp.float32),
        pltpu.VMEM((G, 1), jnp.float32),
    ],
)


def kernel(x, edge_index, batch, W1_rel, b1_rel, W1_root, W2_rel, b2_rel,
           W2_root, W3_rel, b3_rel, W3_root, W4_rel, b4_rel, W4_root,
           lin_W, lin_b):
    def _edges(F):
        ck = CKS[F]
        return (edge_index[0].reshape(NW, EPW // ck, ck),
                edge_index[1].reshape(NW, EPW // ck, ck))

    src16, dst16 = _edges(16)
    src32, dst32 = _edges(32)
    src64, dst64 = _edges(64)
    batch3 = batch.reshape(NB, BLK, 1)

    z16 = jnp.zeros((N, 16), jnp.float32)
    z32 = jnp.zeros((N, 32), jnp.float32)
    z64 = jnp.zeros((N, 64), jnp.float32)

    p = _proj1(x, W1_rel)
    ap = _agg16(src16, dst16, p, z16)
    r1 = _root1(x, W1_root, b1_rel[None])

    h1 = _crit2(ap, r1)
    a2 = _agg16(src16, dst16, h1, z16)

    h2 = _crit3(a2, h1, W2_rel, W2_root, b2_rel[None])
    a3 = _agg32(src32, dst32, h2, z32)

    h3 = _crit4(a3, h2, W3_rel, W3_root, b3_rel[None])
    a4 = _agg64(src64, dst64, h3, z64)

    out = _k6(a4, h3, W4_rel, W4_root, b4_rel[None], batch3, lin_W,
              lin_b[None])
    return out.reshape(-1)

# --- scband reference (transcript-rebuilt; emitter-appended) ---
"""Pipeline reference for scband-gnns-6184752906611 (READ-ONLY COPY).

The authoritative reference and input builder live on the scoring server;
editing this copy changes nothing except your own understanding.
"""

import jax, jax.numpy as jnp
import numpy as np

NUM_NODES = 10000
NUM_EDGES = 320000
NUM_GRAPHS = 128
NUM_FEATURES = 128
NUM_CLASSES = 10
DIMS = [(NUM_FEATURES, 16), (16, 32), (32, 64), (64, 128)]


def _init_linear(key, din, dout, bias=True):
    k1, k2 = jax.random.split(key)
    bound = 1.0 / np.sqrt(din)
    W = jax.random.uniform(k1, (dout, din), minval=-bound, maxval=bound, dtype=jnp.float32)
    if bias:
        b = jax.random.uniform(k2, (dout,), minval=-bound, maxval=bound, dtype=jnp.float32)
        return W, b
    return W


def setup_inputs(seed: int = 0):
    key = jax.random.key(seed)
    keys = jax.random.split(key, 12)
    inp = {}
    inp["x"] = jax.random.normal(keys[0], (NUM_NODES, NUM_FEATURES), dtype=jnp.float32)
    inp["edge_index"] = jax.random.randint(keys[1], (2, NUM_EDGES), 0, NUM_NODES, dtype=jnp.int32)
    inp["batch"] = jnp.sort(jax.random.randint(keys[2], (NUM_NODES,), 0, NUM_GRAPHS, dtype=jnp.int32))
    for i, (din, dout) in enumerate(DIMS, start=1):
        Wr, br = _init_linear(keys[2 + 2 * i - 1], din, dout, bias=True)
        Wroot = _init_linear(keys[2 + 2 * i], din, dout, bias=False)
        inp[f"W{i}_rel"] = Wr
        inp[f"b{i}_rel"] = br
        inp[f"W{i}_root"] = Wroot
    lin_W, lin_b = _init_linear(keys[11], 128, NUM_CLASSES, bias=True)
    inp["lin_W"] = lin_W
    inp["lin_b"] = lin_b
    return inp


def _graph_conv(x, src, dst, W_rel, b_rel, W_root):
    # PyG GraphConv: out = lin_rel(sum_{j in N(i)} x_j) + lin_root(x_i)
    msgs = x[src]
    agg = jax.ops.segment_sum(msgs, dst, num_segments=x.shape[0])
    return agg @ W_rel.T + b_rel + x @ W_root.T


def reference(x, edge_index, batch, W1_rel, b1_rel, W1_root, W2_rel, b2_rel, W2_root, W3_rel, b3_rel, W3_root, W4_rel, b4_rel, W4_root, lin_W, lin_b):
    src = edge_index[0]
    dst = edge_index[1]
    h = jax.nn.relu(_graph_conv(x, src, dst, W1_rel, b1_rel, W1_root))
    h = jax.nn.relu(_graph_conv(h, src, dst, W2_rel, b2_rel, W2_root))
    h = jax.nn.relu(_graph_conv(h, src, dst, W3_rel, b3_rel, W3_root))
    h = jax.nn.relu(_graph_conv(h, src, dst, W4_rel, b4_rel, W4_root))
    # global_mean_pool
    sums = jax.ops.segment_sum(h, batch, num_segments=NUM_GRAPHS)
    counts = jax.ops.segment_sum(jnp.ones((h.shape[0],), h.dtype), batch, num_segments=NUM_GRAPHS)
    pooled = sums / jnp.maximum(counts, 1.0)[:, None]
    out = pooled @ lin_W.T + lin_b
    return out.reshape(-1)

if __name__ == "__main__":
    import jax
    _d = setup_inputs()
    print(jax.jit(kernel)(*tuple(_d.values())))

</pallas_src>

<mosaic_0001>
#map = affine_map<(d0, d1) -> (0, 0, 0)>
#map1 = affine_map<(d0, d1) -> (0, 0)>
module attributes {stable_mosaic.version = 14 : i64} {
  func.func @body(%arg0: i32, %arg1: i32, %arg2: memref<32x25x400xi32, #tpu.memory_space<hbm>>, %arg3: memref<32x25x400xi32, #tpu.memory_space<hbm>>, %arg4: memref<10000x32xf32, #tpu.memory_space<hbm>>, %arg5: memref<10000x32xf32, #tpu.memory_space<hbm>>, %arg6: memref<2x10000x32xf32, #tpu.memory_space<hbm>>, %arg7: memref<25x400xi32, #tpu.memory_space<vmem>>, %arg8: memref<25x400xi32, #tpu.memory_space<vmem>>, %arg9: memref<400x32xf32, #tpu.memory_space<vmem>>, %arg10: memref<400x32xf32, #tpu.memory_space<vmem>>, %arg11: memref<400x32xf32, #tpu.memory_space<vmem>>, %arg12: memref<400x32xf32, #tpu.memory_space<vmem>>, %arg13: memref<10000x32xf32, #tpu.memory_space<vmem_shared>>, %arg14: memref<!tpu.dma_semaphore, #tpu.memory_space<semaphore_mem>>, %arg15: memref<!tpu.dma_semaphore, #tpu.memory_space<semaphore_mem>>, %arg16: memref<!tpu.dma_semaphore, #tpu.memory_space<semaphore_mem>>, %arg17: memref<!tpu.dma_semaphore, #tpu.memory_space<semaphore_mem>>, %arg18: memref<!tpu.dma_semaphore, #tpu.memory_space<semaphore_mem>>, %arg19: memref<!tpu.dma_semaphore, #tpu.memory_space<semaphore_mem>>, %arg20: memref<!tpu.dma_semaphore, #tpu.memory_space<semaphore_mem>>, %arg21: memref<!tpu.dma_semaphore, #tpu.memory_space<semaphore_mem>>) attributes {dimension_semantics = [#tpu.dimension_semantics<core_parallel>, #tpu.dimension_semantics<subcore_parallel>], iteration_bounds = array<i64: 2, 16>, scalar_prefetch = 0 : i64, scratch_operands = 15 : i64, tpu.core_type = #tpu.core_type<sc_vector_subcore>, window_params = [{transform_indices = #map}, {transform_indices = #map}, {transform_indices = #map1}, {transform_indices = #map1}, {transform_indices = #map}]} {
    %mul3A = arith.constant 624 : i32
    %mul3A_0 = arith.muli %arg1, %mul3A : i32
    %mul3A_1 = arith.constant 624 : i32
    %mul3A_2 = arith.muli %arg1, %mul3A_1 : i32
    "tpu.region"() ({
      %run_scoped3A = tpu.sem_alloc : memref<!tpu.dma_semaphore, #tpu.memory_space<semaphore_mem>>
      %dma_start3A_84 = arith.constant 0 : i32
      %dma_start3A_85 = tpu.memref_slice %arg13[%mul3A_2, %dma_start3A_84] : memref<10000x32xf32, #tpu.memory_space<vmem_shared>> -> memref<624x32xf32, #tpu.memory_space<vmem_shared>>
      %dma_start3A_86 = arith.constant 0 : i32
      %dma_start3A_87 = tpu.memref_slice %arg5[%mul3A_0, %dma_start3A_86] : memref<10000x32xf32, #tpu.memory_space<hbm>> -> memref<624x32xf32, #tpu.memory_space<hbm>>
      tpu.enqueue_dma source(%dma_start3A_87 : memref<624x32xf32, #tpu.memory_space<hbm>>) target(%dma_start3A_85 : memref<624x32xf32, #tpu.memory_space<vmem_shared>>) target_semaphore(%run_scoped3A : memref<!tpu.dma_semaphore, #tpu.memory_space<semaphore_mem>>)
      %dma_wait3A_88 = arith.constant 0 : i32
      %dma_wait3A_89 = tpu.memref_slice %arg13[%mul3A_2, %dma_wait3A_88] : memref<10000x32xf32, #tpu.memory_space<vmem_shared>> -> memref<624x32xf32, #tpu.memory_space<vmem_shared>>
      %dma_wait3A_90 = arith.constant 0 : i32
      %dma_wait3A_91 = tpu.memref_slice %arg5[%mul3A_0, %dma_wait3A_90] : memref<10000x32xf32, #tpu.memory_space<hbm>> -> memref<624x32xf32, #tpu.memory_space<hbm>>
      tpu.wait_dma2 semaphore(%run_scoped3A : memref<!tpu.dma_semaphore, #tpu.memory_space<semaphore_mem>>) src(%dma_wait3A_91 : memref<624x32xf32, #tpu.memory_space<hbm>>) dst(%dma_wait3A_89 : memref<624x32xf32, #tpu.memory_space<vmem_shared>>)
      tpu.yield
    }) : () -> ()
    %eq3A = arith.constant 0 : i32
    %eq3A_3 = arith.cmpi eq, %arg1, %eq3A : i32
    %convert_element_type3A = arith.extui %eq3A_3 : i1 to i32
    %cond3A = arith.constant 0 : i32
    %cond3A_4 = arith.cmpi ne, %convert_element_type3A, %cond3A : i32
    scf.if %cond3A_4 {
      "tpu.region"() ({
        %run_scoped3A = tpu.sem_alloc : memref<!tpu.dma_semaphore, #tpu.memory_space<semaphore_mem>>
        %dma_start3A_84 = arith.constant 9984 : i32
        %dma_start3A_85 = arith.constant 0 : i32
        %dma_start3A_86 = tpu.memref_slice %arg13[%dma_start3A_84, %dma_start3A_85] : memref<10000x32xf32, #tpu.memory_space<vmem_shared>> -> memref<16x32xf32, #tpu.memory_space<vmem_shared>>
        %dma_start3A_87 = arith.constant 9984 : i32
        %dma_start3A_88 = arith.constant 0 : i32
        %dma_start3A_89 = tpu.memref_slice %arg5[%dma_start3A_87, %dma_start3A_88] : memref<10000x32xf32, #tpu.memory_space<hbm>> -> memref<16x32xf32, #tpu.memory_space<hbm>>
        tpu.enqueue_dma source(%dma_start3A_89 : memref<16x32xf32, #tpu.memory_space<hbm>>) target(%dma_start3A_86 : memref<16x32xf32, #tpu.memory_space<vmem_shared>>) target_semaphore(%run_scoped3A : memref<!tpu.dma_semaphore, #tpu.memory_space<semaphore_mem>>)
        %dma_wait3A_90 = arith.constant 9984 : i32
        %dma_wait3A_91 = arith.constant 0 : i32
        %dma_wait3A_92 = tpu.memref_slice %arg13[%dma_wait3A_90, %dma_wait3A_91] : memref<10000x32xf32, #tpu.memory_space<vmem_shared>> -> memref<16x32xf32, #tpu.memory_space<vmem_shared>>
        %dma_wait3A_93 = arith.constant 9984 : i32
        %dma_wait3A_94 = arith.constant 0 : i32
        %dma_wait3A_95 = tpu.memref_slice %arg5[%dma_wait3A_93, %dma_wait3A_94] : memref<10000x32xf32, #tpu.memory_space<hbm>> -> memref<16x32xf32, #tpu.memory_space<hbm>>
        tpu.wait_dma2 semaphore(%run_scoped3A : memref<!tpu.dma_semaphore, #tpu.memory_space<semaphore_mem>>) src(%dma_wait3A_95 : memref<16x32xf32, #tpu.memory_space<hbm>>) dst(%dma_wait3A_92 : memref<16x32xf32, #tpu.memory_space<vmem_shared>>)
        tpu.yield
      }) : () -> ()
    } else {
    }
    %barrier3A = arith.constant 0 : index
    tpu.barrier barrier_id(%barrier3A)
    %mul3A_5 = arith.constant 2 : i32
    %mul3A_6 = arith.muli %arg1, %mul3A_5 : i32
    %add3A = arith.addi %mul3A_6, %arg0 : i32
    "tpu.region"() ({
      %run_scoped3A = tpu.sem_alloc : memref<!tpu.dma_semaphore, #tpu.memory_space<semaphore_mem>>
      %dma_start3A_84 = arith.constant 0 : i32
      %dma_start3A_85 = arith.constant 0 : i32
      %dma_start3A_86 = tpu.memref_slice %arg2[%add3A, %dma_start3A_84, %dma_start3A_85] : memref<32x25x400xi32, #tpu.memory_space<hbm>> -> memref<1x25x400xi32, #tpu.memory_space<hbm>>
      %dma_start3A_87 = tpu.memref_squeeze %dma_start3A_86 : memref<1x25x400xi32, #tpu.memory_space<hbm>> -> memref<25x400xi32, #tpu.memory_space<hbm>>
      %dma_start3A_88 = arith.constant 0 : i32
      %dma_start3A_89 = arith.constant 0 : i32
      %dma_start3A_90 = tpu.memref_slice %arg2[%add3A, %dma_start3A_88, %dma_start3A_89] : memref<32x25x400xi32, #tpu.memory_space<hbm>> -> memref<1x25x400xi32, #tpu.memory_space<hbm>>
      %dma_start3A_91 = tpu.memref_squeeze %dma_start3A_90 : memref<1x25x400xi32, #tpu.memory_space<hbm>> -> memref<25x400xi32, #tpu.memory_space<hbm>>
      tpu.enqueue_dma source(%dma_start3A_91 : memref<25x400xi32, #tpu.memory_space<hbm>>) target(%arg7 : memref<25x400xi32, #tpu.memory_space<vmem>>) target_semaphore(%run_scoped3A : memref<!tpu.dma_semaphore, #tpu.memory_space<semaphore_mem>>)
      %dma_wait3A_92 = arith.constant 0 : i32
      %dma_wait3A_93 = arith.constant 0 : i32
      %dma_wait3A_94 = tpu.memref_slice %arg2[%add3A, %dma_wait3A_92, %dma_wait3A_93] : memref<32x25x400xi32, #tpu.memory_space<hbm>> -> memref<1x25x400xi32, #tpu.memory_space<hbm>>
      %dma_wait3A_95 = tpu.memref_squeeze %dma_wait3A_94 : memref<1x25x400xi32, #tpu.memory_space<hbm>> -> memref<25x400xi32, #tpu.memory_space<hbm>>
      %dma_wait3A_96 = arith.constant 0 : i32
      %dma_wait3A_97 = arith.constant 0 : i32
      %dma_wait3A_98 = tpu.memref_slice %arg2[%add3A, %dma_wait3A_96, %dma_wait3A_97] : memref<32x25x400xi32, #tpu.memory_space<hbm>> -> memref<1x25x400xi32, #tpu.memory_space<hbm>>
      %dma_wait3A_99 = tpu.memref_squeeze %dma_wait3A_98 : memref<1x25x400xi32, #tpu.memory_space<hbm>> -> memref<25x400xi32, #tpu.memory_space<hbm>>
      tpu.wait_dma2 semaphore(%run_scoped3A : memref<!tpu.dma_semaphore, #tpu.memory_space<semaphore_mem>>) src(%dma_wait3A_99 : memref<25x400xi32, #tpu.memory_space<hbm>>) dst(%arg7 : memref<25x400xi32, #tpu.memory_space<vmem>>)
      tpu.yield
    }) : () -> ()
    "tpu.region"() ({
      %run_scoped3A = tpu.sem_alloc : memref<!tpu.dma_semaphore, #tpu.memory_space<semaphore_mem>>
      %dma_start3A_84 = arith.constant 0 : i32
      %dma_start3A_85 = arith.constant 0 : i32
      %dma_start3A_86 = tpu.memref_slice %arg3[%add3A, %dma_start3A_84, %dma_start3A_85] : memref<32x25x400xi32, #tpu.memory_space<hbm>> -> memref<1x25x400xi32, #tpu.memory_space<hbm>>
      %dma_start3A_87 = tpu.memref_squeeze %dma_start3A_86 : memref<1x25x400xi32, #tpu.memory_space<hbm>> -> memref<25x400xi32, #tpu.memory_space<hbm>>
      %dma_start3A_88 = arith.constant 0 : i32
      %dma_start3A_89 = arith.constant 0 : i32
      %dma_start3A_90 = tpu.memref_slice %arg3[%add3A, %dma_start3A_88, %dma_start3A_89] : memref<32x25x400xi32, #tpu.memory_space<hbm>> -> memref<1x25x400xi32, #tpu.memory_space<hbm>>
      %dma_start3A_91 = tpu.memref_squeeze %dma_start3A_90 : memref<1x25x400xi32, #tpu.memory_space<hbm>> -> memref<25x400xi32, #tpu.memory_space<hbm>>
      tpu.enqueue_dma source(%dma_start3A_91 : memref<25x400xi32, #tpu.memory_space<hbm>>) target(%arg8 : memref<25x400xi32, #tpu.memory_space<vmem>>) target_semaphore(%run_scoped3A : memref<!tpu.dma_semaphore, #tpu.memory_space<semaphore_mem>>)
      %dma_wait3A_92 = arith.constant 0 : i32
      %dma_wait3A_93 = arith.constant 0 : i32
      %dma_wait3A_94 = tpu.memref_slice %arg3[%add3A, %dma_wait3A_92, %dma_wait3A_93] : memref<32x25x400xi32, #tpu.memory_space<hbm>> -> memref<1x25x400xi32, #tpu.memory_space<hbm>>
      %dma_wait3A_95 = tpu.memref_squeeze %dma_wait3A_94 : memref<1x25x400xi32, #tpu.memory_space<hbm>> -> memref<25x400xi32, #tpu.memory_space<hbm>>
      %dma_wait3A_96 = arith.constant 0 : i32
      %dma_wait3A_97 = arith.constant 0 : i32
      %dma_wait3A_98 = tpu.memref_slice %arg3[%add3A, %dma_wait3A_96, %dma_wait3A_97] : memref<32x25x400xi32, #tpu.memory_space<hbm>> -> memref<1x25x400xi32, #tpu.memory_space<hbm>>
      %dma_wait3A_99 = tpu.memref_squeeze %dma_wait3A_98 : memref<1x25x400xi32, #tpu.memory_space<hbm>> -> memref<25x400xi32, #tpu.memory_space<hbm>>
      tpu.wait_dma2 semaphore(%run_scoped3A : memref<!tpu.dma_semaphore, #tpu.memory_space<semaphore_mem>>) src(%dma_wait3A_99 : memref<25x400xi32, #tpu.memory_space<hbm>>) dst(%arg8 : memref<25x400xi32, #tpu.memory_space<vmem>>)
      tpu.yield
    }) : () -> ()
    %dma_start3A = arith.constant 0 : i32
    %dma_start3A_7 = arith.constant 0 : i32
    %dma_start3A_8 = tpu.memref_slice %arg7[%dma_start3A, %dma_start3A_7] : memref<25x400xi32, #tpu.memory_space<vmem>> -> memref<1x400xi32, #tpu.memory_space<vmem>>
    %dma_start3A_9 = tpu.memref_squeeze %dma_start3A_8 : memref<1x400xi32, #tpu.memory_space<vmem>> -> memref<400xi32, #tpu.memory_space<vmem>>
    %dma_start3A_10 = arith.constant 0 : i32
    %dma_start3A_11 = arith.constant 0 : i32
    %dma_start3A_12 = tpu.memref_slice %arg4[%dma_start3A_10, %dma_start3A_11] : memref<10000x32xf32, #tpu.memory_space<hbm>> -> memref<10000x32xf32, #tpu.memory_space<hbm>>
    tpu.enqueue_indirect_dma source(%dma_start3A_12 : memref<10000x32xf32, #tpu.memory_space<hbm>>) target(%arg9 : memref<400x32xf32, #tpu.memory_space<vmem>>) offsets(%dma_start3A_9 : memref<400xi32, #tpu.memory_space<vmem>>) semaphore(%arg14 : memref<!tpu.dma_semaphore, #tpu.memory_space<semaphore_mem>>)
    %dma_start3A_13 = arith.constant 1 : i32
    %dma_start3A_14 = arith.constant 0 : i32
    %dma_start3A_15 = tpu.memref_slice %arg7[%dma_start3A_13, %dma_start3A_14] : memref<25x400xi32, #tpu.memory_space<vmem>> -> memref<1x400xi32, #tpu.memory_space<vmem>>
    %dma_start3A_16 = tpu.memref_squeeze %dma_start3A_15 : memref<1x400xi32, #tpu.memory_space<vmem>> -> memref<400xi32, #tpu.memory_space<vmem>>
    %dma_start3A_17 = arith.constant 0 : i32
    %dma_start3A_18 = arith.constant 0 : i32
    %dma_start3A_19 = tpu.memref_slice %arg4[%dma_start3A_17, %dma_start3A_18] : memref<10000x32xf32, #tpu.memory_space<hbm>> -> memref<10000x32xf32, #tpu.memory_space<hbm>>
    tpu.enqueue_indirect_dma source(%dma_start3A_19 : memref<10000x32xf32, #tpu.memory_space<hbm>>) target(%arg10 : memref<400x32xf32, #tpu.memory_space<vmem>>) offsets(%dma_start3A_16 : memref<400xi32, #tpu.memory_space<vmem>>) semaphore(%arg15 : memref<!tpu.dma_semaphore, #tpu.memory_space<semaphore_mem>>)
    %scan3A = arith.constant 0 : i32
    %scan3A_20 = arith.constant 0 : i32
    %scan3A_21 = arith.constant 6 : i32
    %scan3A_22 = arith.addi %scan3A_20, %scan3A_21 : i32
    %scan3A_23 = arith.constant 1 : i32
    scf.for %scan3A_84 = %scan3A_20 to %scan3A_22 step %scan3A_23  : i32 {
      %mul3A_85 = arith.constant 4 : i32
      %mul3A_86 = arith.muli %mul3A_85, %scan3A_84 : i32
      %add3A_87 = arith.constant 0 : i32
      %add3A_88 = arith.addi %mul3A_86, %add3A_87 : i32
      %add3A_89 = arith.constant 2 : i32
      %add3A_90 = arith.addi %add3A_88, %add3A_89 : i32
      %lt3A_91 = arith.constant 25 : i32
      %lt3A_92 = arith.cmpi slt, %add3A_90, %lt3A_91 : i32
      %convert_element_type3A_93 = arith.extui %lt3A_92 : i1 to i32
      %cond3A_94 = arith.constant 0 : i32
      %cond3A_95 = arith.cmpi ne, %convert_element_type3A_93, %cond3A_94 : i32
      scf.if %cond3A_95 {
        %ge3A = arith.constant 2 : i32
        %ge3A_171 = arith.cmpi sge, %add3A_88, %ge3A : i32
        %convert_element_type3A_172 = arith.extui %ge3A_171 : i1 to i32
        %cond3A_173 = arith.constant 0 : i32
        %cond3A_174 = arith.cmpi ne, %convert_element_type3A_172, %cond3A_173 : i32
        scf.if %cond3A_174 {
          %dma_wait3A_183 = arith.constant 0 : i32
          %dma_wait3A_184 = arith.constant 0 : i32
          %dma_wait3A_185 = tpu.memref_slice %arg8[%dma_wait3A_183, %dma_wait3A_184] : memref<25x400xi32, #tpu.memory_space<vmem>> -> memref<1x400xi32, #tpu.memory_space<vmem>>
          %dma_wait3A_186 = tpu.memref_squeeze %dma_wait3A_185 : memref<1x400xi32, #tpu.memory_space<vmem>> -> memref<400xi32, #tpu.memory_space<vmem>>
          %dma_wait3A_187 = arith.constant 0 : i32
          %dma_wait3A_188 = arith.constant 0 : i32
          %dma_wait3A_189 = tpu.memref_slice %arg13[%dma_wait3A_187, %dma_wait3A_188] : memref<10000x32xf32, #tpu.memory_space<vmem_shared>> -> memref<10000x32xf32, #tpu.memory_space<vmem_shared>>
          tpu.wait_indirect_dma semaphore(%arg20 : memref<!tpu.dma_semaphore, #tpu.memory_space<semaphore_mem>>) src(%arg11 : memref<400x32xf32, #tpu.memory_space<vmem>>) dst(%dma_wait3A_189 : memref<10000x32xf32, #tpu.memory_space<vmem_shared>>)
        } else {
        }
        %add3A_175 = arith.constant 2 : i32
        %add3A_176 = arith.addi %add3A_88, %add3A_175 : i32
        %dma_start3A_177 = arith.constant 0 : i32
        %dma_start3A_178 = tpu.memref_slice %arg7[%add3A_176, %dma_start3A_177] : memref<25x400xi32, #tpu.memory_space<vmem>> -> memref<1x400xi32, #tpu.memory_space<vmem>>
        %dma_start3A_179 = tpu.memref_squeeze %dma_start3A_178 : memref<1x400xi32, #tpu.memory_space<vmem>> -> memref<400xi32, #tpu.memory_space<vmem>>
        %dma_start3A_180 = arith.constant 0 : i32
        %dma_start3A_181 = arith.constant 0 : i32
        %dma_start3A_182 = tpu.memref_slice %arg4[%dma_start3A_180, %dma_start3A_181] : memref<10000x32xf32, #tpu.memory_space<hbm>> -> memref<10000x32xf32, #tpu.memory_space<hbm>>
        tpu.enqueue_indirect_dma source(%dma_start3A_182 : memref<10000x32xf32, #tpu.memory_space<hbm>>) target(%arg11 : memref<400x32xf32, #tpu.memory_space<vmem>>) offsets(%dma_start3A_179 : memref<400xi32, #tpu.memory_space<vmem>>) semaphore(%arg16 : memref<!tpu.dma_semaphore, #tpu.memory_space<semaphore_mem>>)
      } else {
      }
      %dma_wait3A_96 = arith.constant 0 : i32
      %dma_wait3A_97 = tpu.memref_slice %arg7[%add3A_88, %dma_wait3A_96] : memref<25x400xi32, #tpu.memory_space<vmem>> -> memref<1x400xi32, #tpu.memory_space<vmem>>
      %dma_wait3A_98 = tpu.memref_squeeze %dma_wait3A_97 : memref<1x400xi32, #tpu.memory_space<vmem>> -> memref<400xi32, #tpu.memory_space<vmem>>
      %dma_wait3A_99 = arith.constant 0 : i32
      %dma_wait3A_100 = arith.constant 0 : i32
      %dma_wait3A_101 = tpu.memref_slice %arg4[%dma_wait3A_99, %dma_wait3A_100] : memref<10000x32xf32, #tpu.memory_space<hbm>> -> memref<10000x32xf32, #tpu.memory_space<hbm>>
      tpu.wait_indirect_dma semaphore(%arg14 : memref<!tpu.dma_semaphore, #tpu.memory_space<semaphore_mem>>) src(%dma_wait3A_101 : memref<10000x32xf32, #tpu.memory_space<hbm>>) dst(%arg9 : memref<400x32xf32, #tpu.memory_space<vmem>>)
      %dma_start3A_102 = arith.constant 0 : i32
      %dma_start3A_103 = tpu.memref_slice %arg8[%add3A_88, %dma_start3A_102] : memref<25x400xi32, #tpu.memory_space<vmem>> -> memref<1x400xi32, #tpu.memory_space<vmem>>
      %dma_start3A_104 = tpu.memref_squeeze %dma_start3A_103 : memref<1x400xi32, #tpu.memory_space<vmem>> -> memref<400xi32, #tpu.memory_space<vmem>>
      %dma_start3A_105 = arith.constant 0 : i32
      %dma_start3A_106 = arith.constant 0 : i32
      %dma_start3A_107 = tpu.memref_slice %arg13[%dma_start3A_105, %dma_start3A_106] : memref<10000x32xf32, #tpu.memory_space<vmem_shared>> -> memref<10000x32xf32, #tpu.memory_space<vmem_shared>>
      tpu.enqueue_indirect_dma source(%arg9 : memref<400x32xf32, #tpu.memory_space<vmem>>) target(%dma_start3A_107 : memref<10000x32xf32, #tpu.memory_space<vmem_shared>>) offsets(%dma_start3A_104 : memref<400xi32, #tpu.memory_space<vmem>>) semaphore(%arg18 : memref<!tpu.dma_semaphore, #tpu.memory_space<semaphore_mem>>) {add = true}
      %add3A_108 = arith.constant 1 : i32
      %add3A_109 = arith.addi %mul3A_86, %add3A_108 : i32
      %add3A_110 = arith.constant 2 : i32
      %add3A_111 = arith.addi %add3A_109, %add3A_110 : i32
      %lt3A_112 = arith.constant 25 : i32
      %lt3A_113 = arith.cmpi slt, %add3A_111, %lt3A_112 : i32
      %convert_element_type3A_114 = arith.extui %lt3A_113 : i1 to i32
      %cond3A_115 = arith.constant 0 : i32
      %cond3A_116 = arith.cmpi ne, %convert_element_type3A_114, %cond3A_115 : i32
      scf.if %cond3A_116 {
        %ge3A = arith.constant 2 : i32
        %ge3A_171 = arith.cmpi sge, %add3A_109, %ge3A : i32
        %convert_element_type3A_172 = arith.extui %ge3A_171 : i1 to i32
        %cond3A_173 = arith.constant 0 : i32
        %cond3A_174 = arith.cmpi ne, %convert_element_type3A_172, %cond3A_173 : i32
        scf.if %cond3A_174 {
          %dma_wait3A_183 = arith.constant 0 : i32
          %dma_wait3A_184 = arith.constant 0 : i32
          %dma_wait3A_185 = tpu.memref_slice %arg8[%dma_wait3A_183, %dma_wait3A_184] : memref<25x400xi32, #tpu.memory_space<vmem>> -> memref<1x400xi32, #tpu.memory_space<vmem>>
          %dma_wait3A_186 = tpu.memref_squeeze %dma_wait3A_185 : memref<1x400xi32, #tpu.memory_space<vmem>> -> memref<400xi32, #tpu.memory_space<vmem>>
          %dma_wait3A_187 = arith.constant 0 : i32
          %dma_wait3A_188 = arith.constant 0 : i32
          %dma_wait3A_189 = tpu.memref_slice %arg13[%dma_wait3A_187, %dma_wait3A_188] : memref<10000x32xf32, #tpu.memory_space<vmem_shared>> -> memref<10000x32xf32, #tpu.memory_space<vmem_shared>>
          tpu.wait_indirect_dma semaphore(%arg21 : memref<!tpu.dma_semaphore, #tpu.memory_space<semaphore_mem>>) src(%arg12 : memref<400x32xf32, #tpu.memory_space<vmem>>) dst(%dma_wait3A_189 : memref<10000x32xf32, #tpu.memory_space<vmem_shared>>)
        } else {
        }
        %add3A_175 = arith.constant 2 : i32
        %add3A_176 = arith.addi %add3A_109, %add3A_175 : i32
        %dma_start3A_177 = arith.constant 0 : i32
        %dma_start3A_178 = tpu.memref_slice %arg7[%add3A_176, %dma_start3A_177] : memref<25x400xi32, #tpu.memory_space<vmem>> -> memref<1x400xi32, #tpu.memory_space<vmem>>
        %dma_start3A_179 = tpu.memref_squeeze %dma_start3A_178 : memref<1x400xi32, #tpu.memory_space<vmem>> -> memref<400xi32, #tpu.memory_space<vmem>>
        %dma_start3A_180 = arith.constant 0 : i32
        %dma_start3A_181 = arith.constant 0 : i32
        %dma_start3A_182 = tpu.memref_slice %arg4[%dma_start3A_180, %dma_start3A_181] : memref<10000x32xf32, #tpu.memory_space<hbm>> -> memref<10000x32xf32, #tpu.memory_space<hbm>>
        tpu.enqueue_indirect_dma source(%dma_start3A_182 : memref<10000x32xf32, #tpu.memory_space<hbm>>) target(%arg12 : memref<400x32xf32, #tpu.memory_space<vmem>>) offsets(%dma_start3A_179 : memref<400xi32, #tpu.memory_space<vmem>>) semaphore(%arg17 : memref<!tpu.dma_semaphore, #tpu.memory_space<semaphore_mem>>)
      } else {
      }
      %dma_wait3A_117 = arith.constant 0 : i32
      %dma_wait3A_118 = tpu.memref_slice %arg7[%add3A_109, %dma_wait3A_117] : memref<25x400xi32, #tpu.memory_space<vmem>> -> memref<1x400xi32, #tpu.memory_space<vmem>>
      %dma_wait3A_119 = tpu.memref_squeeze %dma_wait3A_118 : memref<1x400xi32, #tpu.memory_space<vmem>> -> memref<400xi32, #tpu.memory_space<vmem>>
      %dma_wait3A_120 = arith.constant 0 : i32
      %dma_wait3A_121 = arith.constant 0 : i32
      %dma_wait3A_122 = tpu.memref_slice %arg4[%dma_wait3A_120, %dma_wait3A_121] : memref<10000x32xf32, #tpu.memory_space<hbm>> -> memref<10000x32xf32, #tpu.memory_space<hbm>>
      tpu.wait_indirect_dma semaphore(%arg15 : memref<!tpu.dma_semaphore, #tpu.memory_space<semaphore_mem>>) src(%dma_wait3A_122 : memref<10000x32xf32, #tpu.memory_space<hbm>>) dst(%arg10 : memref<400x32xf32, #tpu.memory_space<vmem>>)
      %dma_start3A_123 = arith.constant 0 : i32
      %dma_start3A_124 = tpu.memref_slice %arg8[%add3A_109, %dma_start3A_123] : memref<25x400xi32, #tpu.memory_space<vmem>> -> memref<1x400xi32, #tpu.memory_space<vmem>>
      %dma_start3A_125 = tpu.memref_squeeze %dma_start3A_124 : memref<1x400xi32, #tpu.memory_space<vmem>> -> memref<400xi32, #tpu.memory_space<vmem>>
      %dma_start3A_126 = arith.constant 0 : i32
      %dma_start3A_127 = arith.constant 0 : i32
      %dma_start3A_128 = tpu.memref_slice %arg13[%dma_start3A_126, %dma_start3A_127] : memref<10000x32xf32, #tpu.memory_space<vmem_shared>> -> memref<10000x32xf32, #tpu.memory_space<vmem_shared>>
      tpu.enqueue_indirect_dma source(%arg10 : memref<400x32xf32, #tpu.memory_space<vmem>>) target(%dma_start3A_128 : memref<10000x32xf32, #tpu.memory_space<vmem_shared>>) offsets(%dma_start3A_125 : memref<400xi32, #tpu.memory_space<vmem>>) semaphore(%arg19 : memref<!tpu.dma_semaphore, #tpu.memory_space<semaphore_mem>>) {add = true}
      %add3A_129 = arith.constant 2 : i32
      %add3A_130 = arith.addi %mul3A_86, %add3A_129 : i32
      %add3A_131 = arith.constant 2 : i32
      %add3A_132 = arith.addi %add3A_130, %add3A_131 : i32
      %lt3A_133 = arith.constant 25 : i32
      %lt3A_134 = arith.cmpi slt, %add3A_132, %lt3A_133 : i32
      %convert_element_type3A_135 = arith.extui %lt3A_134 : i1 to i32
      %cond3A_136 = arith.constant 0 : i32
      %cond3A_137 = arith.cmpi ne, %convert_element_type3A_135, %cond3A_136 : i32
      scf.if %cond3A_137 {
        %ge3A = arith.constant 2 : i32
        %ge3A_171 = arith.cmpi sge, %add3A_130, %ge3A : i32
        %convert_element_type3A_172 = arith.extui %ge3A_171 : i1 to i32
        %cond3A_173 = arith.constant 0 : i32
        %cond3A_174 = arith.cmpi ne, %convert_element_type3A_172, %cond3A_173 : i32
        scf.if %cond3A_174 {
          %dma_wait3A_183 = arith.constant 0 : i32
          %dma_wait3A_184 = arith.constant 0 : i32
          %dma_wait3A_185 = tpu.memref_slice %arg8[%dma_wait3A_183, %dma_wait3A_184] : memref<25x400xi32, #tpu.memory_space<vmem>> -> memref<1x400xi32, #tpu.memory_space<vmem>>
          %dma_wait3A_186 = tpu.memref_squeeze %dma_wait3A_185 : memref<1x400xi32, #tpu.memory_space<vmem>> -> memref<400xi32, #tpu.memory_space<vmem>>
          %dma_wait3A_187 = arith.constant 0 : i32
          %dma_wait3A_188 = arith.constant 0 : i32
          %dma_wait3A_189 = tpu.memref_slice %arg13[%dma_wait3A_187, %dma_wait3A_188] : memref<10000x32xf32, #tpu.memory_space<vmem_shared>> -> memref<10000x32xf32, #tpu.memory_space<vmem_shared>>
          tpu.wait_indirect_dma semaphore(%arg18 : memref<!tpu.dma_semaphore, #tpu.memory_space<semaphore_mem>>) src(%arg9 : memref<400x32xf32, #tpu.memory_space<vmem>>) dst(%dma_wait3A_189 : memref<10000x32xf32, #tpu.memory_space<vmem_shared>>)
        } else {
        }
        %add3A_175 = arith.constant 2 : i32
        %add3A_176 = arith.addi %add3A_130, %add3A_175 : i32
        %dma_start3A_177 = arith.constant 0 : i32
        %dma_start3A_178 = tpu.memref_slice %arg7[%add3A_176, %dma_start3A_177] : memref<25x400xi32, #tpu.memory_space<vmem>> -> memref<1x400xi32, #tpu.memory_space<vmem>>
        %dma_start3A_179 = tpu.memref_squeeze %dma_start3A_178 : memref<1x400xi32, #tpu.memory_space<vmem>> -> memref<400xi32, #tpu.memory_space<vmem>>
        %dma_start3A_180 = arith.constant 0 : i32
        %dma_start3A_181 = arith.constant 0 : i32
        %dma_start3A_182 = tpu.memref_slice %arg4[%dma_start3A_180, %dma_start3A_181] : memref<10000x32xf32, #tpu.memory_space<hbm>> -> memref<10000x32xf32, #tpu.memory_space<hbm>>
        tpu.enqueue_indirect_dma source(%dma_start3A_182 : memref<10000x32xf32, #tpu.memory_space<hbm>>) target(%arg9 : memref<400x32xf32, #tpu.memory_space<vmem>>) offsets(%dma_start3A_179 : memref<400xi32, #tpu.memory_space<vmem>>) semaphore(%arg14 : memref<!tpu.dma_semaphore, #tpu.memory_space<semaphore_mem>>)
      } else {
      }
      %dma_wait3A_138 = arith.constant 0 : i32
      %dma_wait3A_139 = tpu.memref_slice %arg7[%add3A_130, %dma_wait3A_138] : memref<25x400xi32, #tpu.memory_space<vmem>> -> memref<1x400xi32, #tpu.memory_space<vmem>>
      %dma_wait3A_140 = tpu.memref_squeeze %dma_wait3A_139 : memref<1x400xi32, #tpu.memory_space<vmem>> -> memref<400xi32, #tpu.memory_space<vmem>>
      %dma_wait3A_141 = arith.constant 0 : i32
      %dma_wait3A_142 = arith.constant 0 : i32
      %dma_wait3A_143 = tpu.memref_slice %arg4[%dma_wait3A_141, %dma_wait3A_142] : memref<10000x32xf32, #tpu.memory_space<hbm>> -> memref<10000x32xf32, #tpu.memory_space<hbm>>
      tpu.wait_indirect_dma semaphore(%arg16 : memref<!tpu.dma_semaphore, #tpu.memory_space<semaphore_mem>>) src(%dma_wait3A_143 : memref<10000x32xf32, #tpu.memory_space<hbm>>) dst(%arg11 : memref<400x32xf32, #tpu.memory_space<vmem>>)
      %dma_start3A_144 = arith.constant 0 : i32
      %dma_start3A_145 = tpu.memref_slice %arg8[%add3A_130, %dma_start3A_144] : memref<25x400xi32, #tpu.memory_space<vmem>> -> memref<1x400xi32, #tpu.memory_space<vmem>>
      %dma_start3A_146 = tpu.memref_squeeze %dma_start3A_145 : memref<1x400xi32, #tpu.memory_space<vmem>> -> memref<400xi32, #tpu.memory_space<vmem>>
      %dma_start3A_147 = arith.constant 0 : i32
      %dma_start3A_148 = arith.constant 0 : i32
      %dma_start3A_149 = tpu.memref_slice %arg13[%dma_start3A_147, %dma_start3A_148] : memref<10000x32xf32, #tpu.memory_space<vmem_shared>> -> memref<10000x32xf32, #tpu.memory_space<vmem_shared>>
      tpu.enqueue_indirect_dma source(%arg11 : memref<400x32xf32, #tpu.memory_space<vmem>>) target(%dma_start3A_149 : memref<10000x32xf32, #tpu.memory_space<vmem_shared>>) offsets(%dma_start3A_146 : memref<400xi32, #tpu.memory_space<vmem>>) semaphore(%arg20 : memref<!tpu.dma_semaphore, #tpu.memory_space<semaphore_mem>>) {add = true}
      %add3A_150 = arith.constant 3 : i32
      %add3A_151 = arith.addi %mul3A_86, %add3A_150 : i32
      %add3A_152 = arith.constant 2 : i32
      %add3A_153 = arith.addi %add3A_151, %add3A_152 : i32
      %lt3A_154 = arith.constant 25 : i32
      %lt3A_155 = arith.cmpi slt, %add3A_153, %lt3A_154 : i32
      %convert_element_type3A_156 = arith.extui %lt3A_155 : i1 to i32
      %cond3A_157 = arith.constant 0 : i32
      %cond3A_158 = arith.cmpi ne, %convert_element_type3A_156, %cond3A_157 : i32
      scf.if %cond3A_158 {
        %ge3A = arith.constant 2 : i32
        %ge3A_171 = arith.cmpi sge, %add3A_151, %ge3A : i32
        %convert_element_type3A_172 = arith.extui %ge3A_171 : i1 to i32
        %cond3A_173 = arith.constant 0 : i32
        %cond3A_174 = arith.cmpi ne, %convert_element_type3A_172, %cond3A_173 : i32
        scf.if %cond3A_174 {
          %dma_wait3A_183 = arith.constant 0 : i32
          %dma_wait3A_184 = arith.constant 0 : i32
          %dma_wait3A_185 = tpu.memref_slice %arg8[%dma_wait3A_183, %dma_wait3A_184] : memref<25x400xi32, #tpu.memory_space<vmem>> -> memref<1x400xi32, #tpu.memory_space<vmem>>
          %dma_wait3A_186 = tpu.memref_squeeze %dma_wait3A_185 : memref<1x400xi32, #tpu.memory_space<vmem>> -> memref<400xi32, #tpu.memory_space<vmem>>
          %dma_wait3A_187 = arith.constant 0 : i32
          %dma_wait3A_188 = arith.constant 0 : i32
          %dma_wait3A_189 = tpu.memref_slice %arg13[%dma_wait3A_187, %dma_wait3A_188] : memref<10000x32xf32, #tpu.memory_space<vmem_shared>> -> memref<10000x32xf32, #tpu.memory_space<vmem_shared>>
          tpu.wait_indirect_dma semaphore(%arg19 : memref<!tpu.dma_semaphore, #tpu.memory_space<semaphore_mem>>) src(%arg10 : memref<400x32xf32, #tpu.memory_space<vmem>>) dst(%dma_wait3A_189 : memref<10000x32xf32, #tpu.memory_space<vmem_shared>>)
        } else {
        }
        %add3A_175 = arith.constant 2 : i32
        %add3A_176 = arith.addi %add3A_151, %add3A_175 : i32
        %dma_start3A_177 = arith.constant 0 : i32
        %dma_start3A_178 = tpu.memref_slice %arg7[%add3A_176, %dma_start3A_177] : memref<25x400xi32, #tpu.memory_space<vmem>> -> memref<1x400xi32, #tpu.memory_space<vmem>>
        %dma_start3A_179 = tpu.memref_squeeze %dma_start3A_178 : memref<1x400xi32, #tpu.memory_space<vmem>> -> memref<400xi32, #tpu.memory_space<vmem>>
        %dma_start3A_180 = arith.constant 0 : i32
        %dma_start3A_181 = arith.constant 0 : i32
        %dma_start3A_182 = tpu.memref_slice %arg4[%dma_start3A_180, %dma_start3A_181] : memref<10000x32xf32, #tpu.memory_space<hbm>> -> memref<10000x32xf32, #tpu.memory_space<hbm>>
        tpu.enqueue_indirect_dma source(%dma_start3A_182 : memref<10000x32xf32, #tpu.memory_space<hbm>>) target(%arg10 : memref<400x32xf32, #tpu.memory_space<vmem>>) offsets(%dma_start3A_179 : memref<400xi32, #tpu.memory_space<vmem>>) semaphore(%arg15 : memref<!tpu.dma_semaphore, #tpu.memory_space<semaphore_mem>>)
      } else {
      }
      %dma_wait3A_159 = arith.constant 0 : i32
      %dma_wait3A_160 = tpu.memref_slice %arg7[%add3A_151, %dma_wait3A_159] : memref<25x400xi32, #tpu.memory_space<vmem>> -> memref<1x400xi32, #tpu.memory_space<vmem>>
      %dma_wait3A_161 = tpu.memref_squeeze %dma_wait3A_160 : memref<1x400xi32, #tpu.memory_space<vmem>> -> memref<400xi32, #tpu.memory_space<vmem>>
      %dma_wait3A_162 = arith.constant 0 : i32
      %dma_wait3A_163 = arith.constant 0 : i32
      %dma_wait3A_164 = tpu.memref_slice %arg4[%dma_wait3A_162, %dma_wait3A_163] : memref<10000x32xf32, #tpu.memory_space<hbm>> -> memref<10000x32xf32, #tpu.memory_space<hbm>>
      tpu.wait_indirect_dma semaphore(%arg17 : memref<!tpu.dma_semaphore, #tpu.memory_space<semaphore_mem>>) src(%dma_wait3A_164 : memref<10000x32xf32, #tpu.memory_space<hbm>>) dst(%arg12 : memref<400x32xf32, #tpu.memory_space<vmem>>)
      %dma_start3A_165 = arith.constant 0 : i32
      %dma_start3A_166 = tpu.memref_slice %arg8[%add3A_151, %dma_start3A_165] : memref<25x400xi32, #tpu.memory_space<vmem>> -> memref<1x400xi32, #tpu.memory_space<vmem>>
      %dma_start3A_167 = tpu.memref_squeeze %dma_start3A_166 : memref<1x400xi32, #tpu.memory_space<vmem>> -> memref<400xi32, #tpu.memory_space<vmem>>
      %dma_start3A_168 = arith.constant 0 : i32
      %dma_start3A_169 = arith.constant 0 : i32
      %dma_start3A_170 = tpu.memref_slice %arg13[%dma_start3A_168, %dma_start3A_169] : memref<10000x32xf32, #tpu.memory_space<vmem_shared>> -> memref<10000x32xf32, #tpu.memory_space<vmem_shared>>
      tpu.enqueue_indirect_dma source(%arg12 : memref<400x32xf32, #tpu.memory_space<vmem>>) target(%dma_start3A_170 : memref<10000x32xf32, #tpu.memory_space<vmem_shared>>) offsets(%dma_start3A_167 : memref<400xi32, #tpu.memory_space<vmem>>) semaphore(%arg21 : memref<!tpu.dma_semaphore, #tpu.memory_space<semaphore_mem>>) {add = true}
    }
    %scan3A_24 = arith.constant 6 : i32
    %add3A_25 = arith.constant 24 : i32
    %add3A_26 = arith.constant 2 : i32
    %add3A_27 = arith.addi %add3A_25, %add3A_26 : i32
    %lt3A = arith.constant 25 : i32
    %lt3A_28 = arith.cmpi slt, %add3A_27, %lt3A : i32
    %convert_element_type3A_29 = arith.extui %lt3A_28 : i1 to i32
    %cond3A_30 = arith.constant 24 : i32
    %cond3A_31 = arith.constant 0 : i32
    %cond3A_32 = arith.cmpi ne, %convert_element_type3A_29, %cond3A_31 : i32
    scf.if %cond3A_32 {
      %ge3A = arith.constant 2 : i32
      %ge3A_84 = arith.cmpi sge, %cond3A_30, %ge3A : i32
      %convert_element_type3A_85 = arith.extui %ge3A_84 : i1 to i32
      %cond3A_86 = arith.constant 0 : i32
      %cond3A_87 = arith.cmpi ne, %convert_element_type3A_85, %cond3A_86 : i32
      scf.if %cond3A_87 {
        %dma_wait3A_96 = arith.constant 0 : i32
        %dma_wait3A_97 = arith.constant 0 : i32
        %dma_wait3A_98 = tpu.memref_slice %arg8[%dma_wait3A_96, %dma_wait3A_97] : memref<25x400xi32, #tpu.memory_space<vmem>> -> memref<1x400xi32, #tpu.memory_space<vmem>>
        %dma_wait3A_99 = tpu.memref_squeeze %dma_wait3A_98 : memref<1x400xi32, #tpu.memory_space<vmem>> -> memref<400xi32, #tpu.memory_space<vmem>>
        %dma_wait3A_100 = arith.constant 0 : i32
        %dma_wait3A_101 = arith.constant 0 : i32
        %dma_wait3A_102 = tpu.memref_slice %arg13[%dma_wait3A_100, %dma_wait3A_101] : memref<10000x32xf32, #tpu.memory_space<vmem_shared>> -> memref<10000x32xf32, #tpu.memory_space<vmem_shared>>
        tpu.wait_indirect_dma semaphore(%arg20 : memref<!tpu.dma_semaphore, #tpu.memory_space<semaphore_mem>>) src(%arg11 : memref<400x32xf32, #tpu.memory_space<vmem>>) dst(%dma_wait3A_102 : memref<10000x32xf32, #tpu.memory_space<vmem_shared>>)
      } else {
      }
      %add3A_88 = arith.constant 2 : i32
      %add3A_89 = arith.addi %cond3A_30, %add3A_88 : i32
      %dma_start3A_90 = arith.constant 0 : i32
      %dma_start3A_91 = tpu.memref_slice %arg7[%add3A_89, %dma_start3A_90] : memref<25x400xi32, #tpu.memory_space<vmem>> -> memref<1x400xi32, #tpu.memory_space<vmem>>
      %dma_start3A_92 = tpu.memref_squeeze %dma_start3A_91 : memref<1x400xi32, #tpu.memory_space<vmem>> -> memref<400xi32, #tpu.memory_space<vmem>>
      %dma_start3A_93 = arith.constant 0 : i32
      %dma_start3A_94 = arith.constant 0 : i32
      %dma_start3A_95 = tpu.memref_slice %arg4[%dma_start3A_93, %dma_start3A_94] : memref<10000x32xf32, #tpu.memory_space<hbm>> -> memref<10000x32xf32, #tpu.memory_space<hbm>>
      tpu.enqueue_indirect_dma source(%dma_start3A_95 : memref<10000x32xf32, #tpu.memory_space<hbm>>) target(%arg11 : memref<400x32xf32, #tpu.memory_space<vmem>>) offsets(%dma_start3A_92 : memref<400xi32, #tpu.memory_space<vmem>>) semaphore(%arg16 : memref<!tpu.dma_semaphore, #tpu.memory_space<semaphore_mem>>)
    } else {
    }
    %dma_wait3A = arith.constant 24 : i32
    %dma_wait3A_33 = arith.constant 0 : i32
    %dma_wait3A_34 = tpu.memref_slice %arg7[%dma_wait3A, %dma_wait3A_33] : memref<25x400xi32, #tpu.memory_space<vmem>> -> memref<1x400xi32, #tpu.memory_space<vmem>>
    %dma_wait3A_35 = tpu.memref_squeeze %dma_wait3A_34 : memref<1x400xi32, #tpu.memory_space<vmem>> -> memref<400xi32, #tpu.memory_space<vmem>>
    %dma_wait3A_36 = arith.constant 0 : i32
    %dma_wait3A_37 = arith.constant 0 : i32
    %dma_wait3A_38 = tpu.memref_slice %arg4[%dma_wait3A_36, %dma_wait3A_37] : memref<10000x32xf32, #tpu.memory_space<hbm>> -> memref<10000x32xf32, #tpu.memory_space<hbm>>
    tpu.wait_indirect_dma semaphore(%arg14 : memref<!tpu.dma_semaphore, #tpu.memory_space<semaphore_mem>>) src(%dma_wait3A_38 : memref<10000x32xf32, #tpu.memory_space<hbm>>) dst(%arg9 : memref<400x32xf32, #tpu.memory_space<vmem>>)
    %dma_start3A_39 = arith.constant 24 : i32
    %dma_start3A_40 = arith.constant 0 : i32
    %dma_start3A_41 = tpu.memref_slice %arg8[%dma_start3A_39, %dma_start3A_40] : memref<25x400xi32, #tpu.memory_space<vmem>> -> memref<1x400xi32, #tpu.memory_space<vmem>>
    %dma_start3A_42 = tpu.memref_squeeze %dma_start3A_41 : memref<1x400xi32, #tpu.memory_space<vmem>> -> memref<400xi32, #tpu.memory_space<vmem>>
    %dma_start3A_43 = arith.constant 0 : i32
    %dma_start3A_44 = arith.constant 0 : i32
    %dma_start3A_45 = tpu.memref_slice %arg13[%dma_start3A_43, %dma_start3A_44] : memref<10000x32xf32, #tpu.memory_space<vmem_shared>> -> memref<10000x32xf32, #tpu.memory_space<vmem_shared>>
    tpu.enqueue_indirect_dma source(%arg9 : memref<400x32xf32, #tpu.memory_space<vmem>>) target(%dma_start3A_45 : memref<10000x32xf32, #tpu.memory_space<vmem_shared>>) offsets(%dma_start3A_42 : memref<400xi32, #tpu.memory_space<vmem>>) semaphore(%arg18 : memref<!tpu.dma_semaphore, #tpu.memory_space<semaphore_mem>>) {add = true}
    %dma_wait3A_46 = arith.constant 0 : i32
    %dma_wait3A_47 = arith.constant 0 : i32
    %dma_wait3A_48 = tpu.memref_slice %arg8[%dma_wait3A_46, %dma_wait3A_47] : memref<25x400xi32, #tpu.memory_space<vmem>> -> memref<1x400xi32, #tpu.memory_space<vmem>>
    %dma_wait3A_49 = tpu.memref_squeeze %dma_wait3A_48 : memref<1x400xi32, #tpu.memory_space<vmem>> -> memref<400xi32, #tpu.memory_space<vmem>>
    %dma_wait3A_50 = arith.constant 0 : i32
    %dma_wait3A_51 = arith.constant 0 : i32
    %dma_wait3A_52 = tpu.memref_slice %arg13[%dma_wait3A_50, %dma_wait3A_51] : memref<10000x32xf32, #tpu.memory_space<vmem_shared>> -> memref<10000x32xf32, #tpu.memory_space<vmem_shared>>
    tpu.wait_indirect_dma semaphore(%arg19 : memref<!tpu.dma_semaphore, #tpu.memory_space<semaphore_mem>>) src(%arg10 : memref<400x32xf32, #tpu.memory_space<vmem>>) dst(%dma_wait3A_52 : memref<10000x32xf32, #tpu.memory_space<vmem_shared>>)
    %dma_wait3A_53 = arith.constant 0 : i32
    %dma_wait3A_54 = arith.constant 0 : i32
    %dma_wait3A_55 = tpu.memref_slice %arg8[%dma_wait3A_53, %dma_wait3A_54] : memref<25x400xi32, #tpu.memory_space<vmem>> -> memref<1x400xi32, #tpu.memory_space<vmem>>
    %dma_wait3A_56 = tpu.memref_squeeze %dma_wait3A_55 : memref<1x400xi32, #tpu.memory_space<vmem>> -> memref<400xi32, #tpu.memory_space<vmem>>
    %dma_wait3A_57 = arith.constant 0 : i32
    %dma_wait3A_58 = arith.constant 0 : i32
    %dma_wait3A_59 = tpu.memref_slice %arg13[%dma_wait3A_57, %dma_wait3A_58] : memref<10000x32xf32, #tpu.memory_space<vmem_shared>> -> memref<10000x32xf32, #tpu.memory_space<vmem_shared>>
    tpu.wait_indirect_dma semaphore(%arg20 : memref<!tpu.dma_semaphore, #tpu.memory_space<semaphore_mem>>) src(%arg11 : memref<400x32xf32, #tpu.memory_space<vmem>>) dst(%dma_wait3A_59 : memref<10000x32xf32, #tpu.memory_space<vmem_shared>>)
    %dma_wait3A_60 = arith.constant 0 : i32
    %dma_wait3A_61 = arith.constant 0 : i32
    %dma_wait3A_62 = tpu.memref_slice %arg8[%dma_wait3A_60, %dma_wait3A_61] : memref<25x400xi32, #tpu.memory_space<vmem>> -> memref<1x400xi32, #tpu.memory_space<vmem>>
    %dma_wait3A_63 = tpu.memref_squeeze %dma_wait3A_62 : memref<1x400xi32, #tpu.memory_space<vmem>> -> memref<400xi32, #tpu.memory_space<vmem>>
    %dma_wait3A_64 = arith.constant 0 : i32
    %dma_wait3A_65 = arith.constant 0 : i32
    %dma_wait3A_66 = tpu.memref_slice %arg13[%dma_wait3A_64, %dma_wait3A_65] : memref<10000x32xf32, #tpu.memory_space<vmem_shared>> -> memref<10000x32xf32, #tpu.memory_space<vmem_shared>>
    tpu.wait_indirect_dma semaphore(%arg21 : memref<!tpu.dma_semaphore, #tpu.memory_space<semaphore_mem>>) src(%arg12 : memref<400x32xf32, #tpu.memory_space<vmem>>) dst(%dma_wait3A_66 : memref<10000x32xf32, #tpu.memory_space<vmem_shared>>)
    %dma_wait3A_67 = arith.constant 0 : i32
    %dma_wait3A_68 = arith.constant 0 : i32
    %dma_wait3A_69 = tpu.memref_slice %arg8[%dma_wait3A_67, %dma_wait3A_68] : memref<25x400xi32, #tpu.memory_space<vmem>> -> memref<1x400xi32, #tpu.memory_space<vmem>>
    %dma_wait3A_70 = tpu.memref_squeeze %dma_wait3A_69 : memref<1x400xi32, #tpu.memory_space<vmem>> -> memref<400xi32, #tpu.memory_space<vmem>>
    %dma_wait3A_71 = arith.constant 0 : i32
    %dma_wait3A_72 = arith.constant 0 : i32
    %dma_wait3A_73 = tpu.memref_slice %arg13[%dma_wait3A_71, %dma_wait3A_72] : memref<10000x32xf32, #tpu.memory_space<vmem_shared>> -> memref<10000x32xf32, #tpu.memory_space<vmem_shared>>
    tpu.wait_indirect_dma semaphore(%arg18 : memref<!tpu.dma_semaphore, #tpu.memory_space<semaphore_mem>>) src(%arg9 : memref<400x32xf32, #tpu.memory_space<vmem>>) dst(%dma_wait3A_73 : memref<10000x32xf32, #tpu.memory_space<vmem_shared>>)
    %barrier3A_74 = arith.constant 0 : index
    tpu.barrier barrier_id(%barrier3A_74)
    %mul3A_75 = arith.constant 624 : i32
    %mul3A_76 = arith.muli %arg1, %mul3A_75 : i32
    %mul3A_77 = arith.constant 624 : i32
    %mul3A_78 = arith.muli %arg1, %mul3A_77 : i32
    "tpu.region"() ({
      %run_scoped3A = tpu.sem_alloc : memref<!tpu.dma_semaphore, #tpu.memory_space<semaphore_mem>>
      %dma_start3A_84 = arith.constant 0 : i32
      %dma_start3A_85 = tpu.memref_slice %arg6[%arg0, %mul3A_78, %dma_start3A_84] : memref<2x10000x32xf32, #tpu.memory_space<hbm>> -> memref<1x624x32xf32, #tpu.memory_space<hbm>>
      %dma_start3A_86 = tpu.memref_squeeze %dma_start3A_85 : memref<1x624x32xf32, #tpu.memory_space<hbm>> -> memref<624x32xf32, #tpu.memory_space<hbm>>
      %dma_start3A_87 = arith.constant 0 : i32
      %dma_start3A_88 = tpu.memref_slice %arg13[%mul3A_76, %dma_start3A_87] : memref<10000x32xf32, #tpu.memory_space<vmem_shared>> -> memref<624x32xf32, #tpu.memory_space<vmem_shared>>
      tpu.enqueue_dma source(%dma_start3A_88 : memref<624x32xf32, #tpu.memory_space<vmem_shared>>) target(%dma_start3A_86 : memref<624x32xf32, #tpu.memory_space<hbm>>) target_semaphore(%run_scoped3A : memref<!tpu.dma_semaphore, #tpu.memory_space<semaphore_mem>>)
      %dma_wait3A_89 = arith.constant 0 : i32
      %dma_wait3A_90 = tpu.memref_slice %arg6[%arg0, %mul3A_78, %dma_wait3A_89] : memref<2x10000x32xf32, #tpu.memory_space<hbm>> -> memref<1x624x32xf32, #tpu.memory_space<hbm>>
      %dma_wait3A_91 = tpu.memref_squeeze %dma_wait3A_90 : memref<1x624x32xf32, #tpu.memory_space<hbm>> -> memref<624x32xf32, #tpu.memory_space<hbm>>
      %dma_wait3A_92 = arith.constant 0 : i32
      %dma_wait3A_93 = tpu.memref_slice %arg13[%mul3A_76, %dma_wait3A_92] : memref<10000x32xf32, #tpu.memory_space<vmem_shared>> -> memref<624x32xf32, #tpu.memory_space<vmem_shared>>
      tpu.wait_dma2 semaphore(%run_scoped3A : memref<!tpu.dma_semaphore, #tpu.memory_space<semaphore_mem>>) src(%dma_wait3A_93 : memref<624x32xf32, #tpu.memory_space<vmem_shared>>) dst(%dma_wait3A_91 : memref<624x32xf32, #tpu.memory_space<hbm>>)
      tpu.yield
    }) : () -> ()
    %eq3A_79 = arith.constant 0 : i32
    %eq3A_80 = arith.cmpi eq, %arg1, %eq3A_79 : i32
    %convert_element_type3A_81 = arith.extui %eq3A_80 : i1 to i32
    %cond3A_82 = arith.constant 0 : i32
    %cond3A_83 = arith.cmpi ne, %convert_element_type3A_81, %cond3A_82 : i32
    scf.if %cond3A_83 {
      "tpu.region"() ({
        %run_scoped3A = tpu.sem_alloc : memref<!tpu.dma_semaphore, #tpu.memory_space<semaphore_mem>>
        %dma_start3A_84 = arith.constant 9984 : i32
        %dma_start3A_85 = arith.constant 0 : i32
        %dma_start3A_86 = tpu.memref_slice %arg6[%arg0, %dma_start3A_84, %dma_start3A_85] : memref<2x10000x32xf32, #tpu.memory_space<hbm>> -> memref<1x16x32xf32, #tpu.memory_space<hbm>>
        %dma_start3A_87 = tpu.memref_squeeze %dma_start3A_86 : memref<1x16x32xf32, #tpu.memory_space<hbm>> -> memref<16x32xf32, #tpu.memory_space<hbm>>
        %dma_start3A_88 = arith.constant 9984 : i32
        %dma_start3A_89 = arith.constant 0 : i32
        %dma_start3A_90 = tpu.memref_slice %arg13[%dma_start3A_88, %dma_start3A_89] : memref<10000x32xf32, #tpu.memory_space<vmem_shared>> -> memref<16x32xf32, #tpu.memory_space<vmem_shared>>
        tpu.enqueue_dma source(%dma_start3A_90 : memref<16x32xf32, #tpu.memory_space<vmem_shared>>) target(%dma_start3A_87 : memref<16x32xf32, #tpu.memory_space<hbm>>) target_semaphore(%run_scoped3A : memref<!tpu.dma_semaphore, #tpu.memory_space<semaphore_mem>>)
        %dma_wait3A_91 = arith.constant 9984 : i32
        %dma_wait3A_92 = arith.constant 0 : i32
        %dma_wait3A_93 = tpu.memref_slice %arg6[%arg0, %dma_wait3A_91, %dma_wait3A_92] : memref<2x10000x32xf32, #tpu.memory_space<hbm>> -> memref<1x16x32xf32, #tpu.memory_space<hbm>>
        %dma_wait3A_94 = tpu.memref_squeeze %dma_wait3A_93 : memref<1x16x32xf32, #tpu.memory_space<hbm>> -> memref<16x32xf32, #tpu.memory_space<hbm>>
        %dma_wait3A_95 = arith.constant 9984 : i32
        %dma_wait3A_96 = arith.constant 0 : i32
        %dma_wait3A_97 = tpu.memref_slice %arg13[%dma_wait3A_95, %dma_wait3A_96] : memref<10000x32xf32, #tpu.memory_space<vmem_shared>> -> memref<16x32xf32, #tpu.memory_space<vmem_shared>>
        tpu.wait_dma2 semaphore(%run_scoped3A : memref<!tpu.dma_semaphore, #tpu.memory_space<semaphore_mem>>) src(%dma_wait3A_97 : memref<16x32xf32, #tpu.memory_space<vmem_shared>>) dst(%dma_wait3A_94 : memref<16x32xf32, #tpu.memory_space<hbm>>)
        tpu.yield
      }) : () -> ()
    } else {
    }
    return
  }
}

#map = affine_map<(d0, d1) -> (0, 0, 0)>
#map1 = affine_map<(d0, d1) -> (0, 0)>
module attributes {stable_mosaic.version = 14 : i64} {
  func.func @body(%arg0: i32, %arg1: i32, %arg2: memref<32x10x1000xi32, #tpu.memory_space<hbm>>, %arg3: memref<32x10x1000xi32, #tpu.memory_space<hbm>>, %arg4: memref<10000x16xf32, #tpu.memory_space<hbm>>, %arg5: memref<10000x16xf32, #tpu.memory_space<hbm>>, %arg6: memref<2x10000x16xf32, #tpu.memory_space<hbm>>, %arg7: memref<10x1000xi32, #tpu.memory_space<vmem>>, %arg8: memref<10x1000xi32, #tpu.memory_space<vmem>>, %arg9: memref<1000x16xf32, #tpu.memory_space<vmem>>, %arg10: memref<1000x16xf32, #tpu.memory_space<vmem>>, %arg11: memref<1000x16xf32, #tpu.memory_space<vmem>>, %arg12: memref<1000x16xf32, #tpu.memory_space<vmem>>, %arg13: memref<10000x16xf32, #tpu.memory_space<vmem_shared>>, %arg14: memref<!tpu.dma_semaphore, #tpu.memory_space<semaphore_mem>>, %arg15: memref<!tpu.dma_semaphore, #tpu.memory_space<semaphore_mem>>, %arg16: memref<!tpu.dma_semaphore, #tpu.memory_space<semaphore_mem>>, %arg17: memref<!tpu.dma_semaphore, #tpu.memory_space<semaphore_mem>>, %arg18: memref<!tpu.dma_semaphore, #tpu.memory_space<semaphore_mem>>, %arg19: memref<!tpu.dma_semaphore, #tpu.memory_space<semaphore_mem>>, %arg20: memref<!tpu.dma_semaphore, #tpu.memory_space<semaphore_mem>>, %arg21: memref<!tpu.dma_semaphore, #tpu.memory_space<semaphore_mem>>) attributes {dimension_semantics = [#tpu.dimension_semantics<core_parallel>, #tpu.dimension_semantics<subcore_parallel>], iteration_bounds = array<i64: 2, 16>, scalar_prefetch = 0 : i64, scratch_operands = 15 : i64, tpu.core_type = #tpu.core_type<sc_vector_subcore>, window_params = [{transform_indices = #map}, {transform_indices = #map}, {transform_indices = #map1}, {transform_indices = #map1}, {transform_indices = #map}]} {
    %mul3A = arith.constant 624 : i32
    %mul3A_0 = arith.muli %arg1, %mul3A : i32
    %mul3A_1 = arith.constant 624 : i32
    %mul3A_2 = arith.muli %arg1, %mul3A_1 : i32
    "tpu.region"() ({
      %run_scoped3A = tpu.sem_alloc : memref<!tpu.dma_semaphore, #tpu.memory_space<semaphore_mem>>
      %dma_start3A_107 = arith.constant 0 : i32
      %dma_start3A_108 = tpu.memref_slice %arg13[%mul3A_2, %dma_start3A_107] : memref<10000x16xf32, #tpu.memory_space<vmem_shared>> -> memref<624x16xf32, #tpu.memory_space<vmem_shared>>
      %dma_start3A_109 = arith.constant 0 : i32
      %dma_start3A_110 = tpu.memref_slice %arg5[%mul3A_0, %dma_start3A_109] : memref<10000x16xf32, #tpu.memory_space<hbm>> -> memref<624x16xf32, #tpu.memory_space<hbm>>
      tpu.enqueue_dma source(%dma_start3A_110 : memref<624x16xf32, #tpu.memory_space<hbm>>) target(%dma_start3A_108 : memref<624x16xf32, #tpu.memory_space<vmem_shared>>) target_semaphore(%run_scoped3A : memref<!tpu.dma_semaphore, #tpu.memory_space<semaphore_mem>>)
      %dma_wait3A_111 = arith.constant 0 : i32
      %dma_wait3A_112 = tpu.memref_slice %arg13[%mul3A_2, %dma_wait3A_111] : memref<10000x16xf32, #tpu.memory_space<vmem_shared>> -> memref<624x16xf32, #tpu.memory_space<vmem_shared>>
      %dma_wait3A_113 = arith.constant 0 : i32
      %dma_wait3A_114 = tpu.memref_slice %arg5[%mul3A_0, %dma_wait3A_113] : memref<10000x16xf32, #tpu.memory_space<hbm>> -> memref<624x16xf32, #tpu.memory_space<hbm>>
      tpu.wait_dma2 semaphore(%run_scoped3A : memref<!tpu.dma_semaphore, #tpu.memory_space<semaphore_mem>>) src(%dma_wait3A_114 : memref<624x16xf32, #tpu.memory_space<hbm>>) dst(%dma_wait3A_112 : memref<624x16xf32, #tpu.memory_space<vmem_shared>>)
      tpu.yield
    }) : () -> ()
    %eq3A = arith.constant 0 : i32
    %eq3A_3 = arith.cmpi eq, %arg1, %eq3A : i32
    %convert_element_type3A = arith.extui %eq3A_3 : i1 to i32
    %cond3A = arith.constant 0 : i32
    %cond3A_4 = arith.cmpi ne, %convert_element_type3A, %cond3A : i32
    scf.if %cond3A_4 {
      "tpu.region"() ({
        %run_scoped3A = tpu.sem_alloc : memref<!tpu.dma_semaphore, #tpu.memory_space<semaphore_mem>>
        %dma_start3A_107 = arith.constant 9984 : i32
        %dma_start3A_108 = arith.constant 0 : i32
        %dma_start3A_109 = tpu.memref_slice %arg13[%dma_start3A_107, %dma_start3A_108] : memref<10000x16xf32, #tpu.memory_space<vmem_shared>> -> memref<16x16xf32, #tpu.memory_space<vmem_shared>>
        %dma_start3A_110 = arith.constant 9984 : i32
        %dma_start3A_111 = arith.constant 0 : i32
        %dma_start3A_112 = tpu.memref_slice %arg5[%dma_start3A_110, %dma_start3A_111] : memref<10000x16xf32, #tpu.memory_space<hbm>> -> memref<16x16xf32, #tpu.memory_space<hbm>>
        tpu.enqueue_dma source(%dma_start3A_112 : memref<16x16xf32, #tpu.memory_space<hbm>>) target(%dma_start3A_109 : memref<16x16xf32, #tpu.memory_space<vmem_shared>>) target_semaphore(%run_scoped3A : memref<!tpu.dma_semaphore, #tpu.memory_space<semaphore_mem>>)
        %dma_wait3A_113 = arith.constant 9984 : i32
        %dma_wait3A_114 = arith.constant 0 : i32
        %dma_wait3A_115 = tpu.memref_slice %arg13[%dma_wait3A_113, %dma_wait3A_114] : memref<10000x16xf32, #tpu.memory_space<vmem_shared>> -> memref<16x16xf32, #tpu.memory_space<vmem_shared>>
        %dma_wait3A_116 = arith.constant 9984 : i32
        %dma_wait3A_117 = arith.constant 0 : i32
        %dma_wait3A_118 = tpu.memref_slice %arg5[%dma_wait3A_116, %dma_wait3A_117] : memref<10000x16xf32, #tpu.memory_space<hbm>> -> memref<16x16xf32, #tpu.memory_space<hbm>>
        tpu.wait_dma2 semaphore(%run_scoped3A : memref<!tpu.dma_semaphore, #tpu.memory_space<semaphore_mem>>) src(%dma_wait3A_118 : memref<16x16xf32, #tpu.memory_space<hbm>>) dst(%dma_wait3A_115 : memref<16x16xf32, #tpu.memory_space<vmem_shared>>)
        tpu.yield
      }) : () -> ()
    } else {
    }
    %barrier3A = arith.constant 0 : index
    tpu.barrier barrier_id(%barrier3A)
    %mul3A_5 = arith.constant 2 : i32
    %mul3A_6 = arith.muli %arg1, %mul3A_5 : i32
    %add3A = arith.addi %mul3A_6, %arg0 : i32
    "tpu.region"() ({
      %run_scoped3A = tpu.sem_alloc : memref<!tpu.dma_semaphore, #tpu.memory_space<semaphore_mem>>
      %dma_start3A_107 = arith.constant 0 : i32
      %dma_start3A_108 = arith.constant 0 : i32
      %dma_start3A_109 = tpu.memref_slice %arg2[%add3A, %dma_start3A_107, %dma_start3A_108] : memref<32x10x1000xi32, #tpu.memory_space<hbm>> -> memref<1x10x1000xi32, #tpu.memory_space<hbm>>
      %dma_start3A_110 = tpu.memref_squeeze %dma_start3A_109 : memref<1x10x1000xi32, #tpu.memory_space<hbm>> -> memref<10x1000xi32, #tpu.memory_space<hbm>>
      %dma_start3A_111 = arith.constant 0 : i32
      %dma_start3A_112 = arith.constant 0 : i32
      %dma_start3A_113 = tpu.memref_slice %arg2[%add3A, %dma_start3A_111, %dma_start3A_112] : memref<32x10x1000xi32, #tpu.memory_space<hbm>> -> memref<1x10x1000xi32, #tpu.memory_space<hbm>>
      %dma_start3A_114 = tpu.memref_squeeze %dma_start3A_113 : memref<1x10x1000xi32, #tpu.memory_space<hbm>> -> memref<10x1000xi32, #tpu.memory_space<hbm>>
      tpu.enqueue_dma source(%dma_start3A_114 : memref<10x1000xi32, #tpu.memory_space<hbm>>) target(%arg7 : memref<10x1000xi32, #tpu.memory_space<vmem>>) target_semaphore(%run_scoped3A : memref<!tpu.dma_semaphore, #tpu.memory_space<semaphore_mem>>)
      %dma_wait3A_115 = arith.constant 0 : i32
      %dma_wait3A_116 = arith.constant 0 : i32
      %dma_wait3A_117 = tpu.memref_slice %arg2[%add3A, %dma_wait3A_115, %dma_wait3A_116] : memref<32x10x1000xi32, #tpu.memory_space<hbm>> -> memref<1x10x1000xi32, #tpu.memory_space<hbm>>
      %dma_wait3A_118 = tpu.memref_squeeze %dma_wait3A_117 : memref<1x10x1000xi32, #tpu.memory_space<hbm>> -> memref<10x1000xi32, #tpu.memory_space<hbm>>
      %dma_wait3A_119 = arith.constant 0 : i32
      %dma_wait3A_120 = arith.constant 0 : i32
      %dma_wait3A_121 = tpu.memref_slice %arg2[%add3A, %dma_wait3A_119, %dma_wait3A_120] : memref<32x10x1000xi32, #tpu.memory_space<hbm>> -> memref<1x10x1000xi32, #tpu.memory_space<hbm>>
      %dma_wait3A_122 = tpu.memref_squeeze %dma_wait3A_121 : memref<1x10x1000xi32, #tpu.memory_space<hbm>> -> memref<10x1000xi32, #tpu.memory_space<hbm>>
      tpu.wait_dma2 semaphore(%run_scoped3A : memref<!tpu.dma_semaphore, #tpu.memory_space<semaphore_mem>>) src(%dma_wait3A_122 : memref<10x1000xi32, #tpu.memory_space<hbm>>) dst(%arg7 : memref<10x1000xi32, #tpu.memory_space<vmem>>)
      tpu.yield
    }) : () -> ()
    "tpu.region"() ({
      %run_scoped3A = tpu.sem_alloc : memref<!tpu.dma_semaphore, #tpu.memory_space<semaphore_mem>>
      %dma_start3A_107 = arith.constant 0 : i32
      %dma_start3A_108 = arith.constant 0 : i32
      %dma_start3A_109 = tpu.memref_slice %arg3[%add3A, %dma_start3A_107, %dma_start3A_108] : memref<32x10x1000xi32, #tpu.memory_space<hbm>> -> memref<1x10x1000xi32, #tpu.memory_space<hbm>>
      %dma_start3A_110 = tpu.memref_squeeze %dma_start3A_109 : memref<1x10x1000xi32, #tpu.memory_space<hbm>> -> memref<10x1000xi32, #tpu.memory_space<hbm>>
      %dma_start3A_111 = arith.constant 0 : i32
      %dma_start3A_112 = arith.constant 0 : i32
      %dma_start3A_113 = tpu.memref_slice %arg3[%add3A, %dma_start3A_111, %dma_start3A_112] : memref<32x10x1000xi32, #tpu.memory_space<hbm>> -> memref<1x10x1000xi32, #tpu.memory_space<hbm>>
      %dma_start3A_114 = tpu.memref_squeeze %dma_start3A_113 : memref<1x10x1000xi32, #tpu.memory_space<hbm>> -> memref<10x1000xi32, #tpu.memory_space<hbm>>
      tpu.enqueue_dma source(%dma_start3A_114 : memref<10x1000xi32, #tpu.memory_space<hbm>>) target(%arg8 : memref<10x1000xi32, #tpu.memory_space<vmem>>) target_semaphore(%run_scoped3A : memref<!tpu.dma_semaphore, #tpu.memory_space<semaphore_mem>>)
      %dma_wait3A_115 = arith.constant 0 : i32
      %dma_wait3A_116 = arith.constant 0 : i32
      %dma_wait3A_117 = tpu.memref_slice %arg3[%add3A, %dma_wait3A_115, %dma_wait3A_116] : memref<32x10x1000xi32, #tpu.memory_space<hbm>> -> memref<1x10x1000xi32, #tpu.memory_space<hbm>>
      %dma_wait3A_118 = tpu.memref_squeeze %dma_wait3A_117 : memref<1x10x1000xi32, #tpu.memory_space<hbm>> -> memref<10x1000xi32, #tpu.memory_space<hbm>>
      %dma_wait3A_119 = arith.constant 0 : i32
      %dma_wait3A_120 = arith.constant 0 : i32
      %dma_wait3A_121 = tpu.memref_slice %arg3[%add3A, %dma_wait3A_119, %dma_wait3A_120] : memref<32x10x1000xi32, #tpu.memory_space<hbm>> -> memref<1x10x1000xi32, #tpu.memory_space<hbm>>
      %dma_wait3A_122 = tpu.memref_squeeze %dma_wait3A_121 : memref<1x10x1000xi32, #tpu.memory_space<hbm>> -> memref<10x1000xi32, #tpu.memory_space<hbm>>
      tpu.wait_dma2 semaphore(%run_scoped3A : memref<!tpu.dma_semaphore, #tpu.memory_space<semaphore_mem>>) src(%dma_wait3A_122 : memref<10x1000xi32, #tpu.memory_space<hbm>>) dst(%arg8 : memref<10x1000xi32, #tpu.memory_space<vmem>>)
      tpu.yield
    }) : () -> ()
    %dma_start3A = arith.constant 0 : i32
    %dma_start3A_7 = arith.constant 0 : i32
    %dma_start3A_8 = tpu.memref_slice %arg7[%dma_start3A, %dma_start3A_7] : memref<10x1000xi32, #tpu.memory_space<vmem>> -> memref<1x1000xi32, #tpu.memory_space<vmem>>
    %dma_start3A_9 = tpu.memref_squeeze %dma_start3A_8 : memref<1x1000xi32, #tpu.memory_space<vmem>> -> memref<1000xi32, #tpu.memory_space<vmem>>
    %dma_start3A_10 = arith.constant 0 : i32
    %dma_start3A_11 = arith.constant 0 : i32
    %dma_start3A_12 = tpu.memref_slice %arg4[%dma_start3A_10, %dma_start3A_11] : memref<10000x16xf32, #tpu.memory_space<hbm>> -> memref<10000x16xf32, #tpu.memory_space<hbm>>
    tpu.enqueue_indirect_dma source(%dma_start3A_12 : memref<10000x16xf32, #tpu.memory_space<hbm>>) target(%arg9 : memref<1000x16xf32, #tpu.memory_space<vmem>>) offsets(%dma_start3A_9 : memref<1000xi32, #tpu.memory_space<vmem>>) semaphore(%arg14 : memref<!tpu.dma_semaphore, #tpu.memory_space<semaphore_mem>>)
    %dma_start3A_13 = arith.constant 1 : i32
    %dma_start3A_14 = arith.constant 0 : i32
    %dma_start3A_15 = tpu.memref_slice %arg7[%dma_start3A_13, %dma_start3A_14] : memref<10x1000xi32, #tpu.memory_space<vmem>> -> memref<1x1000xi32, #tpu.memory_space<vmem>>
    %dma_start3A_16 = tpu.memref_squeeze %dma_start3A_15 : memref<1x1000xi32, #tpu.memory_space<vmem>> -> memref<1000xi32, #tpu.memory_space<vmem>>
    %dma_start3A_17 = arith.constant 0 : i32
    %dma_start3A_18 = arith.constant 0 : i32
    %dma_start3A_19 = tpu.memref_slice %arg4[%dma_start3A_17, %dma_start3A_18] : memref<10000x16xf32, #tpu.memory_space<hbm>> -> memref<10000x16xf32, #tpu.memory_space<hbm>>
    tpu.enqueue_indirect_dma source(%dma_start3A_19 : memref<10000x16xf32, #tpu.memory_space<hbm>>) target(%arg10 : memref<1000x16xf32, #tpu.memory_space<vmem>>) offsets(%dma_start3A_16 : memref<1000xi32, #tpu.memory_space<vmem>>) semaphore(%arg15 : memref<!tpu.dma_semaphore, #tpu.memory_space<semaphore_mem>>)
    %scan3A = arith.constant 0 : i32
    %scan3A_20 = arith.constant 0 : i32
    %scan3A_21 = arith.constant 2 : i32
    %scan3A_22 = arith.addi %scan3A_20, %scan3A_21 : i32
    %scan3A_23 = arith.constant 1 : i32
    scf.for %scan3A_107 = %scan3A_20 to %scan3A_22 step %scan3A_23  : i32 {
      %mul3A_108 = arith.constant 4 : i32
      %mul3A_109 = arith.muli %mul3A_108, %scan3A_107 : i32
      %add3A_110 = arith.constant 0 : i32
      %add3A_111 = arith.addi %mul3A_109, %add3A_110 : i32
      %add3A_112 = arith.constant 2 : i32
      %add3A_113 = arith.addi %add3A_111, %add3A_112 : i32
      %lt3A_114 = arith.constant 10 : i32
      %lt3A_115 = arith.cmpi slt, %add3A_113, %lt3A_114 : i32
      %convert_element_type3A_116 = arith.extui %lt3A_115 : i1 to i32
      %cond3A_117 = arith.constant 0 : i32
      %cond3A_118 = arith.cmpi ne, %convert_element_type3A_116, %cond3A_117 : i32
      scf.if %cond3A_118 {
        %ge3A = arith.constant 2 : i32
        %ge3A_194 = arith.cmpi sge, %add3A_111, %ge3A : i32
        %convert_element_type3A_195 = arith.extui %ge3A_194 : i1 to i32
        %cond3A_196 = arith.constant 0 : i32
        %cond3A_197 = arith.cmpi ne, %convert_element_type3A_195, %cond3A_196 : i32
        scf.if %cond3A_197 {
          %dma_wait3A_206 = arith.constant 0 : i32
          %dma_wait3A_207 = arith.constant 0 : i32
          %dma_wait3A_208 = tpu.memref_slice %arg8[%dma_wait3A_206, %dma_wait3A_207] : memref<10x1000xi32, #tpu.memory_space<vmem>> -> memref<1x1000xi32, #tpu.memory_space<vmem>>
          %dma_wait3A_209 = tpu.memref_squeeze %dma_wait3A_208 : memref<1x1000xi32, #tpu.memory_space<vmem>> -> memref<1000xi32, #tpu.memory_space<vmem>>
          %dma_wait3A_210 = arith.constant 0 : i32
          %dma_wait3A_211 = arith.constant 0 : i32
          %dma_wait3A_212 = tpu.memref_slice %arg13[%dma_wait3A_210, %dma_wait3A_211] : memref<10000x16xf32, #tpu.memory_space<vmem_shared>> -> memref<10000x16xf32, #tpu.memory_space<vmem_shared>>
          tpu.wait_indirect_dma semaphore(%arg20 : memref<!tpu.dma_semaphore, #tpu.memory_space<semaphore_mem>>) src(%arg11 : memref<1000x16xf32, #tpu.memory_space<vmem>>) dst(%dma_wait3A_212 : memref<10000x16xf32, #tpu.memory_space<vmem_shared>>)
        } else {
        }
        %add3A_198 = arith.constant 2 : i32
        %add3A_199 = arith.addi %add3A_111, %add3A_198 : i32
        %dma_start3A_200 = arith.constant 0 : i32
        %dma_start3A_201 = tpu.memref_slice %arg7[%add3A_199, %dma_start3A_200] : memref<10x1000xi32, #tpu.memory_space<vmem>> -> memref<1x1000xi32, #tpu.memory_space<vmem>>
        %dma_start3A_202 = tpu.memref_squeeze %dma_start3A_201 : memref<1x1000xi32, #tpu.memory_space<vmem>> -> memref<1000xi32, #tpu.memory_space<vmem>>
        %dma_start3A_203 = arith.constant 0 : i32
        %dma_start3A_204 = arith.constant 0 : i32
        %dma_start3A_205 = tpu.memref_slice %arg4[%dma_start3A_203, %dma_start3A_204] : memref<10000x16xf32, #tpu.memory_space<hbm>> -> memref<10000x16xf32, #tpu.memory_space<hbm>>
        tpu.enqueue_indirect_dma source(%dma_start3A_205 : memref<10000x16xf32, #tpu.memory_space<hbm>>) target(%arg11 : memref<1000x16xf32, #tpu.memory_space<vmem>>) offsets(%dma_start3A_202 : memref<1000xi32, #tpu.memory_space<vmem>>) semaphore(%arg16 : memref<!tpu.dma_semaphore, #tpu.memory_space<semaphore_mem>>)
      } else {
      }
      %dma_wait3A_119 = arith.constant 0 : i32
      %dma_wait3A_120 = tpu.memref_slice %arg7[%add3A_111, %dma_wait3A_119] : memref<10x1000xi32, #tpu.memory_space<vmem>> -> memref<1x1000xi32, #tpu.memory_space<vmem>>
      %dma_wait3A_121 = tpu.memref_squeeze %dma_wait3A_120 : memref<1x1000xi32, #tpu.memory_space<vmem>> -> memref<1000xi32, #tpu.memory_space<vmem>>
      %dma_wait3A_122 = arith.constant 0 : i32
      %dma_wait3A_123 = arith.constant 0 : i32
      %dma_wait3A_124 = tpu.memref_slice %arg4[%dma_wait3A_122, %dma_wait3A_123] : memref<10000x16xf32, #tpu.memory_space<hbm>> -> memref<10000x16xf32, #tpu.memory_space<hbm>>
      tpu.wait_indirect_dma semaphore(%arg14 : memref<!tpu.dma_semaphore, #tpu.memory_space<semaphore_mem>>) src(%dma_wait3A_124 : memref<10000x16xf32, #tpu.memory_space<hbm>>) dst(%arg9 : memref<1000x16xf32, #tpu.memory_space<vmem>>)
      %dma_start3A_125 = arith.constant 0 : i32
      %dma_start3A_126 = tpu.memref_slice %arg8[%add3A_111, %dma_start3A_125] : memref<10x1000xi32, #tpu.memory_space<vmem>> -> memref<1x1000xi32, #tpu.memory_space<vmem>>
      %dma_start3A_127 = tpu.memref_squeeze %dma_start3A_126 : memref<1x1000xi32, #tpu.memory_space<vmem>> -> memref<1000xi32, #tpu.memory_space<vmem>>
      %dma_start3A_128 = arith.constant 0 : i32
      %dma_start3A_129 = arith.constant 0 : i32
      %dma_start3A_130 = tpu.memref_slice %arg13[%dma_start3A_128, %dma_start3A_129] : memref<10000x16xf32, #tpu.memory_space<vmem_shared>> -> memref<10000x16xf32, #tpu.memory_space<vmem_shared>>
      tpu.enqueue_indirect_dma source(%arg9 : memref<1000x16xf32, #tpu.memory_space<vmem>>) target(%dma_start3A_130 : memref<10000x16xf32, #tpu.memory_space<vmem_shared>>) offsets(%dma_start3A_127 : memref<1000xi32, #tpu.memory_space<vmem>>) semaphore(%arg18 : memref<!tpu.dma_semaphore, #tpu.memory_space<semaphore_mem>>) {add = true}
      %add3A_131 = arith.constant 1 : i32
      %add3A_132 = arith.addi %mul3A_109, %add3A_131 : i32
      %add3A_133 = arith.constant 2 : i32
      %add3A_134 = arith.addi %add3A_132, %add3A_133 : i32
      %lt3A_135 = arith.constant 10 : i32
      %lt3A_136 = arith.cmpi slt, %add3A_134, %lt3A_135 : i32
      %convert_element_type3A_137 = arith.extui %lt3A_136 : i1 to i32
      %cond3A_138 = arith.constant 0 : i32
      %cond3A_139 = arith.cmpi ne, %convert_element_type3A_137, %cond3A_138 : i32
      scf.if %cond3A_139 {
        %ge3A = arith.constant 2 : i32
        %ge3A_194 = arith.cmpi sge, %add3A_132, %ge3A : i32
        %convert_element_type3A_195 = arith.extui %ge3A_194 : i1 to i32
        %cond3A_196 = arith.constant 0 : i32
        %cond3A_197 = arith.cmpi ne, %convert_element_type3A_195, %cond3A_196 : i32
        scf.if %cond3A_197 {
          %dma_wait3A_206 = arith.constant 0 : i32
          %dma_wait3A_207 = arith.constant 0 : i32
          %dma_wait3A_208 = tpu.memref_slice %arg8[%dma_wait3A_206, %dma_wait3A_207] : memref<10x1000xi32, #tpu.memory_space<vmem>> -> memref<1x1000xi32, #tpu.memory_space<vmem>>
          %dma_wait3A_209 = tpu.memref_squeeze %dma_wait3A_208 : memref<1x1000xi32, #tpu.memory_space<vmem>> -> memref<1000xi32, #tpu.memory_space<vmem>>
          %dma_wait3A_210 = arith.constant 0 : i32
          %dma_wait3A_211 = arith.constant 0 : i32
          %dma_wait3A_212 = tpu.memref_slice %arg13[%dma_wait3A_210, %dma_wait3A_211] : memref<10000x16xf32, #tpu.memory_space<vmem_shared>> -> memref<10000x16xf32, #tpu.memory_space<vmem_shared>>
          tpu.wait_indirect_dma semaphore(%arg21 : memref<!tpu.dma_semaphore, #tpu.memory_space<semaphore_mem>>) src(%arg12 : memref<1000x16xf32, #tpu.memory_space<vmem>>) dst(%dma_wait3A_212 : memref<10000x16xf32, #tpu.memory_space<vmem_shared>>)
        } else {
        }
        %add3A_198 = arith.constant 2 : i32
        %add3A_199 = arith.addi %add3A_132, %add3A_198 : i32
        %dma_start3A_200 = arith.constant 0 : i32
        %dma_start3A_201 = tpu.memref_slice %arg7[%add3A_199, %dma_start3A_200] : memref<10x1000xi32, #tpu.memory_space<vmem>> -> memref<1x1000xi32, #tpu.memory_space<vmem>>
        %dma_start3A_202 = tpu.memref_squeeze %dma_start3A_201 : memref<1x1000xi32, #tpu.memory_space<vmem>> -> memref<1000xi32, #tpu.memory_space<vmem>>
        %dma_start3A_203 = arith.constant 0 : i32
        %dma_start3A_204 = arith.constant 0 : i32
        %dma_start3A_205 = tpu.memref_slice %arg4[%dma_start3A_203, %dma_start3A_204] : memref<10000x16xf32, #tpu.memory_space<hbm>> -> memref<10000x16xf32, #tpu.memory_space<hbm>>
        tpu.enqueue_indirect_dma source(%dma_start3A_205 : memref<10000x16xf32, #tpu.memory_space<hbm>>) target(%arg12 : memref<1000x16xf32, #tpu.memory_space<vmem>>) offsets(%dma_start3A_202 : memref<1000xi32, #tpu.memory_space<vmem>>) semaphore(%arg17 : memref<!tpu.dma_semaphore, #tpu.memory_space<semaphore_mem>>)
      } else {
      }
      %dma_wait3A_140 = arith.constant 0 : i32
      %dma_wait3A_141 = tpu.memref_slice %arg7[%add3A_132, %dma_wait3A_140] : memref<10x1000xi32, #tpu.memory_space<vmem>> -> memref<1x1000xi32, #tpu.memory_space<vmem>>
      %dma_wait3A_142 = tpu.memref_squeeze %dma_wait3A_141 : memref<1x1000xi32, #tpu.memory_space<vmem>> -> memref<1000xi32, #tpu.memory_space<vmem>>
      %dma_wait3A_143 = arith.constant 0 : i32
      %dma_wait3A_144 = arith.constant 0 : i32
      %dma_wait3A_145 = tpu.memref_slice %arg4[%dma_wait3A_143, %dma_wait3A_144] : memref<10000x16xf32, #tpu.memory_space<hbm>> -> memref<10000x16xf32, #tpu.memory_space<hbm>>
      tpu.wait_indirect_dma semaphore(%arg15 : memref<!tpu.dma_semaphore, #tpu.memory_space<semaphore_mem>>) src(%dma_wait3A_145 : memref<10000x16xf32, #tpu.memory_space<hbm>>) dst(%arg10 : memref<1000x16xf32, #tpu.memory_space<vmem>>)
      %dma_start3A_146 = arith.constant 0 : i32
      %dma_start3A_147 = tpu.memref_slice %arg8[%add3A_132, %dma_start3A_146] : memref<10x1000xi32, #tpu.memory_space<vmem>> -> memref<1x1000xi32, #tpu.memory_space<vmem>>
      %dma_start3A_148 = tpu.memref_squeeze %dma_start3A_147 : memref<1x1000xi32, #tpu.memory_space<vmem>> -> memref<1000xi32, #tpu.memory_space<vmem>>
      %dma_start3A_149 = arith.constant 0 : i32
      %dma_start3A_150 = arith.constant 0 : i32
      %dma_start3A_151 = tpu.memref_slice %arg13[%dma_start3A_149, %dma_start3A_150] : memref<10000x16xf32, #tpu.memory_space<vmem_shared>> -> memref<10000x16xf32, #tpu.memory_space<vmem_shared>>
      tpu.enqueue_indirect_dma source(%arg10 : memref<1000x16xf32, #tpu.memory_space<vmem>>) target(%dma_start3A_151 : memref<10000x16xf32, #tpu.memory_space<vmem_shared>>) offsets(%dma_start3A_148 : memref<1000xi32, #tpu.memory_space<vmem>>) semaphore(%arg19 : memref<!tpu.dma_semaphore, #tpu.memory_space<semaphore_mem>>) {add = true}
      %add3A_152 = arith.constant 2 : i32
      %add3A_153 = arith.addi %mul3A_109, %add3A_152 : i32
      %add3A_154 = arith.constant 2 : i32
      %add3A_155 = arith.addi %add3A_153, %add3A_154 : i32
      %lt3A_156 = arith.constant 10 : i32
      %lt3A_157 = arith.cmpi slt, %add3A_155, %lt3A_156 : i32
      %convert_element_type3A_158 = arith.extui %lt3A_157 : i1 to i32
      %cond3A_159 = arith.constant 0 : i32
      %cond3A_160 = arith.cmpi ne, %convert_element_type3A_158, %cond3A_159 : i32
      scf.if %cond3A_160 {
        %ge3A = arith.constant 2 : i32
        %ge3A_194 = arith.cmpi sge, %add3A_153, %ge3A : i32
        %convert_element_type3A_195 = arith.extui %ge3A_194 : i1 to i32
        %cond3A_196 = arith.constant 0 : i32
        %cond3A_197 = arith.cmpi ne, %convert_element_type3A_195, %cond3A_196 : i32
        scf.if %cond3A_197 {
          %dma_wait3A_206 = arith.constant 0 : i32
          %dma_wait3A_207 = arith.constant 0 : i32
          %dma_wait3A_208 = tpu.memref_slice %arg8[%dma_wait3A_206, %dma_wait3A_207] : memref<10x1000xi32, #tpu.memory_space<vmem>> -> memref<1x1000xi32, #tpu.memory_space<vmem>>
          %dma_wait3A_209 = tpu.memref_squeeze %dma_wait3A_208 : memref<1x1000xi32, #tpu.memory_space<vmem>> -> memref<1000xi32, #tpu.memory_space<vmem>>
          %dma_wait3A_210 = arith.constant 0 : i32
          %dma_wait3A_211 = arith.constant 0 : i32
          %dma_wait3A_212 = tpu.memref_slice %arg13[%dma_wait3A_210, %dma_wait3A_211] : memref<10000x16xf32, #tpu.memory_space<vmem_shared>> -> memref<10000x16xf32, #tpu.memory_space<vmem_shared>>
          tpu.wait_indirect_dma semaphore(%arg18 : memref<!tpu.dma_semaphore, #tpu.memory_space<semaphore_mem>>) src(%arg9 : memref<1000x16xf32, #tpu.memory_space<vmem>>) dst(%dma_wait3A_212 : memref<10000x16xf32, #tpu.memory_space<vmem_shared>>)
        } else {
        }
        %add3A_198 = arith.constant 2 : i32
        %add3A_199 = arith.addi %add3A_153, %add3A_198 : i32
        %dma_start3A_200 = arith.constant 0 : i32
        %dma_start3A_201 = tpu.memref_slice %arg7[%add3A_199, %dma_start3A_200] : memref<10x1000xi32, #tpu.memory_space<vmem>> -> memref<1x1000xi32, #tpu.memory_space<vmem>>
        %dma_start3A_202 = tpu.memref_squeeze %dma_start3A_201 : memref<1x1000xi32, #tpu.memory_space<vmem>> -> memref<1000xi32, #tpu.memory_space<vmem>>
        %dma_start3A_203 = arith.constant 0 : i32
        %dma_start3A_204 = arith.constant 0 : i32
        %dma_start3A_205 = tpu.memref_slice %arg4[%dma_start3A_203, %dma_start3A_204] : memref<10000x16xf32, #tpu.memory_space<hbm>> -> memref<10000x16xf32, #tpu.memory_space<hbm>>
        tpu.enqueue_indirect_dma source(%dma_start3A_205 : memref<10000x16xf32, #tpu.memory_space<hbm>>) target(%arg9 : memref<1000x16xf32, #tpu.memory_space<vmem>>) offsets(%dma_start3A_202 : memref<1000xi32, #tpu.memory_space<vmem>>) semaphore(%arg14 : memref<!tpu.dma_semaphore, #tpu.memory_space<semaphore_mem>>)
      } else {
      }
      %dma_wait3A_161 = arith.constant 0 : i32
      %dma_wait3A_162 = tpu.memref_slice %arg7[%add3A_153, %dma_wait3A_161] : memref<10x1000xi32, #tpu.memory_space<vmem>> -> memref<1x1000xi32, #tpu.memory_space<vmem>>
      %dma_wait3A_163 = tpu.memref_squeeze %dma_wait3A_162 : memref<1x1000xi32, #tpu.memory_space<vmem>> -> memref<1000xi32, #tpu.memory_space<vmem>>
      %dma_wait3A_164 = arith.constant 0 : i32
      %dma_wait3A_165 = arith.constant 0 : i32
      %dma_wait3A_166 = tpu.memref_slice %arg4[%dma_wait3A_164, %dma_wait3A_165] : memref<10000x16xf32, #tpu.memory_space<hbm>> -> memref<10000x16xf32, #tpu.memory_space<hbm>>
      tpu.wait_indirect_dma semaphore(%arg16 : memref<!tpu.dma_semaphore, #tpu.memory_space<semaphore_mem>>) src(%dma_wait3A_166 : memref<10000x16xf32, #tpu.memory_space<hbm>>) dst(%arg11 : memref<1000x16xf32, #tpu.memory_space<vmem>>)
      %dma_start3A_167 = arith.constant 0 : i32
      %dma_start3A_168 = tpu.memref_slice %arg8[%add3A_153, %dma_start3A_167] : memref<10x1000xi32, #tpu.memory_space<vmem>> -> memref<1x1000xi32, #tpu.memory_space<vmem>>
      %dma_start3A_169 = tpu.memref_squeeze %dma_start3A_168 : memref<1x1000xi32, #tpu.memory_space<vmem>> -> memref<1000xi32, #tpu.memory_space<vmem>>
      %dma_start3A_170 = arith.constant 0 : i32
      %dma_start3A_171 = arith.constant 0 : i32
      %dma_start3A_172 = tpu.memref_slice %arg13[%dma_start3A_170, %dma_start3A_171] : memref<10000x16xf32, #tpu.memory_space<vmem_shared>> -> memref<10000x16xf32, #tpu.memory_space<vmem_shared>>
      tpu.enqueue_indirect_dma source(%arg11 : memref<1000x16xf32, #tpu.memory_space<vmem>>) target(%dma_start3A_172 : memref<10000x16xf32, #tpu.memory_space<vmem_shared>>) offsets(%dma_start3A_169 : memref<1000xi32, #tpu.memory_space<vmem>>) semaphore(%arg20 : memref<!tpu.dma_semaphore, #tpu.memory_space<semaphore_mem>>) {add = true}
      %add3A_173 = arith.constant 3 : i32
      %add3A_174 = arith.addi %mul3A_109, %add3A_173 : i32
      %add3A_175 = arith.constant 2 : i32
      %add3A_176 = arith.addi %add3A_174, %add3A_175 : i32
      %lt3A_177 = arith.constant 10 : i32
      %lt3A_178 = arith.cmpi slt, %add3A_176, %lt3A_177 : i32
      %convert_element_type3A_179 = arith.extui %lt3A_178 : i1 to i32
      %cond3A_180 = arith.constant 0 : i32
      %cond3A_181 = arith.cmpi ne, %convert_element_type3A_179, %cond3A_180 : i32
      scf.if %cond3A_181 {
        %ge3A = arith.constant 2 : i32
        %ge3A_194 = arith.cmpi sge, %add3A_174, %ge3A : i32
        %convert_element_type3A_195 = arith.extui %ge3A_194 : i1 to i32
        %cond3A_196 = arith.constant 0 : i32
        %cond3A_197 = arith.cmpi ne, %convert_element_type3A_195, %cond3A_196 : i32
        scf.if %cond3A_197 {
          %dma_wait3A_206 = arith.constant 0 : i32
          %dma_wait3A_207 = arith.constant 0 : i32
          %dma_wait3A_208 = tpu.memref_slice %arg8[%dma_wait3A_206, %dma_wait3A_207] : memref<10x1000xi32, #tpu.memory_space<vmem>> -> memref<1x1000xi32, #tpu.memory_space<vmem>>
          %dma_wait3A_209 = tpu.memref_squeeze %dma_wait3A_208 : memref<1x1000xi32, #tpu.memory_space<vmem>> -> memref<1000xi32, #tpu.memory_space<vmem>>
          %dma_wait3A_210 = arith.constant 0 : i32
          %dma_wait3A_211 = arith.constant 0 : i32
          %dma_wait3A_212 = tpu.memref_slice %arg13[%dma_wait3A_210, %dma_wait3A_211] : memref<10000x16xf32, #tpu.memory_space<vmem_shared>> -> memref<10000x16xf32, #tpu.memory_space<vmem_shared>>
          tpu.wait_indirect_dma semaphore(%arg19 : memref<!tpu.dma_semaphore, #tpu.memory_space<semaphore_mem>>) src(%arg10 : memref<1000x16xf32, #tpu.memory_space<vmem>>) dst(%dma_wait3A_212 : memref<10000x16xf32, #tpu.memory_space<vmem_shared>>)
        } else {
        }
        %add3A_198 = arith.constant 2 : i32
        %add3A_199 = arith.addi %add3A_174, %add3A_198 : i32
        %dma_start3A_200 = arith.constant 0 : i32
        %dma_start3A_201 = tpu.memref_slice %arg7[%add3A_199, %dma_start3A_200] : memref<10x1000xi32, #tpu.memory_space<vmem>> -> memref<1x1000xi32, #tpu.memory_space<vmem>>
        %dma_start3A_202 = tpu.memref_squeeze %dma_start3A_201 : memref<1x1000xi32, #tpu.memory_space<vmem>> -> memref<1000xi32, #tpu.memory_space<vmem>>
        %dma_start3A_203 = arith.constant 0 : i32
        %dma_start3A_204 = arith.constant 0 : i32
        %dma_start3A_205 = tpu.memref_slice %arg4[%dma_start3A_203, %dma_start3A_204] : memref<10000x16xf32, #tpu.memory_space<hbm>> -> memref<10000x16xf32, #tpu.memory_space<hbm>>
        tpu.enqueue_indirect_dma source(%dma_start3A_205 : memref<10000x16xf32, #tpu.memory_space<hbm>>) target(%arg10 : memref<1000x16xf32, #tpu.memory_space<vmem>>) offsets(%dma_start3A_202 : memref<1000xi32, #tpu.memory_space<vmem>>) semaphore(%arg15 : memref<!tpu.dma_semaphore, #tpu.memory_space<semaphore_mem>>)
      } else {
      }
      %dma_wait3A_182 = arith.constant 0 : i32
      %dma_wait3A_183 = tpu.memref_slice %arg7[%add3A_174, %dma_wait3A_182] : memref<10x1000xi32, #tpu.memory_space<vmem>> -> memref<1x1000xi32, #tpu.memory_space<vmem>>
      %dma_wait3A_184 = tpu.memref_squeeze %dma_wait3A_183 : memref<1x1000xi32, #tpu.memory_space<vmem>> -> memref<1000xi32, #tpu.memory_space<vmem>>
      %dma_wait3A_185 = arith.constant 0 : i32
      %dma_wait3A_186 = arith.constant 0 : i32
      %dma_wait3A_187 = tpu.memref_slice %arg4[%dma_wait3A_185, %dma_wait3A_186] : memref<10000x16xf32, #tpu.memory_space<hbm>> -> memref<10000x16xf32, #tpu.memory_space<hbm>>
      tpu.wait_indirect_dma semaphore(%arg17 : memref<!tpu.dma_semaphore, #tpu.memory_space<semaphore_mem>>) src(%dma_wait3A_187 : memref<10000x16xf32, #tpu.memory_space<hbm>>) dst(%arg12 : memref<1000x16xf32, #tpu.memory_space<vmem>>)
      %dma_start3A_188 = arith.constant 0 : i32
      %dma_start3A_189 = tpu.memref_slice %arg8[%add3A_174, %dma_start3A_188] : memref<10x1000xi32, #tpu.memory_space<vmem>> -> memref<1x1000xi32, #tpu.memory_space<vmem>>
      %dma_start3A_190 = tpu.memref_squeeze %dma_start3A_189 : memref<1x1000xi32, #tpu.memory_space<vmem>> -> memref<1000xi32, #tpu.memory_space<vmem>>
      %dma_start3A_191 = arith.constant 0 : i32
      %dma_start3A_192 = arith.constant 0 : i32
      %dma_start3A_193 = tpu.memref_slice %arg13[%dma_start3A_191, %dma_start3A_192] : memref<10000x16xf32, #tpu.memory_space<vmem_shared>> -> memref<10000x16xf32, #tpu.memory_space<vmem_shared>>
      tpu.enqueue_indirect_dma source(%arg12 : memref<1000x16xf32, #tpu.memory_space<vmem>>) target(%dma_start3A_193 : memref<10000x16xf32, #tpu.memory_space<vmem_shared>>) offsets(%dma_start3A_190 : memref<1000xi32, #tpu.memory_space<vmem>>) semaphore(%arg21 : memref<!tpu.dma_semaphore, #tpu.memory_space<semaphore_mem>>) {add = true}
    }
    %scan3A_24 = arith.constant 2 : i32
    %add3A_25 = arith.constant 8 : i32
    %add3A_26 = arith.constant 2 : i32
    %add3A_27 = arith.addi %add3A_25, %add3A_26 : i32
    %lt3A = arith.constant 10 : i32
    %lt3A_28 = arith.cmpi slt, %add3A_27, %lt3A : i32
    %convert_element_type3A_29 = arith.extui %lt3A_28 : i1 to i32
    %cond3A_30 = arith.constant 8 : i32
    %cond3A_31 = arith.constant 0 : i32
    %cond3A_32 = arith.cmpi ne, %convert_element_type3A_29, %cond3A_31 : i32
    scf.if %cond3A_32 {
      %ge3A = arith.constant 2 : i32
      %ge3A_107 = arith.cmpi sge, %cond3A_30, %ge3A : i32
      %convert_element_type3A_108 = arith.extui %ge3A_107 : i1 to i32
      %cond3A_109 = arith.constant 0 : i32
      %cond3A_110 = arith.cmpi ne, %convert_element_type3A_108, %cond3A_109 : i32
      scf.if %cond3A_110 {
        %dma_wait3A_119 = arith.constant 0 : i32
        %dma_wait3A_120 = arith.constant 0 : i32
        %dma_wait3A_121 = tpu.memref_slice %arg8[%dma_wait3A_119, %dma_wait3A_120] : memref<10x1000xi32, #tpu.memory_space<vmem>> -> memref<1x1000xi32, #tpu.memory_space<vmem>>
        %dma_wait3A_122 = tpu.memref_squeeze %dma_wait3A_121 : memref<1x1000xi32, #tpu.memory_space<vmem>> -> memref<1000xi32, #tpu.memory_space<vmem>>
        %dma_wait3A_123 = arith.constant 0 : i32
        %dma_wait3A_124 = arith.constant 0 : i32
        %dma_wait3A_125 = tpu.memref_slice %arg13[%dma_wait3A_123, %dma_wait3A_124] : memref<10000x16xf32, #tpu.memory_space<vmem_shared>> -> memref<10000x16xf32, #tpu.memory_space<vmem_shared>>
        tpu.wait_indirect_dma semaphore(%arg20 : memref<!tpu.dma_semaphore, #tpu.memory_space<semaphore_mem>>) src(%arg11 : memref<1000x16xf32, #tpu.memory_space<vmem>>) dst(%dma_wait3A_125 : memref<10000x16xf32, #tpu.memory_space<vmem_shared>>)
      } else {
      }
      %add3A_111 = arith.constant 2 : i32
      %add3A_112 = arith.addi %cond3A_30, %add3A_111 : i32
      %dma_start3A_113 = arith.constant 0 : i32
      %dma_start3A_114 = tpu.memref_slice %arg7[%add3A_112, %dma_start3A_113] : memref<10x1000xi32, #tpu.memory_space<vmem>> -> memref<1x1000xi32, #tpu.memory_space<vmem>>
      %dma_start3A_115 = tpu.memref_squeeze %dma_start3A_114 : memref<1x1000xi32, #tpu.memory_space<vmem>> -> memref<1000xi32, #tpu.memory_space<vmem>>
      %dma_start3A_116 = arith.constant 0 : i32
      %dma_start3A_117 = arith.constant 0 : i32
      %dma_start3A_118 = tpu.memref_slice %arg4[%dma_start3A_116, %dma_start3A_117] : memref<10000x16xf32, #tpu.memory_space<hbm>> -> memref<10000x16xf32, #tpu.memory_space<hbm>>
      tpu.enqueue_indirect_dma source(%dma_start3A_118 : memref<10000x16xf32, #tpu.memory_space<hbm>>) target(%arg11 : memref<1000x16xf32, #tpu.memory_space<vmem>>) offsets(%dma_start3A_115 : memref<1000xi32, #tpu.memory_space<vmem>>) semaphore(%arg16 : memref<!tpu.dma_semaphore, #tpu.memory_space<semaphore_mem>>)
    } else {
    }
    %dma_wait3A = arith.constant 8 : i32
    %dma_wait3A_33 = arith.constant 0 : i32
    %dma_wait3A_34 = tpu.memref_slice %arg7[%dma_wait3A, %dma_wait3A_33] : memref<10x1000xi32, #tpu.memory_space<vmem>> -> memref<1x1000xi32, #tpu.memory_space<vmem>>
    %dma_wait3A_35 = tpu.memref_squeeze %dma_wait3A_34 : memref<1x1000xi32, #tpu.memory_space<vmem>> -> memref<1000xi32, #tpu.memory_space<vmem>>
    %dma_wait3A_36 = arith.constant 0 : i32
    %dma_wait3A_37 = arith.constant 0 : i32
    %dma_wait3A_38 = tpu.memref_slice %arg4[%dma_wait3A_36, %dma_wait3A_37] : memref<10000x16xf32, #tpu.memory_space<hbm>> -> memref<10000x16xf32, #tpu.memory_space<hbm>>
    tpu.wait_indirect_dma semaphore(%arg14 : memref<!tpu.dma_semaphore, #tpu.memory_space<semaphore_mem>>) src(%dma_wait3A_38 : memref<10000x16xf32, #tpu.memory_space<hbm>>) dst(%arg9 : memref<1000x16xf32, #tpu.memory_space<vmem>>)
    %dma_start3A_39 = arith.constant 8 : i32
    %dma_start3A_40 = arith.constant 0 : i32
    %dma_start3A_41 = tpu.memref_slice %arg8[%dma_start3A_39, %dma_start3A_40] : memref<10x1000xi32, #tpu.memory_space<vmem>> -> memref<1x1000xi32, #tpu.memory_space<vmem>>
    %dma_start3A_42 = tpu.memref_squeeze %dma_start3A_41 : memref<1x1000xi32, #tpu.memory_space<vmem>> -> memref<1000xi32, #tpu.memory_space<vmem>>
    %dma_start3A_43 = arith.constant 0 : i32
    %dma_start3A_44 = arith.constant 0 : i32
    %dma_start3A_45 = tpu.memref_slice %arg13[%dma_start3A_43, %dma_start3A_44] : memref<10000x16xf32, #tpu.memory_space<vmem_shared>> -> memref<10000x16xf32, #tpu.memory_space<vmem_shared>>
    tpu.enqueue_indirect_dma source(%arg9 : memref<1000x16xf32, #tpu.memory_space<vmem>>) target(%dma_start3A_45 : memref<10000x16xf32, #tpu.memory_space<vmem_shared>>) offsets(%dma_start3A_42 : memref<1000xi32, #tpu.memory_space<vmem>>) semaphore(%arg18 : memref<!tpu.dma_semaphore, #tpu.memory_space<semaphore_mem>>) {add = true}
    %add3A_46 = arith.constant 9 : i32
    %add3A_47 = arith.constant 2 : i32
    %add3A_48 = arith.addi %add3A_46, %add3A_47 : i32
    %lt3A_49 = arith.constant 10 : i32
    %lt3A_50 = arith.cmpi slt, %add3A_48, %lt3A_49 : i32
    %convert_element_type3A_51 = arith.extui %lt3A_50 : i1 to i32
    %cond3A_52 = arith.constant 9 : i32
    %cond3A_53 = arith.constant 0 : i32
    %cond3A_54 = arith.cmpi ne, %convert_element_type3A_51, %cond3A_53 : i32
    scf.if %cond3A_54 {
      %ge3A = arith.constant 2 : i32
      %ge3A_107 = arith.cmpi sge, %cond3A_52, %ge3A : i32
      %convert_element_type3A_108 = arith.extui %ge3A_107 : i1 to i32
      %cond3A_109 = arith.constant 0 : i32
      %cond3A_110 = arith.cmpi ne, %convert_element_type3A_108, %cond3A_109 : i32
      scf.if %cond3A_110 {
        %dma_wait3A_119 = arith.constant 0 : i32
        %dma_wait3A_120 = arith.constant 0 : i32
        %dma_wait3A_121 = tpu.memref_slice %arg8[%dma_wait3A_119, %dma_wait3A_120] : memref<10x1000xi32, #tpu.memory_space<vmem>> -> memref<1x1000xi32, #tpu.memory_space<vmem>>
        %dma_wait3A_122 = tpu.memref_squeeze %dma_wait3A_121 : memref<1x1000xi32, #tpu.memory_space<vmem>> -> memref<1000xi32, #tpu.memory_space<vmem>>
        %dma_wait3A_123 = arith.constant 0 : i32
        %dma_wait3A_124 = arith.constant 0 : i32
        %dma_wait3A_125 = tpu.memref_slice %arg13[%dma_wait3A_123, %dma_wait3A_124] : memref<10000x16xf32, #tpu.memory_space<vmem_shared>> -> memref<10000x16xf32, #tpu.memory_space<vmem_shared>>
        tpu.wait_indirect_dma semaphore(%arg21 : memref<!tpu.dma_semaphore, #tpu.memory_space<semaphore_mem>>) src(%arg12 : memref<1000x16xf32, #tpu.memory_space<vmem>>) dst(%dma_wait3A_125 : memref<10000x16xf32, #tpu.memory_space<vmem_shared>>)
      } else {
      }
      %add3A_111 = arith.constant 2 : i32
      %add3A_112 = arith.addi %cond3A_52, %add3A_111 : i32
      %dma_start3A_113 = arith.constant 0 : i32
      %dma_start3A_114 = tpu.memref_slice %arg7[%add3A_112, %dma_start3A_113] : memref<10x1000xi32, #tpu.memory_space<vmem>> -> memref<1x1000xi32, #tpu.memory_space<vmem>>
      %dma_start3A_115 = tpu.memref_squeeze %dma_start3A_114 : memref<1x1000xi32, #tpu.memory_space<vmem>> -> memref<1000xi32, #tpu.memory_space<vmem>>
      %dma_start3A_116 = arith.constant 0 : i32
      %dma_start3A_117 = arith.constant 0 : i32
      %dma_start3A_118 = tpu.memref_slice %arg4[%dma_start3A_116, %dma_start3A_117] : memref<10000x16xf32, #tpu.memory_space<hbm>> -> memref<10000x16xf32, #tpu.memory_space<hbm>>
      tpu.enqueue_indirect_dma source(%dma_start3A_118 : memref<10000x16xf32, #tpu.memory_space<hbm>>) target(%arg12 : memref<1000x16xf32, #tpu.memory_space<vmem>>) offsets(%dma_start3A_115 : memref<1000xi32, #tpu.memory_space<vmem>>) semaphore(%arg17 : memref<!tpu.dma_semaphore, #tpu.memory_space<semaphore_mem>>)
    } else {
    }
    %dma_wait3A_55 = arith.constant 9 : i32
    %dma_wait3A_56 = arith.constant 0 : i32
    %dma_wait3A_57 = tpu.memref_slice %arg7[%dma_wait3A_55, %dma_wait3A_56] : memref<10x1000xi32, #tpu.memory_space<vmem>> -> memref<1x1000xi32, #tpu.memory_space<vmem>>
    %dma_wait3A_58 = tpu.memref_squeeze %dma_wait3A_57 : memref<1x1000xi32, #tpu.memory_space<vmem>> -> memref<1000xi32, #tpu.memory_space<vmem>>
    %dma_wait3A_59 = arith.constant 0 : i32
    %dma_wait3A_60 = arith.constant 0 : i32
    %dma_wait3A_61 = tpu.memref_slice %arg4[%dma_wait3A_59, %dma_wait3A_60] : memref<10000x16xf32, #tpu.memory_space<hbm>> -> memref<10000x16xf32, #tpu.memory_space<hbm>>
    tpu.wait_indirect_dma semaphore(%arg15 : memref<!tpu.dma_semaphore, #tpu.memory_space<semaphore_mem>>) src(%dma_wait3A_61 : memref<10000x16xf32, #tpu.memory_space<hbm>>) dst(%arg10 : memref<1000x16xf32, #tpu.memory_space<vmem>>)
    %dma_start3A_62 = arith.constant 9 : i32
    %dma_start3A_63 = arith.constant 0 : i32
    %dma_start3A_64 = tpu.memref_slice %arg8[%dma_start3A_62, %dma_start3A_63] : memref<10x1000xi32, #tpu.memory_space<vmem>> -> memref<1x1000xi32, #tpu.memory_space<vmem>>
    %dma_start3A_65 = tpu.memref_squeeze %dma_start3A_64 : memref<1x1000xi32, #tpu.memory_space<vmem>> -> memref<1000xi32, #tpu.memory_space<vmem>>
    %dma_start3A_66 = arith.constant 0 : i32
    %dma_start3A_67 = arith.constant 0 : i32
    %dma_start3A_68 = tpu.memref_slice %arg13[%dma_start3A_66, %dma_start3A_67] : memref<10000x16xf32, #tpu.memory_space<vmem_shared>> -> memref<10000x16xf32, #tpu.memory_space<vmem_shared>>
    tpu.enqueue_indirect_dma source(%arg10 : memref<1000x16xf32, #tpu.memory_space<vmem>>) target(%dma_start3A_68 : memref<10000x16xf32, #tpu.memory_space<vmem_shared>>) offsets(%dma_start3A_65 : memref<1000xi32, #tpu.memory_space<vmem>>) semaphore(%arg19 : memref<!tpu.dma_semaphore, #tpu.memory_space<semaphore_mem>>) {add = true}
    %dma_wait3A_69 = arith.constant 0 : i32
    %dma_wait3A_70 = arith.constant 0 : i32
    %dma_wait3A_71 = tpu.memref_slice %arg8[%dma_wait3A_69, %dma_wait3A_70] : memref<10x1000xi32, #tpu.memory_space<vmem>> -> memref<1x1000xi32, #tpu.memory_space<vmem>>
    %dma_wait3A_72 = tpu.memref_squeeze %dma_wait3A_71 : memref<1x1000xi32, #tpu.memory_space<vmem>> -> memref<1000xi32, #tpu.memory_space<vmem>>
    %dma_wait3A_73 = arith.constant 0 : i32
    %dma_wait3A_74 = arith.constant 0 : i32
    %dma_wait3A_75 = tpu.memref_slice %arg13[%dma_wait3A_73, %dma_wait3A_74] : memref<10000x16xf32, #tpu.memory_space<vmem_shared>> -> memref<10000x16xf32, #tpu.memory_space<vmem_shared>>
    tpu.wait_indirect_dma semaphore(%arg20 : memref<!tpu.dma_semaphore, #tpu.memory_space<semaphore_mem>>) src(%arg11 : memref<1000x16xf32, #tpu.memory_space<vmem>>) dst(%dma_wait3A_75 : memref<10000x16xf32, #tpu.memory_space<vmem_shared>>)
    %dma_wait3A_76 = arith.constant 0 : i32
    %dma_wait3A_77 = arith.constant 0 : i32
    %dma_wait3A_78 = tpu.memref_slice %arg8[%dma_wait3A_76, %dma_wait3A_77] : memref<10x1000xi32, #tpu.memory_space<vmem>> -> memref<1x1000xi32, #tpu.memory_space<vmem>>
    %dma_wait3A_79 = tpu.memref_squeeze %dma_wait3A_78 : memref<1x1000xi32, #tpu.memory_space<vmem>> -> memref<1000xi32, #tpu.memory_space<vmem>>
    %dma_wait3A_80 = arith.constant 0 : i32
    %dma_wait3A_81 = arith.constant 0 : i32
    %dma_wait3A_82 = tpu.memref_slice %arg13[%dma_wait3A_80, %dma_wait3A_81] : memref<10000x16xf32, #tpu.memory_space<vmem_shared>> -> memref<10000x16xf32, #tpu.memory_space<vmem_shared>>
    tpu.wait_indirect_dma semaphore(%arg21 : memref<!tpu.dma_semaphore, #tpu.memory_space<semaphore_mem>>) src(%arg12 : memref<1000x16xf32, #tpu.memory_space<vmem>>) dst(%dma_wait3A_82 : memref<10000x16xf32, #tpu.memory_space<vmem_shared>>)
    %dma_wait3A_83 = arith.constant 0 : i32
    %dma_wait3A_84 = arith.constant 0 : i32
    %dma_wait3A_85 = tpu.memref_slice %arg8[%dma_wait3A_83, %dma_wait3A_84] : memref<10x1000xi32, #tpu.memory_space<vmem>> -> memref<1x1000xi32, #tpu.memory_space<vmem>>
    %dma_wait3A_86 = tpu.memref_squeeze %dma_wait3A_85 : memref<1x1000xi32, #tpu.memory_space<vmem>> -> memref<1000xi32, #tpu.memory_space<vmem>>
    %dma_wait3A_87 = arith.constant 0 : i32
    %dma_wait3A_88 = arith.constant 0 : i32
    %dma_wait3A_89 = tpu.memref_slice %arg13[%dma_wait3A_87, %dma_wait3A_88] : memref<10000x16xf32, #tpu.memory_space<vmem_shared>> -> memref<10000x16xf32, #tpu.memory_space<vmem_shared>>
    tpu.wait_indirect_dma semaphore(%arg18 : memref<!tpu.dma_semaphore, #tpu.memory_space<semaphore_mem>>) src(%arg9 : memref<1000x16xf32, #tpu.memory_space<vmem>>) dst(%dma_wait3A_89 : memref<10000x16xf32, #tpu.memory_space<vmem_shared>>)
    %dma_wait3A_90 = arith.constant 0 : i32
    %dma_wait3A_91 = arith.constant 0 : i32
    %dma_wait3A_92 = tpu.memref_slice %arg8[%dma_wait3A_90, %dma_wait3A_91] : memref<10x1000xi32, #tpu.memory_space<vmem>> -> memref<1x1000xi32, #tpu.memory_space<vmem>>
    %dma_wait3A_93 = tpu.memref_squeeze %dma_wait3A_92 : memref<1x1000xi32, #tpu.memory_space<vmem>> -> memref<1000xi32, #tpu.memory_space<vmem>>
    %dma_wait3A_94 = arith.constant 0 : i32
    %dma_wait3A_95 = arith.constant 0 : i32
    %dma_wait3A_96 = tpu.memref_slice %arg13[%dma_wait3A_94, %dma_wait3A_95] : memref<10000x16xf32, #tpu.memory_space<vmem_shared>> -> memref<10000x16xf32, #tpu.memory_space<vmem_shared>>
    tpu.wait_indirect_dma semaphore(%arg19 : memref<!tpu.dma_semaphore, #tpu.memory_space<semaphore_mem>>) src(%arg10 : memref<1000x16xf32, #tpu.memory_space<vmem>>) dst(%dma_wait3A_96 : memref<10000x16xf32, #tpu.memory_space<vmem_shared>>)
    %barrier3A_97 = arith.constant 0 : index
    tpu.barrier barrier_id(%barrier3A_97)
    %mul3A_98 = arith.constant 624 : i32
    %mul3A_99 = arith.muli %arg1, %mul3A_98 : i32
    %mul3A_100 = arith.constant 624 : i32
    %mul3A_101 = arith.muli %arg1, %mul3A_100 : i32
    "tpu.region"() ({
      %run_scoped3A = tpu.sem_alloc : memref<!tpu.dma_semaphore, #tpu.memory_space<semaphore_mem>>
      %dma_start3A_107 = arith.constant 0 : i32
      %dma_start3A_108 = tpu.memref_slice %arg6[%arg0, %mul3A_101, %dma_start3A_107] : memref<2x10000x16xf32, #tpu.memory_space<hbm>> -> memref<1x624x16xf32, #tpu.memory_space<hbm>>
      %dma_start3A_109 = tpu.memref_squeeze %dma_start3A_108 : memref<1x624x16xf32, #tpu.memory_space<hbm>> -> memref<624x16xf32, #tpu.memory_space<hbm>>
      %dma_start3A_110 = arith.constant 0 : i32
      %dma_start3A_111 = tpu.memref_slice %arg13[%mul3A_99, %dma_start3A_110] : memref<10000x16xf32, #tpu.memory_space<vmem_shared>> -> memref<624x16xf32, #tpu.memory_space<vmem_shared>>
      tpu.enqueue_dma source(%dma_start3A_111 : memref<624x16xf32, #tpu.memory_space<vmem_shared>>) target(%dma_start3A_109 : memref<624x16xf32, #tpu.memory_space<hbm>>) target_semaphore(%run_scoped3A : memref<!tpu.dma_semaphore, #tpu.memory_space<semaphore_mem>>)
      %dma_wait3A_112 = arith.constant 0 : i32
      %dma_wait3A_113 = tpu.memref_slice %arg6[%arg0, %mul3A_101, %dma_wait3A_112] : memref<2x10000x16xf32, #tpu.memory_space<hbm>> -> memref<1x624x16xf32, #tpu.memory_space<hbm>>
      %dma_wait3A_114 = tpu.memref_squeeze %dma_wait3A_113 : memref<1x624x16xf32, #tpu.memory_space<hbm>> -> memref<624x16xf32, #tpu.memory_space<hbm>>
      %dma_wait3A_115 = arith.constant 0 : i32
      %dma_wait3A_116 = tpu.memref_slice %arg13[%mul3A_99, %dma_wait3A_115] : memref<10000x16xf32, #tpu.memory_space<vmem_shared>> -> memref<624x16xf32, #tpu.memory_space<vmem_shared>>
      tpu.wait_dma2 semaphore(%run_scoped3A : memref<!tpu.dma_semaphore, #tpu.memory_space<semaphore_mem>>) src(%dma_wait3A_116 : memref<624x16xf32, #tpu.memory_space<vmem_shared>>) dst(%dma_wait3A_114 : memref<624x16xf32, #tpu.memory_space<hbm>>)
      tpu.yield
    }) : () -> ()
    %eq3A_102 = arith.constant 0 : i32
    %eq3A_103 = arith.cmpi eq, %arg1, %eq3A_102 : i32
    %convert_element_type3A_104 = arith.extui %eq3A_103 : i1 to i32
    %cond3A_105 = arith.constant 0 : i32
    %cond3A_106 = arith.cmpi ne, %convert_element_type3A_104, %cond3A_105 : i32
    scf.if %cond3A_106 {
      "tpu.region"() ({
        %run_scoped3A = tpu.sem_alloc : memref<!tpu.dma_semaphore, #tpu.memory_space<semaphore_mem>>
        %dma_start3A_107 = arith.constant 9984 : i32
        %dma_start3A_108 = arith.constant 0 : i32
        %dma_start3A_109 = tpu.memref_slice %arg6[%arg0, %dma_start3A_107, %dma_start3A_108] : memref<2x10000x16xf32, #tpu.memory_space<hbm>> -> memref<1x16x16xf32, #tpu.memory_space<hbm>>
        %dma_start3A_110 = tpu.memref_squeeze %dma_start3A_109 : memref<1x16x16xf32, #tpu.memory_space<hbm>> -> memref<16x16xf32, #tpu.memory_space<hbm>>
        %dma_start3A_111 = arith.constant 9984 : i32
        %dma_start3A_112 = arith.constant 0 : i32
        %dma_start3A_113 = tpu.memref_slice %arg13[%dma_start3A_111, %dma_start3A_112] : memref<10000x16xf32, #tpu.memory_space<vmem_shared>> -> memref<16x16xf32, #tpu.memory_space<vmem_shared>>
        tpu.enqueue_dma source(%dma_start3A_113 : memref<16x16xf32, #tpu.memory_space<vmem_shared>>) target(%dma_start3A_110 : memref<16x16xf32, #tpu.memory_space<hbm>>) target_semaphore(%run_scoped3A : memref<!tpu.dma_semaphore, #tpu.memory_space<semaphore_mem>>)
        %dma_wait3A_114 = arith.constant 9984 : i32
        %dma_wait3A_115 = arith.constant 0 : i32
        %dma_wait3A_116 = tpu.memref_slice %arg6[%arg0, %dma_wait3A_114, %dma_wait3A_115] : memref<2x10000x16xf32, #tpu.memory_space<hbm>> -> memref<1x16x16xf32, #tpu.memory_space<hbm>>
        %dma_wait3A_117 = tpu.memref_squeeze %dma_wait3A_116 : memref<1x16x16xf32, #tpu.memory_space<hbm>> -> memref<16x16xf32, #tpu.memory_space<hbm>>
        %dma_wait3A_118 = arith.constant 9984 : i32
        %dma_wait3A_119 = arith.constant 0 : i32
        %dma_wait3A_120 = tpu.memref_slice %arg13[%dma_wait3A_118, %dma_wait3A_119] : memref<10000x16xf32, #tpu.memory_space<vmem_shared>> -> memref<16x16xf32, #tpu.memory_space<vmem_shared>>
        tpu.wait_dma2 semaphore(%run_scoped3A : memref<!tpu.dma_semaphore, #tpu.memory_space<semaphore_mem>>) src(%dma_wait3A_120 : memref<16x16xf32, #tpu.memory_space<vmem_shared>>) dst(%dma_wait3A_117 : memref<16x16xf32, #tpu.memory_space<hbm>>)
        tpu.yield
      }) : () -> ()
    } else {
    }
    return
  }
}

#map = affine_map<(d0, d1) -> (0, 0, 0)>
#map1 = affine_map<(d0, d1) -> (0, 0)>
module attributes {stable_mosaic.version = 14 : i64} {
  func.func @body(%arg0: i32, %arg1: i32, %arg2: memref<32x50x200xi32, #tpu.memory_space<hbm>>, %arg3: memref<32x50x200xi32, #tpu.memory_space<hbm>>, %arg4: memref<10000x64xf32, #tpu.memory_space<hbm>>, %arg5: memref<10000x64xf32, #tpu.memory_space<hbm>>, %arg6: memref<2x10000x64xf32, #tpu.memory_space<hbm>>, %arg7: memref<50x200xi32, #tpu.memory_space<vmem>>, %arg8: memref<50x200xi32, #tpu.memory_space<vmem>>, %arg9: memref<200x64xf32, #tpu.memory_space<vmem>>, %arg10: memref<200x64xf32, #tpu.memory_space<vmem>>, %arg11: memref<200x64xf32, #tpu.memory_space<vmem>>, %arg12: memref<200x64xf32, #tpu.memory_space<vmem>>, %arg13: memref<10000x64xf32, #tpu.memory_space<vmem_shared>>, %arg14: memref<!tpu.dma_semaphore, #tpu.memory_space<semaphore_mem>>, %arg15: memref<!tpu.dma_semaphore, #tpu.memory_space<semaphore_mem>>, %arg16: memref<!tpu.dma_semaphore, #tpu.memory_space<semaphore_mem>>, %arg17: memref<!tpu.dma_semaphore, #tpu.memory_space<semaphore_mem>>, %arg18: memref<!tpu.dma_semaphore, #tpu.memory_space<semaphore_mem>>, %arg19: memref<!tpu.dma_semaphore, #tpu.memory_space<semaphore_mem>>, %arg20: memref<!tpu.dma_semaphore, #tpu.memory_space<semaphore_mem>>, %arg21: memref<!tpu.dma_semaphore, #tpu.memory_space<semaphore_mem>>) attributes {dimension_semantics = [#tpu.dimension_semantics<core_parallel>, #tpu.dimension_semantics<subcore_parallel>], iteration_bounds = array<i64: 2, 16>, scalar_prefetch = 0 : i64, scratch_operands = 15 : i64, tpu.core_type = #tpu.core_type<sc_vector_subcore>, window_params = [{transform_indices = #map}, {transform_indices = #map}, {transform_indices = #map1}, {transform_indices = #map1}, {transform_indices = #map}]} {
    %mul3A = arith.constant 624 : i32
    %mul3A_0 = arith.muli %arg1, %mul3A : i32
    %mul3A_1 = arith.constant 624 : i32
    %mul3A_2 = arith.muli %arg1, %mul3A_1 : i32
    "tpu.region"() ({
      %run_scoped3A = tpu.sem_alloc : memref<!tpu.dma_semaphore, #tpu.memory_space<semaphore_mem>>
      %dma_start3A_107 = arith.constant 0 : i32
      %dma_start3A_108 = tpu.memref_slice %arg13[%mul3A_2, %dma_start3A_107] : memref<10000x64xf32, #tpu.memory_space<vmem_shared>> -> memref<624x64xf32, #tpu.memory_space<vmem_shared>>
      %dma_start3A_109 = arith.constant 0 : i32
      %dma_start3A_110 = tpu.memref_slice %arg5[%mul3A_0, %dma_start3A_109] : memref<10000x64xf32, #tpu.memory_space<hbm>> -> memref<624x64xf32, #tpu.memory_space<hbm>>
      tpu.enqueue_dma source(%dma_start3A_110 : memref<624x64xf32, #tpu.memory_space<hbm>>) target(%dma_start3A_108 : memref<624x64xf32, #tpu.memory_space<vmem_shared>>) target_semaphore(%run_scoped3A : memref<!tpu.dma_semaphore, #tpu.memory_space<semaphore_mem>>)
      %dma_wait3A_111 = arith.constant 0 : i32
      %dma_wait3A_112 = tpu.memref_slice %arg13[%mul3A_2, %dma_wait3A_111] : memref<10000x64xf32, #tpu.memory_space<vmem_shared>> -> memref<624x64xf32, #tpu.memory_space<vmem_shared>>
      %dma_wait3A_113 = arith.constant 0 : i32
      %dma_wait3A_114 = tpu.memref_slice %arg5[%mul3A_0, %dma_wait3A_113] : memref<10000x64xf32, #tpu.memory_space<hbm>> -> memref<624x64xf32, #tpu.memory_space<hbm>>
      tpu.wait_dma2 semaphore(%run_scoped3A : memref<!tpu.dma_semaphore, #tpu.memory_space<semaphore_mem>>) src(%dma_wait3A_114 : memref<624x64xf32, #tpu.memory_space<hbm>>) dst(%dma_wait3A_112 : memref<624x64xf32, #tpu.memory_space<vmem_shared>>)
      tpu.yield
    }) : () -> ()
    %eq3A = arith.constant 0 : i32
    %eq3A_3 = arith.cmpi eq, %arg1, %eq3A : i32
    %convert_element_type3A = arith.extui %eq3A_3 : i1 to i32
    %cond3A = arith.constant 0 : i32
    %cond3A_4 = arith.cmpi ne, %convert_element_type3A, %cond3A : i32
    scf.if %cond3A_4 {
      "tpu.region"() ({
        %run_scoped3A = tpu.sem_alloc : memref<!tpu.dma_semaphore, #tpu.memory_space<semaphore_mem>>
        %dma_start3A_107 = arith.constant 9984 : i32
        %dma_start3A_108 = arith.constant 0 : i32
        %dma_start3A_109 = tpu.memref_slice %arg13[%dma_start3A_107, %dma_start3A_108] : memref<10000x64xf32, #tpu.memory_space<vmem_shared>> -> memref<16x64xf32, #tpu.memory_space<vmem_shared>>
        %dma_start3A_110 = arith.constant 9984 : i32
        %dma_start3A_111 = arith.constant 0 : i32
        %dma_start3A_112 = tpu.memref_slice %arg5[%dma_start3A_110, %dma_start3A_111] : memref<10000x64xf32, #tpu.memory_space<hbm>> -> memref<16x64xf32, #tpu.memory_space<hbm>>
        tpu.enqueue_dma source(%dma_start3A_112 : memref<16x64xf32, #tpu.memory_space<hbm>>) target(%dma_start3A_109 : memref<16x64xf32, #tpu.memory_space<vmem_shared>>) target_semaphore(%run_scoped3A : memref<!tpu.dma_semaphore, #tpu.memory_space<semaphore_mem>>)
        %dma_wait3A_113 = arith.constant 9984 : i32
        %dma_wait3A_114 = arith.constant 0 : i32
        %dma_wait3A_115 = tpu.memref_slice %arg13[%dma_wait3A_113, %dma_wait3A_114] : memref<10000x64xf32, #tpu.memory_space<vmem_shared>> -> memref<16x64xf32, #tpu.memory_space<vmem_shared>>
        %dma_wait3A_116 = arith.constant 9984 : i32
        %dma_wait3A_117 = arith.constant 0 : i32
        %dma_wait3A_118 = tpu.memref_slice %arg5[%dma_wait3A_116, %dma_wait3A_117] : memref<10000x64xf32, #tpu.memory_space<hbm>> -> memref<16x64xf32, #tpu.memory_space<hbm>>
        tpu.wait_dma2 semaphore(%run_scoped3A : memref<!tpu.dma_semaphore, #tpu.memory_space<semaphore_mem>>) src(%dma_wait3A_118 : memref<16x64xf32, #tpu.memory_space<hbm>>) dst(%dma_wait3A_115 : memref<16x64xf32, #tpu.memory_space<vmem_shared>>)
        tpu.yield
      }) : () -> ()
    } else {
    }
    %barrier3A = arith.constant 0 : index
    tpu.barrier barrier_id(%barrier3A)
    %mul3A_5 = arith.constant 2 : i32
    %mul3A_6 = arith.muli %arg1, %mul3A_5 : i32
    %add3A = arith.addi %mul3A_6, %arg0 : i32
    "tpu.region"() ({
      %run_scoped3A = tpu.sem_alloc : memref<!tpu.dma_semaphore, #tpu.memory_space<semaphore_mem>>
      %dma_start3A_107 = arith.constant 0 : i32
      %dma_start3A_108 = arith.constant 0 : i32
      %dma_start3A_109 = tpu.memref_slice %arg2[%add3A, %dma_start3A_107, %dma_start3A_108] : memref<32x50x200xi32, #tpu.memory_space<hbm>> -> memref<1x50x200xi32, #tpu.memory_space<hbm>>
      %dma_start3A_110 = tpu.memref_squeeze %dma_start3A_109 : memref<1x50x200xi32, #tpu.memory_space<hbm>> -> memref<50x200xi32, #tpu.memory_space<hbm>>
      %dma_start3A_111 = arith.constant 0 : i32
      %dma_start3A_112 = arith.constant 0 : i32
      %dma_start3A_113 = tpu.memref_slice %arg2[%add3A, %dma_start3A_111, %dma_start3A_112] : memref<32x50x200xi32, #tpu.memory_space<hbm>> -> memref<1x50x200xi32, #tpu.memory_space<hbm>>
      %dma_start3A_114 = tpu.memref_squeeze %dma_start3A_113 : memref<1x50x200xi32, #tpu.memory_space<hbm>> -> memref<50x200xi32, #tpu.memory_space<hbm>>
      tpu.enqueue_dma source(%dma_start3A_114 : memref<50x200xi32, #tpu.memory_space<hbm>>) target(%arg7 : memref<50x200xi32, #tpu.memory_space<vmem>>) target_semaphore(%run_scoped3A : memref<!tpu.dma_semaphore, #tpu.memory_space<semaphore_mem>>)
      %dma_wait3A_115 = arith.constant 0 : i32
      %dma_wait3A_116 = arith.constant 0 : i32
      %dma_wait3A_117 = tpu.memref_slice %arg2[%add3A, %dma_wait3A_115, %dma_wait3A_116] : memref<32x50x200xi32, #tpu.memory_space<hbm>> -> memref<1x50x200xi32, #tpu.memory_space<hbm>>
      %dma_wait3A_118 = tpu.memref_squeeze %dma_wait3A_117 : memref<1x50x200xi32, #tpu.memory_space<hbm>> -> memref<50x200xi32, #tpu.memory_space<hbm>>
      %dma_wait3A_119 = arith.constant 0 : i32
      %dma_wait3A_120 = arith.constant 0 : i32
      %dma_wait3A_121 = tpu.memref_slice %arg2[%add3A, %dma_wait3A_119, %dma_wait3A_120] : memref<32x50x200xi32, #tpu.memory_space<hbm>> -> memref<1x50x200xi32, #tpu.memory_space<hbm>>
      %dma_wait3A_122 = tpu.memref_squeeze %dma_wait3A_121 : memref<1x50x200xi32, #tpu.memory_space<hbm>> -> memref<50x200xi32, #tpu.memory_space<hbm>>
      tpu.wait_dma2 semaphore(%run_scoped3A : memref<!tpu.dma_semaphore, #tpu.memory_space<semaphore_mem>>) src(%dma_wait3A_122 : memref<50x200xi32, #tpu.memory_space<hbm>>) dst(%arg7 : memref<50x200xi32, #tpu.memory_space<vmem>>)
      tpu.yield
    }) : () -> ()
    "tpu.region"() ({
      %run_scoped3A = tpu.sem_alloc : memref<!tpu.dma_semaphore, #tpu.memory_space<semaphore_mem>>
      %dma_start3A_107 = arith.constant 0 : i32
      %dma_start3A_108 = arith.constant 0 : i32
      %dma_start3A_109 = tpu.memref_slice %arg3[%add3A, %dma_start3A_107, %dma_start3A_108] : memref<32x50x200xi32, #tpu.memory_space<hbm>> -> memref<1x50x200xi32, #tpu.memory_space<hbm>>
      %dma_start3A_110 = tpu.memref_squeeze %dma_start3A_109 : memref<1x50x200xi32, #tpu.memory_space<hbm>> -> memref<50x200xi32, #tpu.memory_space<hbm>>
      %dma_start3A_111 = arith.constant 0 : i32
      %dma_start3A_112 = arith.constant 0 : i32
      %dma_start3A_113 = tpu.memref_slice %arg3[%add3A, %dma_start3A_111, %dma_start3A_112] : memref<32x50x200xi32, #tpu.memory_space<hbm>> -> memref<1x50x200xi32, #tpu.memory_space<hbm>>
      %dma_start3A_114 = tpu.memref_squeeze %dma_start3A_113 : memref<1x50x200xi32, #tpu.memory_space<hbm>> -> memref<50x200xi32, #tpu.memory_space<hbm>>
      tpu.enqueue_dma source(%dma_start3A_114 : memref<50x200xi32, #tpu.memory_space<hbm>>) target(%arg8 : memref<50x200xi32, #tpu.memory_space<vmem>>) target_semaphore(%run_scoped3A : memref<!tpu.dma_semaphore, #tpu.memory_space<semaphore_mem>>)
      %dma_wait3A_115 = arith.constant 0 : i32
      %dma_wait3A_116 = arith.constant 0 : i32
      %dma_wait3A_117 = tpu.memref_slice %arg3[%add3A, %dma_wait3A_115, %dma_wait3A_116] : memref<32x50x200xi32, #tpu.memory_space<hbm>> -> memref<1x50x200xi32, #tpu.memory_space<hbm>>
      %dma_wait3A_118 = tpu.memref_squeeze %dma_wait3A_117 : memref<1x50x200xi32, #tpu.memory_space<hbm>> -> memref<50x200xi32, #tpu.memory_space<hbm>>
      %dma_wait3A_119 = arith.constant 0 : i32
      %dma_wait3A_120 = arith.constant 0 : i32
      %dma_wait3A_121 = tpu.memref_slice %arg3[%add3A, %dma_wait3A_119, %dma_wait3A_120] : memref<32x50x200xi32, #tpu.memory_space<hbm>> -> memref<1x50x200xi32, #tpu.memory_space<hbm>>
      %dma_wait3A_122 = tpu.memref_squeeze %dma_wait3A_121 : memref<1x50x200xi32, #tpu.memory_space<hbm>> -> memref<50x200xi32, #tpu.memory_space<hbm>>
      tpu.wait_dma2 semaphore(%run_scoped3A : memref<!tpu.dma_semaphore, #tpu.memory_space<semaphore_mem>>) src(%dma_wait3A_122 : memref<50x200xi32, #tpu.memory_space<hbm>>) dst(%arg8 : memref<50x200xi32, #tpu.memory_space<vmem>>)
      tpu.yield
    }) : () -> ()
    %dma_start3A = arith.constant 0 : i32
    %dma_start3A_7 = arith.constant 0 : i32
    %dma_start3A_8 = tpu.memref_slice %arg7[%dma_start3A, %dma_start3A_7] : memref<50x200xi32, #tpu.memory_space<vmem>> -> memref<1x200xi32, #tpu.memory_space<vmem>>
    %dma_start3A_9 = tpu.memref_squeeze %dma_start3A_8 : memref<1x200xi32, #tpu.memory_space<vmem>> -> memref<200xi32, #tpu.memory_space<vmem>>
    %dma_start3A_10 = arith.constant 0 : i32
    %dma_start3A_11 = arith.constant 0 : i32
    %dma_start3A_12 = tpu.memref_slice %arg4[%dma_start3A_10, %dma_start3A_11] : memref<10000x64xf32, #tpu.memory_space<hbm>> -> memref<10000x64xf32, #tpu.memory_space<hbm>>
    tpu.enqueue_indirect_dma source(%dma_start3A_12 : memref<10000x64xf32, #tpu.memory_space<hbm>>) target(%arg9 : memref<200x64xf32, #tpu.memory_space<vmem>>) offsets(%dma_start3A_9 : memref<200xi32, #tpu.memory_space<vmem>>) semaphore(%arg14 : memref<!tpu.dma_semaphore, #tpu.memory_space<semaphore_mem>>)
    %dma_start3A_13 = arith.constant 1 : i32
    %dma_start3A_14 = arith.constant 0 : i32
    %dma_start3A_15 = tpu.memref_slice %arg7[%dma_start3A_13, %dma_start3A_14] : memref<50x200xi32, #tpu.memory_space<vmem>> -> memref<1x200xi32, #tpu.memory_space<vmem>>
    %dma_start3A_16 = tpu.memref_squeeze %dma_start3A_15 : memref<1x200xi32, #tpu.memory_space<vmem>> -> memref<200xi32, #tpu.memory_space<vmem>>
    %dma_start3A_17 = arith.constant 0 : i32
    %dma_start3A_18 = arith.constant 0 : i32
    %dma_start3A_19 = tpu.memref_slice %arg4[%dma_start3A_17, %dma_start3A_18] : memref<10000x64xf32, #tpu.memory_space<hbm>> -> memref<10000x64xf32, #tpu.memory_space<hbm>>
    tpu.enqueue_indirect_dma source(%dma_start3A_19 : memref<10000x64xf32, #tpu.memory_space<hbm>>) target(%arg10 : memref<200x64xf32, #tpu.memory_space<vmem>>) offsets(%dma_start3A_16 : memref<200xi32, #tpu.memory_space<vmem>>) semaphore(%arg15 : memref<!tpu.dma_semaphore, #tpu.memory_space<semaphore_mem>>)
    %scan3A = arith.constant 0 : i32
    %scan3A_20 = arith.constant 0 : i32
    %scan3A_21 = arith.constant 12 : i32
    %scan3A_22 = arith.addi %scan3A_20, %scan3A_21 : i32
    %scan3A_23 = arith.constant 1 : i32
    scf.for %scan3A_107 = %scan3A_20 to %scan3A_22 step %scan3A_23  : i32 {
      %mul3A_108 = arith.constant 4 : i32
      %mul3A_109 = arith.muli %mul3A_108, %scan3A_107 : i32
      %add3A_110 = arith.constant 0 : i32
      %add3A_111 = arith.addi %mul3A_109, %add3A_110 : i32
      %add3A_112 = arith.constant 2 : i32
      %add3A_113 = arith.addi %add3A_111, %add3A_112 : i32
      %lt3A_114 = arith.constant 50 : i32
      %lt3A_115 = arith.cmpi slt, %add3A_113, %lt3A_114 : i32
      %convert_element_type3A_116 = arith.extui %lt3A_115 : i1 to i32
      %cond3A_117 = arith.constant 0 : i32
      %cond3A_118 = arith.cmpi ne, %convert_element_type3A_116, %cond3A_117 : i32
      scf.if %cond3A_118 {
        %ge3A = arith.constant 2 : i32
        %ge3A_194 = arith.cmpi sge, %add3A_111, %ge3A : i32
        %convert_element_type3A_195 = arith.extui %ge3A_194 : i1 to i32
        %cond3A_196 = arith.constant 0 : i32
        %cond3A_197 = arith.cmpi ne, %convert_element_type3A_195, %cond3A_196 : i32
        scf.if %cond3A_197 {
          %dma_wait3A_206 = arith.constant 0 : i32
          %dma_wait3A_207 = arith.constant 0 : i32
          %dma_wait3A_208 = tpu.memref_slice %arg8[%dma_wait3A_206, %dma_wait3A_207] : memref<50x200xi32, #tpu.memory_space<vmem>> -> memref<1x200xi32, #tpu.memory_space<vmem>>
          %dma_wait3A_209 = tpu.memref_squeeze %dma_wait3A_208 : memref<1x200xi32, #tpu.memory_space<vmem>> -> memref<200xi32, #tpu.memory_space<vmem>>
          %dma_wait3A_210 = arith.constant 0 : i32
          %dma_wait3A_211 = arith.constant 0 : i32
          %dma_wait3A_212 = tpu.memref_slice %arg13[%dma_wait3A_210, %dma_wait3A_211] : memref<10000x64xf32, #tpu.memory_space<vmem_shared>> -> memref<10000x64xf32, #tpu.memory_space<vmem_shared>>
          tpu.wait_indirect_dma semaphore(%arg20 : memref<!tpu.dma_semaphore, #tpu.memory_space<semaphore_mem>>) src(%arg11 : memref<200x64xf32, #tpu.memory_space<vmem>>) dst(%dma_wait3A_212 : memref<10000x64xf32, #tpu.memory_space<vmem_shared>>)
        } else {
        }
        %add3A_198 = arith.constant 2 : i32
        %add3A_199 = arith.addi %add3A_111, %add3A_198 : i32
        %dma_start3A_200 = arith.constant 0 : i32
        %dma_start3A_201 = tpu.memref_slice %arg7[%add3A_199, %dma_start3A_200] : memref<50x200xi32, #tpu.memory_space<vmem>> -> memref<1x200xi32, #tpu.memory_space<vmem>>
        %dma_start3A_202 = tpu.memref_squeeze %dma_start3A_201 : memref<1x200xi32, #tpu.memory_space<vmem>> -> memref<200xi32, #tpu.memory_space<vmem>>
        %dma_start3A_203 = arith.constant 0 : i32
        %dma_start3A_204 = arith.constant 0 : i32
        %dma_start3A_205 = tpu.memref_slice %arg4[%dma_start3A_203, %dma_start3A_204] : memref<10000x64xf32, #tpu.memory_space<hbm>> -> memref<10000x64xf32, #tpu.memory_space<hbm>>
        tpu.enqueue_indirect_dma source(%dma_start3A_205 : memref<10000x64xf32, #tpu.memory_space<hbm>>) target(%arg11 : memref<200x64xf32, #tpu.memory_space<vmem>>) offsets(%dma_start3A_202 : memref<200xi32, #tpu.memory_space<vmem>>) semaphore(%arg16 : memref<!tpu.dma_semaphore, #tpu.memory_space<semaphore_mem>>)
      } else {
      }
      %dma_wait3A_119 = arith.constant 0 : i32
      %dma_wait3A_120 = tpu.memref_slice %arg7[%add3A_111, %dma_wait3A_119] : memref<50x200xi32, #tpu.memory_space<vmem>> -> memref<1x200xi32, #tpu.memory_space<vmem>>
      %dma_wait3A_121 = tpu.memref_squeeze %dma_wait3A_120 : memref<1x200xi32, #tpu.memory_space<vmem>> -> memref<200xi32, #tpu.memory_space<vmem>>
      %dma_wait3A_122 = arith.constant 0 : i32
      %dma_wait3A_123 = arith.constant 0 : i32
      %dma_wait3A_124 = tpu.memref_slice %arg4[%dma_wait3A_122, %dma_wait3A_123] : memref<10000x64xf32, #tpu.memory_space<hbm>> -> memref<10000x64xf32, #tpu.memory_space<hbm>>
      tpu.wait_indirect_dma semaphore(%arg14 : memref<!tpu.dma_semaphore, #tpu.memory_space<semaphore_mem>>) src(%dma_wait3A_124 : memref<10000x64xf32, #tpu.memory_space<hbm>>) dst(%arg9 : memref<200x64xf32, #tpu.memory_space<vmem>>)
      %dma_start3A_125 = arith.constant 0 : i32
      %dma_start3A_126 = tpu.memref_slice %arg8[%add3A_111, %dma_start3A_125] : memref<50x200xi32, #tpu.memory_space<vmem>> -> memref<1x200xi32, #tpu.memory_space<vmem>>
      %dma_start3A_127 = tpu.memref_squeeze %dma_start3A_126 : memref<1x200xi32, #tpu.memory_space<vmem>> -> memref<200xi32, #tpu.memory_space<vmem>>
      %dma_start3A_128 = arith.constant 0 : i32
      %dma_start3A_129 = arith.constant 0 : i32
      %dma_start3A_130 = tpu.memref_slice %arg13[%dma_start3A_128, %dma_start3A_129] : memref<10000x64xf32, #tpu.memory_space<vmem_shared>> -> memref<10000x64xf32, #tpu.memory_space<vmem_shared>>
      tpu.enqueue_indirect_dma source(%arg9 : memref<200x64xf32, #tpu.memory_space<vmem>>) target(%dma_start3A_130 : memref<10000x64xf32, #tpu.memory_space<vmem_shared>>) offsets(%dma_start3A_127 : memref<200xi32, #tpu.memory_space<vmem>>) semaphore(%arg18 : memref<!tpu.dma_semaphore, #tpu.memory_space<semaphore_mem>>) {add = true}
      %add3A_131 = arith.constant 1 : i32
      %add3A_132 = arith.addi %mul3A_109, %add3A_131 : i32
      %add3A_133 = arith.constant 2 : i32
      %add3A_134 = arith.addi %add3A_132, %add3A_133 : i32
      %lt3A_135 = arith.constant 50 : i32
      %lt3A_136 = arith.cmpi slt, %add3A_134, %lt3A_135 : i32
      %convert_element_type3A_137 = arith.extui %lt3A_136 : i1 to i32
      %cond3A_138 = arith.constant 0 : i32
      %cond3A_139 = arith.cmpi ne, %convert_element_type3A_137, %cond3A_138 : i32
      scf.if %cond3A_139 {
        %ge3A = arith.constant 2 : i32
        %ge3A_194 = arith.cmpi sge, %add3A_132, %ge3A : i32
        %convert_element_type3A_195 = arith.extui %ge3A_194 : i1 to i32
        %cond3A_196 = arith.constant 0 : i32
        %cond3A_197 = arith.cmpi ne, %convert_element_type3A_195, %cond3A_196 : i32
        scf.if %cond3A_197 {
          %dma_wait3A_206 = arith.constant 0 : i32
          %dma_wait3A_207 = arith.constant 0 : i32
          %dma_wait3A_208 = tpu.memref_slice %arg8[%dma_wait3A_206, %dma_wait3A_207] : memref<50x200xi32, #tpu.memory_space<vmem>> -> memref<1x200xi32, #tpu.memory_space<vmem>>
          %dma_wait3A_209 = tpu.memref_squeeze %dma_wait3A_208 : memref<1x200xi32, #tpu.memory_space<vmem>> -> memref<200xi32, #tpu.memory_space<vmem>>
          %dma_wait3A_210 = arith.constant 0 : i32
          %dma_wait3A_211 = arith.constant 0 : i32
          %dma_wait3A_212 = tpu.memref_slice %arg13[%dma_wait3A_210, %dma_wait3A_211] : memref<10000x64xf32, #tpu.memory_space<vmem_shared>> -> memref<10000x64xf32, #tpu.memory_space<vmem_shared>>
          tpu.wait_indirect_dma semaphore(%arg21 : memref<!tpu.dma_semaphore, #tpu.memory_space<semaphore_mem>>) src(%arg12 : memref<200x64xf32, #tpu.memory_space<vmem>>) dst(%dma_wait3A_212 : memref<10000x64xf32, #tpu.memory_space<vmem_shared>>)
        } else {
        }
        %add3A_198 = arith.constant 2 : i32
        %add3A_199 = arith.addi %add3A_132, %add3A_198 : i32
        %dma_start3A_200 = arith.constant 0 : i32
        %dma_start3A_201 = tpu.memref_slice %arg7[%add3A_199, %dma_start3A_200] : memref<50x200xi32, #tpu.memory_space<vmem>> -> memref<1x200xi32, #tpu.memory_space<vmem>>
        %dma_start3A_202 = tpu.memref_squeeze %dma_start3A_201 : memref<1x200xi32, #tpu.memory_space<vmem>> -> memref<200xi32, #tpu.memory_space<vmem>>
        %dma_start3A_203 = arith.constant 0 : i32
        %dma_start3A_204 = arith.constant 0 : i32
        %dma_start3A_205 = tpu.memref_slice %arg4[%dma_start3A_203, %dma_start3A_204] : memref<10000x64xf32, #tpu.memory_space<hbm>> -> memref<10000x64xf32, #tpu.memory_space<hbm>>
        tpu.enqueue_indirect_dma source(%dma_start3A_205 : memref<10000x64xf32, #tpu.memory_space<hbm>>) target(%arg12 : memref<200x64xf32, #tpu.memory_space<vmem>>) offsets(%dma_start3A_202 : memref<200xi32, #tpu.memory_space<vmem>>) semaphore(%arg17 : memref<!tpu.dma_semaphore, #tpu.memory_space<semaphore_mem>>)
      } else {
      }
      %dma_wait3A_140 = arith.constant 0 : i32
      %dma_wait3A_141 = tpu.memref_slice %arg7[%add3A_132, %dma_wait3A_140] : memref<50x200xi32, #tpu.memory_space<vmem>> -> memref<1x200xi32, #tpu.memory_space<vmem>>
      %dma_wait3A_142 = tpu.memref_squeeze %dma_wait3A_141 : memref<1x200xi32, #tpu.memory_space<vmem>> -> memref<200xi32, #tpu.memory_space<vmem>>
      %dma_wait3A_143 = arith.constant 0 : i32
      %dma_wait3A_144 = arith.constant 0 : i32
      %dma_wait3A_145 = tpu.memref_slice %arg4[%dma_wait3A_143, %dma_wait3A_144] : memref<10000x64xf32, #tpu.memory_space<hbm>> -> memref<10000x64xf32, #tpu.memory_space<hbm>>
      tpu.wait_indirect_dma semaphore(%arg15 : memref<!tpu.dma_semaphore, #tpu.memory_space<semaphore_mem>>) src(%dma_wait3A_145 : memref<10000x64xf32, #tpu.memory_space<hbm>>) dst(%arg10 : memref<200x64xf32, #tpu.memory_space<vmem>>)
      %dma_start3A_146 = arith.constant 0 : i32
      %dma_start3A_147 = tpu.memref_slice %arg8[%add3A_132, %dma_start3A_146] : memref<50x200xi32, #tpu.memory_space<vmem>> -> memref<1x200xi32, #tpu.memory_space<vmem>>
      %dma_start3A_148 = tpu.memref_squeeze %dma_start3A_147 : memref<1x200xi32, #tpu.memory_space<vmem>> -> memref<200xi32, #tpu.memory_space<vmem>>
      %dma_start3A_149 = arith.constant 0 : i32
      %dma_start3A_150 = arith.constant 0 : i32
      %dma_start3A_151 = tpu.memref_slice %arg13[%dma_start3A_149, %dma_start3A_150] : memref<10000x64xf32, #tpu.memory_space<vmem_shared>> -> memref<10000x64xf32, #tpu.memory_space<vmem_shared>>
      tpu.enqueue_indirect_dma source(%arg10 : memref<200x64xf32, #tpu.memory_space<vmem>>) target(%dma_start3A_151 : memref<10000x64xf32, #tpu.memory_space<vmem_shared>>) offsets(%dma_start3A_148 : memref<200xi32, #tpu.memory_space<vmem>>) semaphore(%arg19 : memref<!tpu.dma_semaphore, #tpu.memory_space<semaphore_mem>>) {add = true}
      %add3A_152 = arith.constant 2 : i32
      %add3A_153 = arith.addi %mul3A_109, %add3A_152 : i32
      %add3A_154 = arith.constant 2 : i32
      %add3A_155 = arith.addi %add3A_153, %add3A_154 : i32
      %lt3A_156 = arith.constant 50 : i32
      %lt3A_157 = arith.cmpi slt, %add3A_155, %lt3A_156 : i32
      %convert_element_type3A_158 = arith.extui %lt3A_157 : i1 to i32
      %cond3A_159 = arith.constant 0 : i32
      %cond3A_160 = arith.cmpi ne, %convert_element_type3A_158, %cond3A_159 : i32
      scf.if %cond3A_160 {
        %ge3A = arith.constant 2 : i32
        %ge3A_194 = arith.cmpi sge, %add3A_153, %ge3A : i32
        %convert_element_type3A_195 = arith.extui %ge3A_194 : i1 to i32
        %cond3A_196 = arith.constant 0 : i32
        %cond3A_197 = arith.cmpi ne, %convert_element_type3A_195, %cond3A_196 : i32
        scf.if %cond3A_197 {
          %dma_wait3A_206 = arith.constant 0 : i32
          %dma_wait3A_207 = arith.constant 0 : i32
          %dma_wait3A_208 = tpu.memref_slice %arg8[%dma_wait3A_206, %dma_wait3A_207] : memref<50x200xi32, #tpu.memory_space<vmem>> -> memref<1x200xi32, #tpu.memory_space<vmem>>
          %dma_wait3A_209 = tpu.memref_squeeze %dma_wait3A_208 : memref<1x200xi32, #tpu.memory_space<vmem>> -> memref<200xi32, #tpu.memory_space<vmem>>
          %dma_wait3A_210 = arith.constant 0 : i32
          %dma_wait3A_211 = arith.constant 0 : i32
          %dma_wait3A_212 = tpu.memref_slice %arg13[%dma_wait3A_210, %dma_wait3A_211] : memref<10000x64xf32, #tpu.memory_space<vmem_shared>> -> memref<10000x64xf32, #tpu.memory_space<vmem_shared>>
          tpu.wait_indirect_dma semaphore(%arg18 : memref<!tpu.dma_semaphore, #tpu.memory_space<semaphore_mem>>) src(%arg9 : memref<200x64xf32, #tpu.memory_space<vmem>>) dst(%dma_wait3A_212 : memref<10000x64xf32, #tpu.memory_space<vmem_shared>>)
        } else {
        }
        %add3A_198 = arith.constant 2 : i32
        %add3A_199 = arith.addi %add3A_153, %add3A_198 : i32
        %dma_start3A_200 = arith.constant 0 : i32
        %dma_start3A_201 = tpu.memref_slice %arg7[%add3A_199, %dma_start3A_200] : memref<50x200xi32, #tpu.memory_space<vmem>> -> memref<1x200xi32, #tpu.memory_space<vmem>>
        %dma_start3A_202 = tpu.memref_squeeze %dma_start3A_201 : memref<1x200xi32, #tpu.memory_space<vmem>> -> memref<200xi32, #tpu.memory_space<vmem>>
        %dma_start3A_203 = arith.constant 0 : i32
        %dma_start3A_204 = arith.constant 0 : i32
        %dma_start3A_205 = tpu.memref_slice %arg4[%dma_start3A_203, %dma_start3A_204] : memref<10000x64xf32, #tpu.memory_space<hbm>> -> memref<10000x64xf32, #tpu.memory_space<hbm>>
        tpu.enqueue_indirect_dma source(%dma_start3A_205 : memref<10000x64xf32, #tpu.memory_space<hbm>>) target(%arg9 : memref<200x64xf32, #tpu.memory_space<vmem>>) offsets(%dma_start3A_202 : memref<200xi32, #tpu.memory_space<vmem>>) semaphore(%arg14 : memref<!tpu.dma_semaphore, #tpu.memory_space<semaphore_mem>>)
      } else {
      }
      %dma_wait3A_161 = arith.constant 0 : i32
      %dma_wait3A_162 = tpu.memref_slice %arg7[%add3A_153, %dma_wait3A_161] : memref<50x200xi32, #tpu.memory_space<vmem>> -> memref<1x200xi32, #tpu.memory_space<vmem>>
      %dma_wait3A_163 = tpu.memref_squeeze %dma_wait3A_162 : memref<1x200xi32, #tpu.memory_space<vmem>> -> memref<200xi32, #tpu.memory_space<vmem>>
      %dma_wait3A_164 = arith.constant 0 : i32
      %dma_wait3A_165 = arith.constant 0 : i32
      %dma_wait3A_166 = tpu.memref_slice %arg4[%dma_wait3A_164, %dma_wait3A_165] : memref<10000x64xf32, #tpu.memory_space<hbm>> -> memref<10000x64xf32, #tpu.memory_space<hbm>>
      tpu.wait_indirect_dma semaphore(%arg16 : memref<!tpu.dma_semaphore, #tpu.memory_space<semaphore_mem>>) src(%dma_wait3A_166 : memref<10000x64xf32, #tpu.memory_space<hbm>>) dst(%arg11 : memref<200x64xf32, #tpu.memory_space<vmem>>)
      %dma_start3A_167 = arith.constant 0 : i32
      %dma_start3A_168 = tpu.memref_slice %arg8[%add3A_153, %dma_start3A_167] : memref<50x200xi32, #tpu.memory_space<vmem>> -> memref<1x200xi32, #tpu.memory_space<vmem>>
      %dma_start3A_169 = tpu.memref_squeeze %dma_start3A_168 : memref<1x200xi32, #tpu.memory_space<vmem>> -> memref<200xi32, #tpu.memory_space<vmem>>
      %dma_start3A_170 = arith.constant 0 : i32
      %dma_start3A_171 = arith.constant 0 : i32
      %dma_start3A_172 = tpu.memref_slice %arg13[%dma_start3A_170, %dma_start3A_171] : memref<10000x64xf32, #tpu.memory_space<vmem_shared>> -> memref<10000x64xf32, #tpu.memory_space<vmem_shared>>
      tpu.enqueue_indirect_dma source(%arg11 : memref<200x64xf32, #tpu.memory_space<vmem>>) target(%dma_start3A_172 : memref<10000x64xf32, #tpu.memory_space<vmem_shared>>) offsets(%dma_start3A_169 : memref<200xi32, #tpu.memory_space<vmem>>) semaphore(%arg20 : memref<!tpu.dma_semaphore, #tpu.memory_space<semaphore_mem>>) {add = true}
      %add3A_173 = arith.constant 3 : i32
      %add3A_174 = arith.addi %mul3A_109, %add3A_173 : i32
      %add3A_175 = arith.constant 2 : i32
      %add3A_176 = arith.addi %add3A_174, %add3A_175 : i32
      %lt3A_177 = arith.constant 50 : i32
      %lt3A_178 = arith.cmpi slt, %add3A_176, %lt3A_177 : i32
      %convert_element_type3A_179 = arith.extui %lt3A_178 : i1 to i32
      %cond3A_180 = arith.constant 0 : i32
      %cond3A_181 = arith.cmpi ne, %convert_element_type3A_179, %cond3A_180 : i32
      scf.if %cond3A_181 {
        %ge3A = arith.constant 2 : i32
        %ge3A_194 = arith.cmpi sge, %add3A_174, %ge3A : i32
        %convert_element_type3A_195 = arith.extui %ge3A_194 : i1 to i32
        %cond3A_196 = arith.constant 0 : i32
        %cond3A_197 = arith.cmpi ne, %convert_element_type3A_195, %cond3A_196 : i32
        scf.if %cond3A_197 {
          %dma_wait3A_206 = arith.constant 0 : i32
          %dma_wait3A_207 = arith.constant 0 : i32
          %dma_wait3A_208 = tpu.memref_slice %arg8[%dma_wait3A_206, %dma_wait3A_207] : memref<50x200xi32, #tpu.memory_space<vmem>> -> memref<1x200xi32, #tpu.memory_space<vmem>>
          %dma_wait3A_209 = tpu.memref_squeeze %dma_wait3A_208 : memref<1x200xi32, #tpu.memory_space<vmem>> -> memref<200xi32, #tpu.memory_space<vmem>>
          %dma_wait3A_210 = arith.constant 0 : i32
          %dma_wait3A_211 = arith.constant 0 : i32
          %dma_wait3A_212 = tpu.memref_slice %arg13[%dma_wait3A_210, %dma_wait3A_211] : memref<10000x64xf32, #tpu.memory_space<vmem_shared>> -> memref<10000x64xf32, #tpu.memory_space<vmem_shared>>
          tpu.wait_indirect_dma semaphore(%arg19 : memref<!tpu.dma_semaphore, #tpu.memory_space<semaphore_mem>>) src(%arg10 : memref<200x64xf32, #tpu.memory_space<vmem>>) dst(%dma_wait3A_212 : memref<10000x64xf32, #tpu.memory_space<vmem_shared>>)
        } else {
        }
        %add3A_198 = arith.constant 2 : i32
        %add3A_199 = arith.addi %add3A_174, %add3A_198 : i32
        %dma_start3A_200 = arith.constant 0 : i32
        %dma_start3A_201 = tpu.memref_slice %arg7[%add3A_199, %dma_start3A_200] : memref<50x200xi32, #tpu.memory_space<vmem>> -> memref<1x200xi32, #tpu.memory_space<vmem>>
        %dma_start3A_202 = tpu.memref_squeeze %dma_start3A_201 : memref<1x200xi32, #tpu.memory_space<vmem>> -> memref<200xi32, #tpu.memory_space<vmem>>
        %dma_start3A_203 = arith.constant 0 : i32
        %dma_start3A_204 = arith.constant 0 : i32
        %dma_start3A_205 = tpu.memref_slice %arg4[%dma_start3A_203, %dma_start3A_204] : memref<10000x64xf32, #tpu.memory_space<hbm>> -> memref<10000x64xf32, #tpu.memory_space<hbm>>
        tpu.enqueue_indirect_dma source(%dma_start3A_205 : memref<10000x64xf32, #tpu.memory_space<hbm>>) target(%arg10 : memref<200x64xf32, #tpu.memory_space<vmem>>) offsets(%dma_start3A_202 : memref<200xi32, #tpu.memory_space<vmem>>) semaphore(%arg15 : memref<!tpu.dma_semaphore, #tpu.memory_space<semaphore_mem>>)
      } else {
      }
      %dma_wait3A_182 = arith.constant 0 : i32
      %dma_wait3A_183 = tpu.memref_slice %arg7[%add3A_174, %dma_wait3A_182] : memref<50x200xi32, #tpu.memory_space<vmem>> -> memref<1x200xi32, #tpu.memory_space<vmem>>
      %dma_wait3A_184 = tpu.memref_squeeze %dma_wait3A_183 : memref<1x200xi32, #tpu.memory_space<vmem>> -> memref<200xi32, #tpu.memory_space<vmem>>
      %dma_wait3A_185 = arith.constant 0 : i32
      %dma_wait3A_186 = arith.constant 0 : i32
      %dma_wait3A_187 = tpu.memref_slice %arg4[%dma_wait3A_185, %dma_wait3A_186] : memref<10000x64xf32, #tpu.memory_space<hbm>> -> memref<10000x64xf32, #tpu.memory_space<hbm>>
      tpu.wait_indirect_dma semaphore(%arg17 : memref<!tpu.dma_semaphore, #tpu.memory_space<semaphore_mem>>) src(%dma_wait3A_187 : memref<10000x64xf32, #tpu.memory_space<hbm>>) dst(%arg12 : memref<200x64xf32, #tpu.memory_space<vmem>>)
      %dma_start3A_188 = arith.constant 0 : i32
      %dma_start3A_189 = tpu.memref_slice %arg8[%add3A_174, %dma_start3A_188] : memref<50x200xi32, #tpu.memory_space<vmem>> -> memref<1x200xi32, #tpu.memory_space<vmem>>
      %dma_start3A_190 = tpu.memref_squeeze %dma_start3A_189 : memref<1x200xi32, #tpu.memory_space<vmem>> -> memref<200xi32, #tpu.memory_space<vmem>>
      %dma_start3A_191 = arith.constant 0 : i32
      %dma_start3A_192 = arith.constant 0 : i32
      %dma_start3A_193 = tpu.memref_slice %arg13[%dma_start3A_191, %dma_start3A_192] : memref<10000x64xf32, #tpu.memory_space<vmem_shared>> -> memref<10000x64xf32, #tpu.memory_space<vmem_shared>>
      tpu.enqueue_indirect_dma source(%arg12 : memref<200x64xf32, #tpu.memory_space<vmem>>) target(%dma_start3A_193 : memref<10000x64xf32, #tpu.memory_space<vmem_shared>>) offsets(%dma_start3A_190 : memref<200xi32, #tpu.memory_space<vmem>>) semaphore(%arg21 : memref<!tpu.dma_semaphore, #tpu.memory_space<semaphore_mem>>) {add = true}
    }
    %scan3A_24 = arith.constant 12 : i32
    %add3A_25 = arith.constant 48 : i32
    %add3A_26 = arith.constant 2 : i32
    %add3A_27 = arith.addi %add3A_25, %add3A_26 : i32
    %lt3A = arith.constant 50 : i32
    %lt3A_28 = arith.cmpi slt, %add3A_27, %lt3A : i32
    %convert_element_type3A_29 = arith.extui %lt3A_28 : i1 to i32
    %cond3A_30 = arith.constant 48 : i32
    %cond3A_31 = arith.constant 0 : i32
    %cond3A_32 = arith.cmpi ne, %convert_element_type3A_29, %cond3A_31 : i32
    scf.if %cond3A_32 {
      %ge3A = arith.constant 2 : i32
      %ge3A_107 = arith.cmpi sge, %cond3A_30, %ge3A : i32
      %convert_element_type3A_108 = arith.extui %ge3A_107 : i1 to i32
      %cond3A_109 = arith.constant 0 : i32
      %cond3A_110 = arith.cmpi ne, %convert_element_type3A_108, %cond3A_109 : i32
      scf.if %cond3A_110 {
        %dma_wait3A_119 = arith.constant 0 : i32
        %dma_wait3A_120 = arith.constant 0 : i32
        %dma_wait3A_121 = tpu.memref_slice %arg8[%dma_wait3A_119, %dma_wait3A_120] : memref<50x200xi32, #tpu.memory_space<vmem>> -> memref<1x200xi32, #tpu.memory_space<vmem>>
        %dma_wait3A_122 = tpu.memref_squeeze %dma_wait3A_121 : memref<1x200xi32, #tpu.memory_space<vmem>> -> memref<200xi32, #tpu.memory_space<vmem>>
        %dma_wait3A_123 = arith.constant 0 : i32
        %dma_wait3A_124 = arith.constant 0 : i32
        %dma_wait3A_125 = tpu.memref_slice %arg13[%dma_wait3A_123, %dma_wait3A_124] : memref<10000x64xf32, #tpu.memory_space<vmem_shared>> -> memref<10000x64xf32, #tpu.memory_space<vmem_shared>>
        tpu.wait_indirect_dma semaphore(%arg20 : memref<!tpu.dma_semaphore, #tpu.memory_space<semaphore_mem>>) src(%arg11 : memref<200x64xf32, #tpu.memory_space<vmem>>) dst(%dma_wait3A_125 : memref<10000x64xf32, #tpu.memory_space<vmem_shared>>)
      } else {
      }
      %add3A_111 = arith.constant 2 : i32
      %add3A_112 = arith.addi %cond3A_30, %add3A_111 : i32
      %dma_start3A_113 = arith.constant 0 : i32
      %dma_start3A_114 = tpu.memref_slice %arg7[%add3A_112, %dma_start3A_113] : memref<50x200xi32, #tpu.memory_space<vmem>> -> memref<1x200xi32, #tpu.memory_space<vmem>>
      %dma_start3A_115 = tpu.memref_squeeze %dma_start3A_114 : memref<1x200xi32, #tpu.memory_space<vmem>> -> memref<200xi32, #tpu.memory_space<vmem>>
      %dma_start3A_116 = arith.constant 0 : i32
      %dma_start3A_117 = arith.constant 0 : i32
      %dma_start3A_118 = tpu.memref_slice %arg4[%dma_start3A_116, %dma_start3A_117] : memref<10000x64xf32, #tpu.memory_space<hbm>> -> memref<10000x64xf32, #tpu.memory_space<hbm>>
      tpu.enqueue_indirect_dma source(%dma_start3A_118 : memref<10000x64xf32, #tpu.memory_space<hbm>>) target(%arg11 : memref<200x64xf32, #tpu.memory_space<vmem>>) offsets(%dma_start3A_115 : memref<200xi32, #tpu.memory_space<vmem>>) semaphore(%arg16 : memref<!tpu.dma_semaphore, #tpu.memory_space<semaphore_mem>>)
    } else {
    }
    %dma_wait3A = arith.constant 48 : i32
    %dma_wait3A_33 = arith.constant 0 : i32
    %dma_wait3A_34 = tpu.memref_slice %arg7[%dma_wait3A, %dma_wait3A_33] : memref<50x200xi32, #tpu.memory_space<vmem>> -> memref<1x200xi32, #tpu.memory_space<vmem>>
    %dma_wait3A_35 = tpu.memref_squeeze %dma_wait3A_34 : memref<1x200xi32, #tpu.memory_space<vmem>> -> memref<200xi32, #tpu.memory_space<vmem>>
    %dma_wait3A_36 = arith.constant 0 : i32
    %dma_wait3A_37 = arith.constant 0 : i32
    %dma_wait3A_38 = tpu.memref_slice %arg4[%dma_wait3A_36, %dma_wait3A_37] : memref<10000x64xf32, #tpu.memory_space<hbm>> -> memref<10000x64xf32, #tpu.memory_space<hbm>>
    tpu.wait_indirect_dma semaphore(%arg14 : memref<!tpu.dma_semaphore, #tpu.memory_space<semaphore_mem>>) src(%dma_wait3A_38 : memref<10000x64xf32, #tpu.memory_space<hbm>>) dst(%arg9 : memref<200x64xf32, #tpu.memory_space<vmem>>)
    %dma_start3A_39 = arith.constant 48 : i32
    %dma_start3A_40 = arith.constant 0 : i32
    %dma_start3A_41 = tpu.memref_slice %arg8[%dma_start3A_39, %dma_start3A_40] : memref<50x200xi32, #tpu.memory_space<vmem>> -> memref<1x200xi32, #tpu.memory_space<vmem>>
    %dma_start3A_42 = tpu.memref_squeeze %dma_start3A_41 : memref<1x200xi32, #tpu.memory_space<vmem>> -> memref<200xi32, #tpu.memory_space<vmem>>
    %dma_start3A_43 = arith.constant 0 : i32
    %dma_start3A_44 = arith.constant 0 : i32
    %dma_start3A_45 = tpu.memref_slice %arg13[%dma_start3A_43, %dma_start3A_44] : memref<10000x64xf32, #tpu.memory_space<vmem_shared>> -> memref<10000x64xf32, #tpu.memory_space<vmem_shared>>
    tpu.enqueue_indirect_dma source(%arg9 : memref<200x64xf32, #tpu.memory_space<vmem>>) target(%dma_start3A_45 : memref<10000x64xf32, #tpu.memory_space<vmem_shared>>) offsets(%dma_start3A_42 : memref<200xi32, #tpu.memory_space<vmem>>) semaphore(%arg18 : memref<!tpu.dma_semaphore, #tpu.memory_space<semaphore_mem>>) {add = true}
    %add3A_46 = arith.constant 49 : i32
    %add3A_47 = arith.constant 2 : i32
    %add3A_48 = arith.addi %add3A_46, %add3A_47 : i32
    %lt3A_49 = arith.constant 50 : i32
    %lt3A_50 = arith.cmpi slt, %add3A_48, %lt3A_49 : i32
    %convert_element_type3A_51 = arith.extui %lt3A_50 : i1 to i32
    %cond3A_52 = arith.constant 49 : i32
    %cond3A_53 = arith.constant 0 : i32
    %cond3A_54 = arith.cmpi ne, %convert_element_type3A_51, %cond3A_53 : i32
    scf.if %cond3A_54 {
      %ge3A = arith.constant 2 : i32
      %ge3A_107 = arith.cmpi sge, %cond3A_52, %ge3A : i32
      %convert_element_type3A_108 = arith.extui %ge3A_107 : i1 to i32
      %cond3A_109 = arith.constant 0 : i32
      %cond3A_110 = arith.cmpi ne, %convert_element_type3A_108, %cond3A_109 : i32
      scf.if %cond3A_110 {
        %dma_wait3A_119 = arith.constant 0 : i32
        %dma_wait3A_120 = arith.constant 0 : i32
        %dma_wait3A_121 = tpu.memref_slice %arg8[%dma_wait3A_119, %dma_wait3A_120] : memref<50x200xi32, #tpu.memory_space<vmem>> -> memref<1x200xi32, #tpu.memory_space<vmem>>
        %dma_wait3A_122 = tpu.memref_squeeze %dma_wait3A_121 : memref<1x200xi32, #tpu.memory_space<vmem>> -> memref<200xi32, #tpu.memory_space<vmem>>
        %dma_wait3A_123 = arith.constant 0 : i32
        %dma_wait3A_124 = arith.constant 0 : i32
        %dma_wait3A_125 = tpu.memref_slice %arg13[%dma_wait3A_123, %dma_wait3A_124] : memref<10000x64xf32, #tpu.memory_space<vmem_shared>> -> memref<10000x64xf32, #tpu.memory_space<vmem_shared>>
        tpu.wait_indirect_dma semaphore(%arg21 : memref<!tpu.dma_semaphore, #tpu.memory_space<semaphore_mem>>) src(%arg12 : memref<200x64xf32, #tpu.memory_space<vmem>>) dst(%dma_wait3A_125 : memref<10000x64xf32, #tpu.memory_space<vmem_shared>>)
      } else {
      }
      %add3A_111 = arith.constant 2 : i32
      %add3A_112 = arith.addi %cond3A_52, %add3A_111 : i32
      %dma_start3A_113 = arith.constant 0 : i32
      %dma_start3A_114 = tpu.memref_slice %arg7[%add3A_112, %dma_start3A_113] : memref<50x200xi32, #tpu.memory_space<vmem>> -> memref<1x200xi32, #tpu.memory_space<vmem>>
      %dma_start3A_115 = tpu.memref_squeeze %dma_start3A_114 : memref<1x200xi32, #tpu.memory_space<vmem>> -> memref<200xi32, #tpu.memory_space<vmem>>
      %dma_start3A_116 = arith.constant 0 : i32
      %dma_start3A_117 = arith.constant 0 : i32
      %dma_start3A_118 = tpu.memref_slice %arg4[%dma_start3A_116, %dma_start3A_117] : memref<10000x64xf32, #tpu.memory_space<hbm>> -> memref<10000x64xf32, #tpu.memory_space<hbm>>
      tpu.enqueue_indirect_dma source(%dma_start3A_118 : memref<10000x64xf32, #tpu.memory_space<hbm>>) target(%arg12 : memref<200x64xf32, #tpu.memory_space<vmem>>) offsets(%dma_start3A_115 : memref<200xi32, #tpu.memory_space<vmem>>) semaphore(%arg17 : memref<!tpu.dma_semaphore, #tpu.memory_space<semaphore_mem>>)
    } else {
    }
    %dma_wait3A_55 = arith.constant 49 : i32
    %dma_wait3A_56 = arith.constant 0 : i32
    %dma_wait3A_57 = tpu.memref_slice %arg7[%dma_wait3A_55, %dma_wait3A_56] : memref<50x200xi32, #tpu.memory_space<vmem>> -> memref<1x200xi32, #tpu.memory_space<vmem>>
    %dma_wait3A_58 = tpu.memref_squeeze %dma_wait3A_57 : memref<1x200xi32, #tpu.memory_space<vmem>> -> memref<200xi32, #tpu.memory_space<vmem>>
    %dma_wait3A_59 = arith.constant 0 : i32
    %dma_wait3A_60 = arith.constant 0 : i32
    %dma_wait3A_61 = tpu.memref_slice %arg4[%dma_wait3A_59, %dma_wait3A_60] : memref<10000x64xf32, #tpu.memory_space<hbm>> -> memref<10000x64xf32, #tpu.memory_space<hbm>>
    tpu.wait_indirect_dma semaphore(%arg15 : memref<!tpu.dma_semaphore, #tpu.memory_space<semaphore_mem>>) src(%dma_wait3A_61 : memref<10000x64xf32, #tpu.memory_space<hbm>>) dst(%arg10 : memref<200x64xf32, #tpu.memory_space<vmem>>)
    %dma_start3A_62 = arith.constant 49 : i32
    %dma_start3A_63 = arith.constant 0 : i32
    %dma_start3A_64 = tpu.memref_slice %arg8[%dma_start3A_62, %dma_start3A_63] : memref<50x200xi32, #tpu.memory_space<vmem>> -> memref<1x200xi32, #tpu.memory_space<vmem>>
    %dma_start3A_65 = tpu.memref_squeeze %dma_start3A_64 : memref<1x200xi32, #tpu.memory_space<vmem>> -> memref<200xi32, #tpu.memory_space<vmem>>
    %dma_start3A_66 = arith.constant 0 : i32
    %dma_start3A_67 = arith.constant 0 : i32
    %dma_start3A_68 = tpu.memref_slice %arg13[%dma_start3A_66, %dma_start3A_67] : memref<10000x64xf32, #tpu.memory_space<vmem_shared>> -> memref<10000x64xf32, #tpu.memory_space<vmem_shared>>
    tpu.enqueue_indirect_dma source(%arg10 : memref<200x64xf32, #tpu.memory_space<vmem>>) target(%dma_start3A_68 : memref<10000x64xf32, #tpu.memory_space<vmem_shared>>) offsets(%dma_start3A_65 : memref<200xi32, #tpu.memory_space<vmem>>) semaphore(%arg19 : memref<!tpu.dma_semaphore, #tpu.memory_space<semaphore_mem>>) {add = true}
    %dma_wait3A_69 = arith.constant 0 : i32
    %dma_wait3A_70 = arith.constant 0 : i32
    %dma_wait3A_71 = tpu.memref_slice %arg8[%dma_wait3A_69, %dma_wait3A_70] : memref<50x200xi32, #tpu.memory_space<vmem>> -> memref<1x200xi32, #tpu.memory_space<vmem>>
    %dma_wait3A_72 = tpu.memref_squeeze %dma_wait3A_71 : memref<1x200xi32, #tpu.memory_space<vmem>> -> memref<200xi32, #tpu.memory_space<vmem>>
    %dma_wait3A_73 = arith.constant 0 : i32
    %dma_wait3A_74 = arith.constant 0 : i32
    %dma_wait3A_75 = tpu.memref_slice %arg13[%dma_wait3A_73, %dma_wait3A_74] : memref<10000x64xf32, #tpu.memory_space<vmem_shared>> -> memref<10000x64xf32, #tpu.memory_space<vmem_shared>>
    tpu.wait_indirect_dma semaphore(%arg20 : memref<!tpu.dma_semaphore, #tpu.memory_space<semaphore_mem>>) src(%arg11 : memref<200x64xf32, #tpu.memory_space<vmem>>) dst(%dma_wait3A_75 : memref<10000x64xf32, #tpu.memory_space<vmem_shared>>)
    %dma_wait3A_76 = arith.constant 0 : i32
    %dma_wait3A_77 = arith.constant 0 : i32
    %dma_wait3A_78 = tpu.memref_slice %arg8[%dma_wait3A_76, %dma_wait3A_77] : memref<50x200xi32, #tpu.memory_space<vmem>> -> memref<1x200xi32, #tpu.memory_space<vmem>>
    %dma_wait3A_79 = tpu.memref_squeeze %dma_wait3A_78 : memref<1x200xi32, #tpu.memory_space<vmem>> -> memref<200xi32, #tpu.memory_space<vmem>>
    %dma_wait3A_80 = arith.constant 0 : i32
    %dma_wait3A_81 = arith.constant 0 : i32
    %dma_wait3A_82 = tpu.memref_slice %arg13[%dma_wait3A_80, %dma_wait3A_81] : memref<10000x64xf32, #tpu.memory_space<vmem_shared>> -> memref<10000x64xf32, #tpu.memory_space<vmem_shared>>
    tpu.wait_indirect_dma semaphore(%arg21 : memref<!tpu.dma_semaphore, #tpu.memory_space<semaphore_mem>>) src(%arg12 : memref<200x64xf32, #tpu.memory_space<vmem>>) dst(%dma_wait3A_82 : memref<10000x64xf32, #tpu.memory_space<vmem_shared>>)
    %dma_wait3A_83 = arith.constant 0 : i32
    %dma_wait3A_84 = arith.constant 0 : i32
    %dma_wait3A_85 = tpu.memref_slice %arg8[%dma_wait3A_83, %dma_wait3A_84] : memref<50x200xi32, #tpu.memory_space<vmem>> -> memref<1x200xi32, #tpu.memory_space<vmem>>
    %dma_wait3A_86 = tpu.memref_squeeze %dma_wait3A_85 : memref<1x200xi32, #tpu.memory_space<vmem>> -> memref<200xi32, #tpu.memory_space<vmem>>
    %dma_wait3A_87 = arith.constant 0 : i32
    %dma_wait3A_88 = arith.constant 0 : i32
    %dma_wait3A_89 = tpu.memref_slice %arg13[%dma_wait3A_87, %dma_wait3A_88] : memref<10000x64xf32, #tpu.memory_space<vmem_shared>> -> memref<10000x64xf32, #tpu.memory_space<vmem_shared>>
    tpu.wait_indirect_dma semaphore(%arg18 : memref<!tpu.dma_semaphore, #tpu.memory_space<semaphore_mem>>) src(%arg9 : memref<200x64xf32, #tpu.memory_space<vmem>>) dst(%dma_wait3A_89 : memref<10000x64xf32, #tpu.memory_space<vmem_shared>>)
    %dma_wait3A_90 = arith.constant 0 : i32
    %dma_wait3A_91 = arith.constant 0 : i32
    %dma_wait3A_92 = tpu.memref_slice %arg8[%dma_wait3A_90, %dma_wait3A_91] : memref<50x200xi32, #tpu.memory_space<vmem>> -> memref<1x200xi32, #tpu.memory_space<vmem>>
    %dma_wait3A_93 = tpu.memref_squeeze %dma_wait3A_92 : memref<1x200xi32, #tpu.memory_space<vmem>> -> memref<200xi32, #tpu.memory_space<vmem>>
    %dma_wait3A_94 = arith.constant 0 : i32
    %dma_wait3A_95 = arith.constant 0 : i32
    %dma_wait3A_96 = tpu.memref_slice %arg13[%dma_wait3A_94, %dma_wait3A_95] : memref<10000x64xf32, #tpu.memory_space<vmem_shared>> -> memref<10000x64xf32, #tpu.memory_space<vmem_shared>>
    tpu.wait_indirect_dma semaphore(%arg19 : memref<!tpu.dma_semaphore, #tpu.memory_space<semaphore_mem>>) src(%arg10 : memref<200x64xf32, #tpu.memory_space<vmem>>) dst(%dma_wait3A_96 : memref<10000x64xf32, #tpu.memory_space<vmem_shared>>)
    %barrier3A_97 = arith.constant 0 : index
    tpu.barrier barrier_id(%barrier3A_97)
    %mul3A_98 = arith.constant 624 : i32
    %mul3A_99 = arith.muli %arg1, %mul3A_98 : i32
    %mul3A_100 = arith.constant 624 : i32
    %mul3A_101 = arith.muli %arg1, %mul3A_100 : i32
    "tpu.region"() ({
      %run_scoped3A = tpu.sem_alloc : memref<!tpu.dma_semaphore, #tpu.memory_space<semaphore_mem>>
      %dma_start3A_107 = arith.constant 0 : i32
      %dma_start3A_108 = tpu.memref_slice %arg6[%arg0, %mul3A_101, %dma_start3A_107] : memref<2x10000x64xf32, #tpu.memory_space<hbm>> -> memref<1x624x64xf32, #tpu.memory_space<hbm>>
      %dma_start3A_109 = tpu.memref_squeeze %dma_start3A_108 : memref<1x624x64xf32, #tpu.memory_space<hbm>> -> memref<624x64xf32, #tpu.memory_space<hbm>>
      %dma_start3A_110 = arith.constant 0 : i32
      %dma_start3A_111 = tpu.memref_slice %arg13[%mul3A_99, %dma_start3A_110] : memref<10000x64xf32, #tpu.memory_space<vmem_shared>> -> memref<624x64xf32, #tpu.memory_space<vmem_shared>>
      tpu.enqueue_dma source(%dma_start3A_111 : memref<624x64xf32, #tpu.memory_space<vmem_shared>>) target(%dma_start3A_109 : memref<624x64xf32, #tpu.memory_space<hbm>>) target_semaphore(%run_scoped3A : memref<!tpu.dma_semaphore, #tpu.memory_space<semaphore_mem>>)
      %dma_wait3A_112 = arith.constant 0 : i32
      %dma_wait3A_113 = tpu.memref_slice %arg6[%arg0, %mul3A_101, %dma_wait3A_112] : memref<2x10000x64xf32, #tpu.memory_space<hbm>> -> memref<1x624x64xf32, #tpu.memory_space<hbm>>
      %dma_wait3A_114 = tpu.memref_squeeze %dma_wait3A_113 : memref<1x624x64xf32, #tpu.memory_space<hbm>> -> memref<624x64xf32, #tpu.memory_space<hbm>>
      %dma_wait3A_115 = arith.constant 0 : i32
      %dma_wait3A_116 = tpu.memref_slice %arg13[%mul3A_99, %dma_wait3A_115] : memref<10000x64xf32, #tpu.memory_space<vmem_shared>> -> memref<624x64xf32, #tpu.memory_space<vmem_shared>>
      tpu.wait_dma2 semaphore(%run_scoped3A : memref<!tpu.dma_semaphore, #tpu.memory_space<semaphore_mem>>) src(%dma_wait3A_116 : memref<624x64xf32, #tpu.memory_space<vmem_shared>>) dst(%dma_wait3A_114 : memref<624x64xf32, #tpu.memory_space<hbm>>)
      tpu.yield
    }) : () -> ()
    %eq3A_102 = arith.constant 0 : i32
    %eq3A_103 = arith.cmpi eq, %arg1, %eq3A_102 : i32
    %convert_element_type3A_104 = arith.extui %eq3A_103 : i1 to i32
    %cond3A_105 = arith.constant 0 : i32
    %cond3A_106 = arith.cmpi ne, %convert_element_type3A_104, %cond3A_105 : i32
    scf.if %cond3A_106 {
      "tpu.region"() ({
        %run_scoped3A = tpu.sem_alloc : memref<!tpu.dma_semaphore, #tpu.memory_space<semaphore_mem>>
        %dma_start3A_107 = arith.constant 9984 : i32
        %dma_start3A_108 = arith.constant 0 : i32
        %dma_start3A_109 = tpu.memref_slice %arg6[%arg0, %dma_start3A_107, %dma_start3A_108] : memref<2x10000x64xf32, #tpu.memory_space<hbm>> -> memref<1x16x64xf32, #tpu.memory_space<hbm>>
        %dma_start3A_110 = tpu.memref_squeeze %dma_start3A_109 : memref<1x16x64xf32, #tpu.memory_space<hbm>> -> memref<16x64xf32, #tpu.memory_space<hbm>>
        %dma_start3A_111 = arith.constant 9984 : i32
        %dma_start3A_112 = arith.constant 0 : i32
        %dma_start3A_113 = tpu.memref_slice %arg13[%dma_start3A_111, %dma_start3A_112] : memref<10000x64xf32, #tpu.memory_space<vmem_shared>> -> memref<16x64xf32, #tpu.memory_space<vmem_shared>>
        tpu.enqueue_dma source(%dma_start3A_113 : memref<16x64xf32, #tpu.memory_space<vmem_shared>>) target(%dma_start3A_110 : memref<16x64xf32, #tpu.memory_space<hbm>>) target_semaphore(%run_scoped3A : memref<!tpu.dma_semaphore, #tpu.memory_space<semaphore_mem>>)
        %dma_wait3A_114 = arith.constant 9984 : i32
        %dma_wait3A_115 = arith.constant 0 : i32
        %dma_wait3A_116 = tpu.memref_slice %arg6[%arg0, %dma_wait3A_114, %dma_wait3A_115] : memref<2x10000x64xf32, #tpu.memory_space<hbm>> -> memref<1x16x64xf32, #tpu.memory_space<hbm>>
        %dma_wait3A_117 = tpu.memref_squeeze %dma_wait3A_116 : memref<1x16x64xf32, #tpu.memory_space<hbm>> -> memref<16x64xf32, #tpu.memory_space<hbm>>
        %dma_wait3A_118 = arith.constant 9984 : i32
        %dma_wait3A_119 = arith.constant 0 : i32
        %dma_wait3A_120 = tpu.memref_slice %arg13[%dma_wait3A_118, %dma_wait3A_119] : memref<10000x64xf32, #tpu.memory_space<vmem_shared>> -> memref<16x64xf32, #tpu.memory_space<vmem_shared>>
        tpu.wait_dma2 semaphore(%run_scoped3A : memref<!tpu.dma_semaphore, #tpu.memory_space<semaphore_mem>>) src(%dma_wait3A_120 : memref<16x64xf32, #tpu.memory_space<vmem_shared>>) dst(%dma_wait3A_117 : memref<16x64xf32, #tpu.memory_space<hbm>>)
        tpu.yield
      }) : () -> ()
    } else {
    }
    return
  }
}

#map = affine_map<(d0, d1) -> (0, 0, 0)>
#map1 = affine_map<(d0, d1) -> (0, 0)>
module attributes {stable_mosaic.version = 14 : i64} {
  func.func @body(%arg0: i32, %arg1: i32, %arg2: memref<32x10x1000xi32, #tpu.memory_space<hbm>>, %arg3: memref<32x10x1000xi32, #tpu.memory_space<hbm>>, %arg4: memref<10000x16xf32, #tpu.memory_space<hbm>>, %arg5: memref<10000x16xf32, #tpu.memory_space<hbm>>, %arg6: memref<2x10000x16xf32, #tpu.memory_space<hbm>>, %arg7: memref<10x1000xi32, #tpu.memory_space<vmem>>, %arg8: memref<10x1000xi32, #tpu.memory_space<vmem>>, %arg9: memref<1000x16xf32, #tpu.memory_space<vmem>>, %arg10: memref<1000x16xf32, #tpu.memory_space<vmem>>, %arg11: memref<1000x16xf32, #tpu.memory_space<vmem>>, %arg12: memref<1000x16xf32, #tpu.memory_space<vmem>>, %arg13: memref<10000x16xf32, #tpu.memory_space<vmem_shared>>, %arg14: memref<!tpu.dma_semaphore, #tpu.memory_space<semaphore_mem>>, %arg15: memref<!tpu.dma_semaphore, #tpu.memory_space<semaphore_mem>>, %arg16: memref<!tpu.dma_semaphore, #tpu.memory_space<semaphore_mem>>, %arg17: memref<!tpu.dma_semaphore, #tpu.memory_space<semaphore_mem>>, %arg18: memref<!tpu.dma_semaphore, #tpu.memory_space<semaphore_mem>>, %arg19: memref<!tpu.dma_semaphore, #tpu.memory_space<semaphore_mem>>, %arg20: memref<!tpu.dma_semaphore, #tpu.memory_space<semaphore_mem>>, %arg21: memref<!tpu.dma_semaphore, #tpu.memory_space<semaphore_mem>>) attributes {dimension_semantics = [#tpu.dimension_semantics<core_parallel>, #tpu.dimension_semantics<subcore_parallel>], iteration_bounds = array<i64: 2, 16>, scalar_prefetch = 0 : i64, scratch_operands = 15 : i64, tpu.core_type = #tpu.core_type<sc_vector_subcore>, window_params = [{transform_indices = #map}, {transform_indices = #map}, {transform_indices = #map1}, {transform_indices = #map1}, {transform_indices = #map}]} {
    %mul3A = arith.constant 624 : i32
    %mul3A_0 = arith.muli %arg1, %mul3A : i32
    %mul3A_1 = arith.constant 624 : i32
    %mul3A_2 = arith.muli %arg1, %mul3A_1 : i32
    "tpu.region"() ({
      %run_scoped3A = tpu.sem_alloc : memref<!tpu.dma_semaphore, #tpu.memory_space<semaphore_mem>>
      %dma_start3A_107 = arith.constant 0 : i32
      %dma_start3A_108 = tpu.memref_slice %arg13[%mul3A_2, %dma_start3A_107] : memref<10000x16xf32, #tpu.memory_space<vmem_shared>> -> memref<624x16xf32, #tpu.memory_space<vmem_shared>>
      %dma_start3A_109 = arith.constant 0 : i32
      %dma_start3A_110 = tpu.memref_slice %arg5[%mul3A_0, %dma_start3A_109] : memref<10000x16xf32, #tpu.memory_space<hbm>> -> memref<624x16xf32, #tpu.memory_space<hbm>>
      tpu.enqueue_dma source(%dma_start3A_110 : memref<624x16xf32, #tpu.memory_space<hbm>>) target(%dma_start3A_108 : memref<624x16xf32, #tpu.memory_space<vmem_shared>>) target_semaphore(%run_scoped3A : memref<!tpu.dma_semaphore, #tpu.memory_space<semaphore_mem>>)
      %dma_wait3A_111 = arith.constant 0 : i32
      %dma_wait3A_112 = tpu.memref_slice %arg13[%mul3A_2, %dma_wait3A_111] : memref<10000x16xf32, #tpu.memory_space<vmem_shared>> -> memref<624x16xf32, #tpu.memory_space<vmem_shared>>
      %dma_wait3A_113 = arith.constant 0 : i32
      %dma_wait3A_114 = tpu.memref_slice %arg5[%mul3A_0, %dma_wait3A_113] : memref<10000x16xf32, #tpu.memory_space<hbm>> -> memref<624x16xf32, #tpu.memory_space<hbm>>
      tpu.wait_dma2 semaphore(%run_scoped3A : memref<!tpu.dma_semaphore, #tpu.memory_space<semaphore_mem>>) src(%dma_wait3A_114 : memref<624x16xf32, #tpu.memory_space<hbm>>) dst(%dma_wait3A_112 : memref<624x16xf32, #tpu.memory_space<vmem_shared>>)
      tpu.yield
    }) : () -> ()
    %eq3A = arith.constant 0 : i32
    %eq3A_3 = arith.cmpi eq, %arg1, %eq3A : i32
    %convert_element_type3A = arith.extui %eq3A_3 : i1 to i32
    %cond3A = arith.constant 0 : i32
    %cond3A_4 = arith.cmpi ne, %convert_element_type3A, %cond3A : i32
    scf.if %cond3A_4 {
      "tpu.region"() ({
        %run_scoped3A = tpu.sem_alloc : memref<!tpu.dma_semaphore, #tpu.memory_space<semaphore_mem>>
        %dma_start3A_107 = arith.constant 9984 : i32
        %dma_start3A_108 = arith.constant 0 : i32
        %dma_start3A_109 = tpu.memref_slice %arg13[%dma_start3A_107, %dma_start3A_108] : memref<10000x16xf32, #tpu.memory_space<vmem_shared>> -> memref<16x16xf32, #tpu.memory_space<vmem_shared>>
        %dma_start3A_110 = arith.constant 9984 : i32
        %dma_start3A_111 = arith.constant 0 : i32
        %dma_start3A_112 = tpu.memref_slice %arg5[%dma_start3A_110, %dma_start3A_111] : memref<10000x16xf32, #tpu.memory_space<hbm>> -> memref<16x16xf32, #tpu.memory_space<hbm>>
        tpu.enqueue_dma source(%dma_start3A_112 : memref<16x16xf32, #tpu.memory_space<hbm>>) target(%dma_start3A_109 : memref<16x16xf32, #tpu.memory_space<vmem_shared>>) target_semaphore(%run_scoped3A : memref<!tpu.dma_semaphore, #tpu.memory_space<semaphore_mem>>)
        %dma_wait3A_113 = arith.constant 9984 : i32
        %dma_wait3A_114 = arith.constant 0 : i32
        %dma_wait3A_115 = tpu.memref_slice %arg13[%dma_wait3A_113, %dma_wait3A_114] : memref<10000x16xf32, #tpu.memory_space<vmem_shared>> -> memref<16x16xf32, #tpu.memory_space<vmem_shared>>
        %dma_wait3A_116 = arith.constant 9984 : i32
        %dma_wait3A_117 = arith.constant 0 : i32
        %dma_wait3A_118 = tpu.memref_slice %arg5[%dma_wait3A_116, %dma_wait3A_117] : memref<10000x16xf32, #tpu.memory_space<hbm>> -> memref<16x16xf32, #tpu.memory_space<hbm>>
        tpu.wait_dma2 semaphore(%run_scoped3A : memref<!tpu.dma_semaphore, #tpu.memory_space<semaphore_mem>>) src(%dma_wait3A_118 : memref<16x16xf32, #tpu.memory_space<hbm>>) dst(%dma_wait3A_115 : memref<16x16xf32, #tpu.memory_space<vmem_shared>>)
        tpu.yield
      }) : () -> ()
    } else {
    }
    %barrier3A = arith.constant 0 : index
    tpu.barrier barrier_id(%barrier3A)
    %mul3A_5 = arith.constant 2 : i32
    %mul3A_6 = arith.muli %arg1, %mul3A_5 : i32
    %add3A = arith.addi %mul3A_6, %arg0 : i32
    "tpu.region"() ({
      %run_scoped3A = tpu.sem_alloc : memref<!tpu.dma_semaphore, #tpu.memory_space<semaphore_mem>>
      %dma_start3A_107 = arith.constant 0 : i32
      %dma_start3A_108 = arith.constant 0 : i32
      %dma_start3A_109 = tpu.memref_slice %arg2[%add3A, %dma_start3A_107, %dma_start3A_108] : memref<32x10x1000xi32, #tpu.memory_space<hbm>> -> memref<1x10x1000xi32, #tpu.memory_space<hbm>>
      %dma_start3A_110 = tpu.memref_squeeze %dma_start3A_109 : memref<1x10x1000xi32, #tpu.memory_space<hbm>> -> memref<10x1000xi32, #tpu.memory_space<hbm>>
      %dma_start3A_111 = arith.constant 0 : i32
      %dma_start3A_112 = arith.constant 0 : i32
      %dma_start3A_113 = tpu.memref_slice %arg2[%add3A, %dma_start3A_111, %dma_start3A_112] : memref<32x10x1000xi32, #tpu.memory_space<hbm>> -> memref<1x10x1000xi32, #tpu.memory_space<hbm>>
      %dma_start3A_114 = tpu.memref_squeeze %dma_start3A_113 : memref<1x10x1000xi32, #tpu.memory_space<hbm>> -> memref<10x1000xi32, #tpu.memory_space<hbm>>
      tpu.enqueue_dma source(%dma_start3A_114 : memref<10x1000xi32, #tpu.memory_space<hbm>>) target(%arg7 : memref<10x1000xi32, #tpu.memory_space<vmem>>) target_semaphore(%run_scoped3A : memref<!tpu.dma_semaphore, #tpu.memory_space<semaphore_mem>>)
      %dma_wait3A_115 = arith.constant 0 : i32
      %dma_wait3A_116 = arith.constant 0 : i32
      %dma_wait3A_117 = tpu.memref_slice %arg2[%add3A, %dma_wait3A_115, %dma_wait3A_116] : memref<32x10x1000xi32, #tpu.memory_space<hbm>> -> memref<1x10x1000xi32, #tpu.memory_space<hbm>>
      %dma_wait3A_118 = tpu.memref_squeeze %dma_wait3A_117 : memref<1x10x1000xi32, #tpu.memory_space<hbm>> -> memref<10x1000xi32, #tpu.memory_space<hbm>>
      %dma_wait3A_119 = arith.constant 0 : i32
      %dma_wait3A_120 = arith.constant 0 : i32
      %dma_wait3A_121 = tpu.memref_slice %arg2[%add3A, %dma_wait3A_119, %dma_wait3A_120] : memref<32x10x1000xi32, #tpu.memory_space<hbm>> -> memref<1x10x1000xi32, #tpu.memory_space<hbm>>
      %dma_wait3A_122 = tpu.memref_squeeze %dma_wait3A_121 : memref<1x10x1000xi32, #tpu.memory_space<hbm>> -> memref<10x1000xi32, #tpu.memory_space<hbm>>
      tpu.wait_dma2 semaphore(%run_scoped3A : memref<!tpu.dma_semaphore, #tpu.memory_space<semaphore_mem>>) src(%dma_wait3A_122 : memref<10x1000xi32, #tpu.memory_space<hbm>>) dst(%arg7 : memref<10x1000xi32, #tpu.memory_space<vmem>>)
      tpu.yield
    }) : () -> ()
    "tpu.region"() ({
      %run_scoped3A = tpu.sem_alloc : memref<!tpu.dma_semaphore, #tpu.memory_space<semaphore_mem>>
      %dma_start3A_107 = arith.constant 0 : i32
      %dma_start3A_108 = arith.constant 0 : i32
      %dma_start3A_109 = tpu.memref_slice %arg3[%add3A, %dma_start3A_107, %dma_start3A_108] : memref<32x10x1000xi32, #tpu.memory_space<hbm>> -> memref<1x10x1000xi32, #tpu.memory_space<hbm>>
      %dma_start3A_110 = tpu.memref_squeeze %dma_start3A_109 : memref<1x10x1000xi32, #tpu.memory_space<hbm>> -> memref<10x1000xi32, #tpu.memory_space<hbm>>
      %dma_start3A_111 = arith.constant 0 : i32
      %dma_start3A_112 = arith.constant 0 : i32
      %dma_start3A_113 = tpu.memref_slice %arg3[%add3A, %dma_start3A_111, %dma_start3A_112] : memref<32x10x1000xi32, #tpu.memory_space<hbm>> -> memref<1x10x1000xi32, #tpu.memory_space<hbm>>
      %dma_start3A_114 = tpu.memref_squeeze %dma_start3A_113 : memref<1x10x1000xi32, #tpu.memory_space<hbm>> -> memref<10x1000xi32, #tpu.memory_space<hbm>>
      tpu.enqueue_dma source(%dma_start3A_114 : memref<10x1000xi32, #tpu.memory_space<hbm>>) target(%arg8 : memref<10x1000xi32, #tpu.memory_space<vmem>>) target_semaphore(%run_scoped3A : memref<!tpu.dma_semaphore, #tpu.memory_space<semaphore_mem>>)
      %dma_wait3A_115 = arith.constant 0 : i32
      %dma_wait3A_116 = arith.constant 0 : i32
      %dma_wait3A_117 = tpu.memref_slice %arg3[%add3A, %dma_wait3A_115, %dma_wait3A_116] : memref<32x10x1000xi32, #tpu.memory_space<hbm>> -> memref<1x10x1000xi32, #tpu.memory_space<hbm>>
      %dma_wait3A_118 = tpu.memref_squeeze %dma_wait3A_117 : memref<1x10x1000xi32, #tpu.memory_space<hbm>> -> memref<10x1000xi32, #tpu.memory_space<hbm>>
      %dma_wait3A_119 = arith.constant 0 : i32
      %dma_wait3A_120 = arith.constant 0 : i32
      %dma_wait3A_121 = tpu.memref_slice %arg3[%add3A, %dma_wait3A_119, %dma_wait3A_120] : memref<32x10x1000xi32, #tpu.memory_space<hbm>> -> memref<1x10x1000xi32, #tpu.memory_space<hbm>>
      %dma_wait3A_122 = tpu.memref_squeeze %dma_wait3A_121 : memref<1x10x1000xi32, #tpu.memory_space<hbm>> -> memref<10x1000xi32, #tpu.memory_space<hbm>>
      tpu.wait_dma2 semaphore(%run_scoped3A : memref<!tpu.dma_semaphore, #tpu.memory_space<semaphore_mem>>) src(%dma_wait3A_122 : memref<10x1000xi32, #tpu.memory_space<hbm>>) dst(%arg8 : memref<10x1000xi32, #tpu.memory_space<vmem>>)
      tpu.yield
    }) : () -> ()
    %dma_start3A = arith.constant 0 : i32
    %dma_start3A_7 = arith.constant 0 : i32
    %dma_start3A_8 = tpu.memref_slice %arg7[%dma_start3A, %dma_start3A_7] : memref<10x1000xi32, #tpu.memory_space<vmem>> -> memref<1x1000xi32, #tpu.memory_space<vmem>>
    %dma_start3A_9 = tpu.memref_squeeze %dma_start3A_8 : memref<1x1000xi32, #tpu.memory_space<vmem>> -> memref<1000xi32, #tpu.memory_space<vmem>>
    %dma_start3A_10 = arith.constant 0 : i32
    %dma_start3A_11 = arith.constant 0 : i32
    %dma_start3A_12 = tpu.memref_slice %arg4[%dma_start3A_10, %dma_start3A_11] : memref<10000x16xf32, #tpu.memory_space<hbm>> -> memref<10000x16xf32, #tpu.memory_space<hbm>>
    tpu.enqueue_indirect_dma source(%dma_start3A_12 : memref<10000x16xf32, #tpu.memory_space<hbm>>) target(%arg9 : memref<1000x16xf32, #tpu.memory_space<vmem>>) offsets(%dma_start3A_9 : memref<1000xi32, #tpu.memory_space<vmem>>) semaphore(%arg14 : memref<!tpu.dma_semaphore, #tpu.memory_space<semaphore_mem>>)
    %dma_start3A_13 = arith.constant 1 : i32
    %dma_start3A_14 = arith.constant 0 : i32
    %dma_start3A_15 = tpu.memref_slice %arg7[%dma_start3A_13, %dma_start3A_14] : memref<10x1000xi32, #tpu.memory_space<vmem>> -> memref<1x1000xi32, #tpu.memory_space<vmem>>
    %dma_start3A_16 = tpu.memref_squeeze %dma_start3A_15 : memref<1x1000xi32, #tpu.memory_space<vmem>> -> memref<1000xi32, #tpu.memory_space<vmem>>
    %dma_start3A_17 = arith.constant 0 : i32
    %dma_start3A_18 = arith.constant 0 : i32
    %dma_start3A_19 = tpu.memref_slice %arg4[%dma_start3A_17, %dma_start3A_18] : memref<10000x16xf32, #tpu.memory_space<hbm>> -> memref<10000x16xf32, #tpu.memory_space<hbm>>
    tpu.enqueue_indirect_dma source(%dma_start3A_19 : memref<10000x16xf32, #tpu.memory_space<hbm>>) target(%arg10 : memref<1000x16xf32, #tpu.memory_space<vmem>>) offsets(%dma_start3A_16 : memref<1000xi32, #tpu.memory_space<vmem>>) semaphore(%arg15 : memref<!tpu.dma_semaphore, #tpu.memory_space<semaphore_mem>>)
    %scan3A = arith.constant 0 : i32
    %scan3A_20 = arith.constant 0 : i32
    %scan3A_21 = arith.constant 2 : i32
    %scan3A_22 = arith.addi %scan3A_20, %scan3A_21 : i32
    %scan3A_23 = arith.constant 1 : i32
    scf.for %scan3A_107 = %scan3A_20 to %scan3A_22 step %scan3A_23  : i32 {
      %mul3A_108 = arith.constant 4 : i32
      %mul3A_109 = arith.muli %mul3A_108, %scan3A_107 : i32
      %add3A_110 = arith.constant 0 : i32
      %add3A_111 = arith.addi %mul3A_109, %add3A_110 : i32
      %add3A_112 = arith.constant 2 : i32
      %add3A_113 = arith.addi %add3A_111, %add3A_112 : i32
      %lt3A_114 = arith.constant 10 : i32
      %lt3A_115 = arith.cmpi slt, %add3A_113, %lt3A_114 : i32
      %convert_element_type3A_116 = arith.extui %lt3A_115 : i1 to i32
      %cond3A_117 = arith.constant 0 : i32
      %cond3A_118 = arith.cmpi ne, %convert_element_type3A_116, %cond3A_117 : i32
      scf.if %cond3A_118 {
        %ge3A = arith.constant 2 : i32
        %ge3A_194 = arith.cmpi sge, %add3A_111, %ge3A : i32
        %convert_element_type3A_195 = arith.extui %ge3A_194 : i1 to i32
        %cond3A_196 = arith.constant 0 : i32
        %cond3A_197 = arith.cmpi ne, %convert_element_type3A_195, %cond3A_196 : i32
        scf.if %cond3A_197 {
          %dma_wait3A_206 = arith.constant 0 : i32
          %dma_wait3A_207 = arith.constant 0 : i32
          %dma_wait3A_208 = tpu.memref_slice %arg8[%dma_wait3A_206, %dma_wait3A_207] : memref<10x1000xi32, #tpu.memory_space<vmem>> -> memref<1x1000xi32, #tpu.memory_space<vmem>>
          %dma_wait3A_209 = tpu.memref_squeeze %dma_wait3A_208 : memref<1x1000xi32, #tpu.memory_space<vmem>> -> memref<1000xi32, #tpu.memory_space<vmem>>
          %dma_wait3A_210 = arith.constant 0 : i32
          %dma_wait3A_211 = arith.constant 0 : i32
          %dma_wait3A_212 = tpu.memref_slice %arg13[%dma_wait3A_210, %dma_wait3A_211] : memref<10000x16xf32, #tpu.memory_space<vmem_shared>> -> memref<10000x16xf32, #tpu.memory_space<vmem_shared>>
          tpu.wait_indirect_dma semaphore(%arg20 : memref<!tpu.dma_semaphore, #tpu.memory_space<semaphore_mem>>) src(%arg11 : memref<1000x16xf32, #tpu.memory_space<vmem>>) dst(%dma_wait3A_212 : memref<10000x16xf32, #tpu.memory_space<vmem_shared>>)
        } else {
        }
        %add3A_198 = arith.constant 2 : i32
        %add3A_199 = arith.addi %add3A_111, %add3A_198 : i32
        %dma_start3A_200 = arith.constant 0 : i32
        %dma_start3A_201 = tpu.memref_slice %arg7[%add3A_199, %dma_start3A_200] : memref<10x1000xi32, #tpu.memory_space<vmem>> -> memref<1x1000xi32, #tpu.memory_space<vmem>>
        %dma_start3A_202 = tpu.memref_squeeze %dma_start3A_201 : memref<1x1000xi32, #tpu.memory_space<vmem>> -> memref<1000xi32, #tpu.memory_space<vmem>>
        %dma_start3A_203 = arith.constant 0 : i32
        %dma_start3A_204 = arith.constant 0 : i32
        %dma_start3A_205 = tpu.memref_slice %arg4[%dma_start3A_203, %dma_start3A_204] : memref<10000x16xf32, #tpu.memory_space<hbm>> -> memref<10000x16xf32, #tpu.memory_space<hbm>>
        tpu.enqueue_indirect_dma source(%dma_start3A_205 : memref<10000x16xf32, #tpu.memory_space<hbm>>) target(%arg11 : memref<1000x16xf32, #tpu.memory_space<vmem>>) offsets(%dma_start3A_202 : memref<1000xi32, #tpu.memory_space<vmem>>) semaphore(%arg16 : memref<!tpu.dma_semaphore, #tpu.memory_space<semaphore_mem>>)
      } else {
      }
      %dma_wait3A_119 = arith.constant 0 : i32
      %dma_wait3A_120 = tpu.memref_slice %arg7[%add3A_111, %dma_wait3A_119] : memref<10x1000xi32, #tpu.memory_space<vmem>> -> memref<1x1000xi32, #tpu.memory_space<vmem>>
      %dma_wait3A_121 = tpu.memref_squeeze %dma_wait3A_120 : memref<1x1000xi32, #tpu.memory_space<vmem>> -> memref<1000xi32, #tpu.memory_space<vmem>>
      %dma_wait3A_122 = arith.constant 0 : i32
      %dma_wait3A_123 = arith.constant 0 : i32
      %dma_wait3A_124 = tpu.memref_slice %arg4[%dma_wait3A_122, %dma_wait3A_123] : memref<10000x16xf32, #tpu.memory_space<hbm>> -> memref<10000x16xf32, #tpu.memory_space<hbm>>
      tpu.wait_indirect_dma semaphore(%arg14 : memref<!tpu.dma_semaphore, #tpu.memory_space<semaphore_mem>>) src(%dma_wait3A_124 : memref<10000x16xf32, #tpu.memory_space<hbm>>) dst(%arg9 : memref<1000x16xf32, #tpu.memory_space<vmem>>)
      %dma_start3A_125 = arith.constant 0 : i32
      %dma_start3A_126 = tpu.memref_slice %arg8[%add3A_111, %dma_start3A_125] : memref<10x1000xi32, #tpu.memory_space<vmem>> -> memref<1x1000xi32, #tpu.memory_space<vmem>>
      %dma_start3A_127 = tpu.memref_squeeze %dma_start3A_126 : memref<1x1000xi32, #tpu.memory_space<vmem>> -> memref<1000xi32, #tpu.memory_space<vmem>>
      %dma_start3A_128 = arith.constant 0 : i32
      %dma_start3A_129 = arith.constant 0 : i32
      %dma_start3A_130 = tpu.memref_slice %arg13[%dma_start3A_128, %dma_start3A_129] : memref<10000x16xf32, #tpu.memory_space<vmem_shared>> -> memref<10000x16xf32, #tpu.memory_space<vmem_shared>>
      tpu.enqueue_indirect_dma source(%arg9 : memref<1000x16xf32, #tpu.memory_space<vmem>>) target(%dma_start3A_130 : memref<10000x16xf32, #tpu.memory_space<vmem_shared>>) offsets(%dma_start3A_127 : memref<1000xi32, #tpu.memory_space<vmem>>) semaphore(%arg18 : memref<!tpu.dma_semaphore, #tpu.memory_space<semaphore_mem>>) {add = true}
      %add3A_131 = arith.constant 1 : i32
      %add3A_132 = arith.addi %mul3A_109, %add3A_131 : i32
      %add3A_133 = arith.constant 2 : i32
      %add3A_134 = arith.addi %add3A_132, %add3A_133 : i32
      %lt3A_135 = arith.constant 10 : i32
      %lt3A_136 = arith.cmpi slt, %add3A_134, %lt3A_135 : i32
      %convert_element_type3A_137 = arith.extui %lt3A_136 : i1 to i32
      %cond3A_138 = arith.constant 0 : i32
      %cond3A_139 = arith.cmpi ne, %convert_element_type3A_137, %cond3A_138 : i32
      scf.if %cond3A_139 {
        %ge3A = arith.constant 2 : i32
        %ge3A_194 = arith.cmpi sge, %add3A_132, %ge3A : i32
        %convert_element_type3A_195 = arith.extui %ge3A_194 : i1 to i32
        %cond3A_196 = arith.constant 0 : i32
        %cond3A_197 = arith.cmpi ne, %convert_element_type3A_195, %cond3A_196 : i32
        scf.if %cond3A_197 {
          %dma_wait3A_206 = arith.constant 0 : i32
          %dma_wait3A_207 = arith.constant 0 : i32
          %dma_wait3A_208 = tpu.memref_slice %arg8[%dma_wait3A_206, %dma_wait3A_207] : memref<10x1000xi32, #tpu.memory_space<vmem>> -> memref<1x1000xi32, #tpu.memory_space<vmem>>
          %dma_wait3A_209 = tpu.memref_squeeze %dma_wait3A_208 : memref<1x1000xi32, #tpu.memory_space<vmem>> -> memref<1000xi32, #tpu.memory_space<vmem>>
          %dma_wait3A_210 = arith.constant 0 : i32
          %dma_wait3A_211 = arith.constant 0 : i32
          %dma_wait3A_212 = tpu.memref_slice %arg13[%dma_wait3A_210, %dma_wait3A_211] : memref<10000x16xf32, #tpu.memory_space<vmem_shared>> -> memref<10000x16xf32, #tpu.memory_space<vmem_shared>>
          tpu.wait_indirect_dma semaphore(%arg21 : memref<!tpu.dma_semaphore, #tpu.memory_space<semaphore_mem>>) src(%arg12 : memref<1000x16xf32, #tpu.memory_space<vmem>>) dst(%dma_wait3A_212 : memref<10000x16xf32, #tpu.memory_space<vmem_shared>>)
        } else {
        }
        %add3A_198 = arith.constant 2 : i32
        %add3A_199 = arith.addi %add3A_132, %add3A_198 : i32
        %dma_start3A_200 = arith.constant 0 : i32
        %dma_start3A_201 = tpu.memref_slice %arg7[%add3A_199, %dma_start3A_200] : memref<10x1000xi32, #tpu.memory_space<vmem>> -> memref<1x1000xi32, #tpu.memory_space<vmem>>
        %dma_start3A_202 = tpu.memref_squeeze %dma_start3A_201 : memref<1x1000xi32, #tpu.memory_space<vmem>> -> memref<1000xi32, #tpu.memory_space<vmem>>
        %dma_start3A_203 = arith.constant 0 : i32
        %dma_start3A_204 = arith.constant 0 : i32
        %dma_start3A_205 = tpu.memref_slice %arg4[%dma_start3A_203, %dma_start3A_204] : memref<10000x16xf32, #tpu.memory_space<hbm>> -> memref<10000x16xf32, #tpu.memory_space<hbm>>
        tpu.enqueue_indirect_dma source(%dma_start3A_205 : memref<10000x16xf32, #tpu.memory_space<hbm>>) target(%arg12 : memref<1000x16xf32, #tpu.memory_space<vmem>>) offsets(%dma_start3A_202 : memref<1000xi32, #tpu.memory_space<vmem>>) semaphore(%arg17 : memref<!tpu.dma_semaphore, #tpu.memory_space<semaphore_mem>>)
      } else {
      }
      %dma_wait3A_140 = arith.constant 0 : i32
      %dma_wait3A_141 = tpu.memref_slice %arg7[%add3A_132, %dma_wait3A_140] : memref<10x1000xi32, #tpu.memory_space<vmem>> -> memref<1x1000xi32, #tpu.memory_space<vmem>>
      %dma_wait3A_142 = tpu.memref_squeeze %dma_wait3A_141 : memref<1x1000xi32, #tpu.memory_space<vmem>> -> memref<1000xi32, #tpu.memory_space<vmem>>
      %dma_wait3A_143 = arith.constant 0 : i32
      %dma_wait3A_144 = arith.constant 0 : i32
      %dma_wait3A_145 = tpu.memref_slice %arg4[%dma_wait3A_143, %dma_wait3A_144] : memref<10000x16xf32, #tpu.memory_space<hbm>> -> memref<10000x16xf32, #tpu.memory_space<hbm>>
      tpu.wait_indirect_dma semaphore(%arg15 : memref<!tpu.dma_semaphore, #tpu.memory_space<semaphore_mem>>) src(%dma_wait3A_145 : memref<10000x16xf32, #tpu.memory_space<hbm>>) dst(%arg10 : memref<1000x16xf32, #tpu.memory_space<vmem>>)
      %dma_start3A_146 = arith.constant 0 : i32
      %dma_start3A_147 = tpu.memref_slice %arg8[%add3A_132, %dma_start3A_146] : memref<10x1000xi32, #tpu.memory_space<vmem>> -> memref<1x1000xi32, #tpu.memory_space<vmem>>
      %dma_start3A_148 = tpu.memref_squeeze %dma_start3A_147 : memref<1x1000xi32, #tpu.memory_space<vmem>> -> memref<1000xi32, #tpu.memory_space<vmem>>
      %dma_start3A_149 = arith.constant 0 : i32
      %dma_start3A_150 = arith.constant 0 : i32
      %dma_start3A_151 = tpu.memref_slice %arg13[%dma_start3A_149, %dma_start3A_150] : memref<10000x16xf32, #tpu.memory_space<vmem_shared>> -> memref<10000x16xf32, #tpu.memory_space<vmem_shared>>
      tpu.enqueue_indirect_dma source(%arg10 : memref<1000x16xf32, #tpu.memory_space<vmem>>) target(%dma_start3A_151 : memref<10000x16xf32, #tpu.memory_space<vmem_shared>>) offsets(%dma_start3A_148 : memref<1000xi32, #tpu.memory_space<vmem>>) semaphore(%arg19 : memref<!tpu.dma_semaphore, #tpu.memory_space<semaphore_mem>>) {add = true}
      %add3A_152 = arith.constant 2 : i32
      %add3A_153 = arith.addi %mul3A_109, %add3A_152 : i32
      %add3A_154 = arith.constant 2 : i32
      %add3A_155 = arith.addi %add3A_153, %add3A_154 : i32
      %lt3A_156 = arith.constant 10 : i32
      %lt3A_157 = arith.cmpi slt, %add3A_155, %lt3A_156 : i32
      %convert_element_type3A_158 = arith.extui %lt3A_157 : i1 to i32
      %cond3A_159 = arith.constant 0 : i32
      %cond3A_160 = arith.cmpi ne, %convert_element_type3A_158, %cond3A_159 : i32
      scf.if %cond3A_160 {
        %ge3A = arith.constant 2 : i32
        %ge3A_194 = arith.cmpi sge, %add3A_153, %ge3A : i32
        %convert_element_type3A_195 = arith.extui %ge3A_194 : i1 to i32
        %cond3A_196 = arith.constant 0 : i32
        %cond3A_197 = arith.cmpi ne, %convert_element_type3A_195, %cond3A_196 : i32
        scf.if %cond3A_197 {
          %dma_wait3A_206 = arith.constant 0 : i32
          %dma_wait3A_207 = arith.constant 0 : i32
          %dma_wait3A_208 = tpu.memref_slice %arg8[%dma_wait3A_206, %dma_wait3A_207] : memref<10x1000xi32, #tpu.memory_space<vmem>> -> memref<1x1000xi32, #tpu.memory_space<vmem>>
          %dma_wait3A_209 = tpu.memref_squeeze %dma_wait3A_208 : memref<1x1000xi32, #tpu.memory_space<vmem>> -> memref<1000xi32, #tpu.memory_space<vmem>>
          %dma_wait3A_210 = arith.constant 0 : i32
          %dma_wait3A_211 = arith.constant 0 : i32
          %dma_wait3A_212 = tpu.memref_slice %arg13[%dma_wait3A_210, %dma_wait3A_211] : memref<10000x16xf32, #tpu.memory_space<vmem_shared>> -> memref<10000x16xf32, #tpu.memory_space<vmem_shared>>
          tpu.wait_indirect_dma semaphore(%arg18 : memref<!tpu.dma_semaphore, #tpu.memory_space<semaphore_mem>>) src(%arg9 : memref<1000x16xf32, #tpu.memory_space<vmem>>) dst(%dma_wait3A_212 : memref<10000x16xf32, #tpu.memory_space<vmem_shared>>)
        } else {
        }
        %add3A_198 = arith.constant 2 : i32
        %add3A_199 = arith.addi %add3A_153, %add3A_198 : i32
        %dma_start3A_200 = arith.constant 0 : i32
        %dma_start3A_201 = tpu.memref_slice %arg7[%add3A_199, %dma_start3A_200] : memref<10x1000xi32, #tpu.memory_space<vmem>> -> memref<1x1000xi32, #tpu.memory_space<vmem>>
        %dma_start3A_202 = tpu.memref_squeeze %dma_start3A_201 : memref<1x1000xi32, #tpu.memory_space<vmem>> -> memref<1000xi32, #tpu.memory_space<vmem>>
        %dma_start3A_203 = arith.constant 0 : i32
        %dma_start3A_204 = arith.constant 0 : i32
        %dma_start3A_205 = tpu.memref_slice %arg4[%dma_start3A_203, %dma_start3A_204] : memref<10000x16xf32, #tpu.memory_space<hbm>> -> memref<10000x16xf32, #tpu.memory_space<hbm>>
        tpu.enqueue_indirect_dma source(%dma_start3A_205 : memref<10000x16xf32, #tpu.memory_space<hbm>>) target(%arg9 : memref<1000x16xf32, #tpu.memory_space<vmem>>) offsets(%dma_start3A_202 : memref<1000xi32, #tpu.memory_space<vmem>>) semaphore(%arg14 : memref<!tpu.dma_semaphore, #tpu.memory_space<semaphore_mem>>)
      } else {
      }
      %dma_wait3A_161 = arith.constant 0 : i32
      %dma_wait3A_162 = tpu.memref_slice %arg7[%add3A_153, %dma_wait3A_161] : memref<10x1000xi32, #tpu.memory_space<vmem>> -> memref<1x1000xi32, #tpu.memory_space<vmem>>
      %dma_wait3A_163 = tpu.memref_squeeze %dma_wait3A_162 : memref<1x1000xi32, #tpu.memory_space<vmem>> -> memref<1000xi32, #tpu.memory_space<vmem>>
      %dma_wait3A_164 = arith.constant 0 : i32
      %dma_wait3A_165 = arith.constant 0 : i32
      %dma_wait3A_166 = tpu.memref_slice %arg4[%dma_wait3A_164, %dma_wait3A_165] : memref<10000x16xf32, #tpu.memory_space<hbm>> -> memref<10000x16xf32, #tpu.memory_space<hbm>>
      tpu.wait_indirect_dma semaphore(%arg16 : memref<!tpu.dma_semaphore, #tpu.memory_space<semaphore_mem>>) src(%dma_wait3A_166 : memref<10000x16xf32, #tpu.memory_space<hbm>>) dst(%arg11 : memref<1000x16xf32, #tpu.memory_space<vmem>>)
      %dma_start3A_167 = arith.constant 0 : i32
      %dma_start3A_168 = tpu.memref_slice %arg8[%add3A_153, %dma_start3A_167] : memref<10x1000xi32, #tpu.memory_space<vmem>> -> memref<1x1000xi32, #tpu.memory_space<vmem>>
      %dma_start3A_169 = tpu.memref_squeeze %dma_start3A_168 : memref<1x1000xi32, #tpu.memory_space<vmem>> -> memref<1000xi32, #tpu.memory_space<vmem>>
      %dma_start3A_170 = arith.constant 0 : i32
      %dma_start3A_171 = arith.constant 0 : i32
      %dma_start3A_172 = tpu.memref_slice %arg13[%dma_start3A_170, %dma_start3A_171] : memref<10000x16xf32, #tpu.memory_space<vmem_shared>> -> memref<10000x16xf32, #tpu.memory_space<vmem_shared>>
      tpu.enqueue_indirect_dma source(%arg11 : memref<1000x16xf32, #tpu.memory_space<vmem>>) target(%dma_start3A_172 : memref<10000x16xf32, #tpu.memory_space<vmem_shared>>) offsets(%dma_start3A_169 : memref<1000xi32, #tpu.memory_space<vmem>>) semaphore(%arg20 : memref<!tpu.dma_semaphore, #tpu.memory_space<semaphore_mem>>) {add = true}
      %add3A_173 = arith.constant 3 : i32
      %add3A_174 = arith.addi %mul3A_109, %add3A_173 : i32
      %add3A_175 = arith.constant 2 : i32
      %add3A_176 = arith.addi %add3A_174, %add3A_175 : i32
      %lt3A_177 = arith.constant 10 : i32
      %lt3A_178 = arith.cmpi slt, %add3A_176, %lt3A_177 : i32
      %convert_element_type3A_179 = arith.extui %lt3A_178 : i1 to i32
      %cond3A_180 = arith.constant 0 : i32
      %cond3A_181 = arith.cmpi ne, %convert_element_type3A_179, %cond3A_180 : i32
      scf.if %cond3A_181 {
        %ge3A = arith.constant 2 : i32
        %ge3A_194 = arith.cmpi sge, %add3A_174, %ge3A : i32
        %convert_element_type3A_195 = arith.extui %ge3A_194 : i1 to i32
        %cond3A_196 = arith.constant 0 : i32
        %cond3A_197 = arith.cmpi ne, %convert_element_type3A_195, %cond3A_196 : i32
        scf.if %cond3A_197 {
          %dma_wait3A_206 = arith.constant 0 : i32
          %dma_wait3A_207 = arith.constant 0 : i32
          %dma_wait3A_208 = tpu.memref_slice %arg8[%dma_wait3A_206, %dma_wait3A_207] : memref<10x1000xi32, #tpu.memory_space<vmem>> -> memref<1x1000xi32, #tpu.memory_space<vmem>>
          %dma_wait3A_209 = tpu.memref_squeeze %dma_wait3A_208 : memref<1x1000xi32, #tpu.memory_space<vmem>> -> memref<1000xi32, #tpu.memory_space<vmem>>
          %dma_wait3A_210 = arith.constant 0 : i32
          %dma_wait3A_211 = arith.constant 0 : i32
          %dma_wait3A_212 = tpu.memref_slice %arg13[%dma_wait3A_210, %dma_wait3A_211] : memref<10000x16xf32, #tpu.memory_space<vmem_shared>> -> memref<10000x16xf32, #tpu.memory_space<vmem_shared>>
          tpu.wait_indirect_dma semaphore(%arg19 : memref<!tpu.dma_semaphore, #tpu.memory_space<semaphore_mem>>) src(%arg10 : memref<1000x16xf32, #tpu.memory_space<vmem>>) dst(%dma_wait3A_212 : memref<10000x16xf32, #tpu.memory_space<vmem_shared>>)
        } else {
        }
        %add3A_198 = arith.constant 2 : i32
        %add3A_199 = arith.addi %add3A_174, %add3A_198 : i32
        %dma_start3A_200 = arith.constant 0 : i32
        %dma_start3A_201 = tpu.memref_slice %arg7[%add3A_199, %dma_start3A_200] : memref<10x1000xi32, #tpu.memory_space<vmem>> -> memref<1x1000xi32, #tpu.memory_space<vmem>>
        %dma_start3A_202 = tpu.memref_squeeze %dma_start3A_201 : memref<1x1000xi32, #tpu.memory_space<vmem>> -> memref<1000xi32, #tpu.memory_space<vmem>>
        %dma_start3A_203 = arith.constant 0 : i32
        %dma_start3A_204 = arith.constant 0 : i32
        %dma_start3A_205 = tpu.memref_slice %arg4[%dma_start3A_203, %dma_start3A_204] : memref<10000x16xf32, #tpu.memory_space<hbm>> -> memref<10000x16xf32, #tpu.memory_space<hbm>>
        tpu.enqueue_indirect_dma source(%dma_start3A_205 : memref<10000x16xf32, #tpu.memory_space<hbm>>) target(%arg10 : memref<1000x16xf32, #tpu.memory_space<vmem>>) offsets(%dma_start3A_202 : memref<1000xi32, #tpu.memory_space<vmem>>) semaphore(%arg15 : memref<!tpu.dma_semaphore, #tpu.memory_space<semaphore_mem>>)
      } else {
      }
      %dma_wait3A_182 = arith.constant 0 : i32
      %dma_wait3A_183 = tpu.memref_slice %arg7[%add3A_174, %dma_wait3A_182] : memref<10x1000xi32, #tpu.memory_space<vmem>> -> memref<1x1000xi32, #tpu.memory_space<vmem>>
      %dma_wait3A_184 = tpu.memref_squeeze %dma_wait3A_183 : memref<1x1000xi32, #tpu.memory_space<vmem>> -> memref<1000xi32, #tpu.memory_space<vmem>>
      %dma_wait3A_185 = arith.constant 0 : i32
      %dma_wait3A_186 = arith.constant 0 : i32
      %dma_wait3A_187 = tpu.memref_slice %arg4[%dma_wait3A_185, %dma_wait3A_186] : memref<10000x16xf32, #tpu.memory_space<hbm>> -> memref<10000x16xf32, #tpu.memory_space<hbm>>
      tpu.wait_indirect_dma semaphore(%arg17 : memref<!tpu.dma_semaphore, #tpu.memory_space<semaphore_mem>>) src(%dma_wait3A_187 : memref<10000x16xf32, #tpu.memory_space<hbm>>) dst(%arg12 : memref<1000x16xf32, #tpu.memory_space<vmem>>)
      %dma_start3A_188 = arith.constant 0 : i32
      %dma_start3A_189 = tpu.memref_slice %arg8[%add3A_174, %dma_start3A_188] : memref<10x1000xi32, #tpu.memory_space<vmem>> -> memref<1x1000xi32, #tpu.memory_space<vmem>>
      %dma_start3A_190 = tpu.memref_squeeze %dma_start3A_189 : memref<1x1000xi32, #tpu.memory_space<vmem>> -> memref<1000xi32, #tpu.memory_space<vmem>>
      %dma_start3A_191 = arith.constant 0 : i32
      %dma_start3A_192 = arith.constant 0 : i32
      %dma_start3A_193 = tpu.memref_slice %arg13[%dma_start3A_191, %dma_start3A_192] : memref<10000x16xf32, #tpu.memory_space<vmem_shared>> -> memref<10000x16xf32, #tpu.memory_space<vmem_shared>>
      tpu.enqueue_indirect_dma source(%arg12 : memref<1000x16xf32, #tpu.memory_space<vmem>>) target(%dma_start3A_193 : memref<10000x16xf32, #tpu.memory_space<vmem_shared>>) offsets(%dma_start3A_190 : memref<1000xi32, #tpu.memory_space<vmem>>) semaphore(%arg21 : memref<!tpu.dma_semaphore, #tpu.memory_space<semaphore_mem>>) {add = true}
    }
    %scan3A_24 = arith.constant 2 : i32
    %add3A_25 = arith.constant 8 : i32
    %add3A_26 = arith.constant 2 : i32
    %add3A_27 = arith.addi %add3A_25, %add3A_26 : i32
    %lt3A = arith.constant 10 : i32
    %lt3A_28 = arith.cmpi slt, %add3A_27, %lt3A : i32
    %convert_element_type3A_29 = arith.extui %lt3A_28 : i1 to i32
    %cond3A_30 = arith.constant 8 : i32
    %cond3A_31 = arith.constant 0 : i32
    %cond3A_32 = arith.cmpi ne, %convert_element_type3A_29, %cond3A_31 : i32
    scf.if %cond3A_32 {
      %ge3A = arith.constant 2 : i32
      %ge3A_107 = arith.cmpi sge, %cond3A_30, %ge3A : i32
      %convert_element_type3A_108 = arith.extui %ge3A_107 : i1 to i32
      %cond3A_109 = arith.constant 0 : i32
      %cond3A_110 = arith.cmpi ne, %convert_element_type3A_108, %cond3A_109 : i32
      scf.if %cond3A_110 {
        %dma_wait3A_119 = arith.constant 0 : i32
        %dma_wait3A_120 = arith.constant 0 : i32
        %dma_wait3A_121 = tpu.memref_slice %arg8[%dma_wait3A_119, %dma_wait3A_120] : memref<10x1000xi32, #tpu.memory_space<vmem>> -> memref<1x1000xi32, #tpu.memory_space<vmem>>
        %dma_wait3A_122 = tpu.memref_squeeze %dma_wait3A_121 : memref<1x1000xi32, #tpu.memory_space<vmem>> -> memref<1000xi32, #tpu.memory_space<vmem>>
        %dma_wait3A_123 = arith.constant 0 : i32
        %dma_wait3A_124 = arith.constant 0 : i32
        %dma_wait3A_125 = tpu.memref_slice %arg13[%dma_wait3A_123, %dma_wait3A_124] : memref<10000x16xf32, #tpu.memory_space<vmem_shared>> -> memref<10000x16xf32, #tpu.memory_space<vmem_shared>>
        tpu.wait_indirect_dma semaphore(%arg20 : memref<!tpu.dma_semaphore, #tpu.memory_space<semaphore_mem>>) src(%arg11 : memref<1000x16xf32, #tpu.memory_space<vmem>>) dst(%dma_wait3A_125 : memref<10000x16xf32, #tpu.memory_space<vmem_shared>>)
      } else {
      }
      %add3A_111 = arith.constant 2 : i32
      %add3A_112 = arith.addi %cond3A_30, %add3A_111 : i32
      %dma_start3A_113 = arith.constant 0 : i32
      %dma_start3A_114 = tpu.memref_slice %arg7[%add3A_112, %dma_start3A_113] : memref<10x1000xi32, #tpu.memory_space<vmem>> -> memref<1x1000xi32, #tpu.memory_space<vmem>>
      %dma_start3A_115 = tpu.memref_squeeze %dma_start3A_114 : memref<1x1000xi32, #tpu.memory_space<vmem>> -> memref<1000xi32, #tpu.memory_space<vmem>>
      %dma_start3A_116 = arith.constant 0 : i32
      %dma_start3A_117 = arith.constant 0 : i32
      %dma_start3A_118 = tpu.memref_slice %arg4[%dma_start3A_116, %dma_start3A_117] : memref<10000x16xf32, #tpu.memory_space<hbm>> -> memref<10000x16xf32, #tpu.memory_space<hbm>>
      tpu.enqueue_indirect_dma source(%dma_start3A_118 : memref<10000x16xf32, #tpu.memory_space<hbm>>) target(%arg11 : memref<1000x16xf32, #tpu.memory_space<vmem>>) offsets(%dma_start3A_115 : memref<1000xi32, #tpu.memory_space<vmem>>) semaphore(%arg16 : memref<!tpu.dma_semaphore, #tpu.memory_space<semaphore_mem>>)
    } else {
    }
    %dma_wait3A = arith.constant 8 : i32
    %dma_wait3A_33 = arith.constant 0 : i32
    %dma_wait3A_34 = tpu.memref_slice %arg7[%dma_wait3A, %dma_wait3A_33] : memref<10x1000xi32, #tpu.memory_space<vmem>> -> memref<1x1000xi32, #tpu.memory_space<vmem>>
    %dma_wait3A_35 = tpu.memref_squeeze %dma_wait3A_34 : memref<1x1000xi32, #tpu.memory_space<vmem>> -> memref<1000xi32, #tpu.memory_space<vmem>>
    %dma_wait3A_36 = arith.constant 0 : i32
    %dma_wait3A_37 = arith.constant 0 : i32
    %dma_wait3A_38 = tpu.memref_slice %arg4[%dma_wait3A_36, %dma_wait3A_37] : memref<10000x16xf32, #tpu.memory_space<hbm>> -> memref<10000x16xf32, #tpu.memory_space<hbm>>
    tpu.wait_indirect_dma semaphore(%arg14 : memref<!tpu.dma_semaphore, #tpu.memory_space<semaphore_mem>>) src(%dma_wait3A_38 : memref<10000x16xf32, #tpu.memory_space<hbm>>) dst(%arg9 : memref<1000x16xf32, #tpu.memory_space<vmem>>)
    %dma_start3A_39 = arith.constant 8 : i32
    %dma_start3A_40 = arith.constant 0 : i32
    %dma_start3A_41 = tpu.memref_slice %arg8[%dma_start3A_39, %dma_start3A_40] : memref<10x1000xi32, #tpu.memory_space<vmem>> -> memref<1x1000xi32, #tpu.memory_space<vmem>>
    %dma_start3A_42 = tpu.memref_squeeze %dma_start3A_41 : memref<1x1000xi32, #tpu.memory_space<vmem>> -> memref<1000xi32, #tpu.memory_space<vmem>>
    %dma_start3A_43 = arith.constant 0 : i32
    %dma_start3A_44 = arith.constant 0 : i32
    %dma_start3A_45 = tpu.memref_slice %arg13[%dma_start3A_43, %dma_start3A_44] : memref<10000x16xf32, #tpu.memory_space<vmem_shared>> -> memref<10000x16xf32, #tpu.memory_space<vmem_shared>>
    tpu.enqueue_indirect_dma source(%arg9 : memref<1000x16xf32, #tpu.memory_space<vmem>>) target(%dma_start3A_45 : memref<10000x16xf32, #tpu.memory_space<vmem_shared>>) offsets(%dma_start3A_42 : memref<1000xi32, #tpu.memory_space<vmem>>) semaphore(%arg18 : memref<!tpu.dma_semaphore, #tpu.memory_space<semaphore_mem>>) {add = true}
    %add3A_46 = arith.constant 9 : i32
    %add3A_47 = arith.constant 2 : i32
    %add3A_48 = arith.addi %add3A_46, %add3A_47 : i32
    %lt3A_49 = arith.constant 10 : i32
    %lt3A_50 = arith.cmpi slt, %add3A_48, %lt3A_49 : i32
    %convert_element_type3A_51 = arith.extui %lt3A_50 : i1 to i32
    %cond3A_52 = arith.constant 9 : i32
    %cond3A_53 = arith.constant 0 : i32
    %cond3A_54 = arith.cmpi ne, %convert_element_type3A_51, %cond3A_53 : i32
    scf.if %cond3A_54 {
      %ge3A = arith.constant 2 : i32
      %ge3A_107 = arith.cmpi sge, %cond3A_52, %ge3A : i32
      %convert_element_type3A_108 = arith.extui %ge3A_107 : i1 to i32
      %cond3A_109 = arith.constant 0 : i32
      %cond3A_110 = arith.cmpi ne, %convert_element_type3A_108, %cond3A_109 : i32
      scf.if %cond3A_110 {
        %dma_wait3A_119 = arith.constant 0 : i32
        %dma_wait3A_120 = arith.constant 0 : i32
        %dma_wait3A_121 = tpu.memref_slice %arg8[%dma_wait3A_119, %dma_wait3A_120] : memref<10x1000xi32, #tpu.memory_space<vmem>> -> memref<1x1000xi32, #tpu.memory_space<vmem>>
        %dma_wait3A_122 = tpu.memref_squeeze %dma_wait3A_121 : memref<1x1000xi32, #tpu.memory_space<vmem>> -> memref<1000xi32, #tpu.memory_space<vmem>>
        %dma_wait3A_123 = arith.constant 0 : i32
        %dma_wait3A_124 = arith.constant 0 : i32
        %dma_wait3A_125 = tpu.memref_slice %arg13[%dma_wait3A_123, %dma_wait3A_124] : memref<10000x16xf32, #tpu.memory_space<vmem_shared>> -> memref<10000x16xf32, #tpu.memory_space<vmem_shared>>
        tpu.wait_indirect_dma semaphore(%arg21 : memref<!tpu.dma_semaphore, #tpu.memory_space<semaphore_mem>>) src(%arg12 : memref<1000x16xf32, #tpu.memory_space<vmem>>) dst(%dma_wait3A_125 : memref<10000x16xf32, #tpu.memory_space<vmem_shared>>)
      } else {
      }
      %add3A_111 = arith.constant 2 : i32
      %add3A_112 = arith.addi %cond3A_52, %add3A_111 : i32
      %dma_start3A_113 = arith.constant 0 : i32
      %dma_start3A_114 = tpu.memref_slice %arg7[%add3A_112, %dma_start3A_113] : memref<10x1000xi32, #tpu.memory_space<vmem>> -> memref<1x1000xi32, #tpu.memory_space<vmem>>
      %dma_start3A_115 = tpu.memref_squeeze %dma_start3A_114 : memref<1x1000xi32, #tpu.memory_space<vmem>> -> memref<1000xi32, #tpu.memory_space<vmem>>
      %dma_start3A_116 = arith.constant 0 : i32
      %dma_start3A_117 = arith.constant 0 : i32
      %dma_start3A_118 = tpu.memref_slice %arg4[%dma_start3A_116, %dma_start3A_117] : memref<10000x16xf32, #tpu.memory_space<hbm>> -> memref<10000x16xf32, #tpu.memory_space<hbm>>
      tpu.enqueue_indirect_dma source(%dma_start3A_118 : memref<10000x16xf32, #tpu.memory_space<hbm>>) target(%arg12 : memref<1000x16xf32, #tpu.memory_space<vmem>>) offsets(%dma_start3A_115 : memref<1000xi32, #tpu.memory_space<vmem>>) semaphore(%arg17 : memref<!tpu.dma_semaphore, #tpu.memory_space<semaphore_mem>>)
    } else {
    }
    %dma_wait3A_55 = arith.constant 9 : i32
    %dma_wait3A_56 = arith.constant 0 : i32
    %dma_wait3A_57 = tpu.memref_slice %arg7[%dma_wait3A_55, %dma_wait3A_56] : memref<10x1000xi32, #tpu.memory_space<vmem>> -> memref<1x1000xi32, #tpu.memory_space<vmem>>
    %dma_wait3A_58 = tpu.memref_squeeze %dma_wait3A_57 : memref<1x1000xi32, #tpu.memory_space<vmem>> -> memref<1000xi32, #tpu.memory_space<vmem>>
    %dma_wait3A_59 = arith.constant 0 : i32
    %dma_wait3A_60 = arith.constant 0 : i32
    %dma_wait3A_61 = tpu.memref_slice %arg4[%dma_wait3A_59, %dma_wait3A_60] : memref<10000x16xf32, #tpu.memory_space<hbm>> -> memref<10000x16xf32, #tpu.memory_space<hbm>>
    tpu.wait_indirect_dma semaphore(%arg15 : memref<!tpu.dma_semaphore, #tpu.memory_space<semaphore_mem>>) src(%dma_wait3A_61 : memref<10000x16xf32, #tpu.memory_space<hbm>>) dst(%arg10 : memref<1000x16xf32, #tpu.memory_space<vmem>>)
    %dma_start3A_62 = arith.constant 9 : i32
    %dma_start3A_63 = arith.constant 0 : i32
    %dma_start3A_64 = tpu.memref_slice %arg8[%dma_start3A_62, %dma_start3A_63] : memref<10x1000xi32, #tpu.memory_space<vmem>> -> memref<1x1000xi32, #tpu.memory_space<vmem>>
    %dma_start3A_65 = tpu.memref_squeeze %dma_start3A_64 : memref<1x1000xi32, #tpu.memory_space<vmem>> -> memref<1000xi32, #tpu.memory_space<vmem>>
    %dma_start3A_66 = arith.constant 0 : i32
    %dma_start3A_67 = arith.constant 0 : i32
    %dma_start3A_68 = tpu.memref_slice %arg13[%dma_start3A_66, %dma_start3A_67] : memref<10000x16xf32, #tpu.memory_space<vmem_shared>> -> memref<10000x16xf32, #tpu.memory_space<vmem_shared>>
    tpu.enqueue_indirect_dma source(%arg10 : memref<1000x16xf32, #tpu.memory_space<vmem>>) target(%dma_start3A_68 : memref<10000x16xf32, #tpu.memory_space<vmem_shared>>) offsets(%dma_start3A_65 : memref<1000xi32, #tpu.memory_space<vmem>>) semaphore(%arg19 : memref<!tpu.dma_semaphore, #tpu.memory_space<semaphore_mem>>) {add = true}
    %dma_wait3A_69 = arith.constant 0 : i32
    %dma_wait3A_70 = arith.constant 0 : i32
    %dma_wait3A_71 = tpu.memref_slice %arg8[%dma_wait3A_69, %dma_wait3A_70] : memref<10x1000xi32, #tpu.memory_space<vmem>> -> memref<1x1000xi32, #tpu.memory_space<vmem>>
    %dma_wait3A_72 = tpu.memref_squeeze %dma_wait3A_71 : memref<1x1000xi32, #tpu.memory_space<vmem>> -> memref<1000xi32, #tpu.memory_space<vmem>>
    %dma_wait3A_73 = arith.constant 0 : i32
    %dma_wait3A_74 = arith.constant 0 : i32
    %dma_wait3A_75 = tpu.memref_slice %arg13[%dma_wait3A_73, %dma_wait3A_74] : memref<10000x16xf32, #tpu.memory_space<vmem_shared>> -> memref<10000x16xf32, #tpu.memory_space<vmem_shared>>
    tpu.wait_indirect_dma semaphore(%arg20 : memref<!tpu.dma_semaphore, #tpu.memory_space<semaphore_mem>>) src(%arg11 : memref<1000x16xf32, #tpu.memory_space<vmem>>) dst(%dma_wait3A_75 : memref<10000x16xf32, #tpu.memory_space<vmem_shared>>)
    %dma_wait3A_76 = arith.constant 0 : i32
    %dma_wait3A_77 = arith.constant 0 : i32
    %dma_wait3A_78 = tpu.memref_slice %arg8[%dma_wait3A_76, %dma_wait3A_77] : memref<10x1000xi32, #tpu.memory_space<vmem>> -> memref<1x1000xi32, #tpu.memory_space<vmem>>
    %dma_wait3A_79 = tpu.memref_squeeze %dma_wait3A_78 : memref<1x1000xi32, #tpu.memory_space<vmem>> -> memref<1000xi32, #tpu.memory_space<vmem>>
    %dma_wait3A_80 = arith.constant 0 : i32
    %dma_wait3A_81 = arith.constant 0 : i32
    %dma_wait3A_82 = tpu.memref_slice %arg13[%dma_wait3A_80, %dma_wait3A_81] : memref<10000x16xf32, #tpu.memory_space<vmem_shared>> -> memref<10000x16xf32, #tpu.memory_space<vmem_shared>>
    tpu.wait_indirect_dma semaphore(%arg21 : memref<!tpu.dma_semaphore, #tpu.memory_space<semaphore_mem>>) src(%arg12 : memref<1000x16xf32, #tpu.memory_space<vmem>>) dst(%dma_wait3A_82 : memref<10000x16xf32, #tpu.memory_space<vmem_shared>>)
    %dma_wait3A_83 = arith.constant 0 : i32
    %dma_wait3A_84 = arith.constant 0 : i32
    %dma_wait3A_85 = tpu.memref_slice %arg8[%dma_wait3A_83, %dma_wait3A_84] : memref<10x1000xi32, #tpu.memory_space<vmem>> -> memref<1x1000xi32, #tpu.memory_space<vmem>>
    %dma_wait3A_86 = tpu.memref_squeeze %dma_wait3A_85 : memref<1x1000xi32, #tpu.memory_space<vmem>> -> memref<1000xi32, #tpu.memory_space<vmem>>
    %dma_wait3A_87 = arith.constant 0 : i32
    %dma_wait3A_88 = arith.constant 0 : i32
    %dma_wait3A_89 = tpu.memref_slice %arg13[%dma_wait3A_87, %dma_wait3A_88] : memref<10000x16xf32, #tpu.memory_space<vmem_shared>> -> memref<10000x16xf32, #tpu.memory_space<vmem_shared>>
    tpu.wait_indirect_dma semaphore(%arg18 : memref<!tpu.dma_semaphore, #tpu.memory_space<semaphore_mem>>) src(%arg9 : memref<1000x16xf32, #tpu.memory_space<vmem>>) dst(%dma_wait3A_89 : memref<10000x16xf32, #tpu.memory_space<vmem_shared>>)
    %dma_wait3A_90 = arith.constant 0 : i32
    %dma_wait3A_91 = arith.constant 0 : i32
    %dma_wait3A_92 = tpu.memref_slice %arg8[%dma_wait3A_90, %dma_wait3A_91] : memref<10x1000xi32, #tpu.memory_space<vmem>> -> memref<1x1000xi32, #tpu.memory_space<vmem>>
    %dma_wait3A_93 = tpu.memref_squeeze %dma_wait3A_92 : memref<1x1000xi32, #tpu.memory_space<vmem>> -> memref<1000xi32, #tpu.memory_space<vmem>>
    %dma_wait3A_94 = arith.constant 0 : i32
    %dma_wait3A_95 = arith.constant 0 : i32
    %dma_wait3A_96 = tpu.memref_slice %arg13[%dma_wait3A_94, %dma_wait3A_95] : memref<10000x16xf32, #tpu.memory_space<vmem_shared>> -> memref<10000x16xf32, #tpu.memory_space<vmem_shared>>
    tpu.wait_indirect_dma semaphore(%arg19 : memref<!tpu.dma_semaphore, #tpu.memory_space<semaphore_mem>>) src(%arg10 : memref<1000x16xf32, #tpu.memory_space<vmem>>) dst(%dma_wait3A_96 : memref<10000x16xf32, #tpu.memory_space<vmem_shared>>)
    %barrier3A_97 = arith.constant 0 : index
    tpu.barrier barrier_id(%barrier3A_97)
    %mul3A_98 = arith.constant 624 : i32
    %mul3A_99 = arith.muli %arg1, %mul3A_98 : i32
    %mul3A_100 = arith.constant 624 : i32
    %mul3A_101 = arith.muli %arg1, %mul3A_100 : i32
    "tpu.region"() ({
      %run_scoped3A = tpu.sem_alloc : memref<!tpu.dma_semaphore, #tpu.memory_space<semaphore_mem>>
      %dma_start3A_107 = arith.constant 0 : i32
      %dma_start3A_108 = tpu.memref_slice %arg6[%arg0, %mul3A_101, %dma_start3A_107] : memref<2x10000x16xf32, #tpu.memory_space<hbm>> -> memref<1x624x16xf32, #tpu.memory_space<hbm>>
      %dma_start3A_109 = tpu.memref_squeeze %dma_start3A_108 : memref<1x624x16xf32, #tpu.memory_space<hbm>> -> memref<624x16xf32, #tpu.memory_space<hbm>>
      %dma_start3A_110 = arith.constant 0 : i32
      %dma_start3A_111 = tpu.memref_slice %arg13[%mul3A_99, %dma_start3A_110] : memref<10000x16xf32, #tpu.memory_space<vmem_shared>> -> memref<624x16xf32, #tpu.memory_space<vmem_shared>>
      tpu.enqueue_dma source(%dma_start3A_111 : memref<624x16xf32, #tpu.memory_space<vmem_shared>>) target(%dma_start3A_109 : memref<624x16xf32, #tpu.memory_space<hbm>>) target_semaphore(%run_scoped3A : memref<!tpu.dma_semaphore, #tpu.memory_space<semaphore_mem>>)
      %dma_wait3A_112 = arith.constant 0 : i32
      %dma_wait3A_113 = tpu.memref_slice %arg6[%arg0, %mul3A_101, %dma_wait3A_112] : memref<2x10000x16xf32, #tpu.memory_space<hbm>> -> memref<1x624x16xf32, #tpu.memory_space<hbm>>
      %dma_wait3A_114 = tpu.memref_squeeze %dma_wait3A_113 : memref<1x624x16xf32, #tpu.memory_space<hbm>> -> memref<624x16xf32, #tpu.memory_space<hbm>>
      %dma_wait3A_115 = arith.constant 0 : i32
      %dma_wait3A_116 = tpu.memref_slice %arg13[%mul3A_99, %dma_wait3A_115] : memref<10000x16xf32, #tpu.memory_space<vmem_shared>> -> memref<624x16xf32, #tpu.memory_space<vmem_shared>>
      tpu.wait_dma2 semaphore(%run_scoped3A : memref<!tpu.dma_semaphore, #tpu.memory_space<semaphore_mem>>) src(%dma_wait3A_116 : memref<624x16xf32, #tpu.memory_space<vmem_shared>>) dst(%dma_wait3A_114 : memref<624x16xf32, #tpu.memory_space<hbm>>)
      tpu.yield
    }) : () -> ()
    %eq3A_102 = arith.constant 0 : i32
    %eq3A_103 = arith.cmpi eq, %arg1, %eq3A_102 : i32
    %convert_element_type3A_104 = arith.extui %eq3A_103 : i1 to i32
    %cond3A_105 = arith.constant 0 : i32
    %cond3A_106 = arith.cmpi ne, %convert_element_type3A_104, %cond3A_105 : i32
    scf.if %cond3A_106 {
      "tpu.region"() ({
        %run_scoped3A = tpu.sem_alloc : memref<!tpu.dma_semaphore, #tpu.memory_space<semaphore_mem>>
        %dma_start3A_107 = arith.constant 9984 : i32
        %dma_start3A_108 = arith.constant 0 : i32
        %dma_start3A_109 = tpu.memref_slice %arg6[%arg0, %dma_start3A_107, %dma_start3A_108] : memref<2x10000x16xf32, #tpu.memory_space<hbm>> -> memref<1x16x16xf32, #tpu.memory_space<hbm>>
        %dma_start3A_110 = tpu.memref_squeeze %dma_start3A_109 : memref<1x16x16xf32, #tpu.memory_space<hbm>> -> memref<16x16xf32, #tpu.memory_space<hbm>>
        %dma_start3A_111 = arith.constant 9984 : i32
        %dma_start3A_112 = arith.constant 0 : i32
        %dma_start3A_113 = tpu.memref_slice %arg13[%dma_start3A_111, %dma_start3A_112] : memref<10000x16xf32, #tpu.memory_space<vmem_shared>> -> memref<16x16xf32, #tpu.memory_space<vmem_shared>>
        tpu.enqueue_dma source(%dma_start3A_113 : memref<16x16xf32, #tpu.memory_space<vmem_shared>>) target(%dma_start3A_110 : memref<16x16xf32, #tpu.memory_space<hbm>>) target_semaphore(%run_scoped3A : memref<!tpu.dma_semaphore, #tpu.memory_space<semaphore_mem>>)
        %dma_wait3A_114 = arith.constant 9984 : i32
        %dma_wait3A_115 = arith.constant 0 : i32
        %dma_wait3A_116 = tpu.memref_slice %arg6[%arg0, %dma_wait3A_114, %dma_wait3A_115] : memref<2x10000x16xf32, #tpu.memory_space<hbm>> -> memref<1x16x16xf32, #tpu.memory_space<hbm>>
        %dma_wait3A_117 = tpu.memref_squeeze %dma_wait3A_116 : memref<1x16x16xf32, #tpu.memory_space<hbm>> -> memref<16x16xf32, #tpu.memory_space<hbm>>
        %dma_wait3A_118 = arith.constant 9984 : i32
        %dma_wait3A_119 = arith.constant 0 : i32
        %dma_wait3A_120 = tpu.memref_slice %arg13[%dma_wait3A_118, %dma_wait3A_119] : memref<10000x16xf32, #tpu.memory_space<vmem_shared>> -> memref<16x16xf32, #tpu.memory_space<vmem_shared>>
        tpu.wait_dma2 semaphore(%run_scoped3A : memref<!tpu.dma_semaphore, #tpu.memory_space<semaphore_mem>>) src(%dma_wait3A_120 : memref<16x16xf32, #tpu.memory_space<vmem_shared>>) dst(%dma_wait3A_117 : memref<16x16xf32, #tpu.memory_space<hbm>>)
        tpu.yield
      }) : () -> ()
    } else {
    }
    return
  }
}

module attributes {stable_mosaic.version = 14 : i64} {
  func.func @_proj_body(%arg0: i32, %arg1: memref<2000x128xf32, #tpu.memory_space<vmem>>, %arg2: memref<16x128xf32, #tpu.memory_space<vmem>>, %arg3: memref<2000x16xf32, #tpu.memory_space<vmem>>) attributes {dimension_semantics = [#tpu.dimension_semantics<arbitrary>], iteration_bounds = array<i64: 5>, scalar_prefetch = 0 : i64, scratch_operands = 0 : i64, tpu.core_type = #tpu.core_type<tc>, window_params = [{transform_indices = @transform_0, window_bounds = array<i64: 2000, 128>}, {pipeline_mode = #tpu.pipeline_mode<synchronous>, transform_indices = @transform_1, window_bounds = array<i64: 16, 128>}, {transform_indices = @transform_2, window_bounds = array<i64: 2000, 16>}]} {
    %get3A = arith.constant 0 : index
    %get3A_0 = arith.constant 0 : index
    %get3A_1 = vector.load %arg1[%get3A, %get3A_0] : memref<2000x128xf32, #tpu.memory_space<vmem>>, vector<2000x128xf32>
    %get3A_2 = arith.constant 0 : index
    %get3A_3 = arith.constant 0 : index
    %get3A_4 = vector.load %arg2[%get3A_2, %get3A_3] : memref<16x128xf32, #tpu.memory_space<vmem>>, vector<16x128xf32>
    %dot_general3A = arith.constant dense<0.000000e+00> : vector<2000x16xf32>
    %dot_general3A_5 = tpu.matmul %get3A_1, %get3A_4, %dot_general3A {dimension_numbers = #tpu.dot_dimension_numbers<[1], [1], [0], [0], [0, 0, 1, 0], [], []>, transpose_lhs_hint = false} : vector<2000x128xf32>, vector<16x128xf32>, vector<2000x16xf32> -> vector<2000x16xf32>
    %swap3A = arith.constant 0 : index
    %swap3A_6 = arith.constant 0 : index
    %swap3A_7 = vector.load %arg3[%swap3A, %swap3A_6] : memref<2000x16xf32, #tpu.memory_space<vmem>>, vector<2000x16xf32>
    tpu.vector_store %arg3[%swap3A, %swap3A_6], %dot_general3A_5 {strides = array<i32>} : memref<2000x16xf32, #tpu.memory_space<vmem>>, vector<2000x16xf32>,
    return
  }
  func.func @transform_0(%arg0: i32) -> (i32, i32) {
    %c0_i32 = arith.constant 0 : i32
    %c0_i32_0 = arith.constant 0 : i32
    return %arg0, %c0_i32 : i32, i32
  }
  func.func @transform_1(%arg0: i32) -> (i32, i32) {
    %c0_i32 = arith.constant 0 : i32
    %c0_i32_0 = arith.constant 0 : i32
    %c0_i32_1 = arith.constant 0 : i32
    return %c0_i32, %c0_i32_0 : i32, i32
  }
  func.func @transform_2(%arg0: i32) -> (i32, i32) {
    %c0_i32 = arith.constant 0 : i32
    %c0_i32_0 = arith.constant 0 : i32
    return %arg0, %c0_i32 : i32, i32
  }
}

module attributes {stable_mosaic.version = 14 : i64} {
  func.func @_root_body(%arg0: i32, %arg1: memref<2000x128xf32, #tpu.memory_space<vmem>>, %arg2: memref<16x128xf32, #tpu.memory_space<vmem>>, %arg3: memref<1x16xf32, #tpu.memory_space<vmem>>, %arg4: memref<2000x16xf32, #tpu.memory_space<vmem>>) attributes {dimension_semantics = [#tpu.dimension_semantics<arbitrary>], iteration_bounds = array<i64: 5>, scalar_prefetch = 0 : i64, scratch_operands = 0 : i64, tpu.core_type = #tpu.core_type<tc>, window_params = [{transform_indices = @transform_0, window_bounds = array<i64: 2000, 128>}, {pipeline_mode = #tpu.pipeline_mode<synchronous>, transform_indices = @transform_1, window_bounds = array<i64: 16, 128>}, {pipeline_mode = #tpu.pipeline_mode<synchronous>, transform_indices = @transform_2, window_bounds = array<i64: 1, 16>}, {transform_indices = @transform_3, window_bounds = array<i64: 2000, 16>}]} {
    %get3A = arith.constant 0 : index
    %get3A_0 = arith.constant 0 : index
    %get3A_1 = vector.load %arg1[%get3A, %get3A_0] : memref<2000x128xf32, #tpu.memory_space<vmem>>, vector<2000x128xf32>
    %get3A_2 = arith.constant 0 : index
    %get3A_3 = arith.constant 0 : index
    %get3A_4 = vector.load %arg2[%get3A_2, %get3A_3] : memref<16x128xf32, #tpu.memory_space<vmem>>, vector<16x128xf32>
    %dot_general3A = arith.constant dense<0.000000e+00> : vector<2000x16xf32>
    %dot_general3A_5 = tpu.matmul %get3A_1, %get3A_4, %dot_general3A {dimension_numbers = #tpu.dot_dimension_numbers<[1], [1], [0], [0], [0, 0, 1, 0], [], []>, transpose_lhs_hint = false} : vector<2000x128xf32>, vector<16x128xf32>, vector<2000x16xf32> -> vector<2000x16xf32>
    %get3A_6 = arith.constant 0 : index
    %get3A_7 = arith.constant 0 : index
    %get3A_8 = vector.load %arg3[%get3A_6, %get3A_7] : memref<1x16xf32, #tpu.memory_space<vmem>>, vector<1x16xf32>
    %add3A = vector.broadcast %get3A_8 : vector<1x16xf32> to vector<2000x16xf32>
    %add3A_9 = arith.addf %dot_general3A_5, %add3A : vector<2000x16xf32>
    %swap3A = arith.constant 0 : index
    %swap3A_10 = arith.constant 0 : index
    %swap3A_11 = vector.load %arg4[%swap3A, %swap3A_10] : memref<2000x16xf32, #tpu.memory_space<vmem>>, vector<2000x16xf32>
    tpu.vector_store %arg4[%swap3A, %swap3A_10], %add3A_9 {strides = array<i32>} : memref<2000x16xf32, #tpu.memory_space<vmem>>, vector<2000x16xf32>,
    return
  }
  func.func @transform_0(%arg0: i32) -> (i32, i32) {
    %c0_i32 = arith.constant 0 : i32
    %c0_i32_0 = arith.constant 0 : i32
    return %arg0, %c0_i32 : i32, i32
  }
  func.func @transform_1(%arg0: i32) -> (i32, i32) {
    %c0_i32 = arith.constant 0 : i32
    %c0_i32_0 = arith.constant 0 : i32
    %c0_i32_1 = arith.constant 0 : i32
    return %c0_i32, %c0_i32_0 : i32, i32
  }
  func.func @transform_2(%arg0: i32) -> (i32, i32) {
    %c0_i32 = arith.constant 0 : i32
    %c0_i32_0 = arith.constant 0 : i32
    %c0_i32_1 = arith.constant 0 : i32
    return %c0_i32, %c0_i32_0 : i32, i32
  }
  func.func @transform_3(%arg0: i32) -> (i32, i32) {
    %c0_i32 = arith.constant 0 : i32
    %c0_i32_0 = arith.constant 0 : i32
    return %arg0, %c0_i32 : i32, i32
  }
}

module attributes {stable_mosaic.version = 14 : i64} {
  func.func @_crit2_body(%arg0: i32, %arg1: memref<2x2000x16xf32, #tpu.memory_space<vmem>>, %arg2: memref<2000x16xf32, #tpu.memory_space<vmem>>, %arg3: memref<2000x16xf32, #tpu.memory_space<vmem>>) attributes {dimension_semantics = [#tpu.dimension_semantics<arbitrary>], iteration_bounds = array<i64: 5>, scalar_prefetch = 0 : i64, scratch_operands = 0 : i64, tpu.core_type = #tpu.core_type<tc>, window_params = [{transform_indices = @transform_0, window_bounds = array<i64: 2, 2000, 16>}, {transform_indices = @transform_1, window_bounds = array<i64: 2000, 16>}, {transform_indices = @transform_2, window_bounds = array<i64: 2000, 16>}]} {
    %get3A = arith.constant 0 : index
    %get3A_0 = arith.constant 0 : index
    %get3A_1 = arith.constant 0 : index
    %get3A_2 = vector.load %arg1[%get3A, %get3A_0, %get3A_1] : memref<2x2000x16xf32, #tpu.memory_space<vmem>>, vector<1x2000x16xf32>
    %get3A_3 = vector.shape_cast %get3A_2 : vector<1x2000x16xf32> to vector<2000x16xf32>
    %get3A_4 = arith.constant 1 : index
    %get3A_5 = arith.constant 0 : index
    %get3A_6 = arith.constant 0 : index
    %get3A_7 = vector.load %arg1[%get3A_4, %get3A_5, %get3A_6] : memref<2x2000x16xf32, #tpu.memory_space<vmem>>, vector<1x2000x16xf32>
    %get3A_8 = vector.shape_cast %get3A_7 : vector<1x2000x16xf32> to vector<2000x16xf32>
    %add3A = arith.addf %get3A_3, %get3A_8 : vector<2000x16xf32>
    %get3A_9 = arith.constant 0 : index
    %get3A_10 = arith.constant 0 : index
    %get3A_11 = vector.load %arg2[%get3A_9, %get3A_10] : memref<2000x16xf32, #tpu.memory_space<vmem>>, vector<2000x16xf32>
    %add3A_12 = arith.addf %add3A, %get3A_11 : vector<2000x16xf32>
    %max3A = arith.constant 0.000000e+00 : f32
    %max3A_13 = vector.broadcast %max3A : f32 to vector<2000x16xf32>
    %max3A_14 = arith.maximumf %add3A_12, %max3A_13 : vector<2000x16xf32>
    %swap3A = arith.constant 0 : index
    %swap3A_15 = arith.constant 0 : index
    %swap3A_16 = vector.load %arg3[%swap3A, %swap3A_15] : memref<2000x16xf32, #tpu.memory_space<vmem>>, vector<2000x16xf32>
    tpu.vector_store %arg3[%swap3A, %swap3A_15], %max3A_14 {strides = array<i32>} : memref<2000x16xf32, #tpu.memory_space<vmem>>, vector<2000x16xf32>,
    return
  }
  func.func @transform_0(%arg0: i32) -> (i32, i32, i32) {
    %c0_i32 = arith.constant 0 : i32
    %c0_i32_0 = arith.constant 0 : i32
    %c0_i32_1 = arith.constant 0 : i32
    return %c0_i32, %arg0, %c0_i32_0 : i32, i32, i32
  }
  func.func @transform_1(%arg0: i32) -> (i32, i32) {
    %c0_i32 = arith.constant 0 : i32
    %c0_i32_0 = arith.constant 0 : i32
    return %arg0, %c0_i32 : i32, i32
  }
  func.func @transform_2(%arg0: i32) -> (i32, i32) {
    %c0_i32 = arith.constant 0 : i32
    %c0_i32_0 = arith.constant 0 : i32
    return %arg0, %c0_i32 : i32, i32
  }
}

module attributes {stable_mosaic.version = 14 : i64} {
  func.func @_crit_body(%arg0: i32, %arg1: memref<2x2000x16xf32, #tpu.memory_space<vmem>>, %arg2: memref<2000x16xf32, #tpu.memory_space<vmem>>, %arg3: memref<32x16xf32, #tpu.memory_space<vmem>>, %arg4: memref<32x16xf32, #tpu.memory_space<vmem>>, %arg5: memref<1x32xf32, #tpu.memory_space<vmem>>, %arg6: memref<2000x32xf32, #tpu.memory_space<vmem>>) attributes {dimension_semantics = [#tpu.dimension_semantics<arbitrary>], iteration_bounds = array<i64: 5>, scalar_prefetch = 0 : i64, scratch_operands = 0 : i64, tpu.core_type = #tpu.core_type<tc>, window_params = [{transform_indices = @transform_0, window_bounds = array<i64: 2, 2000, 16>}, {transform_indices = @transform_1, window_bounds = array<i64: 2000, 16>}, {pipeline_mode = #tpu.pipeline_mode<synchronous>, transform_indices = @transform_2, window_bounds = array<i64: 32, 16>}, {pipeline_mode = #tpu.pipeline_mode<synchronous>, transform_indices = @transform_3, window_bounds = array<i64: 32, 16>}, {pipeline_mode = #tpu.pipeline_mode<synchronous>, transform_indices = @transform_4, window_bounds = array<i64: 1, 32>}, {transform_indices = @transform_5, window_bounds = array<i64: 2000, 32>}]} {
    %get3A = arith.constant 0 : index
    %get3A_0 = arith.constant 0 : index
    %get3A_1 = arith.constant 0 : index
    %get3A_2 = vector.load %arg1[%get3A, %get3A_0, %get3A_1] : memref<2x2000x16xf32, #tpu.memory_space<vmem>>, vector<1x2000x16xf32>
    %get3A_3 = vector.shape_cast %get3A_2 : vector<1x2000x16xf32> to vector<2000x16xf32>
    %get3A_4 = arith.constant 1 : index
    %get3A_5 = arith.constant 0 : index
    %get3A_6 = arith.constant 0 : index
    %get3A_7 = vector.load %arg1[%get3A_4, %get3A_5, %get3A_6] : memref<2x2000x16xf32, #tpu.memory_space<vmem>>, vector<1x2000x16xf32>
    %get3A_8 = vector.shape_cast %get3A_7 : vector<1x2000x16xf32> to vector<2000x16xf32>
    %add3A = arith.addf %get3A_3, %get3A_8 : vector<2000x16xf32>
    %get3A_9 = arith.constant 0 : index
    %get3A_10 = arith.constant 0 : index
    %get3A_11 = vector.load %arg3[%get3A_9, %get3A_10] : memref<32x16xf32, #tpu.memory_space<vmem>>, vector<32x16xf32>
    %dot_general3A = arith.constant dense<0.000000e+00> : vector<2000x32xf32>
    %dot_general3A_12 = tpu.matmul %add3A, %get3A_11, %dot_general3A {dimension_numbers = #tpu.dot_dimension_numbers<[1], [1], [0], [0], [0, 0, 1, 0], [], []>, transpose_lhs_hint = false} : vector<2000x16xf32>, vector<32x16xf32>, vector<2000x32xf32> -> vector<2000x32xf32>
    %get3A_13 = arith.constant 0 : index
    %get3A_14 = arith.constant 0 : index
    %get3A_15 = vector.load %arg2[%get3A_13, %get3A_14] : memref<2000x16xf32, #tpu.memory_space<vmem>>, vector<2000x16xf32>
    %get3A_16 = arith.constant 0 : index
    %get3A_17 = arith.constant 0 : index
    %get3A_18 = vector.load %arg4[%get3A_16, %get3A_17] : memref<32x16xf32, #tpu.memory_space<vmem>>, vector<32x16xf32>
    %dot_general3A_19 = arith.constant dense<0.000000e+00> : vector<2000x32xf32>
    %dot_general3A_20 = tpu.matmul %get3A_15, %get3A_18, %dot_general3A_19 {dimension_numbers = #tpu.dot_dimension_numbers<[1], [1], [0], [0], [0, 0, 1, 0], [], []>, transpose_lhs_hint = false} : vector<2000x16xf32>, vector<32x16xf32>, vector<2000x32xf32> -> vector<2000x32xf32>
    %add3A_21 = arith.addf %dot_general3A_12, %dot_general3A_20 : vector<2000x32xf32>
    %get3A_22 = arith.constant 0 : index
    %get3A_23 = arith.constant 0 : index
    %get3A_24 = vector.load %arg5[%get3A_22, %get3A_23] : memref<1x32xf32, #tpu.memory_space<vmem>>, vector<1x32xf32>
    %add3A_25 = vector.broadcast %get3A_24 : vector<1x32xf32> to vector<2000x32xf32>
    %add3A_26 = arith.addf %add3A_21, %add3A_25 : vector<2000x32xf32>
    %max3A = arith.constant 0.000000e+00 : f32
    %max3A_27 = vector.broadcast %max3A : f32 to vector<2000x32xf32>
    %max3A_28 = arith.maximumf %add3A_26, %max3A_27 : vector<2000x32xf32>
    %swap3A = arith.constant 0 : index
    %swap3A_29 = arith.constant 0 : index
    %swap3A_30 = vector.load %arg6[%swap3A, %swap3A_29] : memref<2000x32xf32, #tpu.memory_space<vmem>>, vector<2000x32xf32>
    tpu.vector_store %arg6[%swap3A, %swap3A_29], %max3A_28 {strides = array<i32>} : memref<2000x32xf32, #tpu.memory_space<vmem>>, vector<2000x32xf32>,
    return
  }
  func.func @transform_0(%arg0: i32) -> (i32, i32, i32) {
    %c0_i32 = arith.constant 0 : i32
    %c0_i32_0 = arith.constant 0 : i32
    %c0_i32_1 = arith.constant 0 : i32
    return %c0_i32, %arg0, %c0_i32_0 : i32, i32, i32
  }
  func.func @transform_1(%arg0: i32) -> (i32, i32) {
    %c0_i32 = arith.constant 0 : i32
    %c0_i32_0 = arith.constant 0 : i32
    return %arg0, %c0_i32 : i32, i32
  }
  func.func @transform_2(%arg0: i32) -> (i32, i32) {
    %c0_i32 = arith.constant 0 : i32
    %c0_i32_0 = arith.constant 0 : i32
    %c0_i32_1 = arith.constant 0 : i32
    return %c0_i32, %c0_i32_0 : i32, i32
  }
  func.func @transform_3(%arg0: i32) -> (i32, i32) {
    %c0_i32 = arith.constant 0 : i32
    %c0_i32_0 = arith.constant 0 : i32
    %c0_i32_1 = arith.constant 0 : i32
    return %c0_i32, %c0_i32_0 : i32, i32
  }
  func.func @transform_4(%arg0: i32) -> (i32, i32) {
    %c0_i32 = arith.constant 0 : i32
    %c0_i32_0 = arith.constant 0 : i32
    %c0_i32_1 = arith.constant 0 : i32
    return %c0_i32, %c0_i32_0 : i32, i32
  }
  func.func @transform_5(%arg0: i32) -> (i32, i32) {
    %c0_i32 = arith.constant 0 : i32
    %c0_i32_0 = arith.constant 0 : i32
    return %arg0, %c0_i32 : i32, i32
  }
}

module attributes {stable_mosaic.version = 14 : i64} {
  func.func @_crit_body(%arg0: i32, %arg1: memref<2x2000x32xf32, #tpu.memory_space<vmem>>, %arg2: memref<2000x32xf32, #tpu.memory_space<vmem>>, %arg3: memref<64x32xf32, #tpu.memory_space<vmem>>, %arg4: memref<64x32xf32, #tpu.memory_space<vmem>>, %arg5: memref<1x64xf32, #tpu.memory_space<vmem>>, %arg6: memref<2000x64xf32, #tpu.memory_space<vmem>>) attributes {dimension_semantics = [#tpu.dimension_semantics<arbitrary>], iteration_bounds = array<i64: 5>, scalar_prefetch = 0 : i64, scratch_operands = 0 : i64, tpu.core_type = #tpu.core_type<tc>, window_params = [{transform_indices = @transform_0, window_bounds = array<i64: 2, 2000, 32>}, {transform_indices = @transform_1, window_bounds = array<i64: 2000, 32>}, {pipeline_mode = #tpu.pipeline_mode<synchronous>, transform_indices = @transform_2, window_bounds = array<i64: 64, 32>}, {pipeline_mode = #tpu.pipeline_mode<synchronous>, transform_indices = @transform_3, window_bounds = array<i64: 64, 32>}, {pipeline_mode = #tpu.pipeline_mode<synchronous>, transform_indices = @transform_4, window_bounds = array<i64: 1, 64>}, {transform_indices = @transform_5, window_bounds = array<i64: 2000, 64>}]} {
    %get3A = arith.constant 0 : index
    %get3A_0 = arith.constant 0 : index
    %get3A_1 = arith.constant 0 : index
    %get3A_2 = vector.load %arg1[%get3A, %get3A_0, %get3A_1] : memref<2x2000x32xf32, #tpu.memory_space<vmem>>, vector<1x2000x32xf32>
    %get3A_3 = vector.shape_cast %get3A_2 : vector<1x2000x32xf32> to vector<2000x32xf32>
    %get3A_4 = arith.constant 1 : index
    %get3A_5 = arith.constant 0 : index
    %get3A_6 = arith.constant 0 : index
    %get3A_7 = vector.load %arg1[%get3A_4, %get3A_5, %get3A_6] : memref<2x2000x32xf32, #tpu.memory_space<vmem>>, vector<1x2000x32xf32>
    %get3A_8 = vector.shape_cast %get3A_7 : vector<1x2000x32xf32> to vector<2000x32xf32>
    %add3A = arith.addf %get3A_3, %get3A_8 : vector<2000x32xf32>
    %get3A_9 = arith.constant 0 : index
    %get3A_10 = arith.constant 0 : index
    %get3A_11 = vector.load %arg3[%get3A_9, %get3A_10] : memref<64x32xf32, #tpu.memory_space<vmem>>, vector<64x32xf32>
    %dot_general3A = arith.constant dense<0.000000e+00> : vector<2000x64xf32>
    %dot_general3A_12 = tpu.matmul %add3A, %get3A_11, %dot_general3A {dimension_numbers = #tpu.dot_dimension_numbers<[1], [1], [0], [0], [0, 0, 1, 0], [], []>, transpose_lhs_hint = false} : vector<2000x32xf32>, vector<64x32xf32>, vector<2000x64xf32> -> vector<2000x64xf32>
    %get3A_13 = arith.constant 0 : index
    %get3A_14 = arith.constant 0 : index
    %get3A_15 = vector.load %arg2[%get3A_13, %get3A_14] : memref<2000x32xf32, #tpu.memory_space<vmem>>, vector<2000x32xf32>
    %get3A_16 = arith.constant 0 : index
    %get3A_17 = arith.constant 0 : index
    %get3A_18 = vector.load %arg4[%get3A_16, %get3A_17] : memref<64x32xf32, #tpu.memory_space<vmem>>, vector<64x32xf32>
    %dot_general3A_19 = arith.constant dense<0.000000e+00> : vector<2000x64xf32>
    %dot_general3A_20 = tpu.matmul %get3A_15, %get3A_18, %dot_general3A_19 {dimension_numbers = #tpu.dot_dimension_numbers<[1], [1], [0], [0], [0, 0, 1, 0], [], []>, transpose_lhs_hint = false} : vector<2000x32xf32>, vector<64x32xf32>, vector<2000x64xf32> -> vector<2000x64xf32>
    %add3A_21 = arith.addf %dot_general3A_12, %dot_general3A_20 : vector<2000x64xf32>
    %get3A_22 = arith.constant 0 : index
    %get3A_23 = arith.constant 0 : index
    %get3A_24 = vector.load %arg5[%get3A_22, %get3A_23] : memref<1x64xf32, #tpu.memory_space<vmem>>, vector<1x64xf32>
    %add3A_25 = vector.broadcast %get3A_24 : vector<1x64xf32> to vector<2000x64xf32>
    %add3A_26 = arith.addf %add3A_21, %add3A_25 : vector<2000x64xf32>
    %max3A = arith.constant 0.000000e+00 : f32
    %max3A_27 = vector.broadcast %max3A : f32 to vector<2000x64xf32>
    %max3A_28 = arith.maximumf %add3A_26, %max3A_27 : vector<2000x64xf32>
    %swap3A = arith.constant 0 : index
    %swap3A_29 = arith.constant 0 : index
    %swap3A_30 = vector.load %arg6[%swap3A, %swap3A_29] : memref<2000x64xf32, #tpu.memory_space<vmem>>, vector<2000x64xf32>
    tpu.vector_store %arg6[%swap3A, %swap3A_29], %max3A_28 {strides = array<i32>} : memref<2000x64xf32, #tpu.memory_space<vmem>>, vector<2000x64xf32>,
    return
  }
  func.func @transform_0(%arg0: i32) -> (i32, i32, i32) {
    %c0_i32 = arith.constant 0 : i32
    %c0_i32_0 = arith.constant 0 : i32
    %c0_i32_1 = arith.constant 0 : i32
    return %c0_i32, %arg0, %c0_i32_0 : i32, i32, i32
  }
  func.func @transform_1(%arg0: i32) -> (i32, i32) {
    %c0_i32 = arith.constant 0 : i32
    %c0_i32_0 = arith.constant 0 : i32
    return %arg0, %c0_i32 : i32, i32
  }
  func.func @transform_2(%arg0: i32) -> (i32, i32) {
    %c0_i32 = arith.constant 0 : i32
    %c0_i32_0 = arith.constant 0 : i32
    %c0_i32_1 = arith.constant 0 : i32
    return %c0_i32, %c0_i32_0 : i32, i32
  }
  func.func @transform_3(%arg0: i32) -> (i32, i32) {
    %c0_i32 = arith.constant 0 : i32
    %c0_i32_0 = arith.constant 0 : i32
    %c0_i32_1 = arith.constant 0 : i32
    return %c0_i32, %c0_i32_0 : i32, i32
  }
  func.func @transform_4(%arg0: i32) -> (i32, i32) {
    %c0_i32 = arith.constant 0 : i32
    %c0_i32_0 = arith.constant 0 : i32
    %c0_i32_1 = arith.constant 0 : i32
    return %c0_i32, %c0_i32_0 : i32, i32
  }
  func.func @transform_5(%arg0: i32) -> (i32, i32) {
    %c0_i32 = arith.constant 0 : i32
    %c0_i32_0 = arith.constant 0 : i32
    return %arg0, %c0_i32 : i32, i32
  }
}

module attributes {stable_mosaic.version = 14 : i64} {
  func.func @_final_body(%arg0: i32, %arg1: memref<2x2000x64xf32, #tpu.memory_space<vmem>>, %arg2: memref<2000x64xf32, #tpu.memory_space<vmem>>, %arg3: memref<128x64xf32, #tpu.memory_space<vmem>>, %arg4: memref<128x64xf32, #tpu.memory_space<vmem>>, %arg5: memref<1x128xf32, #tpu.memory_space<vmem>>, %arg6: memref<1x2000x1xi32, #tpu.memory_space<vmem>>, %arg7: memref<10x128xf32, #tpu.memory_space<vmem>>, %arg8: memref<1x10xf32, #tpu.memory_space<vmem>>, %arg9: memref<128x10xf32, #tpu.memory_space<vmem>>, %arg10: memref<128x128xf32, #tpu.memory_space<vmem>>, %arg11: memref<128x1xf32, #tpu.memory_space<vmem>>) attributes {dimension_semantics = [#tpu.dimension_semantics<arbitrary>], iteration_bounds = array<i64: 5>, scalar_prefetch = 0 : i64, scratch_operands = 2 : i64, tpu.core_type = #tpu.core_type<tc>, window_params = [{transform_indices = @transform_0, window_bounds = array<i64: 2, 2000, 64>}, {transform_indices = @transform_1, window_bounds = array<i64: 2000, 64>}, {pipeline_mode = #tpu.pipeline_mode<synchronous>, transform_indices = @transform_2, window_bounds = array<i64: 128, 64>}, {pipeline_mode = #tpu.pipeline_mode<synchronous>, transform_indices = @transform_3, window_bounds = array<i64: 128, 64>}, {pipeline_mode = #tpu.pipeline_mode<synchronous>, transform_indices = @transform_4, window_bounds = array<i64: 1, 128>}, {transform_indices = @transform_5, window_bounds = array<i64: 1, 2000, 1>}, {pipeline_mode = #tpu.pipeline_mode<synchronous>, transform_indices = @transform_6, window_bounds = array<i64: 10, 128>}, {pipeline_mode = #tpu.pipeline_mode<synchronous>, transform_indices = @transform_7, window_bounds = array<i64: 1, 10>}, {pipeline_mode = #tpu.pipeline_mode<synchronous>, transform_indices = @transform_8, window_bounds = array<i64: 128, 10>}]} {
    %eq3A = arith.constant 0 : i32
    %eq3A_0 = arith.cmpi eq, %arg0, %eq3A : i32
    %convert_element_type3A = arith.extui %eq3A_0 : i1 to i32
    %cond3A = arith.constant 0 : i32
    %cond3A_1 = arith.cmpi ne, %convert_element_type3A, %cond3A : i32
    scf.if %cond3A_1 {
      %broadcast_in_dim3A_63 = arith.constant 0.000000e+00 : f32
      %broadcast_in_dim3A_64 = vector.broadcast %broadcast_in_dim3A_63 : f32 to vector<128x128xf32>
      %swap3A_65 = arith.constant 0 : index
      %swap3A_66 = arith.constant 0 : index
      %swap3A_67 = vector.load %arg10[%swap3A_65, %swap3A_66] : memref<128x128xf32, #tpu.memory_space<vmem>>, vector<128x128xf32>
      tpu.vector_store %arg10[%swap3A_65, %swap3A_66], %broadcast_in_dim3A_64 {strides = array<i32>} : memref<128x128xf32, #tpu.memory_space<vmem>>, vector<128x128xf32>,
      %broadcast_in_dim3A_68 = arith.constant 0.000000e+00 : f32
      %broadcast_in_dim3A_69 = vector.broadcast %broadcast_in_dim3A_68 : f32 to vector<128x1xf32>
      %swap3A_70 = arith.constant 0 : index
      %swap3A_71 = arith.constant 0 : index
      %swap3A_72 = vector.load %arg11[%swap3A_70, %swap3A_71] : memref<128x1xf32, #tpu.memory_space<vmem>>, vector<128x1xf32>
      tpu.vector_store %arg11[%swap3A_70, %swap3A_71], %broadcast_in_dim3A_69 {strides = array<i32>} : memref<128x1xf32, #tpu.memory_space<vmem>>, vector<128x1xf32>,
    } else {
    }
    %get3A = arith.constant 0 : index
    %get3A_2 = arith.constant 0 : index
    %get3A_3 = arith.constant 0 : index
    %get3A_4 = vector.load %arg1[%get3A, %get3A_2, %get3A_3] : memref<2x2000x64xf32, #tpu.memory_space<vmem>>, vector<1x2000x64xf32>
    %get3A_5 = vector.shape_cast %get3A_4 : vector<1x2000x64xf32> to vector<2000x64xf32>
    %get3A_6 = arith.constant 1 : index
    %get3A_7 = arith.constant 0 : index
    %get3A_8 = arith.constant 0 : index
    %get3A_9 = vector.load %arg1[%get3A_6, %get3A_7, %get3A_8] : memref<2x2000x64xf32, #tpu.memory_space<vmem>>, vector<1x2000x64xf32>
    %get3A_10 = vector.shape_cast %get3A_9 : vector<1x2000x64xf32> to vector<2000x64xf32>
    %add3A = arith.addf %get3A_5, %get3A_10 : vector<2000x64xf32>
    %get3A_11 = arith.constant 0 : index
    %get3A_12 = arith.constant 0 : index
    %get3A_13 = vector.load %arg3[%get3A_11, %get3A_12] : memref<128x64xf32, #tpu.memory_space<vmem>>, vector<128x64xf32>
    %dot_general3A = arith.constant dense<0.000000e+00> : vector<2000x128xf32>
    %dot_general3A_14 = tpu.matmul %add3A, %get3A_13, %dot_general3A {dimension_numbers = #tpu.dot_dimension_numbers<[1], [1], [0], [0], [0, 0, 1, 0], [], []>, transpose_lhs_hint = false} : vector<2000x64xf32>, vector<128x64xf32>, vector<2000x128xf32> -> vector<2000x128xf32>
    %get3A_15 = arith.constant 0 : index
    %get3A_16 = arith.constant 0 : index
    %get3A_17 = vector.load %arg2[%get3A_15, %get3A_16] : memref<2000x64xf32, #tpu.memory_space<vmem>>, vector<2000x64xf32>
    %get3A_18 = arith.constant 0 : index
    %get3A_19 = arith.constant 0 : index
    %get3A_20 = vector.load %arg4[%get3A_18, %get3A_19] : memref<128x64xf32, #tpu.memory_space<vmem>>, vector<128x64xf32>
    %dot_general3A_21 = arith.constant dense<0.000000e+00> : vector<2000x128xf32>
    %dot_general3A_22 = tpu.matmul %get3A_17, %get3A_20, %dot_general3A_21 {dimension_numbers = #tpu.dot_dimension_numbers<[1], [1], [0], [0], [0, 0, 1, 0], [], []>, transpose_lhs_hint = false} : vector<2000x64xf32>, vector<128x64xf32>, vector<2000x128xf32> -> vector<2000x128xf32>
    %add3A_23 = arith.addf %dot_general3A_14, %dot_general3A_22 : vector<2000x128xf32>
    %get3A_24 = arith.constant 0 : index
    %get3A_25 = arith.constant 0 : index
    %get3A_26 = vector.load %arg5[%get3A_24, %get3A_25] : memref<1x128xf32, #tpu.memory_space<vmem>>, vector<1x128xf32>
    %add3A_27 = vector.broadcast %get3A_26 : vector<1x128xf32> to vector<2000x128xf32>
    %add3A_28 = arith.addf %add3A_23, %add3A_27 : vector<2000x128xf32>
    %max3A = arith.constant 0.000000e+00 : f32
    %max3A_29 = vector.broadcast %max3A : f32 to vector<2000x128xf32>
    %max3A_30 = arith.maximumf %add3A_28, %max3A_29 : vector<2000x128xf32>
    %get3A_31 = arith.constant 0 : index
    %get3A_32 = arith.constant 0 : index
    %get3A_33 = arith.constant 0 : index
    %get3A_34 = vector.load %arg6[%get3A_31, %get3A_32, %get3A_33] : memref<1x2000x1xi32, #tpu.memory_space<vmem>>, vector<1x2000x1xi32>
    %get3A_35 = vector.shape_cast %get3A_34 : vector<1x2000x1xi32> to vector<2000x1xi32>
    %iota3A = tpu.iota {dimensions = array<i32: 1>} : vector<2000x128xi32>
    %eq3A_36 = vector.broadcast %get3A_35 : vector<2000x1xi32> to vector<2000x128xi32>
    %eq3A_37 = arith.cmpi eq, %eq3A_36, %iota3A : vector<2000x128xi32>
    %convert_element_type3A_38 = arith.extui %eq3A_37 : vector<2000x128xi1> to vector<2000x128xi32>
    %convert_element_type3A_39 = arith.sitofp %convert_element_type3A_38 : vector<2000x128xi32> to vector<2000x128xf32>
    %get3A_40 = arith.constant 0 : index
    %get3A_41 = arith.constant 0 : index
    %get3A_42 = vector.load %arg10[%get3A_40, %get3A_41] : memref<128x128xf32, #tpu.memory_space<vmem>>, vector<128x128xf32>
    %dot_general3A_43 = arith.constant dense<0.000000e+00> : vector<128x128xf32>
    %dot_general3A_44 = tpu.matmul %convert_element_type3A_39, %max3A_30, %dot_general3A_43 {dimension_numbers = #tpu.dot_dimension_numbers<[0], [0], [1], [1], [0, 1, 1, 1], [], []>, transpose_lhs_hint = false} : vector<2000x128xf32>, vector<2000x128xf32>, vector<128x128xf32> -> vector<128x128xf32>
    %add3A_45 = arith.addf %get3A_42, %dot_general3A_44 : vector<128x128xf32>
    %swap3A = arith.constant 0 : index
    %swap3A_46 = arith.constant 0 : index
    %swap3A_47 = vector.load %arg10[%swap3A, %swap3A_46] : memref<128x128xf32, #tpu.memory_space<vmem>>, vector<128x128xf32>
    tpu.vector_store %arg10[%swap3A, %swap3A_46], %add3A_45 {strides = array<i32>} : memref<128x128xf32, #tpu.memory_space<vmem>>, vector<128x128xf32>,
    %get3A_48 = arith.constant 0 : index
    %get3A_49 = arith.constant 0 : index
    %get3A_50 = vector.load %arg11[%get3A_48, %get3A_49] : memref<128x1xf32, #tpu.memory_space<vmem>>, vector<128x1xf32>
    %broadcast_in_dim3A = arith.constant 1.000000e+00 : f32
    %broadcast_in_dim3A_51 = vector.broadcast %broadcast_in_dim3A : f32 to vector<2000x1xf32>
    %dot_general3A_52 = arith.constant dense<0.000000e+00> : vector<128x1xf32>
    %dot_general3A_53 = tpu.matmul %convert_element_type3A_39, %broadcast_in_dim3A_51, %dot_general3A_52 {dimension_numbers = #tpu.dot_dimension_numbers<[0], [0], [1], [1], [0, 1, 1, 1], [], []>, transpose_lhs_hint = false} : vector<2000x128xf32>, vector<2000x1xf32>, vector<128x1xf32> -> vector<128x1xf32>
    %add3A_54 = arith.addf %get3A_50, %dot_general3A_53 : vector<128x1xf32>
    %swap3A_55 = arith.constant 0 : index
    %swap3A_56 = arith.constant 0 : index
    %swap3A_57 = vector.load %arg11[%swap3A_55, %swap3A_56] : memref<128x1xf32, #tpu.memory_space<vmem>>, vector<128x1xf32>
    tpu.vector_store %arg11[%swap3A_55, %swap3A_56], %add3A_54 {strides = array<i32>} : memref<128x1xf32, #tpu.memory_space<vmem>>, vector<128x1xf32>,
    %eq3A_58 = arith.constant 4 : i32
    %eq3A_59 = arith.cmpi eq, %arg0, %eq3A_58 : i32
    %convert_element_type3A_60 = arith.extui %eq3A_59 : i1 to i32
    %cond3A_61 = arith.constant 0 : i32
    %cond3A_62 = arith.cmpi ne, %convert_element_type3A_60, %cond3A_61 : i32
    scf.if %cond3A_62 {
      %get3A_63 = arith.constant 0 : index
      %get3A_64 = arith.constant 0 : index
      %get3A_65 = vector.load %arg10[%get3A_63, %get3A_64] : memref<128x128xf32, #tpu.memory_space<vmem>>, vector<128x128xf32>
      %get3A_66 = arith.constant 0 : index
      %get3A_67 = arith.constant 0 : index
      %get3A_68 = vector.load %arg11[%get3A_66, %get3A_67] : memref<128x1xf32, #tpu.memory_space<vmem>>, vector<128x1xf32>
      %max3A_69 = arith.constant 1.000000e+00 : f32
      %max3A_70 = vector.broadcast %max3A_69 : f32 to vector<128x1xf32>
      %max3A_71 = arith.maximumf %get3A_68, %max3A_70 : vector<128x1xf32>
      %div3A = vector.broadcast %max3A_71 : vector<128x1xf32> to vector<128x128xf32>
      %div3A_72 = arith.divf %get3A_65, %div3A : vector<128x128xf32>
      %get3A_73 = arith.constant 0 : index
      %get3A_74 = arith.constant 0 : index
      %get3A_75 = vector.load %arg7[%get3A_73, %get3A_74] : memref<10x128xf32, #tpu.memory_space<vmem>>, vector<10x128xf32>
      %dot_general3A_76 = arith.constant dense<0.000000e+00> : vector<128x10xf32>
      %dot_general3A_77 = tpu.matmul %div3A_72, %get3A_75, %dot_general3A_76 {dimension_numbers = #tpu.dot_dimension_numbers<[1], [1], [0], [0], [0, 0, 1, 0], [], []>, transpose_lhs_hint = false} : vector<128x128xf32>, vector<10x128xf32>, vector<128x10xf32> -> vector<128x10xf32>
      %get3A_78 = arith.constant 0 : index
      %get3A_79 = arith.constant 0 : index
      %get3A_80 = vector.load %arg8[%get3A_78, %get3A_79] : memref<1x10xf32, #tpu.memory_space<vmem>>, vector<1x10xf32>
      %add3A_81 = vector.broadcast %get3A_80 : vector<1x10xf32> to vector<128x10xf32>
      %add3A_82 = arith.addf %dot_general3A_77, %add3A_81 : vector<128x10xf32>
      %swap3A_83 = arith.constant 0 : index
      %swap3A_84 = arith.constant 0 : index
      %swap3A_85 = vector.load %arg9[%swap3A_83, %swap3A_84] : memref<128x10xf32, #tpu.memory_space<vmem>>, vector<128x10xf32>
      tpu.vector_store %arg9[%swap3A_83, %swap3A_84], %add3A_82 {strides = array<i32>} : memref<128x10xf32, #tpu.memory_space<vmem>>, vector<128x10xf32>,
    } else {
    }
    return
  }
  func.func @transform_0(%arg0: i32) -> (i32, i32, i32) {
    %c0_i32 = arith.constant 0 : i32
    %c0_i32_0 = arith.constant 0 : i32
    %c0_i32_1 = arith.constant 0 : i32
    return %c0_i32, %arg0, %c0_i32_0 : i32, i32, i32
  }
  func.func @transform_1(%arg0: i32) -> (i32, i32) {
    %c0_i32 = arith.constant 0 : i32
    %c0_i32_0 = arith.constant 0 : i32
    return %arg0, %c0_i32 : i32, i32
  }
  func.func @transform_2(%arg0: i32) -> (i32, i32) {
    %c0_i32 = arith.constant 0 : i32
    %c0_i32_0 = arith.constant 0 : i32
    %c0_i32_1 = arith.constant 0 : i32
    return %c0_i32, %c0_i32_0 : i32, i32
  }
  func.func @transform_3(%arg0: i32) -> (i32, i32) {
    %c0_i32 = arith.constant 0 : i32
    %c0_i32_0 = arith.constant 0 : i32
    %c0_i32_1 = arith.constant 0 : i32
    return %c0_i32, %c0_i32_0 : i32, i32
  }
  func.func @transform_4(%arg0: i32) -> (i32, i32) {
    %c0_i32 = arith.constant 0 : i32
    %c0_i32_0 = arith.constant 0 : i32
    %c0_i32_1 = arith.constant 0 : i32
    return %c0_i32, %c0_i32_0 : i32, i32
  }
  func.func @transform_5(%arg0: i32) -> (i32, i32, i32) {
    %c0_i32 = arith.constant 0 : i32
    %c0_i32_0 = arith.constant 0 : i32
    %c0_i32_1 = arith.constant 0 : i32
    return %arg0, %c0_i32, %c0_i32_0 : i32, i32, i32
  }
  func.func @transform_6(%arg0: i32) -> (i32, i32) {
    %c0_i32 = arith.constant 0 : i32
    %c0_i32_0 = arith.constant 0 : i32
    %c0_i32_1 = arith.constant 0 : i32
    return %c0_i32, %c0_i32_0 : i32, i32
  }
  func.func @transform_7(%arg0: i32) -> (i32, i32) {
    %c0_i32 = arith.constant 0 : i32
    %c0_i32_0 = arith.constant 0 : i32
    %c0_i32_1 = arith.constant 0 : i32
    return %c0_i32, %c0_i32_0 : i32, i32
  }
  func.func @transform_8(%arg0: i32) -> (i32, i32) {
    %c0_i32 = arith.constant 0 : i32
    %c0_i32_0 = arith.constant 0 : i32
    %c0_i32_1 = arith.constant 0 : i32
    return %c0_i32, %c0_i32_0 : i32, i32
  }
}

</mosaic_0001>

<sc_bundles>
// kernel: kernel.12.cloned.1.call-start
scs
__scs_entry_jumppad:
0x0: {  	(pc) =	sbr.rel $0x88, $3  }
0x1: {  	(tag) =	ssettag $0x0;
	lr =	simm.s32 $0x1  }
0x2: {  	[smem:$0x3F90] =	sst lr;
	_ =	strace $0xD0000000  }
0x3: {  	_ = 	snop  }
0x4: {  	_ = 	snop  }
0x5: {  	_ = 	snop  }
0x6: {  	_ = 	snop  }
0x7: {  	_ = 	snop  }
__scs_overlays_trampoline_lowered:
0x8: {  	[smem:$0x3F9F] =	sst s0  }
0x9: {  	[smem:$0x3FA0] =	sst s1  }
0xa: {  	[smem:$0x3FA1] =	sst s2  }
0xb: {  	[smem:$0x3FA2] =	sst s3  }
0xc: {  	[smem:$0x3FA3] =	sst s4  }
0xd: {  	[smem:$0x3FA4] =	sst s5  }
0xe: {  	[smem:$0x3FA5] =	sst s6  }
0xf: {  	[smem:$0x3FA6] =	sst s7  }
0x10: {  	[smem:$0x3FA7] =	sst s8  }
0x11: {  	[smem:$0x3FA8] =	sst s9;
	s0 =	simm.s32 @!p0 $0x0  }
0x12: {  	s1 =	sld [smem:$0x3F8E];
	s0 =	simm.s32 @p0 $0x1  }
0x13: {  	[smem:$0x3FA9] =	sst s0;
	s0 =	simm.s32 @!p1 $0x0  }
0x14: {  	s2 =	sld [smem:$0x3F8D];
	s0 =	simm.s32 @p1 $0x1  }
0x15: {  	[smem:$0x3FAA] =	sst s0;
	s0 =	simm.s32 @!p2 $0x0  }
0x16: {  	s3 =	sld [smem:$0x3FDB];
	s0 =	simm.s32 @p2 $0x1  }
0x17: {  	s4 =	simm.s32 $0x1BF5;
	[smem:$0x3FAC] =	sst s0  }
0x18: {  	s0 =	sld [smem:$0x3F8F];
	_ =	swait.ge [sflag:s4], $0x0  }
0x19: {  	s7 =	sld [smem:$0x3F90]  }
0x1a: {  	s8 =	sadd.s32 $0xFFFFE003, lr  }
0x1b: {  	s9 =	sadd.s32 $0xFFFFFEF7, lr;
	s5 =	simm.s32 $0xFFFFFFFF;
	p2 =	slt.u32 s8, $0xFFFFF086  }
0x1c: {  	p1 =	slt.u32 s9, $0xF7A;
	s5 =	simm.s32 @!p2 $0x0  }
0x1d: {  	s5 =	simm.s32 @p1 $0x1;
	p0 =	seq.s32 s7, s2  }
0x1e: {  	s7 =	smul.u32 @!p0 $0xF7A, s2;
	p2 =	seq.s32 @!p0 s5, $0x0  }
0x1f: {  	s9 =	smul.u32 $0xF7A, s1;
	s8 =	simm.s32 @!p0 $0x1BF5;
	p2 =	por !p2, p0  }
0x20: {  	[sflag:s8] =	ssyncset.s32 @!p0 $0xFFFFF086;
	s6 =	sadd.s32 @!p0 s3, s7;
	s7 =	simm.s32 @!p0 $0x108  }
0x21: {  	s3 =	sadd.s32 s3, s9;
	s6 =	sadd.s32 @!p0 $0x88, s6;
	s7 =	simm.s32 @p2 $0x1082  }
0x22: {  	[simem:s7], [sflag:s8] =	dma.local @!p0 [hbm:s6], $0xF7A  }
0x23: {  	s9 =	sor.u32 $0xD0000000, s2;
	s6 =	simm.s32 $0x108;
	_ =	swait.ge @!p0 [sflag:s8], $0x0  }
0x24: {  	s3 =	sadd.s32 $0x88, s3;
	s6 =	simm.s32 @!p1 $0x1082;
	[sflag:s4] =	ssyncset.s32 $0xFFFFF086  }
0x25: {  	[simem:s6], [sflag:s4] =	dma.local [hbm:s3], $0xF7A  }
0x26: {  	[smem:$0x3F90] =	sst s1;
	(tag) =	ssettag s2;
	_ =	strace s9  }
0x27: {  	s1 =	sld [smem:$0x3FA0]  }
0x28: {  	s2 =	sld [smem:$0x3FA1]  }
0x29: {  	s4 =	sld [smem:$0x3FA3]  }
0x2a: {  	p0 =	seq.s32 s5, $0x0;
	s5 =	sld [smem:$0x3FA4]  }
0x2b: {  	s6 =	sld [smem:$0x3FA5]  }
0x2c: {  	s7 =	sld [smem:$0x3FA6]  }
0x2d: {  	s3 =	simm.s32 $0x108;
	s8 =	sld [smem:$0x3FA7]  }
0x2e: {  	s3 =	simm.s32 @!p0 $0x1082;
	s9 =	sld [smem:$0x3FA8]  }
0x2f: {  	lr =	sadd.s32 s0, s3;
	s0 =	sld [smem:$0x3F9F]  }
0x30: {  	s3 =	sld [smem:$0x3FA2]  }
0x31: {  	[smem:$0x3FAB] =	sst s10  }
0x32: {  	s10 =	sld [smem:$0x3FA9];
	_ =	sdelay $0x3  }
0x33: {  	p0 =	seq.s32 s10, $0x1;
	s10 =	sld [smem:$0x3FAB];
	_ =	sdelay $0x3  }
0x34: {  	[smem:$0x3FAB] =	sst s10  }
0x35: {  	s10 =	sld [smem:$0x3FAA];
	_ =	sdelay $0x3  }
0x36: {  	p1 =	seq.s32 s10, $0x1;
	s10 =	sld [smem:$0x3FAB];
	_ =	sdelay $0x3  }
0x37: {  	[smem:$0x3FAB] =	sst s10  }
0x38: {  	s10 =	sld [smem:$0x3FAC]  }
0x39: {  	_ = 	snop;
	(pc) =	sbr.ind lr, $3  }
0x3a: {  	_ = 	snop  }
0x3b: {  	_ = 	snop  }
0x3c: {  	p2 =	seq.s32 s10, $0x1;
	s10 =	sld [smem:$0x3FAB]  }
0x3d: {  	_ =	shalt  }
0x3e: {  	_ =	shalt  }
0x3f: {  	_ =	shalt  }
0x40: {  	_ =	shalt  }
0x41: {  	_ =	shalt  }
0x42: {  	_ =	shalt  }
0x43: {  	_ =	shalt  }
0x44: {  	_ =	shalt  }
0x45: {  	_ =	shalt  }
0x46: {  	_ =	shalt  }
0x47: {  	_ =	shalt  }
0x48: {  	_ =	shalt  }
0x49: {  	_ =	shalt  }
0x4a: {  	_ =	shalt  }
0x4b: {  	_ =	shalt  }
0x4c: {  	_ =	shalt  }
0x4d: {  	_ =	shalt  }
0x4e: {  	_ =	shalt  }
0x4f: {  	_ =	shalt  }
0x50: {  	_ =	shalt  }
0x51: {  	_ =	shalt  }
0x52: {  	_ =	shalt  }
0x53: {  	_ =	shalt  }
0x54: {  	_ =	shalt  }
0x55: {  	_ =	shalt  }
0x56: {  	_ =	shalt  }
0x57: {  	_ =	shalt  }
0x58: {  	_ =	shalt  }
0x59: {  	_ =	shalt  }
0x5a: {  	_ =	shalt  }
0x5b: {  	_ =	shalt  }
0x5c: {  	_ =	shalt  }
0x5d: {  	_ =	shalt  }
0x5e: {  	_ =	shalt  }
0x5f: {  	_ =	shalt  }
0x60: {  	_ =	shalt  }
0x61: {  	_ =	shalt  }
0x62: {  	_ =	shalt  }
0x63: {  	_ =	shalt  }
0x64: {  	_ =	shalt  }
0x65: {  	_ =	shalt  }
0x66: {  	_ =	shalt  }
0x67: {  	_ =	shalt  }
0x68: {  	_ =	shalt  }
0x69: {  	_ =	shalt  }
0x6a: {  	_ =	shalt  }
0x6b: {  	_ =	shalt  }
0x6c: {  	_ =	shalt  }
0x6d: {  	_ =	shalt  }
0x6e: {  	_ =	shalt  }
0x6f: {  	_ =	shalt  }
0x70: {  	_ =	shalt  }
0x71: {  	_ =	shalt  }
0x72: {  	_ =	shalt  }
0x73: {  	_ =	shalt  }
0x74: {  	_ =	shalt  }
0x75: {  	_ =	shalt  }
0x76: {  	_ =	shalt  }
0x77: {  	_ =	shalt  }
0x78: {  	_ =	shalt  }
0x79: {  	_ =	shalt  }
0x7a: {  	_ =	shalt  }
0x7b: {  	_ =	shalt  }
0x7c: {  	_ =	shalt  }
0x7d: {  	_ =	shalt  }
0x7e: {  	_ =	shalt  }
0x7f: {  	_ =	shalt  }
0x80: {  	_ =	shalt  }
0x81: {  	_ =	shalt  }
0x82: {  	_ =	shalt  }
0x83: {  	_ =	shalt  }
0x84: {  	_ =	shalt  }
0x85: {  	_ =	shalt  }
0x86: {  	_ =	shalt  }
0x87: {  	_ =	shalt  }
.Lfunc_end0:
.L_simem_size_0:
called_computation_lowered:
.L_overlay_start_0:
0x88: {  	s2 =	sld [smem:$0x3FD9]  }
0x89: {  	s3 =	sld [smem:$0x3FFE];
	_ =	sdelay $0x1  }
0x8a: {  	s1 =	srdreg.scid  }
0x8b: {  	s0 =	sand.u32 $0x1, s1  }
0x8c: {  	s16 =	sshll.u32 s0, $0xA;
	s2 =	sadd.s32 s3, s2  }
0x8d: {  	s2 =	sadd.s32 s2, s16  }
0x8e: {  	[smem:$0x3FB7] =	sst s2  }
0x8f: {  	_ = 	snop  }
0x90: {  	(tm) =	ssettm $0x1  }
0x91: {  	s17 =	sld [smem:$0x3FFB];
	_ =	sdelay $0x3  }
0x92: {  	_ =	strace s17  }
0x93: {  	s2 =	sld [smem:$0x3FFC];
	_ =	sdelay $0x3  }
0x94: {  	_ =	strace s2  }
0x95: {  	s2 =	sld [smem:$0x3FFD];
	_ =	sdelay $0x3  }
0x96: {  	_ =	strace s2  }
0x97: {  	_ =	strace $0x8FFFFFFF  }
0x98: {  	s18 =	sld [smem:$0x3FDB];
	_ =	sdelay $0x1  }
0x99: {  	s19 =	simm.s32 $_scs_section_size  }
0x9a: {  	s4 =	simm.s32 $_size__tile_overlayer_lowered;
	s5 =	simm.s32 $_tile_overlayer_lowered  }
0x9b: {  	s22 =	simm.s32 $0x1BFF;
	s21 =	sshll.u32 s5, $0x1;
	s2 =	sadd.s32 s19, s18  }
0x9c: {  	s6 =	simm.s32 $0x0;
	s20 =	sshll.u32 s4, $0x1;
	s4 =	sadd.s32 s21, s2  }
0x9d: {  	[timem:s6], [sflag:s22] =	dma.local [hbm:s4], s20  }
0x9e: {  	_ =	swait.ge [sflag:s22], s20  }
0x9f: {  	s3 =	ssub.s32 $0x0, s20;
	[sflag:s22] =	ssyncset.done $0x0  }
0xa0: {  	[sflag:s22] =	ssyncadd.s32 s3;
	_ =	sdelay $0x1  }
0xa1: {  	s23 =	simm.s32 $0x1B8B  }
0xa2: {  	_ =	swait.ge [sflag:s23], $0x1  }
0xa3: {  	[sflag:s23] =	ssyncset.done $0x0  }
0xa4: {  	s25 =	simm.s32 $0x1B8E;
	s24 =	sld [smem:$0x3FFE];
	[sflag:s23] =	ssyncadd.s32 $0xFFFFFFFF  }
0xa5: {  	s26 =	simm.s32 $execute0_lowered;
	[smem:$0x3FD2] =	sst s25  }
0xa6: {  	s4 =	sshll.u32 s26, $0x1;
	_ =	strace $0x80000046;
	[dreg:$0x1] =	wrdreg $0xFFFFFFFF  }
0xa7: {  	s28 =	simm.s32 $_size_execute0_lowered;
	s2 =	sadd.s32 s2, s4;
	[dreg:$0x0] =	wrdreg $0x0  }
0xa8: {  	s4 =	sshll.u32 s28, $0x1;
	[dreg:$0x2] =	wrdreg s2  }
0xa9: {  	[dreg:$0x3] =	wrdreg s4  }
0xaa: {  	[dreg:$0x4] =	wrdreg $0xC0  }
0xab: {  	_ =	task [dreg:s6], $0x5FFFF  }
0xac: {  	[dreg:$0x1] =	wrdreg $0xFFFFFFFF  }
0xad: {  	[dreg:$0x0] =	wrdreg $0x60  }
0xae: {  	[dreg:$0x2] =	wrdreg s24  }
0xaf: {  	[dreg:$0x3] =	wrdreg $0x148200  }
0xb0: {  	[dreg:$0x4] =	wrdreg $0x9  }
0xb1: {  	_ =	task.clear_ibuf [dreg:s6], $0x5FFFF;
	_ =	strace $0x90000046  }
0xb2: {  	s29 =	simm.s32 $0x9;
	_ =	strace $0x80000048  }
0xb3: {  	_ =	swait.ge [sflag:s29], $0x1  }
0xb4: {  	[sflag:s29] =	ssyncadd.s32 $0xFFFFFFFF  }
0xb5: {  	_ =	strace $0x90000048  }
0xb6: {  	_ =	sfence  }
0xb7: {  	s30 =	sld [smem:$0x0];
	_ =	sdelay $0x2  }
0xb8: {  	s31 =	sshll.u32 s1, $0xD;
	s1 =	sshrl.u32 s1, $0x2  }
0xb9: {  	s3 =	sand.u32 $0x4000, s31;
	s1 =	sadd.s32 s1, s30  }
0xba: {  	s0 =	sor.u32 s3, s0;
	s1 =	sshll.u32 s1, $0x11  }
0xbb: {  	s0 =	sor.u32 s1, s0  }
0xbc: {  	s0 =	sadd.s32 $0x8F2B, s0  }
0xbd: {  	[sflag:s0] =	ssyncadd.remote.s32 $0x1  }
0xbe: {  	_ =	sfence.sel $0xFFFF  }
0xbf: {  	[dreg:$0x0] =	wrdreg $0xFFFFFFFF;
	(pc) =	sbr.abs _section_cstart, $3  }
0xc0: {  	[dreg:$0x1] =	wrdreg $0xFFFFFFFF  }
0xc1: {  	_ =	task.clear_ibuf [dreg:s6], $0x2FFFF;
	_ =	strace $0x9FFFFFFF  }
0xc2: {  	(tm) =	ssettm $0x7FFFFFFF  }
0xc3: {  	_ =	shalt  }
tec
execute0_lowered:
.L_overlay_start_1:
0x0: {  	(tag) =	ssettag $0x1  }
0x1: {  	s0 =	srdreg.scid;
	s2 =	rddreg [dreg:$0x0]  }
0x2: {  	s4 =	stileid.u32;
	s1 =	rddreg [dreg:$0x1];
	s20 =	simm.s32 $0x0  }
0x3: {  	s29 =	simm.s32 $0x2710;
	s21 =	simm.s32 $0x7D0;
	s15 =	simm.s32 $0xCB20  }
0x4: {  	s12 =	simm.s32 $0x1;
	s22 =	simm.s32 $0xBB8;
	s14 =	simm.s32 $0x109A0  }
0x5: {  	s23 =	simm.s32 $0x2AF8;
	s13 =	simm.s32 $0x2;
	s24 =	simm.s32 $0xFA0  }
0x6: {  	s25 =	simm.s32 $0x2EE0;
	s16 =	simm.s32 $0x1388;
	[smem:$0x7FF] =	sst s20  }
0x7: {  	s26 =	simm.s32 $0x32C8;
	_ =	strace $0x80000047;
	[dreg:$0x9] =	wrdreg s21  }
0x8: {  	s17 =	simm.s32 $0x1770;
	s30 =	simm.s32 $0x36B0;
	[dreg:$0xa] =	wrdreg s22  }
0x9: {  	s28 =	simm.s32 $0x3A98;
	p1 =	por $0x0, $0x0;
	[dreg:$0xb] =	wrdreg s23  }
0xa: {  	s0 =	sand.u32 $0x1, s0;
	s3 =	sshll.u32 s4, $0x1;
	[dreg:$0xc] =	wrdreg s24  }
0xb: {  	s5 =	smul.u32 $0x2700, s4;
	s9 =	sadd.s32 $0x20400, s2;
	[dreg:$0xd] =	wrdreg s25  }
0xc: {  	s19 =	sshll.u32 s4, $0x6;
	p0 =	sne.s32 s4, $0x0;
	[dreg:$0xe] =	wrdreg s16  }
0xd: {  	s4 =	simm.s32 $0x9;
	s3 =	sor.u32 s0, s3;
	[dreg:$0xf] =	wrdreg s26  }
0xe: {  	s8 =	ssub.s32 $0x2, s0;
	s0 =	smul.u32 $0x27100, s0;
	[dreg:$0x10] =	wrdreg s17  }
0xf: {  	s16 =	simm.s32 $0x7;
	[dreg:$0x11] =	wrdreg s30;
	s17 =	simm.s32 $0x8  }
0x10: {  	s21 =	simm.s32 $0x1B58;
	s26 =	simm.s32 $0x1F40;
	s25 =	simm.s32 $0x3E80  }
0x11: {  	s24 =	simm.s32 $0x2328;
	s23 =	simm.s32 $0x4268;
	s22 =	simm.s32 $0x4650  }
0x12: {  	s3 =	smul.u32 $0x4E2, s3;
	s7 =	sshrl.u32 s5, $0x3;
	s10 =	sshrl.u32 s8, $0x1  }
0x13: {  	s18 =	sadd.s32 s5, s1;
	[dreg:$0x12] =	wrdreg s21;
	s21 =	simm.s32 $0x4A38  }
0x14: {  	s7 =	sadd.s32 s7, s2;
	s8 =	ssub.s32 s8, s10;
	s5 =	sadd.s32 s5, s0  }
0x15: {  	s0 =	sshrl.u32 s0, $0x3;
	s10 =	simm.s32 $0x4E20;
	s6 =	sadd.s32 s3, s2  }
0x16: {  	s3 =	sadd.s32 $0x16400, s2;
	s7 =	sadd.s32 $0x1B400, s7;
	s0 =	sadd.s32 s9, s0  }
0x17: {  	s2 =	sadd.s32 $0x20200, s2;
	[dreg:$0x3] =	wrdreg s7;
	s0 =	sadd.s32 $0x4E00, s0  }
0x18: {  	s5 =	sshrl.u32 s5, $0x3;
	[dreg:$0x8] =	wrdreg s0;
	s0 =	smax.u32 s8, $0x1  }
0x19: {  	[dreg:$0x4] =	wrdreg s2;
	s11 =	sadd.s32 $0xC600, s6;
	s31 =	sadd.s32 $0xFFFFFFFF, s0  }
0x1a: {  	s2 =	sor.u32 $0x1C09, s19;
	s6 =	sadd.s32 $0x2800, s6;
	p2 =	sne.s32 s31, $0x0  }
.Ltmp0:
0x1b: {  	s5 =	sadd.s32 s9, s5;
	[dreg:$0x5] =	wrdreg s11;
	(pc) =	sbr.rel @!p2 .LBB2_1-.Ltmp0, $4  }
0x1c: {  	s7 =	sadd.s32 $0x27000, s1;
	s9 =	simm.s32 $0x5;
	[dreg:$0x6] =	wrdreg s6  }
0x1d: {  	s19 =	simm.s32 $0x3;
	[dreg:$0x7] =	wrdreg s5;
	s6 =	sshrl.u32 s18, $0x3  }
0x1e: {  	s5 =	sshrl.u32 @!p0 s7, $0x3;
	s7 =	simm.s32 $0x3E8;
	s8 =	simm.s32 $0x8CA0  }
0x1f: {  	s11 =	simm.s32 $0x6;
	s18 =	simm.s32 $0x4;
	s0 =	rddreg [dreg:$0x3]  }
0x20: {  	[spmem:s6], [sflag:s2] =	dma.local [hbm:s0], $0x4E0  }
0x21: {  	_ =	swait.ge [sflag:s4], $0x4E0  }
0x22: {  	[sflag:s4] =	ssyncset.done $0x0  }
0x23: {  	s30 =	simm.s32 @!p0 $0x9;
	s0 =	rddreg [dreg:$0x4];
	[sflag:s4] =	ssyncadd.s32 $0xFFFFFB20  }
0x24: {  	[spmem:s5], [sflag:s2] =	dma.local @!p0 [hbm:s0], $0x20  }
0x25: {  	_ =	swait.ge @!p0 [sflag:s30], $0x20  }
0x26: {  	[sflag:s30] =	ssyncset.done @!p0 $0x0  }
0x27: {  	[sflag:s30] =	ssyncadd.s32 @!p0 $0xFFFFFFE0  }
0x28: {  	[bflag:$0x0] =	sbarrier.arrive $0xFFFF  }
0x29: {  	s0 =	rddreg [dreg:$0x5]  }
0x2a: {  	[tilespmem:s20], [sflag:$0x9] =	stream.linear.gather [hbm4b:s0+s20], $0x2710, $0x38;
	[tilespmem:$0x16F30] =	vst v63  }
0x2b: {  	_ =	swait.ge [sflag:s4], $0x2710  }
0x2c: {  	[sflag:s4] =	ssyncset.done $0x0  }
0x2d: {  	s0 =	rddreg [dreg:$0x6];
	[sflag:s4] =	ssyncadd.s32 $0xFFFFD8F0  }
0x2e: {  	[tilespmem:s29], [sflag:$0x9] =	stream.linear.gather [hbm4b:s0+s20], $0x2710, $0x38;
	[tilespmem:$0x16F30] =	vst v63  }
0x2f: {  	_ =	swait.ge [sflag:s4], $0x2710  }
0x30: {  	[sflag:s4] =	ssyncset.done $0x0  }
0x31: {  	[sflag:s4] =	ssyncadd.s32 $0xFFFFD8F0  }
0x32: {  	[tilespmem:s10], [sflag:$0x1] =	stream.indirect.gather [hbm4b:s3+s7], $0x10, s20, s7, $0xb8;
	[tilespmem:$0x16F30] =	vst v63  }
0x33: {  	_ = 	snop  }
0x34: {  	[tilespmem:s8], [sflag:$0x2] =	stream.indirect.gather [hbm4b:s3+s7], $0x10, s7, s7, $0xb8;
	[tilespmem:$0x16F30] =	vst v63  }
0x35: {  	s0 =	rddreg [dreg:$0x9]  }
0x36: {  	[tilespmem:s15], [sflag:$0x3] =	stream.indirect.gather [hbm4b:s3+s7], $0x10, s0, s7, $0xb8;
	[tilespmem:$0x16F30] =	vst v63  }
0x37: {  	_ =	swait.ge [sflag:s12], $0x3E80  }
0x38: {  	[sflag:s12] =	ssyncset.done $0x0  }
0x39: {  	[sflag:s12] =	ssyncadd.s32 $0xFFFFC180  }
0x3a: {  	[spmem:s1] =	stream.indirect.scatter.add.f32 [tilespmem:s10], [sflag:$0x5], $0x10, s29, s7, $0xb8;
	[tilespmem:$0x16F30] =	vst v63  }
0x3b: {  	s0 =	rddreg [dreg:$0xa]  }
0x3c: {  	[tilespmem:s14], [sflag:$0x4] =	stream.indirect.gather [hbm4b:s3+s7], $0x10, s0, s7, $0xb8;
	[tilespmem:$0x16F30] =	vst v63  }
0x3d: {  	_ =	swait.ge [sflag:s13], $0x3E80  }
0x3e: {  	[sflag:s13] =	ssyncset.done $0x0  }
0x3f: {  	s0 =	rddreg [dreg:$0xb];
	[sflag:s13] =	ssyncadd.s32 $0xFFFFC180  }
0x40: {  	[spmem:s1] =	stream.indirect.scatter.add.f32 [tilespmem:s8], [sflag:$0x6], $0x10, s0, s7, $0xb8;
	[tilespmem:$0x16F30] =	vst v63  }
0x41: {  	_ =	swait.ge [sflag:s9], $0x3E80  }
0x42: {  	[sflag:s9] =	ssyncset.done $0x0  }
0x43: {  	s0 =	rddreg [dreg:$0xc];
	[sflag:s9] =	ssyncadd.s32 $0xFFFFC180  }
0x44: {  	[tilespmem:s10], [sflag:$0x1] =	stream.indirect.gather [hbm4b:s3+s7], $0x10, s0, s7, $0xb8;
	[tilespmem:$0x16F30] =	vst v63  }
0x45: {  	_ =	swait.ge [sflag:s19], $0x3E80  }
0x46: {  	[sflag:s19] =	ssyncset.done $0x0  }
0x47: {  	s0 =	rddreg [dreg:$0xd];
	[sflag:s19] =	ssyncadd.s32 $0xFFFFC180  }
0x48: {  	[spmem:s1] =	stream.indirect.scatter.add.f32 [tilespmem:s15], [sflag:$0x7], $0x10, s0, s7, $0xb8;
	[tilespmem:$0x16F30] =	vst v63  }
0x49: {  	_ =	swait.ge [sflag:s11], $0x3E80  }
0x4a: {  	[sflag:s11] =	ssyncset.done $0x0  }
0x4b: {  	s0 =	rddreg [dreg:$0xe];
	[sflag:s11] =	ssyncadd.s32 $0xFFFFC180  }
0x4c: {  	[tilespmem:s8], [sflag:$0x2] =	stream.indirect.gather [hbm4b:s3+s7], $0x10, s0, s7, $0xb8;
	[tilespmem:$0x16F30] =	vst v63  }
0x4d: {  	_ =	swait.ge [sflag:s18], $0x3E80  }
0x4e: {  	[sflag:s18] =	ssyncset.done $0x0  }
0x4f: {  	s0 =	rddreg [dreg:$0xf];
	[sflag:s18] =	ssyncadd.s32 $0xFFFFC180  }
0x50: {  	[spmem:s1] =	stream.indirect.scatter.add.f32 [tilespmem:s14], [sflag:$0x8], $0x10, s0, s7, $0xb8;
	[tilespmem:$0x16F30] =	vst v63  }
0x51: {  	_ =	swait.ge [sflag:s16], $0x3E80  }
0x52: {  	[sflag:s16] =	ssyncset.done $0x0  }
0x53: {  	s0 =	rddreg [dreg:$0x10];
	[sflag:s16] =	ssyncadd.s32 $0xFFFFC180  }
0x54: {  	[tilespmem:s15], [sflag:$0x3] =	stream.indirect.gather [hbm4b:s3+s7], $0x10, s0, s7, $0xb8;
	[tilespmem:$0x16F30] =	vst v63  }
0x55: {  	_ =	swait.ge [sflag:s12], $0x3E80  }
0x56: {  	[sflag:s12] =	ssyncset.done $0x0  }
0x57: {  	s0 =	rddreg [dreg:$0x11];
	[sflag:s12] =	ssyncadd.s32 $0xFFFFC180  }
0x58: {  	[spmem:s1] =	stream.indirect.scatter.add.f32 [tilespmem:s10], [sflag:$0x5], $0x10, s0, s7, $0xb8;
	[tilespmem:$0x16F30] =	vst v63  }
0x59: {  	_ =	swait.ge [sflag:s17], $0x3E80  }
0x5a: {  	[sflag:s17] =	ssyncset.done $0x0  }
0x5b: {  	s0 =	rddreg [dreg:$0x12];
	[sflag:s17] =	ssyncadd.s32 $0xFFFFC180  }
0x5c: {  	[tilespmem:s14], [sflag:$0x4] =	stream.indirect.gather [hbm4b:s3+s7], $0x10, s0, s7, $0xb8;
	[tilespmem:$0x16F30] =	vst v63  }
0x5d: {  	_ =	swait.ge [sflag:s13], $0x3E80  }
0x5e: {  	[sflag:s13] =	ssyncset.done $0x0  }
0x5f: {  	[sflag:s13] =	ssyncadd.s32 $0xFFFFC180  }
0x60: {  	[spmem:s1] =	stream.indirect.scatter.add.f32 [tilespmem:s8], [sflag:$0x6], $0x10, s28, s7, $0xb8;
	[tilespmem:$0x16F30] =	vst v63  }
0x61: {  	_ =	swait.ge [sflag:s9], $0x3E80  }
0x62: {  	[sflag:s9] =	ssyncset.done $0x0  }
0x63: {  	[sflag:s9] =	ssyncadd.s32 $0xFFFFC180  }
0x64: {  	[tilespmem:s10], [sflag:$0x1] =	stream.indirect.gather [hbm4b:s3+s7], $0x10, s26, s7, $0xb8;
	[tilespmem:$0x16F30] =	vst v63  }
0x65: {  	_ =	swait.ge [sflag:s19], $0x3E80  }
0x66: {  	[sflag:s19] =	ssyncset.done $0x0  }
0x67: {  	[sflag:s19] =	ssyncadd.s32 $0xFFFFC180  }
0x68: {  	[spmem:s1] =	stream.indirect.scatter.add.f32 [tilespmem:s15], [sflag:$0x7], $0x10, s25, s7, $0xb8;
	[tilespmem:$0x16F30] =	vst v63  }
0x69: {  	_ =	swait.ge [sflag:s11], $0x3E80  }
0x6a: {  	[sflag:s11] =	ssyncset.done $0x0  }
0x6b: {  	[sflag:s11] =	ssyncadd.s32 $0xFFFFC180  }
0x6c: {  	[tilespmem:s8], [sflag:$0x2] =	stream.indirect.gather [hbm4b:s3+s7], $0x10, s24, s7, $0xb8;
	[tilespmem:$0x16F30] =	vst v63  }
0x6d: {  	_ =	swait.ge [sflag:s18], $0x3E80  }
0x6e: {  	[sflag:s18] =	ssyncset.done $0x0  }
0x6f: {  	[sflag:s18] =	ssyncadd.s32 $0xFFFFC180  }
0x70: {  	[spmem:s1] =	stream.indirect.scatter.add.f32 [tilespmem:s14], [sflag:$0x8], $0x10, s23, s7, $0xb8;
	[tilespmem:$0x16F30] =	vst v63  }
0x71: {  	_ =	swait.ge [sflag:s12], $0x3E80  }
0x72: {  	[sflag:s12] =	ssyncset.done $0x0  }
0x73: {  	[sflag:s12] =	ssyncadd.s32 $0xFFFFC180  }
0x74: {  	[spmem:s1] =	stream.indirect.scatter.add.f32 [tilespmem:s10], [sflag:$0x5], $0x10, s22, s7, $0xb8;
	[tilespmem:$0x16F30] =	vst v63  }
0x75: {  	_ =	swait.ge [sflag:s13], $0x3E80  }
0x76: {  	[sflag:s13] =	ssyncset.done $0x0  }
0x77: {  	[sflag:s13] =	ssyncadd.s32 $0xFFFFC180  }
0x78: {  	[spmem:s1] =	stream.indirect.scatter.add.f32 [tilespmem:s8], [sflag:$0x6], $0x10, s21, s7, $0xb8;
	[tilespmem:$0x16F30] =	vst v63  }
0x79: {  	_ =	swait.ge [sflag:s16], $0x3E80  }
0x7a: {  	[sflag:s16] =	ssyncset.done $0x0  }
0x7b: {  	[sflag:s16] =	ssyncadd.s32 $0xFFFFC180  }
0x7c: {  	_ =	swait.ge [sflag:s17], $0x3E80  }
0x7d: {  	[sflag:s17] =	ssyncset.done $0x0  }
0x7e: {  	[sflag:s17] =	ssyncadd.s32 $0xFFFFC180  }
0x7f: {  	_ =	swait.ge [sflag:s9], $0x3E80  }
0x80: {  	[sflag:s9] =	ssyncset.done $0x0  }
0x81: {  	[sflag:s9] =	ssyncadd.s32 $0xFFFFC180  }
0x82: {  	_ =	swait.ge [sflag:s11], $0x3E80  }
0x83: {  	[sflag:s11] =	ssyncset.done $0x0  }
0x84: {  	[sflag:s11] =	ssyncadd.s32 $0xFFFFC180  }
0x85: {  	[bflag:$0x0] =	sbarrier.arrive $0xFFFF  }
0x86: {  	s31 =	sadd.s32 $0xFFFFFFFF, s31;
	s0 =	rddreg [dreg:$0x7]  }
0x87: {  	[hbm:s0], [sflag:s2] =	dma.local [spmem:s6], $0x4E0  }
0x88: {  	p2 =	sne.s32 s31, $0x0;
	_ =	swait.ge [sflag:s4], $0x4E0  }
.Ltmp1:
0x89: {  	[sflag:s4] =	ssyncset.done $0x0;
	(pc) =	sbr.rel @!p2 .LBB2_4-.Ltmp1, $4  }
0x8a: {  	s0 =	rddreg [dreg:$0x8];
	[sflag:s4] =	ssyncadd.s32 $0xFFFFFB20  }
0x8b: {  	[hbm:s0], [sflag:s2] =	dma.local @!p0 [spmem:s5], $0x20  }
0x8c: {  	_ =	swait.ge @!p0 [sflag:s30], $0x20  }
0x8d: {  	p1 =	por $0x1, $0x1;
	s0 =	rddreg [dreg:$0x3];
	[sflag:s30] =	ssyncset.done @!p0 $0x0  }
.LBB2_3:
0x8e: {  	[sflag:s30] =	ssyncadd.s32 @!p0 $0xFFFFFFE0  }
0x8f: {  	[spmem:s6], [sflag:s2] =	dma.local [hbm:s0], $0x4E0  }
0x90: {  	_ =	swait.ge [sflag:s4], $0x4E0  }
0x91: {  	[sflag:s4] =	ssyncset.done $0x0  }
0x92: {  	s0 =	rddreg [dreg:$0x4];
	[sflag:s4] =	ssyncadd.s32 $0xFFFFFB20  }
0x93: {  	[spmem:s5], [sflag:s2] =	dma.local @!p0 [hbm:s0], $0x20  }
0x94: {  	_ =	swait.ge @!p0 [sflag:s30], $0x20  }
0x95: {  	[sflag:s30] =	ssyncset.done @!p0 $0x0  }
0x96: {  	[sflag:s30] =	ssyncadd.s32 @!p0 $0xFFFFFFE0  }
0x97: {  	[bflag:$0x0] =	sbarrier.arrive $0xFFFF  }
0x98: {  	s0 =	rddreg [dreg:$0x5]  }
0x99: {  	[tilespmem:s20], [sflag:$0x9] =	stream.linear.gather [hbm4b:s0+s20], $0x2710, $0x38;
	[tilespmem:$0x16F30] =	vst v63  }
0x9a: {  	_ =	swait.ge [sflag:s4], $0x2710  }
0x9b: {  	[sflag:s4] =	ssyncset.done $0x0  }
0x9c: {  	s0 =	rddreg [dreg:$0x6];
	[sflag:s4] =	ssyncadd.s32 $0xFFFFD8F0  }
0x9d: {  	[tilespmem:s29], [sflag:$0x9] =	stream.linear.gather [hbm4b:s0+s20], $0x2710, $0x38;
	[tilespmem:$0x16F30] =	vst v63  }
0x9e: {  	_ =	swait.ge [sflag:s4], $0x2710  }
0x9f: {  	[sflag:s4] =	ssyncset.done $0x0  }
0xa0: {  	[sflag:s4] =	ssyncadd.s32 $0xFFFFD8F0  }
0xa1: {  	[tilespmem:s10], [sflag:$0x1] =	stream.indirect.gather [hbm4b:s3+s7], $0x10, s20, s7, $0xb8;
	[tilespmem:$0x16F30] =	vst v63  }
0xa2: {  	_ = 	snop  }
0xa3: {  	[tilespmem:s8], [sflag:$0x2] =	stream.indirect.gather [hbm4b:s3+s7], $0x10, s7, s7, $0xb8;
	[tilespmem:$0x16F30] =	vst v63  }
0xa4: {  	s0 =	rddreg [dreg:$0x9]  }
0xa5: {  	[tilespmem:s15], [sflag:$0x3] =	stream.indirect.gather [hbm4b:s3+s7], $0x10, s0, s7, $0xb8;
	[tilespmem:$0x16F30] =	vst v63  }
0xa6: {  	_ =	swait.ge [sflag:s12], $0x3E80  }
0xa7: {  	[sflag:s12] =	ssyncset.done $0x0  }
0xa8: {  	[sflag:s12] =	ssyncadd.s32 $0xFFFFC180  }
0xa9: {  	[spmem:s1] =	stream.indirect.scatter.add.f32 [tilespmem:s10], [sflag:$0x5], $0x10, s29, s7, $0xb8;
	[tilespmem:$0x16F30] =	vst v63  }
0xaa: {  	s0 =	rddreg [dreg:$0xa]  }
0xab: {  	[tilespmem:s14], [sflag:$0x4] =	stream.indirect.gather [hbm4b:s3+s7], $0x10, s0, s7, $0xb8;
	[tilespmem:$0x16F30] =	vst v63  }
0xac: {  	_ =	swait.ge [sflag:s13], $0x3E80  }
0xad: {  	[sflag:s13] =	ssyncset.done $0x0  }
0xae: {  	s0 =	rddreg [dreg:$0xb];
	[sflag:s13] =	ssyncadd.s32 $0xFFFFC180  }
0xaf: {  	[spmem:s1] =	stream.indirect.scatter.add.f32 [tilespmem:s8], [sflag:$0x6], $0x10, s0, s7, $0xb8;
	[tilespmem:$0x16F30] =	vst v63  }
0xb0: {  	_ =	swait.ge [sflag:s9], $0x3E80  }
0xb1: {  	[sflag:s9] =	ssyncset.done $0x0  }
0xb2: {  	s0 =	rddreg [dreg:$0xc];
	[sflag:s9] =	ssyncadd.s32 $0xFFFFC180  }
0xb3: {  	[tilespmem:s10], [sflag:$0x1] =	stream.indirect.gather [hbm4b:s3+s7], $0x10, s0, s7, $0xb8;
	[tilespmem:$0x16F30] =	vst v63  }
0xb4: {  	_ =	swait.ge [sflag:s19], $0x3E80  }
0xb5: {  	[sflag:s19] =	ssyncset.done $0x0  }
0xb6: {  	s0 =	rddreg [dreg:$0xd];
	[sflag:s19] =	ssyncadd.s32 $0xFFFFC180  }
0xb7: {  	[spmem:s1] =	stream.indirect.scatter.add.f32 [tilespmem:s15], [sflag:$0x7], $0x10, s0, s7, $0xb8;
	[tilespmem:$0x16F30] =	vst v63  }
0xb8: {  	_ =	swait.ge [sflag:s11], $0x3E80  }
0xb9: {  	[sflag:s11] =	ssyncset.done $0x0  }
0xba: {  	s0 =	rddreg [dreg:$0xe];
	[sflag:s11] =	ssyncadd.s32 $0xFFFFC180  }
0xbb: {  	[tilespmem:s8], [sflag:$0x2] =	stream.indirect.gather [hbm4b:s3+s7], $0x10, s0, s7, $0xb8;
	[tilespmem:$0x16F30] =	vst v63  }
0xbc: {  	_ =	swait.ge [sflag:s18], $0x3E80  }
0xbd: {  	[sflag:s18] =	ssyncset.done $0x0  }
0xbe: {  	s0 =	rddreg [dreg:$0xf];
	[sflag:s18] =	ssyncadd.s32 $0xFFFFC180  }
0xbf: {  	[spmem:s1] =	stream.indirect.scatter.add.f32 [tilespmem:s14], [sflag:$0x8], $0x10, s0, s7, $0xb8;
	[tilespmem:$0x16F30] =	vst v63  }
0xc0: {  	_ =	swait.ge [sflag:s16], $0x3E80  }
0xc1: {  	[sflag:s16] =	ssyncset.done $0x0  }
0xc2: {  	s0 =	rddreg [dreg:$0x10];
	[sflag:s16] =	ssyncadd.s32 $0xFFFFC180  }
0xc3: {  	[tilespmem:s15], [sflag:$0x3] =	stream.indirect.gather [hbm4b:s3+s7], $0x10, s0, s7, $0xb8;
	[tilespmem:$0x16F30] =	vst v63  }
0xc4: {  	_ =	swait.ge [sflag:s12], $0x3E80  }
0xc5: {  	[sflag:s12] =	ssyncset.done $0x0  }
0xc6: {  	s0 =	rddreg [dreg:$0x11];
	[sflag:s12] =	ssyncadd.s32 $0xFFFFC180  }
0xc7: {  	[spmem:s1] =	stream.indirect.scatter.add.f32 [tilespmem:s10], [sflag:$0x5], $0x10, s0, s7, $0xb8;
	[tilespmem:$0x16F30] =	vst v63  }
0xc8: {  	_ =	swait.ge [sflag:s17], $0x3E80  }
0xc9: {  	[sflag:s17] =	ssyncset.done $0x0  }
0xca: {  	s0 =	rddreg [dreg:$0x12];
	[sflag:s17] =	ssyncadd.s32 $0xFFFFC180  }
0xcb: {  	[tilespmem:s14], [sflag:$0x4] =	stream.indirect.gather [hbm4b:s3+s7], $0x10, s0, s7, $0xb8;
	[tilespmem:$0x16F30] =	vst v63  }
0xcc: {  	_ =	swait.ge [sflag:s13], $0x3E80  }
0xcd: {  	[sflag:s13] =	ssyncset.done $0x0  }
0xce: {  	[sflag:s13] =	ssyncadd.s32 $0xFFFFC180  }
0xcf: {  	[spmem:s1] =	stream.indirect.scatter.add.f32 [tilespmem:s8], [sflag:$0x6], $0x10, s28, s7, $0xb8;
	[tilespmem:$0x16F30] =	vst v63  }
0xd0: {  	_ =	swait.ge [sflag:s9], $0x3E80  }
0xd1: {  	[sflag:s9] =	ssyncset.done $0x0  }
0xd2: {  	[sflag:s9] =	ssyncadd.s32 $0xFFFFC180  }
0xd3: {  	[tilespmem:s10], [sflag:$0x1] =	stream.indirect.gather [hbm4b:s3+s7], $0x10, s26, s7, $0xb8;
	[tilespmem:$0x16F30] =	vst v63  }
0xd4: {  	_ =	swait.ge [sflag:s19], $0x3E80  }
0xd5: {  	[sflag:s19] =	ssyncset.done $0x0  }
0xd6: {  	[sflag:s19] =	ssyncadd.s32 $0xFFFFC180  }
0xd7: {  	[spmem:s1] =	stream.indirect.scatter.add.f32 [tilespmem:s15], [sflag:$0x7], $0x10, s25, s7, $0xb8;
	[tilespmem:$0x16F30] =	vst v63  }
0xd8: {  	_ =	swait.ge [sflag:s11], $0x3E80  }
0xd9: {  	[sflag:s11] =	ssyncset.done $0x0  }
0xda: {  	[sflag:s11] =	ssyncadd.s32 $0xFFFFC180  }
0xdb: {  	[tilespmem:s8], [sflag:$0x2] =	stream.indirect.gather [hbm4b:s3+s7], $0x10, s24, s7, $0xb8;
	[tilespmem:$0x16F30] =	vst v63  }
0xdc: {  	_ =	swait.ge [sflag:s18], $0x3E80  }
0xdd: {  	[sflag:s18] =	ssyncset.done $0x0  }
0xde: {  	[sflag:s18] =	ssyncadd.s32 $0xFFFFC180  }
0xdf: {  	[spmem:s1] =	stream.indirect.scatter.add.f32 [tilespmem:s14], [sflag:$0x8], $0x10, s23, s7, $0xb8;
	[tilespmem:$0x16F30] =	vst v63  }
0xe0: {  	_ =	swait.ge [sflag:s12], $0x3E80  }
0xe1: {  	[sflag:s12] =	ssyncset.done $0x0  }
0xe2: {  	[sflag:s12] =	ssyncadd.s32 $0xFFFFC180  }
0xe3: {  	[spmem:s1] =	stream.indirect.scatter.add.f32 [tilespmem:s10], [sflag:$0x5], $0x10, s22, s7, $0xb8;
	[tilespmem:$0x16F30] =	vst v63  }
0xe4: {  	_ =	swait.ge [sflag:s13], $0x3E80  }
0xe5: {  	[sflag:s13] =	ssyncset.done $0x0  }
0xe6: {  	[sflag:s13] =	ssyncadd.s32 $0xFFFFC180  }
0xe7: {  	[spmem:s1] =	stream.indirect.scatter.add.f32 [tilespmem:s8], [sflag:$0x6], $0x10, s21, s7, $0xb8;
	[tilespmem:$0x16F30] =	vst v63  }
0xe8: {  	_ =	swait.ge [sflag:s16], $0x3E80  }
0xe9: {  	[sflag:s16] =	ssyncset.done $0x0  }
0xea: {  	[sflag:s16] =	ssyncadd.s32 $0xFFFFC180  }
0xeb: {  	_ =	swait.ge [sflag:s17], $0x3E80  }
0xec: {  	[sflag:s17] =	ssyncset.done $0x0  }
0xed: {  	[sflag:s17] =	ssyncadd.s32 $0xFFFFC180  }
0xee: {  	_ =	swait.ge [sflag:s9], $0x3E80  }
0xef: {  	[sflag:s9] =	ssyncset.done $0x0  }
0xf0: {  	[sflag:s9] =	ssyncadd.s32 $0xFFFFC180  }
0xf1: {  	_ =	swait.ge [sflag:s11], $0x3E80  }
0xf2: {  	[sflag:s11] =	ssyncset.done $0x0  }
0xf3: {  	[sflag:s11] =	ssyncadd.s32 $0xFFFFC180  }
0xf4: {  	[bflag:$0x0] =	sbarrier.arrive $0xFFFF  }
0xf5: {  	s31 =	sadd.s32 $0xFFFFFFFF, s31;
	s0 =	rddreg [dreg:$0x7]  }
0xf6: {  	[hbm:s0], [sflag:s2] =	dma.local [spmem:s6], $0x4E0  }
0xf7: {  	p2 =	sne.s32 s31, $0x0;
	_ =	swait.ge [sflag:s4], $0x4E0  }
.Ltmp2:
0xf8: {  	[sflag:s4] =	ssyncset.done $0x0;
	(pc) =	sbr.rel @p2 .LBB2_3-.Ltmp2, $4  }
0xf9: {  	s0 =	rddreg [dreg:$0x8];
	[sflag:s4] =	ssyncadd.s32 $0xFFFFFB20  }
0xfa: {  	[hbm:s0], [sflag:s2] =	dma.local @!p0 [spmem:s5], $0x20  }
0xfb: {  	_ =	swait.ge @!p0 [sflag:s30], $0x20  }
0xfc: {  	s0 =	rddreg [dreg:$0x3];
	[sflag:s30] =	ssyncset.done @!p0 $0x0  }
.LBB2_4:
0xfd: {  	p1 =	por p0, !p1  }
0xfe: {  	[sflag:s30] =	ssyncadd.s32 @!p1 $0xFFFFFFE0  }
0xff: {  	[spmem:s6], [sflag:s2] =	dma.local [hbm:s0], $0x4E0  }
0x100: {  	_ =	swait.ge [sflag:s4], $0x4E0  }
0x101: {  	[sflag:s4] =	ssyncset.done $0x0  }
0x102: {  	s30 =	simm.s32 @!p0 $0x9;
	s0 =	rddreg [dreg:$0x4];
	[sflag:s4] =	ssyncadd.s32 $0xFFFFFB20  }
0x103: {  	[spmem:s5], [sflag:s2] =	dma.local @!p0 [hbm:s0], $0x20  }
0x104: {  	_ =	swait.ge @!p0 [sflag:s30], $0x20  }
0x105: {  	[sflag:s30] =	ssyncset.done @!p0 $0x0  }
0x106: {  	[sflag:s30] =	ssyncadd.s32 @!p0 $0xFFFFFFE0  }
0x107: {  	[bflag:$0x0] =	sbarrier.arrive $0xFFFF  }
0x108: {  	s31 =	rddreg [dreg:$0x5]  }
0x109: {  	[tilespmem:s20], [sflag:$0x9] =	stream.linear.gather [hbm4b:s31+s20], $0x2710, $0x38;
	[tilespmem:$0x16F30] =	vst v63  }
0x10a: {  	_ =	swait.ge [sflag:s4], $0x2710  }
0x10b: {  	[sflag:s4] =	ssyncset.done $0x0  }
0x10c: {  	s31 =	rddreg [dreg:$0x6];
	[sflag:s4] =	ssyncadd.s32 $0xFFFFD8F0  }
0x10d: {  	[tilespmem:s29], [sflag:$0x9] =	stream.linear.gather [hbm4b:s31+s20], $0x2710, $0x38;
	[tilespmem:$0x16F30] =	vst v63  }
0x10e: {  	_ =	swait.ge [sflag:s4], $0x2710  }
0x10f: {  	[sflag:s4] =	ssyncset.done $0x0  }
0x110: {  	[sflag:s4] =	ssyncadd.s32 $0xFFFFD8F0  }
0x111: {  	[tilespmem:s10], [sflag:$0x1] =	stream.indirect.gather [hbm4b:s3+s7], $0x10, s20, s7, $0xb8;
	[tilespmem:$0x16F30] =	vst v63  }
0x112: {  	_ = 	snop  }
0x113: {  	[tilespmem:s8], [sflag:$0x2] =	stream.indirect.gather [hbm4b:s3+s7], $0x10, s7, s7, $0xb8;
	[tilespmem:$0x16F30] =	vst v63  }
0x114: {  	s20 =	rddreg [dreg:$0x9]  }
0x115: {  	[tilespmem:s15], [sflag:$0x3] =	stream.indirect.gather [hbm4b:s3+s7], $0x10, s20, s7, $0xb8;
	[tilespmem:$0x16F30] =	vst v63  }
0x116: {  	_ =	swait.ge [sflag:s12], $0x3E80  }
0x117: {  	[sflag:s12] =	ssyncset.done $0x0  }
0x118: {  	[sflag:s12] =	ssyncadd.s32 $0xFFFFC180  }
0x119: {  	[spmem:s1] =	stream.indirect.scatter.add.f32 [tilespmem:s10], [sflag:$0x5], $0x10, s29, s7, $0xb8;
	[tilespmem:$0x16F30] =	vst v63  }
0x11a: {  	s31 =	rddreg [dreg:$0xa]  }
0x11b: {  	[tilespmem:s14], [sflag:$0x4] =	stream.indirect.gather [hbm4b:s3+s7], $0x10, s31, s7, $0xb8;
	[tilespmem:$0x16F30] =	vst v63  }
0x11c: {  	_ =	swait.ge [sflag:s13], $0x3E80  }
0x11d: {  	[sflag:s13] =	ssyncset.done $0x0  }
0x11e: {  	s20 =	rddreg [dreg:$0xb];
	[sflag:s13] =	ssyncadd.s32 $0xFFFFC180  }
0x11f: {  	[spmem:s1] =	stream.indirect.scatter.add.f32 [tilespmem:s8], [sflag:$0x6], $0x10, s20, s7, $0xb8;
	[tilespmem:$0x16F30] =	vst v63  }
0x120: {  	_ =	swait.ge [sflag:s9], $0x3E80  }
0x121: {  	[sflag:s9] =	ssyncset.done $0x0  }
0x122: {  	s29 =	rddreg [dreg:$0xc];
	[sflag:s9] =	ssyncadd.s32 $0xFFFFC180  }
0x123: {  	[tilespmem:s10], [sflag:$0x1] =	stream.indirect.gather [hbm4b:s3+s7], $0x10, s29, s7, $0xb8;
	[tilespmem:$0x16F30] =	vst v63  }
0x124: {  	_ =	swait.ge [sflag:s19], $0x3E80  }
0x125: {  	[sflag:s19] =	ssyncset.done $0x0  }
0x126: {  	s31 =	rddreg [dreg:$0xd];
	[sflag:s19] =	ssyncadd.s32 $0xFFFFC180  }
0x127: {  	[spmem:s1] =	stream.indirect.scatter.add.f32 [tilespmem:s15], [sflag:$0x7], $0x10, s31, s7, $0xb8;
	[tilespmem:$0x16F30] =	vst v63  }
0x128: {  	_ =	swait.ge [sflag:s11], $0x3E80  }
0x129: {  	[sflag:s11] =	ssyncset.done $0x0  }
0x12a: {  	s20 =	rddreg [dreg:$0xe];
	[sflag:s11] =	ssyncadd.s32 $0xFFFFC180  }
0x12b: {  	[tilespmem:s8], [sflag:$0x2] =	stream.indirect.gather [hbm4b:s3+s7], $0x10, s20, s7, $0xb8;
	[tilespmem:$0x16F30] =	vst v63  }
0x12c: {  	_ =	swait.ge [sflag:s18], $0x3E80  }
0x12d: {  	[sflag:s18] =	ssyncset.done $0x0  }
0x12e: {  	s29 =	rddreg [dreg:$0xf];
	[sflag:s18] =	ssyncadd.s32 $0xFFFFC180  }
0x12f: {  	[spmem:s1] =	stream.indirect.scatter.add.f32 [tilespmem:s14], [sflag:$0x8], $0x10, s29, s7, $0xb8;
	[tilespmem:$0x16F30] =	vst v63  }
0x130: {  	_ =	swait.ge [sflag:s16], $0x3E80  }
0x131: {  	[sflag:s16] =	ssyncset.done $0x0  }
0x132: {  	s31 =	rddreg [dreg:$0x10];
	[sflag:s16] =	ssyncadd.s32 $0xFFFFC180  }
0x133: {  	[tilespmem:s15], [sflag:$0x3] =	stream.indirect.gather [hbm4b:s3+s7], $0x10, s31, s7, $0xb8;
	[tilespmem:$0x16F30] =	vst v63  }
0x134: {  	_ =	swait.ge [sflag:s12], $0x3E80  }
0x135: {  	[sflag:s12] =	ssyncset.done $0x0  }
0x136: {  	s20 =	rddreg [dreg:$0x11];
	[sflag:s12] =	ssyncadd.s32 $0xFFFFC180  }
0x137: {  	[spmem:s1] =	stream.indirect.scatter.add.f32 [tilespmem:s10], [sflag:$0x5], $0x10, s20, s7, $0xb8;
	[tilespmem:$0x16F30] =	vst v63  }
0x138: {  	_ =	swait.ge [sflag:s17], $0x3E80  }
0x139: {  	[sflag:s17] =	ssyncset.done $0x0  }
0x13a: {  	s29 =	rddreg [dreg:$0x12];
	[sflag:s17] =	ssyncadd.s32 $0xFFFFC180  }
0x13b: {  	[tilespmem:s14], [sflag:$0x4] =	stream.indirect.gather [hbm4b:s3+s7], $0x10, s29, s7, $0xb8;
	[tilespmem:$0x16F30] =	vst v63  }
0x13c: {  	_ =	swait.ge [sflag:s13], $0x3E80  }
0x13d: {  	[sflag:s13] =	ssyncset.done $0x0  }
0x13e: {  	[sflag:s13] =	ssyncadd.s32 $0xFFFFC180  }
0x13f: {  	[spmem:s1] =	stream.indirect.scatter.add.f32 [tilespmem:s8], [sflag:$0x6], $0x10, s28, s7, $0xb8;
	[tilespmem:$0x16F30] =	vst v63  }
0x140: {  	_ =	swait.ge [sflag:s9], $0x3E80  }
0x141: {  	[sflag:s9] =	ssyncset.done $0x0  }
0x142: {  	[sflag:s9] =	ssyncadd.s32 $0xFFFFC180  }
0x143: {  	[tilespmem:s10], [sflag:$0x1] =	stream.indirect.gather [hbm4b:s3+s7], $0x10, s26, s7, $0xb8;
	[tilespmem:$0x16F30] =	vst v63  }
0x144: {  	_ =	swait.ge [sflag:s19], $0x3E80  }
0x145: {  	[sflag:s19] =	ssyncset.done $0x0  }
0x146: {  	[sflag:s19] =	ssyncadd.s32 $0xFFFFC180  }
0x147: {  	[spmem:s1] =	stream.indirect.scatter.add.f32 [tilespmem:s15], [sflag:$0x7], $0x10, s25, s7, $0xb8;
	[tilespmem:$0x16F30] =	vst v63  }
0x148: {  	_ =	swait.ge [sflag:s11], $0x3E80  }
0x149: {  	[sflag:s11] =	ssyncset.done $0x0  }
0x14a: {  	[sflag:s11] =	ssyncadd.s32 $0xFFFFC180  }
0x14b: {  	[tilespmem:s8], [sflag:$0x2] =	stream.indirect.gather [hbm4b:s3+s7], $0x10, s24, s7, $0xb8;
	[tilespmem:$0x16F30] =	vst v63  }
0x14c: {  	_ =	swait.ge [sflag:s18], $0x3E80  }
0x14d: {  	[sflag:s18] =	ssyncset.done $0x0  }
0x14e: {  	[sflag:s18] =	ssyncadd.s32 $0xFFFFC180  }
0x14f: {  	[spmem:s1] =	stream.indirect.scatter.add.f32 [tilespmem:s14], [sflag:$0x8], $0x10, s23, s7, $0xb8;
	[tilespmem:$0x16F30] =	vst v63  }
0x150: {  	_ =	swait.ge [sflag:s12], $0x3E80  }
0x151: {  	[sflag:s12] =	ssyncset.done $0x0  }
0x152: {  	[sflag:s12] =	ssyncadd.s32 $0xFFFFC180  }
0x153: {  	[spmem:s1] =	stream.indirect.scatter.add.f32 [tilespmem:s10], [sflag:$0x5], $0x10, s22, s7, $0xb8;
	[tilespmem:$0x16F30] =	vst v63  }
0x154: {  	_ =	swait.ge [sflag:s13], $0x3E80  }
0x155: {  	[sflag:s13] =	ssyncset.done $0x0  }
0x156: {  	[sflag:s13] =	ssyncadd.s32 $0xFFFFC180  }
0x157: {  	[spmem:s1] =	stream.indirect.scatter.add.f32 [tilespmem:s8], [sflag:$0x6], $0x10, s21, s7, $0xb8;
	[tilespmem:$0x16F30] =	vst v63  }
0x158: {  	_ =	swait.ge [sflag:s16], $0x3E80  }
0x159: {  	[sflag:s16] =	ssyncset.done $0x0  }
0x15a: {  	[sflag:s16] =	ssyncadd.s32 $0xFFFFC180  }
0x15b: {  	_ =	swait.ge [sflag:s17], $0x3E80  }
0x15c: {  	[sflag:s17] =	ssyncset.done $0x0  }
0x15d: {  	[sflag:s17] =	ssyncadd.s32 $0xFFFFC180  }
0x15e: {  	_ =	swait.ge [sflag:s9], $0x3E80  }
0x15f: {  	[sflag:s9] =	ssyncset.done $0x0  }
0x160: {  	[sflag:s9] =	ssyncadd.s32 $0xFFFFC180  }
0x161: {  	_ =	swait.ge [sflag:s11], $0x3E80  }
0x162: {  	[sflag:s11] =	ssyncset.done $0x0  }
0x163: {  	[sflag:s11] =	ssyncadd.s32 $0xFFFFC180  }
0x164: {  	[bflag:$0x0] =	sbarrier.arrive $0xFFFF  }
0x165: {  	s31 =	rddreg [dreg:$0x7]  }
0x166: {  	[hbm:s31], [sflag:s2] =	dma.local [spmem:s6], $0x4E0  }
0x167: {  	_ =	swait.ge [sflag:s4], $0x4E0  }
0x168: {  	[sflag:s4] =	ssyncset.done $0x0  }
0x169: {  	s0 =	rddreg [dreg:$0x8];
	[sflag:s4] =	ssyncadd.s32 $0xFFFFFB20  }
0x16a: {  	[hbm:s0], [sflag:s2] =	dma.local @!p0 [spmem:s5], $0x20  }
0x16b: {  	_ =	swait.ge @!p0 [sflag:s30], $0x20  }
0x16c: {  	[sflag:s30] =	ssyncset.done @!p0 $0x0  }
0x16d: {  	[sflag:s30] =	ssyncadd.s32 @!p0 $0xFFFFFFE0  }
0x16e: {  	_ =	sfence.sel $0x180000  }
0x16f: {  	[bflag:$0x0] =	sbarrier.arrive $0xFFFF  }
0x170: {  	_ =	strace $0x90000047  }
0x171: {  	[bflag:$0x2] =	sbarrier.arrive $0xFFFF  }
0x172: {  	s0 =	rddreg [dreg:$0x2]  }
0x173: {  	s0 =	sadd.s32 @!p0 $0x100000, s0  }
0x174: {  	[sflag:s0] =	ssyncadd.tile.s32 @!p0 $0x1;
	_ =	shalt  }
.LBB2_1:
.Ltmp3:
0x175: {  	(pc) =	sbr.rel .LBB2_4-.Ltmp3, $2  }
0x176: {  	_ =	sdelay $0x2  }
0x177: {  	_ = 	snop  }
.Lfunc_end2:
_tile_overlayer_lowered:
.L_overlay_start_2:
0x178: {  	(tag) =	ssettag $0x2  }
0x179: {  	s0 =	rddreg [dreg:$0x0];
	s2 =	stileid.u32  }
0x17a: {  	s1 =	rddreg [dreg:$0x1];
	p0 =	sne.s32 s2, $0x0  }
0x17b: {  	s3 =	rddreg [dreg:$0x2];
	[bflag:$0x3] =	sbarrier.arrive $0xFFFF;
	s2 =	simm.s32 @!p0 $0x1C09  }
0x17c: {  	[timem:s3], [sflag:s2] =	dma.local @!p0 [hbm:s0], s1  }
0x17d: {  	s0 =	simm.s32 @!p0 $0x9  }
0x17e: {  	_ =	swait.ge @!p0 [sflag:s0], s1  }
0x17f: {  	s1 =	ssub.s32 @!p0 $0x0, s1;
	[sflag:s0] =	ssyncset.done @!p0 $0x0  }
0x180: {  	[sflag:s0] =	ssyncadd.s32 @!p0 s1  }
0x181: {  	[bflag:$0x3] =	sbarrier.arrive $0xFFFF  }
0x182: {  	_ =	shalt  }

// kernel: kernel.15.cloned.1.call-start
scs
__scs_entry_jumppad:
0x0: {  	(pc) =	sbr.rel $0x88, $3  }
0x1: {  	(tag) =	ssettag $0x0;
	lr =	simm.s32 $0x1  }
0x2: {  	[smem:$0x3F90] =	sst lr;
	_ =	strace $0xD0000000  }
0x3: {  	_ = 	snop  }
0x4: {  	_ = 	snop  }
0x5: {  	_ = 	snop  }
0x6: {  	_ = 	snop  }
0x7: {  	_ = 	snop  }
__scs_overlays_trampoline_lowered:
0x8: {  	[smem:$0x3F9F] =	sst s0  }
0x9: {  	[smem:$0x3FA0] =	sst s1  }
0xa: {  	[smem:$0x3FA1] =	sst s2  }
0xb: {  	[smem:$0x3FA2] =	sst s3  }
0xc: {  	[smem:$0x3FA3] =	sst s4  }
0xd: {  	[smem:$0x3FA4] =	sst s5  }
0xe: {  	[smem:$0x3FA5] =	sst s6  }
0xf: {  	[smem:$0x3FA6] =	sst s7  }
0x10: {  	[smem:$0x3FA7] =	sst s8  }
0x11: {  	[smem:$0x3FA8] =	sst s9;
	s0 =	simm.s32 @!p0 $0x0  }
0x12: {  	s1 =	sld [smem:$0x3F8E];
	s0 =	simm.s32 @p0 $0x1  }
0x13: {  	[smem:$0x3FA9] =	sst s0;
	s0 =	simm.s32 @!p1 $0x0  }
0x14: {  	s2 =	sld [smem:$0x3F8D];
	s0 =	simm.s32 @p1 $0x1  }
0x15: {  	[smem:$0x3FAA] =	sst s0;
	s0 =	simm.s32 @!p2 $0x0  }
0x16: {  	s3 =	sld [smem:$0x3FDB];
	s0 =	simm.s32 @p2 $0x1  }
0x17: {  	s4 =	simm.s32 $0x1BF5;
	[smem:$0x3FAC] =	sst s0  }
0x18: {  	s0 =	sld [smem:$0x3F8F];
	_ =	swait.ge [sflag:s4], $0x0  }
0x19: {  	s7 =	sld [smem:$0x3F90]  }
0x1a: {  	s8 =	sadd.s32 $0xFFFFE003, lr  }
0x1b: {  	s9 =	sadd.s32 $0xFFFFFEF7, lr;
	s5 =	simm.s32 $0xFFFFFFFF;
	p2 =	slt.u32 s8, $0xFFFFF086  }
0x1c: {  	p1 =	slt.u32 s9, $0xF7A;
	s5 =	simm.s32 @!p2 $0x0  }
0x1d: {  	s5 =	simm.s32 @p1 $0x1;
	p0 =	seq.s32 s7, s2  }
0x1e: {  	s7 =	smul.u32 @!p0 $0xF7A, s2;
	p2 =	seq.s32 @!p0 s5, $0x0  }
0x1f: {  	s9 =	smul.u32 $0xF7A, s1;
	s8 =	simm.s32 @!p0 $0x1BF5;
	p2 =	por !p2, p0  }
0x20: {  	[sflag:s8] =	ssyncset.s32 @!p0 $0xFFFFF086;
	s6 =	sadd.s32 @!p0 s3, s7;
	s7 =	simm.s32 @!p0 $0x108  }
0x21: {  	s3 =	sadd.s32 s3, s9;
	s6 =	sadd.s32 @!p0 $0x88, s6;
	s7 =	simm.s32 @p2 $0x1082  }
0x22: {  	[simem:s7], [sflag:s8] =	dma.local @!p0 [hbm:s6], $0xF7A  }
0x23: {  	s9 =	sor.u32 $0xD0000000, s2;
	s6 =	simm.s32 $0x108;
	_ =	swait.ge @!p0 [sflag:s8], $0x0  }
0x24: {  	s3 =	sadd.s32 $0x88, s3;
	s6 =	simm.s32 @!p1 $0x1082;
	[sflag:s4] =	ssyncset.s32 $0xFFFFF086  }
0x25: {  	[simem:s6], [sflag:s4] =	dma.local [hbm:s3], $0xF7A  }
0x26: {  	[smem:$0x3F90] =	sst s1;
	(tag) =	ssettag s2;
	_ =	strace s9  }
0x27: {  	s1 =	sld [smem:$0x3FA0]  }
0x28: {  	s2 =	sld [smem:$0x3FA1]  }
0x29: {  	s4 =	sld [smem:$0x3FA3]  }
0x2a: {  	p0 =	seq.s32 s5, $0x0;
	s5 =	sld [smem:$0x3FA4]  }
0x2b: {  	s6 =	sld [smem:$0x3FA5]  }
0x2c: {  	s7 =	sld [smem:$0x3FA6]  }
0x2d: {  	s3 =	simm.s32 $0x108;
	s8 =	sld [smem:$0x3FA7]  }
0x2e: {  	s3 =	simm.s32 @!p0 $0x1082;
	s9 =	sld [smem:$0x3FA8]  }
0x2f: {  	lr =	sadd.s32 s0, s3;
	s0 =	sld [smem:$0x3F9F]  }
0x30: {  	s3 =	sld [smem:$0x3FA2]  }
0x31: {  	[smem:$0x3FAB] =	sst s10  }
0x32: {  	s10 =	sld [smem:$0x3FA9];
	_ =	sdelay $0x3  }
0x33: {  	p0 =	seq.s32 s10, $0x1;
	s10 =	sld [smem:$0x3FAB];
	_ =	sdelay $0x3  }
0x34: {  	[smem:$0x3FAB] =	sst s10  }
0x35: {  	s10 =	sld [smem:$0x3FAA];
	_ =	sdelay $0x3  }
0x36: {  	p1 =	seq.s32 s10, $0x1;
	s10 =	sld [smem:$0x3FAB];
	_ =	sdelay $0x3  }
0x37: {  	[smem:$0x3FAB] =	sst s10  }
0x38: {  	s10 =	sld [smem:$0x3FAC]  }
0x39: {  	_ = 	snop;
	(pc) =	sbr.ind lr, $3  }
0x3a: {  	_ = 	snop  }
0x3b: {  	_ = 	snop  }
0x3c: {  	p2 =	seq.s32 s10, $0x1;
	s10 =	sld [smem:$0x3FAB]  }
0x3d: {  	_ =	shalt  }
0x3e: {  	_ =	shalt  }
0x3f: {  	_ =	shalt  }
0x40: {  	_ =	shalt  }
0x41: {  	_ =	shalt  }
0x42: {  	_ =	shalt  }
0x43: {  	_ =	shalt  }
0x44: {  	_ =	shalt  }
0x45: {  	_ =	shalt  }
0x46: {  	_ =	shalt  }
0x47: {  	_ =	shalt  }
0x48: {  	_ =	shalt  }
0x49: {  	_ =	shalt  }
0x4a: {  	_ =	shalt  }
0x4b: {  	_ =	shalt  }
0x4c: {  	_ =	shalt  }
0x4d: {  	_ =	shalt  }
0x4e: {  	_ =	shalt  }
0x4f: {  	_ =	shalt  }
0x50: {  	_ =	shalt  }
0x51: {  	_ =	shalt  }
0x52: {  	_ =	shalt  }
0x53: {  	_ =	shalt  }
0x54: {  	_ =	shalt  }
0x55: {  	_ =	shalt  }
0x56: {  	_ =	shalt  }
0x57: {  	_ =	shalt  }
0x58: {  	_ =	shalt  }
0x59: {  	_ =	shalt  }
0x5a: {  	_ =	shalt  }
0x5b: {  	_ =	shalt  }
0x5c: {  	_ =	shalt  }
0x5d: {  	_ =	shalt  }
0x5e: {  	_ =	shalt  }
0x5f: {  	_ =	shalt  }
0x60: {  	_ =	shalt  }
0x61: {  	_ =	shalt  }
0x62: {  	_ =	shalt  }
0x63: {  	_ =	shalt  }
0x64: {  	_ =	shalt  }
0x65: {  	_ =	shalt  }
0x66: {  	_ =	shalt  }
0x67: {  	_ =	shalt  }
0x68: {  	_ =	shalt  }
0x69: {  	_ =	shalt  }
0x6a: {  	_ =	shalt  }
0x6b: {  	_ =	shalt  }
0x6c: {  	_ =	shalt  }
0x6d: {  	_ =	shalt  }
0x6e: {  	_ =	shalt  }
0x6f: {  	_ =	shalt  }
0x70: {  	_ =	shalt  }
0x71: {  	_ =	shalt  }
0x72: {  	_ =	shalt  }
0x73: {  	_ =	shalt  }
0x74: {  	_ =	shalt  }
0x75: {  	_ =	shalt  }
0x76: {  	_ =	shalt  }
0x77: {  	_ =	shalt  }
0x78: {  	_ =	shalt  }
0x79: {  	_ =	shalt  }
0x7a: {  	_ =	shalt  }
0x7b: {  	_ =	shalt  }
0x7c: {  	_ =	shalt  }
0x7d: {  	_ =	shalt  }
0x7e: {  	_ =	shalt  }
0x7f: {  	_ =	shalt  }
0x80: {  	_ =	shalt  }
0x81: {  	_ =	shalt  }
0x82: {  	_ =	shalt  }
0x83: {  	_ =	shalt  }
0x84: {  	_ =	shalt  }
0x85: {  	_ =	shalt  }
0x86: {  	_ =	shalt  }
0x87: {  	_ =	shalt  }
.Lfunc_end0:
.L_simem_size_0:
called_computation.1_lowered:
.L_overlay_start_0:
0x88: {  	s2 =	sld [smem:$0x3FD9]  }
0x89: {  	s3 =	sld [smem:$0x3FFE];
	_ =	sdelay $0x1  }
0x8a: {  	s1 =	srdreg.scid  }
0x8b: {  	s0 =	sand.u32 $0x1, s1  }
0x8c: {  	s16 =	sshll.u32 s0, $0xA;
	s2 =	sadd.s32 s3, s2  }
0x8d: {  	s2 =	sadd.s32 s2, s16  }
0x8e: {  	[smem:$0x3FB7] =	sst s2  }
0x8f: {  	_ = 	snop  }
0x90: {  	(tm) =	ssettm $0x1  }
0x91: {  	s17 =	sld [smem:$0x3FFB];
	_ =	sdelay $0x3  }
0x92: {  	_ =	strace s17  }
0x93: {  	s2 =	sld [smem:$0x3FFC];
	_ =	sdelay $0x3  }
0x94: {  	_ =	strace s2  }
0x95: {  	s2 =	sld [smem:$0x3FFD];
	_ =	sdelay $0x3  }
0x96: {  	_ =	strace s2  }
0x97: {  	_ =	strace $0x8FFFFFFF  }
0x98: {  	s18 =	sld [smem:$0x3FDB];
	_ =	sdelay $0x1  }
0x99: {  	s19 =	simm.s32 $_scs_section_size  }
0x9a: {  	s4 =	simm.s32 $_size__tile_overlayer_lowered;
	s5 =	simm.s32 $_tile_overlayer_lowered  }
0x9b: {  	s22 =	simm.s32 $0x1BFF;
	s21 =	sshll.u32 s5, $0x1;
	s2 =	sadd.s32 s19, s18  }
0x9c: {  	s6 =	simm.s32 $0x0;
	s20 =	sshll.u32 s4, $0x1;
	s4 =	sadd.s32 s21, s2  }
0x9d: {  	[timem:s6], [sflag:s22] =	dma.local [hbm:s4], s20  }
0x9e: {  	_ =	swait.ge [sflag:s22], s20  }
0x9f: {  	s3 =	ssub.s32 $0x0, s20;
	[sflag:s22] =	ssyncset.done $0x0  }
0xa0: {  	[sflag:s22] =	ssyncadd.s32 s3;
	_ =	sdelay $0x1  }
0xa1: {  	s23 =	simm.s32 $0x1B8B  }
0xa2: {  	_ =	swait.ge [sflag:s23], $0x1  }
0xa3: {  	[sflag:s23] =	ssyncset.done $0x0  }
0xa4: {  	s25 =	simm.s32 $0x1B8E;
	s24 =	sld [smem:$0x3FFE];
	[sflag:s23] =	ssyncadd.s32 $0xFFFFFFFF  }
0xa5: {  	s26 =	simm.s32 $execute0_lowered;
	[smem:$0x3FD2] =	sst s25  }
0xa6: {  	s4 =	sshll.u32 s26, $0x1;
	_ =	strace $0x80000049;
	[dreg:$0x1] =	wrdreg $0xFFFFFFFF  }
0xa7: {  	s28 =	simm.s32 $_size_execute0_lowered;
	s2 =	sadd.s32 s2, s4;
	[dreg:$0x0] =	wrdreg $0x0  }
0xa8: {  	s4 =	sshll.u32 s28, $0x1;
	[dreg:$0x2] =	wrdreg s2  }
0xa9: {  	[dreg:$0x3] =	wrdreg s4  }
0xaa: {  	[dreg:$0x4] =	wrdreg $0xC0  }
0xab: {  	_ =	task [dreg:s6], $0x5FFFF  }
0xac: {  	[dreg:$0x1] =	wrdreg $0xFFFFFFFF  }
0xad: {  	[dreg:$0x0] =	wrdreg $0x60  }
0xae: {  	[dreg:$0x2] =	wrdreg s24  }
0xaf: {  	[dreg:$0x3] =	wrdreg $0x148200  }
0xb0: {  	[dreg:$0x4] =	wrdreg $0x9  }
0xb1: {  	_ =	task.clear_ibuf [dreg:s6], $0x5FFFF;
	_ =	strace $0x90000049  }
0xb2: {  	s29 =	simm.s32 $0x9;
	_ =	strace $0x8000004B  }
0xb3: {  	_ =	swait.ge [sflag:s29], $0x1  }
0xb4: {  	[sflag:s29] =	ssyncadd.s32 $0xFFFFFFFF  }
0xb5: {  	_ =	strace $0x9000004B  }
0xb6: {  	_ =	sfence  }
0xb7: {  	s30 =	sld [smem:$0x0];
	_ =	sdelay $0x2  }
0xb8: {  	s31 =	sshll.u32 s1, $0xD;
	s1 =	sshrl.u32 s1, $0x2  }
0xb9: {  	s3 =	sand.u32 $0x4000, s31;
	s1 =	sadd.s32 s1, s30  }
0xba: {  	s0 =	sor.u32 s3, s0;
	s1 =	sshll.u32 s1, $0x11  }
0xbb: {  	s0 =	sor.u32 s1, s0  }
0xbc: {  	s0 =	sadd.s32 $0x8F2B, s0  }
0xbd: {  	[sflag:s0] =	ssyncadd.remote.s32 $0x1  }
0xbe: {  	_ =	sfence.sel $0xFFFF  }
0xbf: {  	[dreg:$0x0] =	wrdreg $0xFFFFFFFF;
	(pc) =	sbr.abs _section_cstart, $3  }
0xc0: {  	[dreg:$0x1] =	wrdreg $0xFFFFFFFF  }
0xc1: {  	_ =	task.clear_ibuf [dreg:s6], $0x2FFFF;
	_ =	strace $0x9FFFFFFF  }
0xc2: {  	(tm) =	ssettm $0x7FFFFFFF  }
0xc3: {  	_ =	shalt  }
tec
execute0_lowered:
.L_overlay_start_1:
0x0: {  	(tag) =	ssettag $0x1  }
0x1: {  	s0 =	srdreg.scid;
	s2 =	rddreg [dreg:$0x0]  }
0x2: {  	s4 =	stileid.u32;
	s1 =	rddreg [dreg:$0x1];
	s20 =	simm.s32 $0x0  }
0x3: {  	s29 =	simm.s32 $0x2710;
	s21 =	simm.s32 $0x7D0;
	s15 =	simm.s32 $0xCB20  }
0x4: {  	s12 =	simm.s32 $0x1;
	s22 =	simm.s32 $0xBB8;
	s14 =	simm.s32 $0x109A0  }
0x5: {  	s23 =	simm.s32 $0x2AF8;
	s13 =	simm.s32 $0x2;
	s24 =	simm.s32 $0xFA0  }
0x6: {  	s25 =	simm.s32 $0x2EE0;
	s16 =	simm.s32 $0x1388;
	[smem:$0x7FF] =	sst s20  }
0x7: {  	s26 =	simm.s32 $0x32C8;
	_ =	strace $0x8000004A;
	[dreg:$0x9] =	wrdreg s21  }
0x8: {  	s17 =	simm.s32 $0x1770;
	s30 =	simm.s32 $0x36B0;
	[dreg:$0xa] =	wrdreg s22  }
0x9: {  	s28 =	simm.s32 $0x3A98;
	p1 =	por $0x0, $0x0;
	[dreg:$0xb] =	wrdreg s23  }
0xa: {  	s0 =	sand.u32 $0x1, s0;
	s3 =	sshll.u32 s4, $0x1;
	[dreg:$0xc] =	wrdreg s24  }
0xb: {  	s5 =	smul.u32 $0x2700, s4;
	s9 =	sadd.s32 $0x20400, s2;
	[dreg:$0xd] =	wrdreg s25  }
0xc: {  	s19 =	sshll.u32 s4, $0x6;
	p0 =	sne.s32 s4, $0x0;
	[dreg:$0xe] =	wrdreg s16  }
0xd: {  	s4 =	simm.s32 $0x9;
	s3 =	sor.u32 s0, s3;
	[dreg:$0xf] =	wrdreg s26  }
0xe: {  	s8 =	ssub.s32 $0x2, s0;
	s0 =	smul.u32 $0x27100, s0;
	[dreg:$0x10] =	wrdreg s17  }
0xf: {  	s16 =	simm.s32 $0x7;
	[dreg:$0x11] =	wrdreg s30;
	s17 =	simm.s32 $0x8  }
0x10: {  	s21 =	simm.s32 $0x1B58;
	s26 =	simm.s32 $0x1F40;
	s25 =	simm.s32 $0x3E80  }
0x11: {  	s24 =	simm.s32 $0x2328;
	s23 =	simm.s32 $0x4268;
	s22 =	simm.s32 $0x4650  }
0x12: {  	s3 =	smul.u32 $0x4E2, s3;
	s7 =	sshrl.u32 s5, $0x3;
	s10 =	sshrl.u32 s8, $0x1  }
0x13: {  	s18 =	sadd.s32 s5, s1;
	[dreg:$0x12] =	wrdreg s21;
	s21 =	simm.s32 $0x4A38  }
0x14: {  	s7 =	sadd.s32 s7, s2;
	s8 =	ssub.s32 s8, s10;
	s5 =	sadd.s32 s5, s0  }
0x15: {  	s0 =	sshrl.u32 s0, $0x3;
	s10 =	simm.s32 $0x4E20;
	s6 =	sadd.s32 s3, s2  }
0x16: {  	s3 =	sadd.s32 $0x16400, s2;
	s7 =	sadd.s32 $0x1B400, s7;
	s0 =	sadd.s32 s9, s0  }
0x17: {  	s2 =	sadd.s32 $0x20200, s2;
	[dreg:$0x3] =	wrdreg s7;
	s0 =	sadd.s32 $0x4E00, s0  }
0x18: {  	s5 =	sshrl.u32 s5, $0x3;
	[dreg:$0x8] =	wrdreg s0;
	s0 =	smax.u32 s8, $0x1  }
0x19: {  	[dreg:$0x4] =	wrdreg s2;
	s11 =	sadd.s32 $0xC600, s6;
	s31 =	sadd.s32 $0xFFFFFFFF, s0  }
0x1a: {  	s2 =	sor.u32 $0x1C09, s19;
	s6 =	sadd.s32 $0x2800, s6;
	p2 =	sne.s32 s31, $0x0  }
.Ltmp0:
0x1b: {  	s5 =	sadd.s32 s9, s5;
	[dreg:$0x5] =	wrdreg s11;
	(pc) =	sbr.rel @!p2 .LBB2_1-.Ltmp0, $4  }
0x1c: {  	s7 =	sadd.s32 $0x27000, s1;
	s9 =	simm.s32 $0x5;
	[dreg:$0x6] =	wrdreg s6  }
0x1d: {  	s19 =	simm.s32 $0x3;
	[dreg:$0x7] =	wrdreg s5;
	s6 =	sshrl.u32 s18, $0x3  }
0x1e: {  	s5 =	sshrl.u32 @!p0 s7, $0x3;
	s7 =	simm.s32 $0x3E8;
	s8 =	simm.s32 $0x8CA0  }
0x1f: {  	s11 =	simm.s32 $0x6;
	s18 =	simm.s32 $0x4;
	s0 =	rddreg [dreg:$0x3]  }
0x20: {  	[spmem:s6], [sflag:s2] =	dma.local [hbm:s0], $0x4E0  }
0x21: {  	_ =	swait.ge [sflag:s4], $0x4E0  }
0x22: {  	[sflag:s4] =	ssyncset.done $0x0  }
0x23: {  	s30 =	simm.s32 @!p0 $0x9;
	s0 =	rddreg [dreg:$0x4];
	[sflag:s4] =	ssyncadd.s32 $0xFFFFFB20  }
0x24: {  	[spmem:s5], [sflag:s2] =	dma.local @!p0 [hbm:s0], $0x20  }
0x25: {  	_ =	swait.ge @!p0 [sflag:s30], $0x20  }
0x26: {  	[sflag:s30] =	ssyncset.done @!p0 $0x0  }
0x27: {  	[sflag:s30] =	ssyncadd.s32 @!p0 $0xFFFFFFE0  }
0x28: {  	[bflag:$0x0] =	sbarrier.arrive $0xFFFF  }
0x29: {  	s0 =	rddreg [dreg:$0x5]  }
0x2a: {  	[tilespmem:s20], [sflag:$0x9] =	stream.linear.gather [hbm4b:s0+s20], $0x2710, $0x38;
	[tilespmem:$0x16F30] =	vst v63  }
0x2b: {  	_ =	swait.ge [sflag:s4], $0x2710  }
0x2c: {  	[sflag:s4] =	ssyncset.done $0x0  }
0x2d: {  	s0 =	rddreg [dreg:$0x6];
	[sflag:s4] =	ssyncadd.s32 $0xFFFFD8F0  }
0x2e: {  	[tilespmem:s29], [sflag:$0x9] =	stream.linear.gather [hbm4b:s0+s20], $0x2710, $0x38;
	[tilespmem:$0x16F30] =	vst v63  }
0x2f: {  	_ =	swait.ge [sflag:s4], $0x2710  }
0x30: {  	[sflag:s4] =	ssyncset.done $0x0  }
0x31: {  	[sflag:s4] =	ssyncadd.s32 $0xFFFFD8F0  }
0x32: {  	[tilespmem:s10], [sflag:$0x1] =	stream.indirect.gather [hbm4b:s3+s7], $0x10, s20, s7, $0xb8;
	[tilespmem:$0x16F30] =	vst v63  }
0x33: {  	_ = 	snop  }
0x34: {  	[tilespmem:s8], [sflag:$0x2] =	stream.indirect.gather [hbm4b:s3+s7], $0x10, s7, s7, $0xb8;
	[tilespmem:$0x16F30] =	vst v63  }
0x35: {  	s0 =	rddreg [dreg:$0x9]  }
0x36: {  	[tilespmem:s15], [sflag:$0x3] =	stream.indirect.gather [hbm4b:s3+s7], $0x10, s0, s7, $0xb8;
	[tilespmem:$0x16F30] =	vst v63  }
0x37: {  	_ =	swait.ge [sflag:s12], $0x3E80  }
0x38: {  	[sflag:s12] =	ssyncset.done $0x0  }
0x39: {  	[sflag:s12] =	ssyncadd.s32 $0xFFFFC180  }
0x3a: {  	[spmem:s1] =	stream.indirect.scatter.add.f32 [tilespmem:s10], [sflag:$0x5], $0x10, s29, s7, $0xb8;
	[tilespmem:$0x16F30] =	vst v63  }
0x3b: {  	s0 =	rddreg [dreg:$0xa]  }
0x3c: {  	[tilespmem:s14], [sflag:$0x4] =	stream.indirect.gather [hbm4b:s3+s7], $0x10, s0, s7, $0xb8;
	[tilespmem:$0x16F30] =	vst v63  }
0x3d: {  	_ =	swait.ge [sflag:s13], $0x3E80  }
0x3e: {  	[sflag:s13] =	ssyncset.done $0x0  }
0x3f: {  	s0 =	rddreg [dreg:$0xb];
	[sflag:s13] =	ssyncadd.s32 $0xFFFFC180  }
0x40: {  	[spmem:s1] =	stream.indirect.scatter.add.f32 [tilespmem:s8], [sflag:$0x6], $0x10, s0, s7, $0xb8;
	[tilespmem:$0x16F30] =	vst v63  }
0x41: {  	_ =	swait.ge [sflag:s9], $0x3E80  }
0x42: {  	[sflag:s9] =	ssyncset.done $0x0  }
0x43: {  	s0 =	rddreg [dreg:$0xc];
	[sflag:s9] =	ssyncadd.s32 $0xFFFFC180  }
0x44: {  	[tilespmem:s10], [sflag:$0x1] =	stream.indirect.gather [hbm4b:s3+s7], $0x10, s0, s7, $0xb8;
	[tilespmem:$0x16F30] =	vst v63  }
0x45: {  	_ =	swait.ge [sflag:s19], $0x3E80  }
0x46: {  	[sflag:s19] =	ssyncset.done $0x0  }
0x47: {  	s0 =	rddreg [dreg:$0xd];
	[sflag:s19] =	ssyncadd.s32 $0xFFFFC180  }
0x48: {  	[spmem:s1] =	stream.indirect.scatter.add.f32 [tilespmem:s15], [sflag:$0x7], $0x10, s0, s7, $0xb8;
	[tilespmem:$0x16F30] =	vst v63  }
0x49: {  	_ =	swait.ge [sflag:s11], $0x3E80  }
0x4a: {  	[sflag:s11] =	ssyncset.done $0x0  }
0x4b: {  	s0 =	rddreg [dreg:$0xe];
	[sflag:s11] =	ssyncadd.s32 $0xFFFFC180  }
0x4c: {  	[tilespmem:s8], [sflag:$0x2] =	stream.indirect.gather [hbm4b:s3+s7], $0x10, s0, s7, $0xb8;
	[tilespmem:$0x16F30] =	vst v63  }
0x4d: {  	_ =	swait.ge [sflag:s18], $0x3E80  }
0x4e: {  	[sflag:s18] =	ssyncset.done $0x0  }
0x4f: {  	s0 =	rddreg [dreg:$0xf];
	[sflag:s18] =	ssyncadd.s32 $0xFFFFC180  }
0x50: {  	[spmem:s1] =	stream.indirect.scatter.add.f32 [tilespmem:s14], [sflag:$0x8], $0x10, s0, s7, $0xb8;
	[tilespmem:$0x16F30] =	vst v63  }
0x51: {  	_ =	swait.ge [sflag:s16], $0x3E80  }
0x52: {  	[sflag:s16] =	ssyncset.done $0x0  }
0x53: {  	s0 =	rddreg [dreg:$0x10];
	[sflag:s16] =	ssyncadd.s32 $0xFFFFC180  }
0x54: {  	[tilespmem:s15], [sflag:$0x3] =	stream.indirect.gather [hbm4b:s3+s7], $0x10, s0, s7, $0xb8;
	[tilespmem:$0x16F30] =	vst v63  }
0x55: {  	_ =	swait.ge [sflag:s12], $0x3E80  }
0x56: {  	[sflag:s12] =	ssyncset.done $0x0  }
0x57: {  	s0 =	rddreg [dreg:$0x11];
	[sflag:s12] =	ssyncadd.s32 $0xFFFFC180  }
0x58: {  	[spmem:s1] =	stream.indirect.scatter.add.f32 [tilespmem:s10], [sflag:$0x5], $0x10, s0, s7, $0xb8;
	[tilespmem:$0x16F30] =	vst v63  }
0x59: {  	_ =	swait.ge [sflag:s17], $0x3E80  }
0x5a: {  	[sflag:s17] =	ssyncset.done $0x0  }
0x5b: {  	s0 =	rddreg [dreg:$0x12];
	[sflag:s17] =	ssyncadd.s32 $0xFFFFC180  }
0x5c: {  	[tilespmem:s14], [sflag:$0x4] =	stream.indirect.gather [hbm4b:s3+s7], $0x10, s0, s7, $0xb8;
	[tilespmem:$0x16F30] =	vst v63  }
0x5d: {  	_ =	swait.ge [sflag:s13], $0x3E80  }
0x5e: {  	[sflag:s13] =	ssyncset.done $0x0  }
0x5f: {  	[sflag:s13] =	ssyncadd.s32 $0xFFFFC180  }
0x60: {  	[spmem:s1] =	stream.indirect.scatter.add.f32 [tilespmem:s8], [sflag:$0x6], $0x10, s28, s7, $0xb8;
	[tilespmem:$0x16F30] =	vst v63  }
0x61: {  	_ =	swait.ge [sflag:s9], $0x3E80  }
0x62: {  	[sflag:s9] =	ssyncset.done $0x0  }
0x63: {  	[sflag:s9] =	ssyncadd.s32 $0xFFFFC180  }
0x64: {  	[tilespmem:s10], [sflag:$0x1] =	stream.indirect.gather [hbm4b:s3+s7], $0x10, s26, s7, $0xb8;
	[tilespmem:$0x16F30] =	vst v63  }
0x65: {  	_ =	swait.ge [sflag:s19], $0x3E80  }
0x66: {  	[sflag:s19] =	ssyncset.done $0x0  }
0x67: {  	[sflag:s19] =	ssyncadd.s32 $0xFFFFC180  }
0x68: {  	[spmem:s1] =	stream.indirect.scatter.add.f32 [tilespmem:s15], [sflag:$0x7], $0x10, s25, s7, $0xb8;
	[tilespmem:$0x16F30] =	vst v63  }
0x69: {  	_ =	swait.ge [sflag:s11], $0x3E80  }
0x6a: {  	[sflag:s11] =	ssyncset.done $0x0  }
0x6b: {  	[sflag:s11] =	ssyncadd.s32 $0xFFFFC180  }
0x6c: {  	[tilespmem:s8], [sflag:$0x2] =	stream.indirect.gather [hbm4b:s3+s7], $0x10, s24, s7, $0xb8;
	[tilespmem:$0x16F30] =	vst v63  }
0x6d: {  	_ =	swait.ge [sflag:s18], $0x3E80  }
0x6e: {  	[sflag:s18] =	ssyncset.done $0x0  }
0x6f: {  	[sflag:s18] =	ssyncadd.s32 $0xFFFFC180  }
0x70: {  	[spmem:s1] =	stream.indirect.scatter.add.f32 [tilespmem:s14], [sflag:$0x8], $0x10, s23, s7, $0xb8;
	[tilespmem:$0x16F30] =	vst v63  }
0x71: {  	_ =	swait.ge [sflag:s12], $0x3E80  }
0x72: {  	[sflag:s12] =	ssyncset.done $0x0  }
0x73: {  	[sflag:s12] =	ssyncadd.s32 $0xFFFFC180  }
0x74: {  	[spmem:s1] =	stream.indirect.scatter.add.f32 [tilespmem:s10], [sflag:$0x5], $0x10, s22, s7, $0xb8;
	[tilespmem:$0x16F30] =	vst v63  }
0x75: {  	_ =	swait.ge [sflag:s13], $0x3E80  }
0x76: {  	[sflag:s13] =	ssyncset.done $0x0  }
0x77: {  	[sflag:s13] =	ssyncadd.s32 $0xFFFFC180  }
0x78: {  	[spmem:s1] =	stream.indirect.scatter.add.f32 [tilespmem:s8], [sflag:$0x6], $0x10, s21, s7, $0xb8;
	[tilespmem:$0x16F30] =	vst v63  }
0x79: {  	_ =	swait.ge [sflag:s16], $0x3E80  }
0x7a: {  	[sflag:s16] =	ssyncset.done $0x0  }
0x7b: {  	[sflag:s16] =	ssyncadd.s32 $0xFFFFC180  }
0x7c: {  	_ =	swait.ge [sflag:s17], $0x3E80  }
0x7d: {  	[sflag:s17] =	ssyncset.done $0x0  }
0x7e: {  	[sflag:s17] =	ssyncadd.s32 $0xFFFFC180  }
0x7f: {  	_ =	swait.ge [sflag:s9], $0x3E80  }
0x80: {  	[sflag:s9] =	ssyncset.done $0x0  }
0x81: {  	[sflag:s9] =	ssyncadd.s32 $0xFFFFC180  }
0x82: {  	_ =	swait.ge [sflag:s11], $0x3E80  }
0x83: {  	[sflag:s11] =	ssyncset.done $0x0  }
0x84: {  	[sflag:s11] =	ssyncadd.s32 $0xFFFFC180  }
0x85: {  	[bflag:$0x0] =	sbarrier.arrive $0xFFFF  }
0x86: {  	s31 =	sadd.s32 $0xFFFFFFFF, s31;
	s0 =	rddreg [dreg:$0x7]  }
0x87: {  	[hbm:s0], [sflag:s2] =	dma.local [spmem:s6], $0x4E0  }
0x88: {  	p2 =	sne.s32 s31, $0x0;
	_ =	swait.ge [sflag:s4], $0x4E0  }
.Ltmp1:
0x89: {  	[sflag:s4] =	ssyncset.done $0x0;
	(pc) =	sbr.rel @!p2 .LBB2_4-.Ltmp1, $4  }
0x8a: {  	s0 =	rddreg [dreg:$0x8];
	[sflag:s4] =	ssyncadd.s32 $0xFFFFFB20  }
0x8b: {  	[hbm:s0], [sflag:s2] =	dma.local @!p0 [spmem:s5], $0x20  }
0x8c: {  	_ =	swait.ge @!p0 [sflag:s30], $0x20  }
0x8d: {  	p1 =	por $0x1, $0x1;
	s0 =	rddreg [dreg:$0x3];
	[sflag:s30] =	ssyncset.done @!p0 $0x0  }
.LBB2_3:
0x8e: {  	[sflag:s30] =	ssyncadd.s32 @!p0 $0xFFFFFFE0  }
0x8f: {  	[spmem:s6], [sflag:s2] =	dma.local [hbm:s0], $0x4E0  }
0x90: {  	_ =	swait.ge [sflag:s4], $0x4E0  }
0x91: {  	[sflag:s4] =	ssyncset.done $0x0  }
0x92: {  	s0 =	rddreg [dreg:$0x4];
	[sflag:s4] =	ssyncadd.s32 $0xFFFFFB20  }
0x93: {  	[spmem:s5], [sflag:s2] =	dma.local @!p0 [hbm:s0], $0x20  }
0x94: {  	_ =	swait.ge @!p0 [sflag:s30], $0x20  }
0x95: {  	[sflag:s30] =	ssyncset.done @!p0 $0x0  }
0x96: {  	[sflag:s30] =	ssyncadd.s32 @!p0 $0xFFFFFFE0  }
0x97: {  	[bflag:$0x0] =	sbarrier.arrive $0xFFFF  }
0x98: {  	s0 =	rddreg [dreg:$0x5]  }
0x99: {  	[tilespmem:s20], [sflag:$0x9] =	stream.linear.gather [hbm4b:s0+s20], $0x2710, $0x38;
	[tilespmem:$0x16F30] =	vst v63  }
0x9a: {  	_ =	swait.ge [sflag:s4], $0x2710  }
0x9b: {  	[sflag:s4] =	ssyncset.done $0x0  }
0x9c: {  	s0 =	rddreg [dreg:$0x6];
	[sflag:s4] =	ssyncadd.s32 $0xFFFFD8F0  }
0x9d: {  	[tilespmem:s29], [sflag:$0x9] =	stream.linear.gather [hbm4b:s0+s20], $0x2710, $0x38;
	[tilespmem:$0x16F30] =	vst v63  }
0x9e: {  	_ =	swait.ge [sflag:s4], $0x2710  }
0x9f: {  	[sflag:s4] =	ssyncset.done $0x0  }
0xa0: {  	[sflag:s4] =	ssyncadd.s32 $0xFFFFD8F0  }
0xa1: {  	[tilespmem:s10], [sflag:$0x1] =	stream.indirect.gather [hbm4b:s3+s7], $0x10, s20, s7, $0xb8;
	[tilespmem:$0x16F30] =	vst v63  }
0xa2: {  	_ = 	snop  }
0xa3: {  	[tilespmem:s8], [sflag:$0x2] =	stream.indirect.gather [hbm4b:s3+s7], $0x10, s7, s7, $0xb8;
	[tilespmem:$0x16F30] =	vst v63  }
0xa4: {  	s0 =	rddreg [dreg:$0x9]  }
0xa5: {  	[tilespmem:s15], [sflag:$0x3] =	stream.indirect.gather [hbm4b:s3+s7], $0x10, s0, s7, $0xb8;
	[tilespmem:$0x16F30] =	vst v63  }
0xa6: {  	_ =	swait.ge [sflag:s12], $0x3E80  }
0xa7: {  	[sflag:s12] =	ssyncset.done $0x0  }
0xa8: {  	[sflag:s12] =	ssyncadd.s32 $0xFFFFC180  }
0xa9: {  	[spmem:s1] =	stream.indirect.scatter.add.f32 [tilespmem:s10], [sflag:$0x5], $0x10, s29, s7, $0xb8;
	[tilespmem:$0x16F30] =	vst v63  }
0xaa: {  	s0 =	rddreg [dreg:$0xa]  }
0xab: {  	[tilespmem:s14], [sflag:$0x4] =	stream.indirect.gather [hbm4b:s3+s7], $0x10, s0, s7, $0xb8;
	[tilespmem:$0x16F30] =	vst v63  }
0xac: {  	_ =	swait.ge [sflag:s13], $0x3E80  }
0xad: {  	[sflag:s13] =	ssyncset.done $0x0  }
0xae: {  	s0 =	rddreg [dreg:$0xb];
	[sflag:s13] =	ssyncadd.s32 $0xFFFFC180  }
0xaf: {  	[spmem:s1] =	stream.indirect.scatter.add.f32 [tilespmem:s8], [sflag:$0x6], $0x10, s0, s7, $0xb8;
	[tilespmem:$0x16F30] =	vst v63  }
0xb0: {  	_ =	swait.ge [sflag:s9], $0x3E80  }
0xb1: {  	[sflag:s9] =	ssyncset.done $0x0  }
0xb2: {  	s0 =	rddreg [dreg:$0xc];
	[sflag:s9] =	ssyncadd.s32 $0xFFFFC180  }
0xb3: {  	[tilespmem:s10], [sflag:$0x1] =	stream.indirect.gather [hbm4b:s3+s7], $0x10, s0, s7, $0xb8;
	[tilespmem:$0x16F30] =	vst v63  }
0xb4: {  	_ =	swait.ge [sflag:s19], $0x3E80  }
0xb5: {  	[sflag:s19] =	ssyncset.done $0x0  }
0xb6: {  	s0 =	rddreg [dreg:$0xd];
	[sflag:s19] =	ssyncadd.s32 $0xFFFFC180  }
0xb7: {  	[spmem:s1] =	stream.indirect.scatter.add.f32 [tilespmem:s15], [sflag:$0x7], $0x10, s0, s7, $0xb8;
	[tilespmem:$0x16F30] =	vst v63  }
0xb8: {  	_ =	swait.ge [sflag:s11], $0x3E80  }
0xb9: {  	[sflag:s11] =	ssyncset.done $0x0  }
0xba: {  	s0 =	rddreg [dreg:$0xe];
	[sflag:s11] =	ssyncadd.s32 $0xFFFFC180  }
0xbb: {  	[tilespmem:s8], [sflag:$0x2] =	stream.indirect.gather [hbm4b:s3+s7], $0x10, s0, s7, $0xb8;
	[tilespmem:$0x16F30] =	vst v63  }
0xbc: {  	_ =	swait.ge [sflag:s18], $0x3E80  }
0xbd: {  	[sflag:s18] =	ssyncset.done $0x0  }
0xbe: {  	s0 =	rddreg [dreg:$0xf];
	[sflag:s18] =	ssyncadd.s32 $0xFFFFC180  }
0xbf: {  	[spmem:s1] =	stream.indirect.scatter.add.f32 [tilespmem:s14], [sflag:$0x8], $0x10, s0, s7, $0xb8;
	[tilespmem:$0x16F30] =	vst v63  }
0xc0: {  	_ =	swait.ge [sflag:s16], $0x3E80  }
0xc1: {  	[sflag:s16] =	ssyncset.done $0x0  }
0xc2: {  	s0 =	rddreg [dreg:$0x10];
	[sflag:s16] =	ssyncadd.s32 $0xFFFFC180  }
0xc3: {  	[tilespmem:s15], [sflag:$0x3] =	stream.indirect.gather [hbm4b:s3+s7], $0x10, s0, s7, $0xb8;
	[tilespmem:$0x16F30] =	vst v63  }
0xc4: {  	_ =	swait.ge [sflag:s12], $0x3E80  }
0xc5: {  	[sflag:s12] =	ssyncset.done $0x0  }
0xc6: {  	s0 =	rddreg [dreg:$0x11];
	[sflag:s12] =	ssyncadd.s32 $0xFFFFC180  }
0xc7: {  	[spmem:s1] =	stream.indirect.scatter.add.f32 [tilespmem:s10], [sflag:$0x5], $0x10, s0, s7, $0xb8;
	[tilespmem:$0x16F30] =	vst v63  }
0xc8: {  	_ =	swait.ge [sflag:s17], $0x3E80  }
0xc9: {  	[sflag:s17] =	ssyncset.done $0x0  }
0xca: {  	s0 =	rddreg [dreg:$0x12];
	[sflag:s17] =	ssyncadd.s32 $0xFFFFC180  }
0xcb: {  	[tilespmem:s14], [sflag:$0x4] =	stream.indirect.gather [hbm4b:s3+s7], $0x10, s0, s7, $0xb8;
	[tilespmem:$0x16F30] =	vst v63  }
0xcc: {  	_ =	swait.ge [sflag:s13], $0x3E80  }
0xcd: {  	[sflag:s13] =	ssyncset.done $0x0  }
0xce: {  	[sflag:s13] =	ssyncadd.s32 $0xFFFFC180  }
0xcf: {  	[spmem:s1] =	stream.indirect.scatter.add.f32 [tilespmem:s8], [sflag:$0x6], $0x10, s28, s7, $0xb8;
	[tilespmem:$0x16F30] =	vst v63  }
0xd0: {  	_ =	swait.ge [sflag:s9], $0x3E80  }
0xd1: {  	[sflag:s9] =	ssyncset.done $0x0  }
0xd2: {  	[sflag:s9] =	ssyncadd.s32 $0xFFFFC180  }
0xd3: {  	[tilespmem:s10], [sflag:$0x1] =	stream.indirect.gather [hbm4b:s3+s7], $0x10, s26, s7, $0xb8;
	[tilespmem:$0x16F30] =	vst v63  }
0xd4: {  	_ =	swait.ge [sflag:s19], $0x3E80  }
0xd5: {  	[sflag:s19] =	ssyncset.done $0x0  }
0xd6: {  	[sflag:s19] =	ssyncadd.s32 $0xFFFFC180  }
0xd7: {  	[spmem:s1] =	stream.indirect.scatter.add.f32 [tilespmem:s15], [sflag:$0x7], $0x10, s25, s7, $0xb8;
	[tilespmem:$0x16F30] =	vst v63  }
0xd8: {  	_ =	swait.ge [sflag:s11], $0x3E80  }
0xd9: {  	[sflag:s11] =	ssyncset.done $0x0  }
0xda: {  	[sflag:s11] =	ssyncadd.s32 $0xFFFFC180  }
0xdb: {  	[tilespmem:s8], [sflag:$0x2] =	stream.indirect.gather [hbm4b:s3+s7], $0x10, s24, s7, $0xb8;
	[tilespmem:$0x16F30] =	vst v63  }
0xdc: {  	_ =	swait.ge [sflag:s18], $0x3E80  }
0xdd: {  	[sflag:s18] =	ssyncset.done $0x0  }
0xde: {  	[sflag:s18] =	ssyncadd.s32 $0xFFFFC180  }
0xdf: {  	[spmem:s1] =	stream.indirect.scatter.add.f32 [tilespmem:s14], [sflag:$0x8], $0x10, s23, s7, $0xb8;
	[tilespmem:$0x16F30] =	vst v63  }
0xe0: {  	_ =	swait.ge [sflag:s12], $0x3E80  }
0xe1: {  	[sflag:s12] =	ssyncset.done $0x0  }
0xe2: {  	[sflag:s12] =	ssyncadd.s32 $0xFFFFC180  }
0xe3: {  	[spmem:s1] =	stream.indirect.scatter.add.f32 [tilespmem:s10], [sflag:$0x5], $0x10, s22, s7, $0xb8;
	[tilespmem:$0x16F30] =	vst v63  }
0xe4: {  	_ =	swait.ge [sflag:s13], $0x3E80  }
0xe5: {  	[sflag:s13] =	ssyncset.done $0x0  }
0xe6: {  	[sflag:s13] =	ssyncadd.s32 $0xFFFFC180  }
0xe7: {  	[spmem:s1] =	stream.indirect.scatter.add.f32 [tilespmem:s8], [sflag:$0x6], $0x10, s21, s7, $0xb8;
	[tilespmem:$0x16F30] =	vst v63  }
0xe8: {  	_ =	swait.ge [sflag:s16], $0x3E80  }
0xe9: {  	[sflag:s16] =	ssyncset.done $0x0  }
0xea: {  	[sflag:s16] =	ssyncadd.s32 $0xFFFFC180  }
0xeb: {  	_ =	swait.ge [sflag:s17], $0x3E80  }
0xec: {  	[sflag:s17] =	ssyncset.done $0x0  }
0xed: {  	[sflag:s17] =	ssyncadd.s32 $0xFFFFC180  }
0xee: {  	_ =	swait.ge [sflag:s9], $0x3E80  }
0xef: {  	[sflag:s9] =	ssyncset.done $0x0  }
0xf0: {  	[sflag:s9] =	ssyncadd.s32 $0xFFFFC180  }
0xf1: {  	_ =	swait.ge [sflag:s11], $0x3E80  }
0xf2: {  	[sflag:s11] =	ssyncset.done $0x0  }
0xf3: {  	[sflag:s11] =	ssyncadd.s32 $0xFFFFC180  }
0xf4: {  	[bflag:$0x0] =	sbarrier.arrive $0xFFFF  }
0xf5: {  	s31 =	sadd.s32 $0xFFFFFFFF, s31;
	s0 =	rddreg [dreg:$0x7]  }
0xf6: {  	[hbm:s0], [sflag:s2] =	dma.local [spmem:s6], $0x4E0  }
0xf7: {  	p2 =	sne.s32 s31, $0x0;
	_ =	swait.ge [sflag:s4], $0x4E0  }
.Ltmp2:
0xf8: {  	[sflag:s4] =	ssyncset.done $0x0;
	(pc) =	sbr.rel @p2 .LBB2_3-.Ltmp2, $4  }
0xf9: {  	s0 =	rddreg [dreg:$0x8];
	[sflag:s4] =	ssyncadd.s32 $0xFFFFFB20  }
0xfa: {  	[hbm:s0], [sflag:s2] =	dma.local @!p0 [spmem:s5], $0x20  }
0xfb: {  	_ =	swait.ge @!p0 [sflag:s30], $0x20  }
0xfc: {  	s0 =	rddreg [dreg:$0x3];
	[sflag:s30] =	ssyncset.done @!p0 $0x0  }
.LBB2_4:
0xfd: {  	p1 =	por p0, !p1  }
0xfe: {  	[sflag:s30] =	ssyncadd.s32 @!p1 $0xFFFFFFE0  }
0xff: {  	[spmem:s6], [sflag:s2] =	dma.local [hbm:s0], $0x4E0  }
0x100: {  	_ =	swait.ge [sflag:s4], $0x4E0  }
0x101: {  	[sflag:s4] =	ssyncset.done $0x0  }
0x102: {  	s30 =	simm.s32 @!p0 $0x9;
	s0 =	rddreg [dreg:$0x4];
	[sflag:s4] =	ssyncadd.s32 $0xFFFFFB20  }
0x103: {  	[spmem:s5], [sflag:s2] =	dma.local @!p0 [hbm:s0], $0x20  }
0x104: {  	_ =	swait.ge @!p0 [sflag:s30], $0x20  }
0x105: {  	[sflag:s30] =	ssyncset.done @!p0 $0x0  }
0x106: {  	[sflag:s30] =	ssyncadd.s32 @!p0 $0xFFFFFFE0  }
0x107: {  	[bflag:$0x0] =	sbarrier.arrive $0xFFFF  }
0x108: {  	s31 =	rddreg [dreg:$0x5]  }
0x109: {  	[tilespmem:s20], [sflag:$0x9] =	stream.linear.gather [hbm4b:s31+s20], $0x2710, $0x38;
	[tilespmem:$0x16F30] =	vst v63  }
0x10a: {  	_ =	swait.ge [sflag:s4], $0x2710  }
0x10b: {  	[sflag:s4] =	ssyncset.done $0x0  }
0x10c: {  	s31 =	rddreg [dreg:$0x6];
	[sflag:s4] =	ssyncadd.s32 $0xFFFFD8F0  }
0x10d: {  	[tilespmem:s29], [sflag:$0x9] =	stream.linear.gather [hbm4b:s31+s20], $0x2710, $0x38;
	[tilespmem:$0x16F30] =	vst v63  }
0x10e: {  	_ =	swait.ge [sflag:s4], $0x2710  }
0x10f: {  	[sflag:s4] =	ssyncset.done $0x0  }
0x110: {  	[sflag:s4] =	ssyncadd.s32 $0xFFFFD8F0  }
0x111: {  	[tilespmem:s10], [sflag:$0x1] =	stream.indirect.gather [hbm4b:s3+s7], $0x10, s20, s7, $0xb8;
	[tilespmem:$0x16F30] =	vst v63  }
0x112: {  	_ = 	snop  }
0x113: {  	[tilespmem:s8], [sflag:$0x2] =	stream.indirect.gather [hbm4b:s3+s7], $0x10, s7, s7, $0xb8;
	[tilespmem:$0x16F30] =	vst v63  }
0x114: {  	s20 =	rddreg [dreg:$0x9]  }
0x115: {  	[tilespmem:s15], [sflag:$0x3] =	stream.indirect.gather [hbm4b:s3+s7], $0x10, s20, s7, $0xb8;
	[tilespmem:$0x16F30] =	vst v63  }
0x116: {  	_ =	swait.ge [sflag:s12], $0x3E80  }
0x117: {  	[sflag:s12] =	ssyncset.done $0x0  }
0x118: {  	[sflag:s12] =	ssyncadd.s32 $0xFFFFC180  }
0x119: {  	[spmem:s1] =	stream.indirect.scatter.add.f32 [tilespmem:s10], [sflag:$0x5], $0x10, s29, s7, $0xb8;
	[tilespmem:$0x16F30] =	vst v63  }
0x11a: {  	s31 =	rddreg [dreg:$0xa]  }
0x11b: {  	[tilespmem:s14], [sflag:$0x4] =	stream.indirect.gather [hbm4b:s3+s7], $0x10, s31, s7, $0xb8;
	[tilespmem:$0x16F30] =	vst v63  }
0x11c: {  	_ =	swait.ge [sflag:s13], $0x3E80  }
0x11d: {  	[sflag:s13] =	ssyncset.done $0x0  }
0x11e: {  	s20 =	rddreg [dreg:$0xb];
	[sflag:s13] =	ssyncadd.s32 $0xFFFFC180  }
0x11f: {  	[spmem:s1] =	stream.indirect.scatter.add.f32 [tilespmem:s8], [sflag:$0x6], $0x10, s20, s7, $0xb8;
	[tilespmem:$0x16F30] =	vst v63  }
0x120: {  	_ =	swait.ge [sflag:s9], $0x3E80  }
0x121: {  	[sflag:s9] =	ssyncset.done $0x0  }
0x122: {  	s29 =	rddreg [dreg:$0xc];
	[sflag:s9] =	ssyncadd.s32 $0xFFFFC180  }
0x123: {  	[tilespmem:s10], [sflag:$0x1] =	stream.indirect.gather [hbm4b:s3+s7], $0x10, s29, s7, $0xb8;
	[tilespmem:$0x16F30] =	vst v63  }
0x124: {  	_ =	swait.ge [sflag:s19], $0x3E80  }
0x125: {  	[sflag:s19] =	ssyncset.done $0x0  }
0x126: {  	s31 =	rddreg [dreg:$0xd];
	[sflag:s19] =	ssyncadd.s32 $0xFFFFC180  }
0x127: {  	[spmem:s1] =	stream.indirect.scatter.add.f32 [tilespmem:s15], [sflag:$0x7], $0x10, s31, s7, $0xb8;
	[tilespmem:$0x16F30] =	vst v63  }
0x128: {  	_ =	swait.ge [sflag:s11], $0x3E80  }
0x129: {  	[sflag:s11] =	ssyncset.done $0x0  }
0x12a: {  	s20 =	rddreg [dreg:$0xe];
	[sflag:s11] =	ssyncadd.s32 $0xFFFFC180  }
0x12b: {  	[tilespmem:s8], [sflag:$0x2] =	stream.indirect.gather [hbm4b:s3+s7], $0x10, s20, s7, $0xb8;
	[tilespmem:$0x16F30] =	vst v63  }
0x12c: {  	_ =	swait.ge [sflag:s18], $0x3E80  }
0x12d: {  	[sflag:s18] =	ssyncset.done $0x0  }
0x12e: {  	s29 =	rddreg [dreg:$0xf];
	[sflag:s18] =	ssyncadd.s32 $0xFFFFC180  }
0x12f: {  	[spmem:s1] =	stream.indirect.scatter.add.f32 [tilespmem:s14], [sflag:$0x8], $0x10, s29, s7, $0xb8;
	[tilespmem:$0x16F30] =	vst v63  }
0x130: {  	_ =	swait.ge [sflag:s16], $0x3E80  }
0x131: {  	[sflag:s16] =	ssyncset.done $0x0  }
0x132: {  	s31 =	rddreg [dreg:$0x10];
	[sflag:s16] =	ssyncadd.s32 $0xFFFFC180  }
0x133: {  	[tilespmem:s15], [sflag:$0x3] =	stream.indirect.gather [hbm4b:s3+s7], $0x10, s31, s7, $0xb8;
	[tilespmem:$0x16F30] =	vst v63  }
0x134: {  	_ =	swait.ge [sflag:s12], $0x3E80  }
0x135: {  	[sflag:s12] =	ssyncset.done $0x0  }
0x136: {  	s20 =	rddreg [dreg:$0x11];
	[sflag:s12] =	ssyncadd.s32 $0xFFFFC180  }
0x137: {  	[spmem:s1] =	stream.indirect.scatter.add.f32 [tilespmem:s10], [sflag:$0x5], $0x10, s20, s7, $0xb8;
	[tilespmem:$0x16F30] =	vst v63  }
0x138: {  	_ =	swait.ge [sflag:s17], $0x3E80  }
0x139: {  	[sflag:s17] =	ssyncset.done $0x0  }
0x13a: {  	s29 =	rddreg [dreg:$0x12];
	[sflag:s17] =	ssyncadd.s32 $0xFFFFC180  }
0x13b: {  	[tilespmem:s14], [sflag:$0x4] =	stream.indirect.gather [hbm4b:s3+s7], $0x10, s29, s7, $0xb8;
	[tilespmem:$0x16F30] =	vst v63  }
0x13c: {  	_ =	swait.ge [sflag:s13], $0x3E80  }
0x13d: {  	[sflag:s13] =	ssyncset.done $0x0  }
0x13e: {  	[sflag:s13] =	ssyncadd.s32 $0xFFFFC180  }
0x13f: {  	[spmem:s1] =	stream.indirect.scatter.add.f32 [tilespmem:s8], [sflag:$0x6], $0x10, s28, s7, $0xb8;
	[tilespmem:$0x16F30] =	vst v63  }
0x140: {  	_ =	swait.ge [sflag:s9], $0x3E80  }
0x141: {  	[sflag:s9] =	ssyncset.done $0x0  }
0x142: {  	[sflag:s9] =	ssyncadd.s32 $0xFFFFC180  }
0x143: {  	[tilespmem:s10], [sflag:$0x1] =	stream.indirect.gather [hbm4b:s3+s7], $0x10, s26, s7, $0xb8;
	[tilespmem:$0x16F30] =	vst v63  }
0x144: {  	_ =	swait.ge [sflag:s19], $0x3E80  }
0x145: {  	[sflag:s19] =	ssyncset.done $0x0  }
0x146: {  	[sflag:s19] =	ssyncadd.s32 $0xFFFFC180  }
0x147: {  	[spmem:s1] =	stream.indirect.scatter.add.f32 [tilespmem:s15], [sflag:$0x7], $0x10, s25, s7, $0xb8;
	[tilespmem:$0x16F30] =	vst v63  }
0x148: {  	_ =	swait.ge [sflag:s11], $0x3E80  }
0x149: {  	[sflag:s11] =	ssyncset.done $0x0  }
0x14a: {  	[sflag:s11] =	ssyncadd.s32 $0xFFFFC180  }
0x14b: {  	[tilespmem:s8], [sflag:$0x2] =	stream.indirect.gather [hbm4b:s3+s7], $0x10, s24, s7, $0xb8;
	[tilespmem:$0x16F30] =	vst v63  }
0x14c: {  	_ =	swait.ge [sflag:s18], $0x3E80  }
0x14d: {  	[sflag:s18] =	ssyncset.done $0x0  }
0x14e: {  	[sflag:s18] =	ssyncadd.s32 $0xFFFFC180  }
0x14f: {  	[spmem:s1] =	stream.indirect.scatter.add.f32 [tilespmem:s14], [sflag:$0x8], $0x10, s23, s7, $0xb8;
	[tilespmem:$0x16F30] =	vst v63  }
0x150: {  	_ =	swait.ge [sflag:s12], $0x3E80  }
0x151: {  	[sflag:s12] =	ssyncset.done $0x0  }
0x152: {  	[sflag:s12] =	ssyncadd.s32 $0xFFFFC180  }
0x153: {  	[spmem:s1] =	stream.indirect.scatter.add.f32 [tilespmem:s10], [sflag:$0x5], $0x10, s22, s7, $0xb8;
	[tilespmem:$0x16F30] =	vst v63  }
0x154: {  	_ =	swait.ge [sflag:s13], $0x3E80  }
0x155: {  	[sflag:s13] =	ssyncset.done $0x0  }
0x156: {  	[sflag:s13] =	ssyncadd.s32 $0xFFFFC180  }
0x157: {  	[spmem:s1] =	stream.indirect.scatter.add.f32 [tilespmem:s8], [sflag:$0x6], $0x10, s21, s7, $0xb8;
	[tilespmem:$0x16F30] =	vst v63  }
0x158: {  	_ =	swait.ge [sflag:s16], $0x3E80  }
0x159: {  	[sflag:s16] =	ssyncset.done $0x0  }
0x15a: {  	[sflag:s16] =	ssyncadd.s32 $0xFFFFC180  }
0x15b: {  	_ =	swait.ge [sflag:s17], $0x3E80  }
0x15c: {  	[sflag:s17] =	ssyncset.done $0x0  }
0x15d: {  	[sflag:s17] =	ssyncadd.s32 $0xFFFFC180  }
0x15e: {  	_ =	swait.ge [sflag:s9], $0x3E80  }
0x15f: {  	[sflag:s9] =	ssyncset.done $0x0  }
0x160: {  	[sflag:s9] =	ssyncadd.s32 $0xFFFFC180  }
0x161: {  	_ =	swait.ge [sflag:s11], $0x3E80  }
0x162: {  	[sflag:s11] =	ssyncset.done $0x0  }
0x163: {  	[sflag:s11] =	ssyncadd.s32 $0xFFFFC180  }
0x164: {  	[bflag:$0x0] =	sbarrier.arrive $0xFFFF  }
0x165: {  	s31 =	rddreg [dreg:$0x7]  }
0x166: {  	[hbm:s31], [sflag:s2] =	dma.local [spmem:s6], $0x4E0  }
0x167: {  	_ =	swait.ge [sflag:s4], $0x4E0  }
0x168: {  	[sflag:s4] =	ssyncset.done $0x0  }
0x169: {  	s0 =	rddreg [dreg:$0x8];
	[sflag:s4] =	ssyncadd.s32 $0xFFFFFB20  }
0x16a: {  	[hbm:s0], [sflag:s2] =	dma.local @!p0 [spmem:s5], $0x20  }
0x16b: {  	_ =	swait.ge @!p0 [sflag:s30], $0x20  }
0x16c: {  	[sflag:s30] =	ssyncset.done @!p0 $0x0  }
0x16d: {  	[sflag:s30] =	ssyncadd.s32 @!p0 $0xFFFFFFE0  }
0x16e: {  	_ =	sfence.sel $0x180000  }
0x16f: {  	[bflag:$0x0] =	sbarrier.arrive $0xFFFF  }
0x170: {  	_ =	strace $0x9000004A  }
0x171: {  	[bflag:$0x2] =	sbarrier.arrive $0xFFFF  }
0x172: {  	s0 =	rddreg [dreg:$0x2]  }
0x173: {  	s0 =	sadd.s32 @!p0 $0x100000, s0  }
0x174: {  	[sflag:s0] =	ssyncadd.tile.s32 @!p0 $0x1;
	_ =	shalt  }
.LBB2_1:
.Ltmp3:
0x175: {  	(pc) =	sbr.rel .LBB2_4-.Ltmp3, $2  }
0x176: {  	_ =	sdelay $0x2  }
0x177: {  	_ = 	snop  }
.Lfunc_end2:
_tile_overlayer_lowered:
.L_overlay_start_2:
0x178: {  	(tag) =	ssettag $0x2  }
0x179: {  	s0 =	rddreg [dreg:$0x0];
	s2 =	stileid.u32  }
0x17a: {  	s1 =	rddreg [dreg:$0x1];
	p0 =	sne.s32 s2, $0x0  }
0x17b: {  	s3 =	rddreg [dreg:$0x2];
	[bflag:$0x3] =	sbarrier.arrive $0xFFFF;
	s2 =	simm.s32 @!p0 $0x1C09  }
0x17c: {  	[timem:s3], [sflag:s2] =	dma.local @!p0 [hbm:s0], s1  }
0x17d: {  	s0 =	simm.s32 @!p0 $0x9  }
0x17e: {  	_ =	swait.ge @!p0 [sflag:s0], s1  }
0x17f: {  	s1 =	ssub.s32 @!p0 $0x0, s1;
	[sflag:s0] =	ssyncset.done @!p0 $0x0  }
0x180: {  	[sflag:s0] =	ssyncadd.s32 @!p0 s1  }
0x181: {  	[bflag:$0x3] =	sbarrier.arrive $0xFFFF  }
0x182: {  	_ =	shalt  }

// kernel: kernel.18.cloned.1.call-start
scs
__scs_entry_jumppad:
0x0: {  	(pc) =	sbr.rel $0x88, $3  }
0x1: {  	(tag) =	ssettag $0x0;
	lr =	simm.s32 $0x1  }
0x2: {  	[smem:$0x3F90] =	sst lr;
	_ =	strace $0xD0000000  }
0x3: {  	_ = 	snop  }
0x4: {  	_ = 	snop  }
0x5: {  	_ = 	snop  }
0x6: {  	_ = 	snop  }
0x7: {  	_ = 	snop  }
__scs_overlays_trampoline_lowered:
0x8: {  	[smem:$0x3F9F] =	sst s0  }
0x9: {  	[smem:$0x3FA0] =	sst s1  }
0xa: {  	[smem:$0x3FA1] =	sst s2  }
0xb: {  	[smem:$0x3FA2] =	sst s3  }
0xc: {  	[smem:$0x3FA3] =	sst s4  }
0xd: {  	[smem:$0x3FA4] =	sst s5  }
0xe: {  	[smem:$0x3FA5] =	sst s6  }
0xf: {  	[smem:$0x3FA6] =	sst s7  }
0x10: {  	[smem:$0x3FA7] =	sst s8  }
0x11: {  	[smem:$0x3FA8] =	sst s9;
	s0 =	simm.s32 @!p0 $0x0  }
0x12: {  	s1 =	sld [smem:$0x3F8E];
	s0 =	simm.s32 @p0 $0x1  }
0x13: {  	[smem:$0x3FA9] =	sst s0;
	s0 =	simm.s32 @!p1 $0x0  }
0x14: {  	s2 =	sld [smem:$0x3F8D];
	s0 =	simm.s32 @p1 $0x1  }
0x15: {  	[smem:$0x3FAA] =	sst s0;
	s0 =	simm.s32 @!p2 $0x0  }
0x16: {  	s3 =	sld [smem:$0x3FDB];
	s0 =	simm.s32 @p2 $0x1  }
0x17: {  	s4 =	simm.s32 $0x1BF5;
	[smem:$0x3FAC] =	sst s0  }
0x18: {  	s0 =	sld [smem:$0x3F8F];
	_ =	swait.ge [sflag:s4], $0x0  }
0x19: {  	s7 =	sld [smem:$0x3F90]  }
0x1a: {  	s8 =	sadd.s32 $0xFFFFE003, lr  }
0x1b: {  	s9 =	sadd.s32 $0xFFFFFEF7, lr;
	s5 =	simm.s32 $0xFFFFFFFF;
	p2 =	slt.u32 s8, $0xFFFFF086  }
0x1c: {  	p1 =	slt.u32 s9, $0xF7A;
	s5 =	simm.s32 @!p2 $0x0  }
0x1d: {  	s5 =	simm.s32 @p1 $0x1;
	p0 =	seq.s32 s7, s2  }
0x1e: {  	s7 =	smul.u32 @!p0 $0xF7A, s2;
	p2 =	seq.s32 @!p0 s5, $0x0  }
0x1f: {  	s9 =	smul.u32 $0xF7A, s1;
	s8 =	simm.s32 @!p0 $0x1BF5;
	p2 =	por !p2, p0  }
0x20: {  	[sflag:s8] =	ssyncset.s32 @!p0 $0xFFFFF086;
	s6 =	sadd.s32 @!p0 s3, s7;
	s7 =	simm.s32 @!p0 $0x108  }
0x21: {  	s3 =	sadd.s32 s3, s9;
	s6 =	sadd.s32 @!p0 $0x88, s6;
	s7 =	simm.s32 @p2 $0x1082  }
0x22: {  	[simem:s7], [sflag:s8] =	dma.local @!p0 [hbm:s6], $0xF7A  }
0x23: {  	s9 =	sor.u32 $0xD0000000, s2;
	s6 =	simm.s32 $0x108;
	_ =	swait.ge @!p0 [sflag:s8], $0x0  }
0x24: {  	s3 =	sadd.s32 $0x88, s3;
	s6 =	simm.s32 @!p1 $0x1082;
	[sflag:s4] =	ssyncset.s32 $0xFFFFF086  }
0x25: {  	[simem:s6], [sflag:s4] =	dma.local [hbm:s3], $0xF7A  }
0x26: {  	[smem:$0x3F90] =	sst s1;
	(tag) =	ssettag s2;
	_ =	strace s9  }
0x27: {  	s1 =	sld [smem:$0x3FA0]  }
0x28: {  	s2 =	sld [smem:$0x3FA1]  }
0x29: {  	s4 =	sld [smem:$0x3FA3]  }
0x2a: {  	p0 =	seq.s32 s5, $0x0;
	s5 =	sld [smem:$0x3FA4]  }
0x2b: {  	s6 =	sld [smem:$0x3FA5]  }
0x2c: {  	s7 =	sld [smem:$0x3FA6]  }
0x2d: {  	s3 =	simm.s32 $0x108;
	s8 =	sld [smem:$0x3FA7]  }
0x2e: {  	s3 =	simm.s32 @!p0 $0x1082;
	s9 =	sld [smem:$0x3FA8]  }
0x2f: {  	lr =	sadd.s32 s0, s3;
	s0 =	sld [smem:$0x3F9F]  }
0x30: {  	s3 =	sld [smem:$0x3FA2]  }
0x31: {  	[smem:$0x3FAB] =	sst s10  }
0x32: {  	s10 =	sld [smem:$0x3FA9];
	_ =	sdelay $0x3  }
0x33: {  	p0 =	seq.s32 s10, $0x1;
	s10 =	sld [smem:$0x3FAB];
	_ =	sdelay $0x3  }
0x34: {  	[smem:$0x3FAB] =	sst s10  }
0x35: {  	s10 =	sld [smem:$0x3FAA];
	_ =	sdelay $0x3  }
0x36: {  	p1 =	seq.s32 s10, $0x1;
	s10 =	sld [smem:$0x3FAB];
	_ =	sdelay $0x3  }
0x37: {  	[smem:$0x3FAB] =	sst s10  }
0x38: {  	s10 =	sld [smem:$0x3FAC]  }
0x39: {  	_ = 	snop;
	(pc) =	sbr.ind lr, $3  }
0x3a: {  	_ = 	snop  }
0x3b: {  	_ = 	snop  }
0x3c: {  	p2 =	seq.s32 s10, $0x1;
	s10 =	sld [smem:$0x3FAB]  }
0x3d: {  	_ =	shalt  }
0x3e: {  	_ =	shalt  }
0x3f: {  	_ =	shalt  }
0x40: {  	_ =	shalt  }
0x41: {  	_ =	shalt  }
0x42: {  	_ =	shalt  }
0x43: {  	_ =	shalt  }
0x44: {  	_ =	shalt  }
0x45: {  	_ =	shalt  }
0x46: {  	_ =	shalt  }
0x47: {  	_ =	shalt  }
0x48: {  	_ =	shalt  }
0x49: {  	_ =	shalt  }
0x4a: {  	_ =	shalt  }
0x4b: {  	_ =	shalt  }
0x4c: {  	_ =	shalt  }
0x4d: {  	_ =	shalt  }
0x4e: {  	_ =	shalt  }
0x4f: {  	_ =	shalt  }
0x50: {  	_ =	shalt  }
0x51: {  	_ =	shalt  }
0x52: {  	_ =	shalt  }
0x53: {  	_ =	shalt  }
0x54: {  	_ =	shalt  }
0x55: {  	_ =	shalt  }
0x56: {  	_ =	shalt  }
0x57: {  	_ =	shalt  }
0x58: {  	_ =	shalt  }
0x59: {  	_ =	shalt  }
0x5a: {  	_ =	shalt  }
0x5b: {  	_ =	shalt  }
0x5c: {  	_ =	shalt  }
0x5d: {  	_ =	shalt  }
0x5e: {  	_ =	shalt  }
0x5f: {  	_ =	shalt  }
0x60: {  	_ =	shalt  }
0x61: {  	_ =	shalt  }
0x62: {  	_ =	shalt  }
0x63: {  	_ =	shalt  }
0x64: {  	_ =	shalt  }
0x65: {  	_ =	shalt  }
0x66: {  	_ =	shalt  }
0x67: {  	_ =	shalt  }
0x68: {  	_ =	shalt  }
0x69: {  	_ =	shalt  }
0x6a: {  	_ =	shalt  }
0x6b: {  	_ =	shalt  }
0x6c: {  	_ =	shalt  }
0x6d: {  	_ =	shalt  }
0x6e: {  	_ =	shalt  }
0x6f: {  	_ =	shalt  }
0x70: {  	_ =	shalt  }
0x71: {  	_ =	shalt  }
0x72: {  	_ =	shalt  }
0x73: {  	_ =	shalt  }
0x74: {  	_ =	shalt  }
0x75: {  	_ =	shalt  }
0x76: {  	_ =	shalt  }
0x77: {  	_ =	shalt  }
0x78: {  	_ =	shalt  }
0x79: {  	_ =	shalt  }
0x7a: {  	_ =	shalt  }
0x7b: {  	_ =	shalt  }
0x7c: {  	_ =	shalt  }
0x7d: {  	_ =	shalt  }
0x7e: {  	_ =	shalt  }
0x7f: {  	_ =	shalt  }
0x80: {  	_ =	shalt  }
0x81: {  	_ =	shalt  }
0x82: {  	_ =	shalt  }
0x83: {  	_ =	shalt  }
0x84: {  	_ =	shalt  }
0x85: {  	_ =	shalt  }
0x86: {  	_ =	shalt  }
0x87: {  	_ =	shalt  }
.Lfunc_end0:
.L_simem_size_0:
called_computation.2_lowered:
.L_overlay_start_0:
0x88: {  	s2 =	sld [smem:$0x3FD9]  }
0x89: {  	s3 =	sld [smem:$0x3FFE];
	_ =	sdelay $0x1  }
0x8a: {  	s1 =	srdreg.scid  }
0x8b: {  	s0 =	sand.u32 $0x1, s1  }
0x8c: {  	s16 =	sshll.u32 s0, $0xA;
	s2 =	sadd.s32 s3, s2  }
0x8d: {  	s2 =	sadd.s32 s2, s16  }
0x8e: {  	[smem:$0x3FB7] =	sst s2  }
0x8f: {  	_ = 	snop  }
0x90: {  	(tm) =	ssettm $0x1  }
0x91: {  	s17 =	sld [smem:$0x3FFB];
	_ =	sdelay $0x3  }
0x92: {  	_ =	strace s17  }
0x93: {  	s2 =	sld [smem:$0x3FFC];
	_ =	sdelay $0x3  }
0x94: {  	_ =	strace s2  }
0x95: {  	s2 =	sld [smem:$0x3FFD];
	_ =	sdelay $0x3  }
0x96: {  	_ =	strace s2  }
0x97: {  	_ =	strace $0x8FFFFFFF  }
0x98: {  	s18 =	sld [smem:$0x3FDB];
	_ =	sdelay $0x1  }
0x99: {  	s19 =	simm.s32 $_scs_section_size  }
0x9a: {  	s4 =	simm.s32 $_size__tile_overlayer_lowered;
	s5 =	simm.s32 $_tile_overlayer_lowered  }
0x9b: {  	s22 =	simm.s32 $0x1BFF;
	s21 =	sshll.u32 s5, $0x1;
	s2 =	sadd.s32 s19, s18  }
0x9c: {  	s6 =	simm.s32 $0x0;
	s20 =	sshll.u32 s4, $0x1;
	s4 =	sadd.s32 s21, s2  }
0x9d: {  	[timem:s6], [sflag:s22] =	dma.local [hbm:s4], s20  }
0x9e: {  	_ =	swait.ge [sflag:s22], s20  }
0x9f: {  	s3 =	ssub.s32 $0x0, s20;
	[sflag:s22] =	ssyncset.done $0x0  }
0xa0: {  	[sflag:s22] =	ssyncadd.s32 s3;
	_ =	sdelay $0x1  }
0xa1: {  	s23 =	simm.s32 $0x1B8B  }
0xa2: {  	_ =	swait.ge [sflag:s23], $0x1  }
0xa3: {  	[sflag:s23] =	ssyncset.done $0x0  }
0xa4: {  	s25 =	simm.s32 $0x1B8E;
	s24 =	sld [smem:$0x3FFE];
	[sflag:s23] =	ssyncadd.s32 $0xFFFFFFFF  }
0xa5: {  	s26 =	simm.s32 $execute0_lowered;
	[smem:$0x3FD2] =	sst s25  }
0xa6: {  	s4 =	sshll.u32 s26, $0x1;
	_ =	strace $0x8000004C;
	[dreg:$0x1] =	wrdreg $0xFFFFFFFF  }
0xa7: {  	s28 =	simm.s32 $_size_execute0_lowered;
	s2 =	sadd.s32 s2, s4;
	[dreg:$0x0] =	wrdreg $0x0  }
0xa8: {  	s4 =	sshll.u32 s28, $0x1;
	[dreg:$0x2] =	wrdreg s2  }
0xa9: {  	[dreg:$0x3] =	wrdreg s4  }
0xaa: {  	[dreg:$0x4] =	wrdreg $0xC0  }
0xab: {  	_ =	task [dreg:s6], $0x5FFFF  }
0xac: {  	[dreg:$0x1] =	wrdreg $0xFFFFFFFF  }
0xad: {  	[dreg:$0x0] =	wrdreg $0x60  }
0xae: {  	[dreg:$0x2] =	wrdreg s24  }
0xaf: {  	[dreg:$0x3] =	wrdreg $0x116200  }
0xb0: {  	[dreg:$0x4] =	wrdreg $0x9  }
0xb1: {  	_ =	task.clear_ibuf [dreg:s6], $0x5FFFF;
	_ =	strace $0x9000004C  }
0xb2: {  	s29 =	simm.s32 $0x9;
	_ =	strace $0x8000004E  }
0xb3: {  	_ =	swait.ge [sflag:s29], $0x1  }
0xb4: {  	[sflag:s29] =	ssyncadd.s32 $0xFFFFFFFF  }
0xb5: {  	_ =	strace $0x9000004E  }
0xb6: {  	_ =	sfence  }
0xb7: {  	s30 =	sld [smem:$0x0];
	_ =	sdelay $0x2  }
0xb8: {  	s31 =	sshll.u32 s1, $0xD;
	s1 =	sshrl.u32 s1, $0x2  }
0xb9: {  	s3 =	sand.u32 $0x4000, s31;
	s1 =	sadd.s32 s1, s30  }
0xba: {  	s0 =	sor.u32 s3, s0;
	s1 =	sshll.u32 s1, $0x11  }
0xbb: {  	s0 =	sor.u32 s1, s0  }
0xbc: {  	s0 =	sadd.s32 $0x8F2B, s0  }
0xbd: {  	[sflag:s0] =	ssyncadd.remote.s32 $0x1  }
0xbe: {  	_ =	sfence.sel $0xFFFF  }
0xbf: {  	[dreg:$0x0] =	wrdreg $0xFFFFFFFF;
	(pc) =	sbr.abs _section_cstart, $3  }
0xc0: {  	[dreg:$0x1] =	wrdreg $0xFFFFFFFF  }
0xc1: {  	_ =	task.clear_ibuf [dreg:s6], $0x2FFFF;
	_ =	strace $0x9FFFFFFF  }
0xc2: {  	(tm) =	ssettm $0x7FFFFFFF  }
0xc3: {  	_ =	shalt  }
tec
execute0_lowered:
.L_overlay_start_1:
0x0: {  	(tag) =	ssettag $0x1  }
0x1: {  	s0 =	rddreg [dreg:$0x0]  }
0x2: {  	s1 =	rddreg [dreg:$0x1];
	s28 =	simm.s32 $0x0  }
0x3: {  	[smem:$0x7FF] =	sst s28;
	s20 =	sadd.s32 $0x29E00, s0  }
0x4: {  	s26 =	simm.s32 $0x320;
	_ =	strace $0x8000004D;
	[dreg:$0x4] =	wrdreg s20  }
0x5: {  	s30 =	simm.s32 $0x4B0;
	[dreg:$0x9] =	wrdreg s26  }
0x6: {  	s9 =	simm.s32 $0x7D0;
	[dreg:$0xa] =	wrdreg s30  }
0x7: {  	s10 =	simm.s32 $0x2BC0;
	[dreg:$0xe] =	wrdreg s9  }
0x8: {  	s11 =	simm.s32 $0x960;
	[dreg:$0xf] =	wrdreg s10  }
0x9: {  	s12 =	simm.s32 $0x2D50;
	[dreg:$0x10] =	wrdreg s11  }
0xa: {  	s13 =	simm.s32 $0xAF0;
	[dreg:$0x11] =	wrdreg s12  }
0xb: {  	s2 =	srdreg.scid;
	s14 =	simm.s32 $0x2EE0;
	[dreg:$0x12] =	wrdreg s13  }
0xc: {  	s4 =	stileid.u32;
	s15 =	simm.s32 $0xC80;
	[dreg:$0x13] =	wrdreg s14  }
0xd: {  	s16 =	simm.s32 $0x3070;
	s17 =	simm.s32 $0xE10;
	[dreg:$0x14] =	wrdreg s15  }
0xe: {  	s18 =	simm.s32 $0x3200;
	s29 =	simm.s32 $0x2710;
	[dreg:$0x15] =	wrdreg s16  }
0xf: {  	p1 =	por $0x0, $0x0;
	s5 =	sand.u32 $0x1, s2;
	[dreg:$0x16] =	wrdreg s17  }
0x10: {  	s3 =	sshll.u32 s4, $0x1;
	[dreg:$0x17] =	wrdreg s18;
	s20 =	simm.s32 $0xFA0  }
0x11: {  	s2 =	smul.u32 $0x4E00, s4;
	s26 =	simm.s32 $0x12C0;
	[dreg:$0x18] =	wrdreg s20  }
0x12: {  	s8 =	sadd.s32 $0x2A000, s0;
	s30 =	simm.s32 $0x36B0;
	[dreg:$0x1c] =	wrdreg s26  }
0x13: {  	p0 =	sne.s32 s4, $0x0;
	s9 =	simm.s32 $0x3840;
	[dreg:$0x1d] =	wrdreg s30  }
0x14: {  	s3 =	sor.u32 s5, s3;
	s10 =	simm.s32 $0x15E0;
	[dreg:$0x1f] =	wrdreg s9  }
0x15: {  	s7 =	smul.u32 $0x4E200, s5;
	s11 =	simm.s32 $0x39D0;
	[smem:$0x7ED] =	sst s10  }
0x16: {  	s5 =	ssub.s32 $0x2, s5;
	s12 =	simm.s32 $0x1770;
	[smem:$0x7EE] =	sst s11  }
0x17: {  	s13 =	simm.s32 $0x3B60;
	s14 =	simm.s32 $0x1900;
	[smem:$0x7EF] =	sst s12  }
0x18: {  	s15 =	simm.s32 $0x3CF0;
	s16 =	simm.s32 $0x1A90;
	[smem:$0x7F0] =	sst s13  }
0x19: {  	s17 =	simm.s32 $0x3E80;
	s18 =	simm.s32 $0x1C20;
	[smem:$0x7F1] =	sst s14  }
0x1a: {  	s3 =	smul.u32 $0x4E2, s3;
	s6 =	sshrl.u32 s2, $0x3;
	[smem:$0x7F2] =	sst s15  }
0x1b: {  	s19 =	sshrl.u32 s5, $0x1;
	s13 =	simm.s32 $0x8020;
	[smem:$0x7F3] =	sst s16  }
0x1c: {  	s11 =	simm.s32 $0xB220;
	s10 =	simm.s32 $0x1;
	[smem:$0x7F4] =	sst s17  }
0x1d: {  	s12 =	simm.s32 $0xE420;
	[smem:$0x7F5] =	sst s18;
	s18 =	simm.s32 $0x2  }
0x1e: {  	s9 =	simm.s32 $0x5;
	s17 =	simm.s32 $0x3;
	s14 =	simm.s32 $0x6  }
0x1f: {  	s15 =	simm.s32 $0x7;
	s26 =	simm.s32 $0x44C0;
	s16 =	simm.s32 $0x8  }
0x20: {  	s30 =	simm.s32 $0x2260;
	s6 =	sadd.s32 s6, s0;
	s22 =	sadd.s32 s2, s7  }
0x21: {  	s7 =	sshrl.u32 s7, $0x3;
	s5 =	ssub.s32 s5, s19;
	[smem:$0x7FC] =	sst s26  }
0x22: {  	s19 =	simm.s32 $0x4010;
	[smem:$0x7FD] =	sst s30;
	s26 =	simm.s32 $0x4650  }
0x23: {  	s3 =	sadd.s32 s3, s0;
	s6 =	sadd.s32 $0x20200, s6;
	s24 =	sadd.s32 s8, s7  }
0x24: {  	s7 =	simm.s32 $0x640;
	s20 =	smax.u32 s5, $0x1;
	[smem:$0x7F6] =	sst s19  }
0x25: {  	s19 =	simm.s32 $0x4;
	[dreg:$0x3] =	wrdreg s6;
	s21 =	sadd.s32 $0xC600, s3  }
0x26: {  	s3 =	sadd.s32 $0x2800, s3;
	s6 =	sshrl.u32 s22, $0x3;
	[dreg:$0xc] =	wrdreg s7  }
0x27: {  	s25 =	sadd.s32 $0x9C00, s24;
	s22 =	sadd.s32 s2, s1;
	[dreg:$0x5] =	wrdreg s21  }
0x28: {  	s24 =	sshll.u32 s4, $0x6;
	s7 =	sadd.s32 $0x4E000, s1;
	[dreg:$0x6] =	wrdreg s3  }
0x29: {  	s4 =	simm.s32 $0x9;
	s31 =	sadd.s32 $0xFFFFFFFF, s20;
	[dreg:$0x8] =	wrdreg s25  }
0x2a: {  	s23 =	sadd.s32 s8, s6;
	s3 =	sadd.s32 $0x16400, s0;
	s0 =	rddreg [dreg:$0x3]  }
0x2b: {  	s20 =	simm.s32 $0x4C90;
	s6 =	simm.s32 $0x28A0;
	[dreg:$0x7] =	wrdreg s23  }
0x2c: {  	s8 =	simm.s32 $0x2A30;
	s21 =	simm.s32 $0x3390;
	[dreg:$0xb] =	wrdreg s6  }
0x2d: {  	s25 =	simm.s32 $0x3520;
	s2 =	sor.u32 $0x1C09, s24;
	[dreg:$0xd] =	wrdreg s8  }
0x2e: {  	s5 =	sshrl.u32 s22, $0x3;
	s22 =	simm.s32 $0x41A0;
	[dreg:$0x19] =	wrdreg s21  }
0x2f: {  	s24 =	simm.s32 $0x4330;
	p2 =	sne.s32 s31, $0x0;
	[dreg:$0x1b] =	wrdreg s25  }
0x30: {  	s23 =	simm.s32 $0x1130;
	s8 =	simm.s32 $0x1450;
	[smem:$0x7F8] =	sst s22  }
0x31: {  	s6 =	sshrl.u32 @!p0 s7, $0x3;
	s7 =	simm.s32 $0x190;
	[smem:$0x7FA] =	sst s24  }
.Ltmp0:
0x32: {  	s21 =	simm.s32 $0x1DB0;
	[dreg:$0x1a] =	wrdreg s23;
	(pc) =	sbr.rel @!p2 .LBB2_1-.Ltmp0, $4  }
0x33: {  	s25 =	simm.s32 $0x20D0;
	s24 =	simm.s32 $0x47E0;
	[dreg:$0x1e] =	wrdreg s8  }
0x34: {  	s22 =	simm.s32 $0x4970;
	s8 =	simm.s32 $0x4E20;
	[smem:$0x7F7] =	sst s21  }
0x35: {  	s23 =	simm.s32 $0x1F40;
	[smem:$0x7FB] =	sst s25;
	s25 =	simm.s32 $0x23F0  }
0x36: {  	s21 =	simm.s32 $0x4B00;
	[smem:$0x7F9] =	sst s23;
	s23 =	simm.s32 $0x2580  }
0x37: {  	[spmem:s5], [sflag:s2] =	dma.local [hbm:s0], $0x9C0  }
0x38: {  	_ =	swait.ge [sflag:s4], $0x9C0  }
0x39: {  	[sflag:s4] =	ssyncset.done $0x0  }
0x3a: {  	s30 =	simm.s32 @!p0 $0x9;
	s0 =	rddreg [dreg:$0x4];
	[sflag:s4] =	ssyncadd.s32 $0xFFFFF640  }
0x3b: {  	[spmem:s6], [sflag:s2] =	dma.local @!p0 [hbm:s0], $0x40  }
0x3c: {  	_ =	swait.ge @!p0 [sflag:s30], $0x40  }
0x3d: {  	[sflag:s30] =	ssyncset.done @!p0 $0x0  }
0x3e: {  	[sflag:s30] =	ssyncadd.s32 @!p0 $0xFFFFFFC0  }
0x3f: {  	[bflag:$0x0] =	sbarrier.arrive $0xFFFF  }
0x40: {  	s0 =	rddreg [dreg:$0x5]  }
0x41: {  	[tilespmem:s28], [sflag:$0x9] =	stream.linear.gather [hbm4b:s0+s28], $0x2710, $0x38;
	[tilespmem:$0x16440] =	vst v63  }
0x42: {  	_ =	swait.ge [sflag:s4], $0x2710  }
0x43: {  	[sflag:s4] =	ssyncset.done $0x0  }
0x44: {  	s0 =	rddreg [dreg:$0x6];
	[sflag:s4] =	ssyncadd.s32 $0xFFFFD8F0  }
0x45: {  	[tilespmem:s29], [sflag:$0x9] =	stream.linear.gather [hbm4b:s0+s28], $0x2710, $0x38;
	[tilespmem:$0x16440] =	vst v63  }
0x46: {  	_ =	swait.ge [sflag:s4], $0x2710  }
0x47: {  	[sflag:s4] =	ssyncset.done $0x0  }
0x48: {  	[sflag:s4] =	ssyncadd.s32 $0xFFFFD8F0  }
0x49: {  	[tilespmem:s8], [sflag:$0x1] =	stream.indirect.gather [hbm4b:s3+s7], $0x20, s28, s7, $0xb8;
	[tilespmem:$0x16440] =	vst v63  }
0x4a: {  	_ = 	snop  }
0x4b: {  	[tilespmem:s13], [sflag:$0x2] =	stream.indirect.gather [hbm4b:s3+s7], $0x20, s7, s7, $0xb8;
	[tilespmem:$0x16440] =	vst v63  }
0x4c: {  	s0 =	rddreg [dreg:$0x9]  }
0x4d: {  	[tilespmem:s11], [sflag:$0x3] =	stream.indirect.gather [hbm4b:s3+s7], $0x20, s0, s7, $0xb8;
	[tilespmem:$0x16440] =	vst v63  }
0x4e: {  	_ =	swait.ge [sflag:s10], $0x3200  }
0x4f: {  	[sflag:s10] =	ssyncset.done $0x0  }
0x50: {  	[sflag:s10] =	ssyncadd.s32 $0xFFFFCE00  }
0x51: {  	[spmem:s1] =	stream.indirect.scatter.add.f32 [tilespmem:s8], [sflag:$0x5], $0x20, s29, s7, $0xb8;
	[tilespmem:$0x16440] =	vst v63  }
0x52: {  	s0 =	rddreg [dreg:$0xa]  }
0x53: {  	[tilespmem:s12], [sflag:$0x4] =	stream.indirect.gather [hbm4b:s3+s7], $0x20, s0, s7, $0xb8;
	[tilespmem:$0x16440] =	vst v63  }
0x54: {  	_ =	swait.ge [sflag:s18], $0x3200  }
0x55: {  	[sflag:s18] =	ssyncset.done $0x0  }
0x56: {  	s0 =	rddreg [dreg:$0xb];
	[sflag:s18] =	ssyncadd.s32 $0xFFFFCE00  }
0x57: {  	[spmem:s1] =	stream.indirect.scatter.add.f32 [tilespmem:s13], [sflag:$0x6], $0x20, s0, s7, $0xb8;
	[tilespmem:$0x16440] =	vst v63  }
0x58: {  	_ =	swait.ge [sflag:s9], $0x3200  }
0x59: {  	[sflag:s9] =	ssyncset.done $0x0  }
0x5a: {  	s0 =	rddreg [dreg:$0xc];
	[sflag:s9] =	ssyncadd.s32 $0xFFFFCE00  }
0x5b: {  	[tilespmem:s8], [sflag:$0x1] =	stream.indirect.gather [hbm4b:s3+s7], $0x20, s0, s7, $0xb8;
	[tilespmem:$0x16440] =	vst v63  }
0x5c: {  	_ =	swait.ge [sflag:s17], $0x3200  }
0x5d: {  	[sflag:s17] =	ssyncset.done $0x0  }
0x5e: {  	s0 =	rddreg [dreg:$0xd];
	[sflag:s17] =	ssyncadd.s32 $0xFFFFCE00  }
0x5f: {  	[spmem:s1] =	stream.indirect.scatter.add.f32 [tilespmem:s11], [sflag:$0x7], $0x20, s0, s7, $0xb8;
	[tilespmem:$0x16440] =	vst v63  }
0x60: {  	_ =	swait.ge [sflag:s14], $0x3200  }
0x61: {  	[sflag:s14] =	ssyncset.done $0x0  }
0x62: {  	s0 =	rddreg [dreg:$0xe];
	[sflag:s14] =	ssyncadd.s32 $0xFFFFCE00  }
0x63: {  	[tilespmem:s13], [sflag:$0x2] =	stream.indirect.gather [hbm4b:s3+s7], $0x20, s0, s7, $0xb8;
	[tilespmem:$0x16440] =	vst v63  }
0x64: {  	_ =	swait.ge [sflag:s19], $0x3200  }
0x65: {  	[sflag:s19] =	ssyncset.done $0x0  }
0x66: {  	s0 =	rddreg [dreg:$0xf];
	[sflag:s19] =	ssyncadd.s32 $0xFFFFCE00  }
0x67: {  	[spmem:s1] =	stream.indirect.scatter.add.f32 [tilespmem:s12], [sflag:$0x8], $0x20, s0, s7, $0xb8;
	[tilespmem:$0x16440] =	vst v63  }
0x68: {  	_ =	swait.ge [sflag:s15], $0x3200  }
0x69: {  	[sflag:s15] =	ssyncset.done $0x0  }
0x6a: {  	s0 =	rddreg [dreg:$0x10];
	[sflag:s15] =	ssyncadd.s32 $0xFFFFCE00  }
0x6b: {  	[tilespmem:s11], [sflag:$0x3] =	stream.indirect.gather [hbm4b:s3+s7], $0x20, s0, s7, $0xb8;
	[tilespmem:$0x16440] =	vst v63  }
0x6c: {  	_ =	swait.ge [sflag:s10], $0x3200  }
0x6d: {  	[sflag:s10] =	ssyncset.done $0x0  }
0x6e: {  	s0 =	rddreg [dreg:$0x11];
	[sflag:s10] =	ssyncadd.s32 $0xFFFFCE00  }
0x6f: {  	[spmem:s1] =	stream.indirect.scatter.add.f32 [tilespmem:s8], [sflag:$0x5], $0x20, s0, s7, $0xb8;
	[tilespmem:$0x16440] =	vst v63  }
0x70: {  	_ =	swait.ge [sflag:s16], $0x3200  }
0x71: {  	[sflag:s16] =	ssyncset.done $0x0  }
0x72: {  	s0 =	rddreg [dreg:$0x12];
	[sflag:s16] =	ssyncadd.s32 $0xFFFFCE00  }
0x73: {  	[tilespmem:s12], [sflag:$0x4] =	stream.indirect.gather [hbm4b:s3+s7], $0x20, s0, s7, $0xb8;
	[tilespmem:$0x16440] =	vst v63  }
0x74: {  	_ =	swait.ge [sflag:s18], $0x3200  }
0x75: {  	[sflag:s18] =	ssyncset.done $0x0  }
0x76: {  	s0 =	rddreg [dreg:$0x13];
	[sflag:s18] =	ssyncadd.s32 $0xFFFFCE00  }
0x77: {  	[spmem:s1] =	stream.indirect.scatter.add.f32 [tilespmem:s13], [sflag:$0x6], $0x20, s0, s7, $0xb8;
	[tilespmem:$0x16440] =	vst v63  }
0x78: {  	_ =	swait.ge [sflag:s9], $0x3200  }
0x79: {  	[sflag:s9] =	ssyncset.done $0x0  }
0x7a: {  	s0 =	rddreg [dreg:$0x14];
	[sflag:s9] =	ssyncadd.s32 $0xFFFFCE00  }
0x7b: {  	[tilespmem:s8], [sflag:$0x1] =	stream.indirect.gather [hbm4b:s3+s7], $0x20, s0, s7, $0xb8;
	[tilespmem:$0x16440] =	vst v63  }
0x7c: {  	_ =	swait.ge [sflag:s17], $0x3200  }
0x7d: {  	[sflag:s17] =	ssyncset.done $0x0  }
0x7e: {  	s0 =	rddreg [dreg:$0x15];
	[sflag:s17] =	ssyncadd.s32 $0xFFFFCE00  }
0x7f: {  	[spmem:s1] =	stream.indirect.scatter.add.f32 [tilespmem:s11], [sflag:$0x7], $0x20, s0, s7, $0xb8;
	[tilespmem:$0x16440] =	vst v63  }
0x80: {  	_ =	swait.ge [sflag:s14], $0x3200  }
0x81: {  	[sflag:s14] =	ssyncset.done $0x0  }
0x82: {  	s0 =	rddreg [dreg:$0x16];
	[sflag:s14] =	ssyncadd.s32 $0xFFFFCE00  }
0x83: {  	[tilespmem:s13], [sflag:$0x2] =	stream.indirect.gather [hbm4b:s3+s7], $0x20, s0, s7, $0xb8;
	[tilespmem:$0x16440] =	vst v63  }
0x84: {  	_ =	swait.ge [sflag:s19], $0x3200  }
0x85: {  	[sflag:s19] =	ssyncset.done $0x0  }
0x86: {  	s0 =	rddreg [dreg:$0x17];
	[sflag:s19] =	ssyncadd.s32 $0xFFFFCE00  }
0x87: {  	[spmem:s1] =	stream.indirect.scatter.add.f32 [tilespmem:s12], [sflag:$0x8], $0x20, s0, s7, $0xb8;
	[tilespmem:$0x16440] =	vst v63  }
0x88: {  	_ =	swait.ge [sflag:s15], $0x3200  }
0x89: {  	[sflag:s15] =	ssyncset.done $0x0  }
0x8a: {  	s0 =	rddreg [dreg:$0x18];
	[sflag:s15] =	ssyncadd.s32 $0xFFFFCE00  }
0x8b: {  	[tilespmem:s11], [sflag:$0x3] =	stream.indirect.gather [hbm4b:s3+s7], $0x20, s0, s7, $0xb8;
	[tilespmem:$0x16440] =	vst v63  }
0x8c: {  	_ =	swait.ge [sflag:s10], $0x3200  }
0x8d: {  	[sflag:s10] =	ssyncset.done $0x0  }
0x8e: {  	s0 =	rddreg [dreg:$0x19];
	[sflag:s10] =	ssyncadd.s32 $0xFFFFCE00  }
0x8f: {  	[spmem:s1] =	stream.indirect.scatter.add.f32 [tilespmem:s8], [sflag:$0x5], $0x20, s0, s7, $0xb8;
	[tilespmem:$0x16440] =	vst v63  }
0x90: {  	_ =	swait.ge [sflag:s16], $0x3200  }
0x91: {  	[sflag:s16] =	ssyncset.done $0x0  }
0x92: {  	s0 =	rddreg [dreg:$0x1a];
	[sflag:s16] =	ssyncadd.s32 $0xFFFFCE00  }
0x93: {  	[tilespmem:s12], [sflag:$0x4] =	stream.indirect.gather [hbm4b:s3+s7], $0x20, s0, s7, $0xb8;
	[tilespmem:$0x16440] =	vst v63  }
0x94: {  	_ =	swait.ge [sflag:s18], $0x3200  }
0x95: {  	[sflag:s18] =	ssyncset.done $0x0  }
0x96: {  	s0 =	rddreg [dreg:$0x1b];
	[sflag:s18] =	ssyncadd.s32 $0xFFFFCE00  }
0x97: {  	[spmem:s1] =	stream.indirect.scatter.add.f32 [tilespmem:s13], [sflag:$0x6], $0x20, s0, s7, $0xb8;
	[tilespmem:$0x16440] =	vst v63  }
0x98: {  	_ =	swait.ge [sflag:s9], $0x3200  }
0x99: {  	[sflag:s9] =	ssyncset.done $0x0  }
0x9a: {  	s0 =	rddreg [dreg:$0x1c];
	[sflag:s9] =	ssyncadd.s32 $0xFFFFCE00  }
0x9b: {  	[tilespmem:s8], [sflag:$0x1] =	stream.indirect.gather [hbm4b:s3+s7], $0x20, s0, s7, $0xb8;
	[tilespmem:$0x16440] =	vst v63  }
0x9c: {  	_ =	swait.ge [sflag:s17], $0x3200  }
0x9d: {  	[sflag:s17] =	ssyncset.done $0x0  }
0x9e: {  	s0 =	rddreg [dreg:$0x1d];
	[sflag:s17] =	ssyncadd.s32 $0xFFFFCE00  }
0x9f: {  	[spmem:s1] =	stream.indirect.scatter.add.f32 [tilespmem:s11], [sflag:$0x7], $0x20, s0, s7, $0xb8;
	[tilespmem:$0x16440] =	vst v63  }
0xa0: {  	_ =	swait.ge [sflag:s14], $0x3200  }
0xa1: {  	[sflag:s14] =	ssyncset.done $0x0  }
0xa2: {  	s0 =	rddreg [dreg:$0x1e];
	[sflag:s14] =	ssyncadd.s32 $0xFFFFCE00  }
0xa3: {  	[tilespmem:s13], [sflag:$0x2] =	stream.indirect.gather [hbm4b:s3+s7], $0x20, s0, s7, $0xb8;
	[tilespmem:$0x16440] =	vst v63  }
0xa4: {  	_ =	swait.ge [sflag:s19], $0x3200  }
0xa5: {  	[sflag:s19] =	ssyncset.done $0x0  }
0xa6: {  	s0 =	rddreg [dreg:$0x1f];
	[sflag:s19] =	ssyncadd.s32 $0xFFFFCE00  }
0xa7: {  	[spmem:s1] =	stream.indirect.scatter.add.f32 [tilespmem:s12], [sflag:$0x8], $0x20, s0, s7, $0xb8;
	[tilespmem:$0x16440] =	vst v63  }
0xa8: {  	_ =	swait.ge [sflag:s15], $0x3200  }
0xa9: {  	s0 =	sld [smem:$0x7ED]  }
0xaa: {  	[sflag:s15] =	ssyncset.done $0x0  }
0xab: {  	[sflag:s15] =	ssyncadd.s32 $0xFFFFCE00  }
0xac: {  	[tilespmem:s11], [sflag:$0x3] =	stream.indirect.gather [hbm4b:s3+s7], $0x20, s0, s7, $0xb8;
	[tilespmem:$0x16440] =	vst v63  }
0xad: {  	_ =	swait.ge [sflag:s10], $0x3200  }
0xae: {  	s0 =	sld [smem:$0x7EE]  }
0xaf: {  	[sflag:s10] =	ssyncset.done $0x0  }
0xb0: {  	[sflag:s10] =	ssyncadd.s32 $0xFFFFCE00  }
0xb1: {  	[spmem:s1] =	stream.indirect.scatter.add.f32 [tilespmem:s8], [sflag:$0x5], $0x20, s0, s7, $0xb8;
	[tilespmem:$0x16440] =	vst v63  }
0xb2: {  	_ =	swait.ge [sflag:s16], $0x3200  }
0xb3: {  	s0 =	sld [smem:$0x7EF]  }
0xb4: {  	[sflag:s16] =	ssyncset.done $0x0  }
0xb5: {  	[sflag:s16] =	ssyncadd.s32 $0xFFFFCE00  }
0xb6: {  	[tilespmem:s12], [sflag:$0x4] =	stream.indirect.gather [hbm4b:s3+s7], $0x20, s0, s7, $0xb8;
	[tilespmem:$0x16440] =	vst v63  }
0xb7: {  	_ =	swait.ge [sflag:s18], $0x3200  }
0xb8: {  	s0 =	sld [smem:$0x7F0]  }
0xb9: {  	[sflag:s18] =	ssyncset.done $0x0  }
0xba: {  	[sflag:s18] =	ssyncadd.s32 $0xFFFFCE00  }
0xbb: {  	[spmem:s1] =	stream.indirect.scatter.add.f32 [tilespmem:s13], [sflag:$0x6], $0x20, s0, s7, $0xb8;
	[tilespmem:$0x16440] =	vst v63  }
0xbc: {  	_ =	swait.ge [sflag:s9], $0x3200  }
0xbd: {  	s0 =	sld [smem:$0x7F1]  }
0xbe: {  	[sflag:s9] =	ssyncset.done $0x0  }
0xbf: {  	[sflag:s9] =	ssyncadd.s32 $0xFFFFCE00  }
0xc0: {  	[tilespmem:s8], [sflag:$0x1] =	stream.indirect.gather [hbm4b:s3+s7], $0x20, s0, s7, $0xb8;
	[tilespmem:$0x16440] =	vst v63  }
0xc1: {  	_ =	swait.ge [sflag:s17], $0x3200  }
0xc2: {  	s0 =	sld [smem:$0x7F2]  }
0xc3: {  	[sflag:s17] =	ssyncset.done $0x0  }
0xc4: {  	[sflag:s17] =	ssyncadd.s32 $0xFFFFCE00  }
0xc5: {  	[spmem:s1] =	stream.indirect.scatter.add.f32 [tilespmem:s11], [sflag:$0x7], $0x20, s0, s7, $0xb8;
	[tilespmem:$0x16440] =	vst v63  }
0xc6: {  	_ =	swait.ge [sflag:s14], $0x3200  }
0xc7: {  	s0 =	sld [smem:$0x7F3]  }
0xc8: {  	[sflag:s14] =	ssyncset.done $0x0  }
0xc9: {  	[sflag:s14] =	ssyncadd.s32 $0xFFFFCE00  }
0xca: {  	[tilespmem:s13], [sflag:$0x2] =	stream.indirect.gather [hbm4b:s3+s7], $0x20, s0, s7, $0xb8;
	[tilespmem:$0x16440] =	vst v63  }
0xcb: {  	_ =	swait.ge [sflag:s19], $0x3200  }
0xcc: {  	s0 =	sld [smem:$0x7F4]  }
0xcd: {  	[sflag:s19] =	ssyncset.done $0x0  }
0xce: {  	[sflag:s19] =	ssyncadd.s32 $0xFFFFCE00  }
0xcf: {  	[spmem:s1] =	stream.indirect.scatter.add.f32 [tilespmem:s12], [sflag:$0x8], $0x20, s0, s7, $0xb8;
	[tilespmem:$0x16440] =	vst v63  }
0xd0: {  	_ =	swait.ge [sflag:s15], $0x3200  }
0xd1: {  	s0 =	sld [smem:$0x7F5]  }
0xd2: {  	[sflag:s15] =	ssyncset.done $0x0  }
0xd3: {  	[sflag:s15] =	ssyncadd.s32 $0xFFFFCE00  }
0xd4: {  	[tilespmem:s11], [sflag:$0x3] =	stream.indirect.gather [hbm4b:s3+s7], $0x20, s0, s7, $0xb8;
	[tilespmem:$0x16440] =	vst v63  }
0xd5: {  	_ =	swait.ge [sflag:s10], $0x3200  }
0xd6: {  	s0 =	sld [smem:$0x7F6]  }
0xd7: {  	[sflag:s10] =	ssyncset.done $0x0  }
0xd8: {  	[sflag:s10] =	ssyncadd.s32 $0xFFFFCE00  }
0xd9: {  	[spmem:s1] =	stream.indirect.scatter.add.f32 [tilespmem:s8], [sflag:$0x5], $0x20, s0, s7, $0xb8;
	[tilespmem:$0x16440] =	vst v63  }
0xda: {  	_ =	swait.ge [sflag:s16], $0x3200  }
0xdb: {  	s0 =	sld [smem:$0x7F7]  }
0xdc: {  	[sflag:s16] =	ssyncset.done $0x0  }
0xdd: {  	[sflag:s16] =	ssyncadd.s32 $0xFFFFCE00  }
0xde: {  	[tilespmem:s12], [sflag:$0x4] =	stream.indirect.gather [hbm4b:s3+s7], $0x20, s0, s7, $0xb8;
	[tilespmem:$0x16440] =	vst v63  }
0xdf: {  	_ =	swait.ge [sflag:s18], $0x3200  }
0xe0: {  	s0 =	sld [smem:$0x7F8]  }
0xe1: {  	[sflag:s18] =	ssyncset.done $0x0  }
0xe2: {  	[sflag:s18] =	ssyncadd.s32 $0xFFFFCE00  }
0xe3: {  	[spmem:s1] =	stream.indirect.scatter.add.f32 [tilespmem:s13], [sflag:$0x6], $0x20, s0, s7, $0xb8;
	[tilespmem:$0x16440] =	vst v63  }
0xe4: {  	_ =	swait.ge [sflag:s9], $0x3200  }
0xe5: {  	s0 =	sld [smem:$0x7F9]  }
0xe6: {  	[sflag:s9] =	ssyncset.done $0x0  }
0xe7: {  	[sflag:s9] =	ssyncadd.s32 $0xFFFFCE00  }
0xe8: {  	[tilespmem:s8], [sflag:$0x1] =	stream.indirect.gather [hbm4b:s3+s7], $0x20, s0, s7, $0xb8;
	[tilespmem:$0x16440] =	vst v63  }
0xe9: {  	_ =	swait.ge [sflag:s17], $0x3200  }
0xea: {  	s0 =	sld [smem:$0x7FA]  }
0xeb: {  	[sflag:s17] =	ssyncset.done $0x0  }
0xec: {  	[sflag:s17] =	ssyncadd.s32 $0xFFFFCE00  }
0xed: {  	[spmem:s1] =	stream.indirect.scatter.add.f32 [tilespmem:s11], [sflag:$0x7], $0x20, s0, s7, $0xb8;
	[tilespmem:$0x16440] =	vst v63  }
0xee: {  	_ =	swait.ge [sflag:s14], $0x3200  }
0xef: {  	s0 =	sld [smem:$0x7FB]  }
0xf0: {  	[sflag:s14] =	ssyncset.done $0x0  }
0xf1: {  	[sflag:s14] =	ssyncadd.s32 $0xFFFFCE00  }
0xf2: {  	[tilespmem:s13], [sflag:$0x2] =	stream.indirect.gather [hbm4b:s3+s7], $0x20, s0, s7, $0xb8;
	[tilespmem:$0x16440] =	vst v63  }
0xf3: {  	_ =	swait.ge [sflag:s19], $0x3200  }
0xf4: {  	s0 =	sld [smem:$0x7FC]  }
0xf5: {  	[sflag:s19] =	ssyncset.done $0x0  }
0xf6: {  	[sflag:s19] =	ssyncadd.s32 $0xFFFFCE00  }
0xf7: {  	[spmem:s1] =	stream.indirect.scatter.add.f32 [tilespmem:s12], [sflag:$0x8], $0x20, s0, s7, $0xb8;
	[tilespmem:$0x16440] =	vst v63  }
0xf8: {  	_ =	swait.ge [sflag:s15], $0x3200  }
0xf9: {  	s0 =	sld [smem:$0x7FD]  }
0xfa: {  	[sflag:s15] =	ssyncset.done $0x0  }
0xfb: {  	[sflag:s15] =	ssyncadd.s32 $0xFFFFCE00  }
0xfc: {  	[tilespmem:s11], [sflag:$0x3] =	stream.indirect.gather [hbm4b:s3+s7], $0x20, s0, s7, $0xb8;
	[tilespmem:$0x16440] =	vst v63  }
0xfd: {  	_ =	swait.ge [sflag:s10], $0x3200  }
0xfe: {  	[sflag:s10] =	ssyncset.done $0x0  }
0xff: {  	[sflag:s10] =	ssyncadd.s32 $0xFFFFCE00  }
0x100: {  	[spmem:s1] =	stream.indirect.scatter.add.f32 [tilespmem:s8], [sflag:$0x5], $0x20, s26, s7, $0xb8;
	[tilespmem:$0x16440] =	vst v63  }
0x101: {  	_ =	swait.ge [sflag:s16], $0x3200  }
0x102: {  	[sflag:s16] =	ssyncset.done $0x0  }
0x103: {  	[sflag:s16] =	ssyncadd.s32 $0xFFFFCE00  }
0x104: {  	[tilespmem:s12], [sflag:$0x4] =	stream.indirect.gather [hbm4b:s3+s7], $0x20, s25, s7, $0xb8;
	[tilespmem:$0x16440] =	vst v63  }
0x105: {  	_ =	swait.ge [sflag:s18], $0x3200  }
0x106: {  	[sflag:s18] =	ssyncset.done $0x0  }
0x107: {  	[sflag:s18] =	ssyncadd.s32 $0xFFFFCE00  }
0x108: {  	[spmem:s1] =	stream.indirect.scatter.add.f32 [tilespmem:s13], [sflag:$0x6], $0x20, s24, s7, $0xb8;
	[tilespmem:$0x16440] =	vst v63  }
0x109: {  	_ =	swait.ge [sflag:s9], $0x3200  }
0x10a: {  	[sflag:s9] =	ssyncset.done $0x0  }
0x10b: {  	[sflag:s9] =	ssyncadd.s32 $0xFFFFCE00  }
0x10c: {  	[tilespmem:s8], [sflag:$0x1] =	stream.indirect.gather [hbm4b:s3+s7], $0x20, s23, s7, $0xb8;
	[tilespmem:$0x16440] =	vst v63  }
0x10d: {  	_ =	swait.ge [sflag:s17], $0x3200  }
0x10e: {  	[sflag:s17] =	ssyncset.done $0x0  }
0x10f: {  	[sflag:s17] =	ssyncadd.s32 $0xFFFFCE00  }
0x110: {  	[spmem:s1] =	stream.indirect.scatter.add.f32 [tilespmem:s11], [sflag:$0x7], $0x20, s22, s7, $0xb8;
	[tilespmem:$0x16440] =	vst v63  }
0x111: {  	_ =	swait.ge [sflag:s19], $0x3200  }
0x112: {  	[sflag:s19] =	ssyncset.done $0x0  }
0x113: {  	[sflag:s19] =	ssyncadd.s32 $0xFFFFCE00  }
0x114: {  	[spmem:s1] =	stream.indirect.scatter.add.f32 [tilespmem:s12], [sflag:$0x8], $0x20, s21, s7, $0xb8;
	[tilespmem:$0x16440] =	vst v63  }
0x115: {  	_ =	swait.ge [sflag:s10], $0x3200  }
0x116: {  	[sflag:s10] =	ssyncset.done $0x0  }
0x117: {  	[sflag:s10] =	ssyncadd.s32 $0xFFFFCE00  }
0x118: {  	[spmem:s1] =	stream.indirect.scatter.add.f32 [tilespmem:s8], [sflag:$0x5], $0x20, s20, s7, $0xb8;
	[tilespmem:$0x16440] =	vst v63  }
0x119: {  	_ =	swait.ge [sflag:s14], $0x3200  }
0x11a: {  	[sflag:s14] =	ssyncset.done $0x0  }
0x11b: {  	[sflag:s14] =	ssyncadd.s32 $0xFFFFCE00  }
0x11c: {  	_ =	swait.ge [sflag:s15], $0x3200  }
0x11d: {  	[sflag:s15] =	ssyncset.done $0x0  }
0x11e: {  	[sflag:s15] =	ssyncadd.s32 $0xFFFFCE00  }
0x11f: {  	_ =	swait.ge [sflag:s16], $0x3200  }
0x120: {  	[sflag:s16] =	ssyncset.done $0x0  }
0x121: {  	[sflag:s16] =	ssyncadd.s32 $0xFFFFCE00  }
0x122: {  	_ =	swait.ge [sflag:s9], $0x3200  }
0x123: {  	[sflag:s9] =	ssyncset.done $0x0  }
0x124: {  	[sflag:s9] =	ssyncadd.s32 $0xFFFFCE00  }
0x125: {  	[bflag:$0x0] =	sbarrier.arrive $0xFFFF  }
0x126: {  	s31 =	sadd.s32 $0xFFFFFFFF, s31;
	s0 =	rddreg [dreg:$0x7]  }
0x127: {  	[hbm:s0], [sflag:s2] =	dma.local [spmem:s5], $0x9C0  }
0x128: {  	p2 =	sne.s32 s31, $0x0;
	_ =	swait.ge [sflag:s4], $0x9C0  }
.Ltmp1:
0x129: {  	[sflag:s4] =	ssyncset.done $0x0;
	(pc) =	sbr.rel @!p2 .LBB2_4-.Ltmp1, $4  }
0x12a: {  	s0 =	rddreg [dreg:$0x8];
	[sflag:s4] =	ssyncadd.s32 $0xFFFFF640  }
0x12b: {  	[hbm:s0], [sflag:s2] =	dma.local @!p0 [spmem:s6], $0x40  }
0x12c: {  	_ =	swait.ge @!p0 [sflag:s30], $0x40  }
0x12d: {  	p1 =	por $0x1, $0x1;
	s0 =	rddreg [dreg:$0x3];
	[sflag:s30] =	ssyncset.done @!p0 $0x0  }
.LBB2_3:
0x12e: {  	[sflag:s30] =	ssyncadd.s32 @!p0 $0xFFFFFFC0  }
0x12f: {  	[spmem:s5], [sflag:s2] =	dma.local [hbm:s0], $0x9C0  }
0x130: {  	_ =	swait.ge [sflag:s4], $0x9C0  }
0x131: {  	[sflag:s4] =	ssyncset.done $0x0  }
0x132: {  	s0 =	rddreg [dreg:$0x4];
	[sflag:s4] =	ssyncadd.s32 $0xFFFFF640  }
0x133: {  	[spmem:s6], [sflag:s2] =	dma.local @!p0 [hbm:s0], $0x40  }
0x134: {  	_ =	swait.ge @!p0 [sflag:s30], $0x40  }
0x135: {  	[sflag:s30] =	ssyncset.done @!p0 $0x0  }
0x136: {  	[sflag:s30] =	ssyncadd.s32 @!p0 $0xFFFFFFC0  }
0x137: {  	[bflag:$0x0] =	sbarrier.arrive $0xFFFF  }
0x138: {  	s0 =	rddreg [dreg:$0x5]  }
0x139: {  	[tilespmem:s28], [sflag:$0x9] =	stream.linear.gather [hbm4b:s0+s28], $0x2710, $0x38;
	[tilespmem:$0x16440] =	vst v63  }
0x13a: {  	_ =	swait.ge [sflag:s4], $0x2710  }
0x13b: {  	[sflag:s4] =	ssyncset.done $0x0  }
0x13c: {  	s0 =	rddreg [dreg:$0x6];
	[sflag:s4] =	ssyncadd.s32 $0xFFFFD8F0  }
0x13d: {  	[tilespmem:s29], [sflag:$0x9] =	stream.linear.gather [hbm4b:s0+s28], $0x2710, $0x38;
	[tilespmem:$0x16440] =	vst v63  }
0x13e: {  	_ =	swait.ge [sflag:s4], $0x2710  }
0x13f: {  	[sflag:s4] =	ssyncset.done $0x0  }
0x140: {  	[sflag:s4] =	ssyncadd.s32 $0xFFFFD8F0  }
0x141: {  	[tilespmem:s8], [sflag:$0x1] =	stream.indirect.gather [hbm4b:s3+s7], $0x20, s28, s7, $0xb8;
	[tilespmem:$0x16440] =	vst v63  }
0x142: {  	_ = 	snop  }
0x143: {  	[tilespmem:s13], [sflag:$0x2] =	stream.indirect.gather [hbm4b:s3+s7], $0x20, s7, s7, $0xb8;
	[tilespmem:$0x16440] =	vst v63  }
0x144: {  	s0 =	rddreg [dreg:$0x9]  }
0x145: {  	[tilespmem:s11], [sflag:$0x3] =	stream.indirect.gather [hbm4b:s3+s7], $0x20, s0, s7, $0xb8;
	[tilespmem:$0x16440] =	vst v63  }
0x146: {  	_ =	swait.ge [sflag:s10], $0x3200  }
0x147: {  	[sflag:s10] =	ssyncset.done $0x0  }
0x148: {  	[sflag:s10] =	ssyncadd.s32 $0xFFFFCE00  }
0x149: {  	[spmem:s1] =	stream.indirect.scatter.add.f32 [tilespmem:s8], [sflag:$0x5], $0x20, s29, s7, $0xb8;
	[tilespmem:$0x16440] =	vst v63  }
0x14a: {  	s0 =	rddreg [dreg:$0xa]  }
0x14b: {  	[tilespmem:s12], [sflag:$0x4] =	stream.indirect.gather [hbm4b:s3+s7], $0x20, s0, s7, $0xb8;
	[tilespmem:$0x16440] =	vst v63  }
0x14c: {  	_ =	swait.ge [sflag:s18], $0x3200  }
0x14d: {  	[sflag:s18] =	ssyncset.done $0x0  }
0x14e: {  	s0 =	rddreg [dreg:$0xb];
	[sflag:s18] =	ssyncadd.s32 $0xFFFFCE00  }
0x14f: {  	[spmem:s1] =	stream.indirect.scatter.add.f32 [tilespmem:s13], [sflag:$0x6], $0x20, s0, s7, $0xb8;
	[tilespmem:$0x16440] =	vst v63  }
0x150: {  	_ =	swait.ge [sflag:s9], $0x3200  }
0x151: {  	[sflag:s9] =	ssyncset.done $0x0  }
0x152: {  	s0 =	rddreg [dreg:$0xc];
	[sflag:s9] =	ssyncadd.s32 $0xFFFFCE00  }
0x153: {  	[tilespmem:s8], [sflag:$0x1] =	stream.indirect.gather [hbm4b:s3+s7], $0x20, s0, s7, $0xb8;
	[tilespmem:$0x16440] =	vst v63  }
0x154: {  	_ =	swait.ge [sflag:s17], $0x3200  }
0x155: {  	[sflag:s17] =	ssyncset.done $0x0  }
0x156: {  	s0 =	rddreg [dreg:$0xd];
	[sflag:s17] =	ssyncadd.s32 $0xFFFFCE00  }
0x157: {  	[spmem:s1] =	stream.indirect.scatter.add.f32 [tilespmem:s11], [sflag:$0x7], $0x20, s0, s7, $0xb8;
	[tilespmem:$0x16440] =	vst v63  }
0x158: {  	_ =	swait.ge [sflag:s14], $0x3200  }
0x159: {  	[sflag:s14] =	ssyncset.done $0x0  }
0x15a: {  	s0 =	rddreg [dreg:$0xe];
	[sflag:s14] =	ssyncadd.s32 $0xFFFFCE00  }
0x15b: {  	[tilespmem:s13], [sflag:$0x2] =	stream.indirect.gather [hbm4b:s3+s7], $0x20, s0, s7, $0xb8;
	[tilespmem:$0x16440] =	vst v63  }
0x15c: {  	_ =	swait.ge [sflag:s19], $0x3200  }
0x15d: {  	[sflag:s19] =	ssyncset.done $0x0  }
0x15e: {  	s0 =	rddreg [dreg:$0xf];
	[sflag:s19] =	ssyncadd.s32 $0xFFFFCE00  }
0x15f: {  	[spmem:s1] =	stream.indirect.scatter.add.f32 [tilespmem:s12], [sflag:$0x8], $0x20, s0, s7, $0xb8;
	[tilespmem:$0x16440] =	vst v63  }
0x160: {  	_ =	swait.ge [sflag:s15], $0x3200  }
0x161: {  	[sflag:s15] =	ssyncset.done $0x0  }
0x162: {  	s0 =	rddreg [dreg:$0x10];
	[sflag:s15] =	ssyncadd.s32 $0xFFFFCE00  }
0x163: {  	[tilespmem:s11], [sflag:$0x3] =	stream.indirect.gather [hbm4b:s3+s7], $0x20, s0, s7, $0xb8;
	[tilespmem:$0x16440] =	vst v63  }
0x164: {  	_ =	swait.ge [sflag:s10], $0x3200  }
0x165: {  	[sflag:s10] =	ssyncset.done $0x0  }
0x166: {  	s0 =	rddreg [dreg:$0x11];
	[sflag:s10] =	ssyncadd.s32 $0xFFFFCE00  }
0x167: {  	[spmem:s1] =	stream.indirect.scatter.add.f32 [tilespmem:s8], [sflag:$0x5], $0x20, s0, s7, $0xb8;
	[tilespmem:$0x16440] =	vst v63  }
0x168: {  	_ =	swait.ge [sflag:s16], $0x3200  }
0x169: {  	[sflag:s16] =	ssyncset.done $0x0  }
0x16a: {  	s0 =	rddreg [dreg:$0x12];
	[sflag:s16] =	ssyncadd.s32 $0xFFFFCE00  }
0x16b: {  	[tilespmem:s12], [sflag:$0x4] =	stream.indirect.gather [hbm4b:s3+s7], $0x20, s0, s7, $0xb8;
	[tilespmem:$0x16440] =	vst v63  }
0x16c: {  	_ =	swait.ge [sflag:s18], $0x3200  }
0x16d: {  	[sflag:s18] =	ssyncset.done $0x0  }
0x16e: {  	s0 =	rddreg [dreg:$0x13];
	[sflag:s18] =	ssyncadd.s32 $0xFFFFCE00  }
0x16f: {  	[spmem:s1] =	stream.indirect.scatter.add.f32 [tilespmem:s13], [sflag:$0x6], $0x20, s0, s7, $0xb8;
	[tilespmem:$0x16440] =	vst v63  }
0x170: {  	_ =	swait.ge [sflag:s9], $0x3200  }
0x171: {  	[sflag:s9] =	ssyncset.done $0x0  }
0x172: {  	s0 =	rddreg [dreg:$0x14];
	[sflag:s9] =	ssyncadd.s32 $0xFFFFCE00  }
0x173: {  	[tilespmem:s8], [sflag:$0x1] =	stream.indirect.gather [hbm4b:s3+s7], $0x20, s0, s7, $0xb8;
	[tilespmem:$0x16440] =	vst v63  }
0x174: {  	_ =	swait.ge [sflag:s17], $0x3200  }
0x175: {  	[sflag:s17] =	ssyncset.done $0x0  }
0x176: {  	s0 =	rddreg [dreg:$0x15];
	[sflag:s17] =	ssyncadd.s32 $0xFFFFCE00  }
0x177: {  	[spmem:s1] =	stream.indirect.scatter.add.f32 [tilespmem:s11], [sflag:$0x7], $0x20, s0, s7, $0xb8;
	[tilespmem:$0x16440] =	vst v63  }
0x178: {  	_ =	swait.ge [sflag:s14], $0x3200  }
0x179: {  	[sflag:s14] =	ssyncset.done $0x0  }
0x17a: {  	s0 =	rddreg [dreg:$0x16];
	[sflag:s14] =	ssyncadd.s32 $0xFFFFCE00  }
0x17b: {  	[tilespmem:s13], [sflag:$0x2] =	stream.indirect.gather [hbm4b:s3+s7], $0x20, s0, s7, $0xb8;
	[tilespmem:$0x16440] =	vst v63  }
0x17c: {  	_ =	swait.ge [sflag:s19], $0x3200  }
0x17d: {  	[sflag:s19] =	ssyncset.done $0x0  }
0x17e: {  	s0 =	rddreg [dreg:$0x17];
	[sflag:s19] =	ssyncadd.s32 $0xFFFFCE00  }
0x17f: {  	[spmem:s1] =	stream.indirect.scatter.add.f32 [tilespmem:s12], [sflag:$0x8], $0x20, s0, s7, $0xb8;
	[tilespmem:$0x16440] =	vst v63  }
0x180: {  	_ =	swait.ge [sflag:s15], $0x3200  }
0x181: {  	[sflag:s15] =	ssyncset.done $0x0  }
0x182: {  	s0 =	rddreg [dreg:$0x18];
	[sflag:s15] =	ssyncadd.s32 $0xFFFFCE00  }
0x183: {  	[tilespmem:s11], [sflag:$0x3] =	stream.indirect.gather [hbm4b:s3+s7], $0x20, s0, s7, $0xb8;
	[tilespmem:$0x16440] =	vst v63  }
0x184: {  	_ =	swait.ge [sflag:s10], $0x3200  }
0x185: {  	[sflag:s10] =	ssyncset.done $0x0  }
0x186: {  	s0 =	rddreg [dreg:$0x19];
	[sflag:s10] =	ssyncadd.s32 $0xFFFFCE00  }
0x187: {  	[spmem:s1] =	stream.indirect.scatter.add.f32 [tilespmem:s8], [sflag:$0x5], $0x20, s0, s7, $0xb8;
	[tilespmem:$0x16440] =	vst v63  }
0x188: {  	_ =	swait.ge [sflag:s16], $0x3200  }
0x189: {  	[sflag:s16] =	ssyncset.done $0x0  }
0x18a: {  	s0 =	rddreg [dreg:$0x1a];
	[sflag:s16] =	ssyncadd.s32 $0xFFFFCE00  }
0x18b: {  	[tilespmem:s12], [sflag:$0x4] =	stream.indirect.gather [hbm4b:s3+s7], $0x20, s0, s7, $0xb8;
	[tilespmem:$0x16440] =	vst v63  }
0x18c: {  	_ =	swait.ge [sflag:s18], $0x3200  }
0x18d: {  	[sflag:s18] =	ssyncset.done $0x0  }
0x18e: {  	s0 =	rddreg [dreg:$0x1b];
	[sflag:s18] =	ssyncadd.s32 $0xFFFFCE00  }
0x18f: {  	[spmem:s1] =	stream.indirect.scatter.add.f32 [tilespmem:s13], [sflag:$0x6], $0x20, s0, s7, $0xb8;
	[tilespmem:$0x16440] =	vst v63  }
0x190: {  	_ =	swait.ge [sflag:s9], $0x3200  }
0x191: {  	[sflag:s9] =	ssyncset.done $0x0  }
0x192: {  	s0 =	rddreg [dreg:$0x1c];
	[sflag:s9] =	ssyncadd.s32 $0xFFFFCE00  }
0x193: {  	[tilespmem:s8], [sflag:$0x1] =	stream.indirect.gather [hbm4b:s3+s7], $0x20, s0, s7, $0xb8;
	[tilespmem:$0x16440] =	vst v63  }
0x194: {  	_ =	swait.ge [sflag:s17], $0x3200  }
0x195: {  	[sflag:s17] =	ssyncset.done $0x0  }
0x196: {  	s0 =	rddreg [dreg:$0x1d];
	[sflag:s17] =	ssyncadd.s32 $0xFFFFCE00  }
0x197: {  	[spmem:s1] =	stream.indirect.scatter.add.f32 [tilespmem:s11], [sflag:$0x7], $0x20, s0, s7, $0xb8;
	[tilespmem:$0x16440] =	vst v63  }
0x198: {  	_ =	swait.ge [sflag:s14], $0x3200  }
0x199: {  	[sflag:s14] =	ssyncset.done $0x0  }
0x19a: {  	s0 =	rddreg [dreg:$0x1e];
	[sflag:s14] =	ssyncadd.s32 $0xFFFFCE00  }
0x19b: {  	[tilespmem:s13], [sflag:$0x2] =	stream.indirect.gather [hbm4b:s3+s7], $0x20, s0, s7, $0xb8;
	[tilespmem:$0x16440] =	vst v63  }
0x19c: {  	_ =	swait.ge [sflag:s19], $0x3200  }
0x19d: {  	[sflag:s19] =	ssyncset.done $0x0  }
0x19e: {  	s0 =	rddreg [dreg:$0x1f];
	[sflag:s19] =	ssyncadd.s32 $0xFFFFCE00  }
0x19f: {  	[spmem:s1] =	stream.indirect.scatter.add.f32 [tilespmem:s12], [sflag:$0x8], $0x20, s0, s7, $0xb8;
	[tilespmem:$0x16440] =	vst v63  }
0x1a0: {  	_ =	swait.ge [sflag:s15], $0x3200  }
0x1a1: {  	s0 =	sld [smem:$0x7ED]  }
0x1a2: {  	[sflag:s15] =	ssyncset.done $0x0  }
0x1a3: {  	[sflag:s15] =	ssyncadd.s32 $0xFFFFCE00  }
0x1a4: {  	[tilespmem:s11], [sflag:$0x3] =	stream.indirect.gather [hbm4b:s3+s7], $0x20, s0, s7, $0xb8;
	[tilespmem:$0x16440] =	vst v63  }
0x1a5: {  	_ =	swait.ge [sflag:s10], $0x3200  }
0x1a6: {  	s0 =	sld [smem:$0x7EE]  }
0x1a7: {  	[sflag:s10] =	ssyncset.done $0x0  }
0x1a8: {  	[sflag:s10] =	ssyncadd.s32 $0xFFFFCE00  }
0x1a9: {  	[spmem:s1] =	stream.indirect.scatter.add.f32 [tilespmem:s8], [sflag:$0x5], $0x20, s0, s7, $0xb8;
	[tilespmem:$0x16440] =	vst v63  }
0x1aa: {  	_ =	swait.ge [sflag:s16], $0x3200  }
0x1ab: {  	s0 =	sld [smem:$0x7EF]  }
0x1ac: {  	[sflag:s16] =	ssyncset.done $0x0  }
0x1ad: {  	[sflag:s16] =	ssyncadd.s32 $0xFFFFCE00  }
0x1ae: {  	[tilespmem:s12], [sflag:$0x4] =	stream.indirect.gather [hbm4b:s3+s7], $0x20, s0, s7, $0xb8;
	[tilespmem:$0x16440] =	vst v63  }
0x1af: {  	_ =	swait.ge [sflag:s18], $0x3200  }
0x1b0: {  	s0 =	sld [smem:$0x7F0]  }
0x1b1: {  	[sflag:s18] =	ssyncset.done $0x0  }
0x1b2: {  	[sflag:s18] =	ssyncadd.s32 $0xFFFFCE00  }
0x1b3: {  	[spmem:s1] =	stream.indirect.scatter.add.f32 [tilespmem:s13], [sflag:$0x6], $0x20, s0, s7, $0xb8;
	[tilespmem:$0x16440] =	vst v63  }
0x1b4: {  	_ =	swait.ge [sflag:s9], $0x3200  }
0x1b5: {  	s0 =	sld [smem:$0x7F1]  }
0x1b6: {  	[sflag:s9] =	ssyncset.done $0x0  }
0x1b7: {  	[sflag:s9] =	ssyncadd.s32 $0xFFFFCE00  }
0x1b8: {  	[tilespmem:s8], [sflag:$0x1] =	stream.indirect.gather [hbm4b:s3+s7], $0x20, s0, s7, $0xb8;
	[tilespmem:$0x16440] =	vst v63  }
0x1b9: {  	_ =	swait.ge [sflag:s17], $0x3200  }
0x1ba: {  	s0 =	sld [smem:$0x7F2]  }
0x1bb: {  	[sflag:s17] =	ssyncset.done $0x0  }
0x1bc: {  	[sflag:s17] =	ssyncadd.s32 $0xFFFFCE00  }
0x1bd: {  	[spmem:s1] =	stream.indirect.scatter.add.f32 [tilespmem:s11], [sflag:$0x7], $0x20, s0, s7, $0xb8;
	[tilespmem:$0x16440] =	vst v63  }
0x1be: {  	_ =	swait.ge [sflag:s14], $0x3200  }
0x1bf: {  	s0 =	sld [smem:$0x7F3]  }
0x1c0: {  	[sflag:s14] =	ssyncset.done $0x0  }
0x1c1: {  	[sflag:s14] =	ssyncadd.s32 $0xFFFFCE00  }
0x1c2: {  	[tilespmem:s13], [sflag:$0x2] =	stream.indirect.gather [hbm4b:s3+s7], $0x20, s0, s7, $0xb8;
	[tilespmem:$0x16440] =	vst v63  }
0x1c3: {  	_ =	swait.ge [sflag:s19], $0x3200  }
0x1c4: {  	s0 =	sld [smem:$0x7F4]  }
0x1c5: {  	[sflag:s19] =	ssyncset.done $0x0  }
0x1c6: {  	[sflag:s19] =	ssyncadd.s32 $0xFFFFCE00  }
0x1c7: {  	[spmem:s1] =	stream.indirect.scatter.add.f32 [tilespmem:s12], [sflag:$0x8], $0x20, s0, s7, $0xb8;
	[tilespmem:$0x16440] =	vst v63  }
0x1c8: {  	_ =	swait.ge [sflag:s15], $0x3200  }
0x1c9: {  	s0 =	sld [smem:$0x7F5]  }
0x1ca: {  	[sflag:s15] =	ssyncset.done $0x0  }
0x1cb: {  	[sflag:s15] =	ssyncadd.s32 $0xFFFFCE00  }
0x1cc: {  	[tilespmem:s11], [sflag:$0x3] =	stream.indirect.gather [hbm4b:s3+s7], $0x20, s0, s7, $0xb8;
	[tilespmem:$0x16440] =	vst v63  }
0x1cd: {  	_ =	swait.ge [sflag:s10], $0x3200  }
0x1ce: {  	s0 =	sld [smem:$0x7F6]  }
0x1cf: {  	[sflag:s10] =	ssyncset.done $0x0  }
0x1d0: {  	[sflag:s10] =	ssyncadd.s32 $0xFFFFCE00  }
0x1d1: {  	[spmem:s1] =	stream.indirect.scatter.add.f32 [tilespmem:s8], [sflag:$0x5], $0x20, s0, s7, $0xb8;
	[tilespmem:$0x16440] =	vst v63  }
0x1d2: {  	_ =	swait.ge [sflag:s16], $0x3200  }
0x1d3: {  	s0 =	sld [smem:$0x7F7]  }
0x1d4: {  	[sflag:s16] =	ssyncset.done $0x0  }
0x1d5: {  	[sflag:s16] =	ssyncadd.s32 $0xFFFFCE00  }
0x1d6: {  	[tilespmem:s12], [sflag:$0x4] =	stream.indirect.gather [hbm4b:s3+s7], $0x20, s0, s7, $0xb8;
	[tilespmem:$0x16440] =	vst v63  }
0x1d7: {  	_ =	swait.ge [sflag:s18], $0x3200  }
0x1d8: {  	s0 =	sld [smem:$0x7F8]  }
0x1d9: {  	[sflag:s18] =	ssyncset.done $0x0  }
0x1da: {  	[sflag:s18] =	ssyncadd.s32 $0xFFFFCE00  }
0x1db: {  	[spmem:s1] =	stream.indirect.scatter.add.f32 [tilespmem:s13], [sflag:$0x6], $0x20, s0, s7, $0xb8;
	[tilespmem:$0x16440] =	vst v63  }
0x1dc: {  	_ =	swait.ge [sflag:s9], $0x3200  }
0x1dd: {  	s0 =	sld [smem:$0x7F9]  }
0x1de: {  	[sflag:s9] =	ssyncset.done $0x0  }
0x1df: {  	[sflag:s9] =	ssyncadd.s32 $0xFFFFCE00  }
0x1e0: {  	[tilespmem:s8], [sflag:$0x1] =	stream.indirect.gather [hbm4b:s3+s7], $0x20, s0, s7, $0xb8;
	[tilespmem:$0x16440] =	vst v63  }
0x1e1: {  	_ =	swait.ge [sflag:s17], $0x3200  }
0x1e2: {  	s0 =	sld [smem:$0x7FA]  }
0x1e3: {  	[sflag:s17] =	ssyncset.done $0x0  }
0x1e4: {  	[sflag:s17] =	ssyncadd.s32 $0xFFFFCE00  }
0x1e5: {  	[spmem:s1] =	stream.indirect.scatter.add.f32 [tilespmem:s11], [sflag:$0x7], $0x20, s0, s7, $0xb8;
	[tilespmem:$0x16440] =	vst v63  }
0x1e6: {  	_ =	swait.ge [sflag:s14], $0x3200  }
0x1e7: {  	s0 =	sld [smem:$0x7FB]  }
0x1e8: {  	[sflag:s14] =	ssyncset.done $0x0  }
0x1e9: {  	[sflag:s14] =	ssyncadd.s32 $0xFFFFCE00  }
0x1ea: {  	[tilespmem:s13], [sflag:$0x2] =	stream.indirect.gather [hbm4b:s3+s7], $0x20, s0, s7, $0xb8;
	[tilespmem:$0x16440] =	vst v63  }
0x1eb: {  	_ =	swait.ge [sflag:s19], $0x3200  }
0x1ec: {  	s0 =	sld [smem:$0x7FC]  }
0x1ed: {  	[sflag:s19] =	ssyncset.done $0x0  }
0x1ee: {  	[sflag:s19] =	ssyncadd.s32 $0xFFFFCE00  }
0x1ef: {  	[spmem:s1] =	stream.indirect.scatter.add.f32 [tilespmem:s12], [sflag:$0x8], $0x20, s0, s7, $0xb8;
	[tilespmem:$0x16440] =	vst v63  }
0x1f0: {  	_ =	swait.ge [sflag:s15], $0x3200  }
0x1f1: {  	s0 =	sld [smem:$0x7FD]  }
0x1f2: {  	[sflag:s15] =	ssyncset.done $0x0  }
0x1f3: {  	[sflag:s15] =	ssyncadd.s32 $0xFFFFCE00  }
0x1f4: {  	[tilespmem:s11], [sflag:$0x3] =	stream.indirect.gather [hbm4b:s3+s7], $0x20, s0, s7, $0xb8;
	[tilespmem:$0x16440] =	vst v63  }
0x1f5: {  	_ =	swait.ge [sflag:s10], $0x3200  }
0x1f6: {  	[sflag:s10] =	ssyncset.done $0x0  }
0x1f7: {  	[sflag:s10] =	ssyncadd.s32 $0xFFFFCE00  }
0x1f8: {  	[spmem:s1] =	stream.indirect.scatter.add.f32 [tilespmem:s8], [sflag:$0x5], $0x20, s26, s7, $0xb8;
	[tilespmem:$0x16440] =	vst v63  }
0x1f9: {  	_ =	swait.ge [sflag:s16], $0x3200  }
0x1fa: {  	[sflag:s16] =	ssyncset.done $0x0  }
0x1fb: {  	[sflag:s16] =	ssyncadd.s32 $0xFFFFCE00  }
0x1fc: {  	[tilespmem:s12], [sflag:$0x4] =	stream.indirect.gather [hbm4b:s3+s7], $0x20, s25, s7, $0xb8;
	[tilespmem:$0x16440] =	vst v63  }
0x1fd: {  	_ =	swait.ge [sflag:s18], $0x3200  }
0x1fe: {  	[sflag:s18] =	ssyncset.done $0x0  }
0x1ff: {  	[sflag:s18] =	ssyncadd.s32 $0xFFFFCE00  }
0x200: {  	[spmem:s1] =	stream.indirect.scatter.add.f32 [tilespmem:s13], [sflag:$0x6], $0x20, s24, s7, $0xb8;
	[tilespmem:$0x16440] =	vst v63  }
0x201: {  	_ =	swait.ge [sflag:s9], $0x3200  }
0x202: {  	[sflag:s9] =	ssyncset.done $0x0  }
0x203: {  	[sflag:s9] =	ssyncadd.s32 $0xFFFFCE00  }
0x204: {  	[tilespmem:s8], [sflag:$0x1] =	stream.indirect.gather [hbm4b:s3+s7], $0x20, s23, s7, $0xb8;
	[tilespmem:$0x16440] =	vst v63  }
0x205: {  	_ =	swait.ge [sflag:s17], $0x3200  }
0x206: {  	[sflag:s17] =	ssyncset.done $0x0  }
0x207: {  	[sflag:s17] =	ssyncadd.s32 $0xFFFFCE00  }
0x208: {  	[spmem:s1] =	stream.indirect.scatter.add.f32 [tilespmem:s11], [sflag:$0x7], $0x20, s22, s7, $0xb8;
	[tilespmem:$0x16440] =	vst v63  }
0x209: {  	_ =	swait.ge [sflag:s19], $0x3200  }
0x20a: {  	[sflag:s19] =	ssyncset.done $0x0  }
0x20b: {  	[sflag:s19] =	ssyncadd.s32 $0xFFFFCE00  }
0x20c: {  	[spmem:s1] =	stream.indirect.scatter.add.f32 [tilespmem:s12], [sflag:$0x8], $0x20, s21, s7, $0xb8;
	[tilespmem:$0x16440] =	vst v63  }
0x20d: {  	_ =	swait.ge [sflag:s10], $0x3200  }
0x20e: {  	[sflag:s10] =	ssyncset.done $0x0  }
0x20f: {  	[sflag:s10] =	ssyncadd.s32 $0xFFFFCE00  }
0x210: {  	[spmem:s1] =	stream.indirect.scatter.add.f32 [tilespmem:s8], [sflag:$0x5], $0x20, s20, s7, $0xb8;
	[tilespmem:$0x16440] =	vst v63  }
0x211: {  	_ =	swait.ge [sflag:s14], $0x3200  }
0x212: {  	[sflag:s14] =	ssyncset.done $0x0  }
0x213: {  	[sflag:s14] =	ssyncadd.s32 $0xFFFFCE00  }
0x214: {  	_ =	swait.ge [sflag:s15], $0x3200  }
0x215: {  	[sflag:s15] =	ssyncset.done $0x0  }
0x216: {  	[sflag:s15] =	ssyncadd.s32 $0xFFFFCE00  }
0x217: {  	_ =	swait.ge [sflag:s16], $0x3200  }
0x218: {  	[sflag:s16] =	ssyncset.done $0x0  }
0x219: {  	[sflag:s16] =	ssyncadd.s32 $0xFFFFCE00  }
0x21a: {  	_ =	swait.ge [sflag:s9], $0x3200  }
0x21b: {  	[sflag:s9] =	ssyncset.done $0x0  }
0x21c: {  	[sflag:s9] =	ssyncadd.s32 $0xFFFFCE00  }
0x21d: {  	[bflag:$0x0] =	sbarrier.arrive $0xFFFF  }
0x21e: {  	s31 =	sadd.s32 $0xFFFFFFFF, s31;
	s0 =	rddreg [dreg:$0x7]  }
0x21f: {  	[hbm:s0], [sflag:s2] =	dma.local [spmem:s5], $0x9C0  }
0x220: {  	p2 =	sne.s32 s31, $0x0;
	_ =	swait.ge [sflag:s4], $0x9C0  }
.Ltmp2:
0x221: {  	[sflag:s4] =	ssyncset.done $0x0;
	(pc) =	sbr.rel @p2 .LBB2_3-.Ltmp2, $4  }
0x222: {  	s0 =	rddreg [dreg:$0x8];
	[sflag:s4] =	ssyncadd.s32 $0xFFFFF640  }
0x223: {  	[hbm:s0], [sflag:s2] =	dma.local @!p0 [spmem:s6], $0x40  }
0x224: {  	_ =	swait.ge @!p0 [sflag:s30], $0x40  }
0x225: {  	s0 =	rddreg [dreg:$0x3];
	[sflag:s30] =	ssyncset.done @!p0 $0x0  }
.LBB2_4:
0x226: {  	p1 =	por p0, !p1  }
0x227: {  	[sflag:s30] =	ssyncadd.s32 @!p1 $0xFFFFFFC0  }
0x228: {  	[spmem:s5], [sflag:s2] =	dma.local [hbm:s0], $0x9C0  }
0x229: {  	_ =	swait.ge [sflag:s4], $0x9C0  }
0x22a: {  	[sflag:s4] =	ssyncset.done $0x0  }
0x22b: {  	s30 =	simm.s32 @!p0 $0x9;
	s0 =	rddreg [dreg:$0x4];
	[sflag:s4] =	ssyncadd.s32 $0xFFFFF640  }
0x22c: {  	[spmem:s6], [sflag:s2] =	dma.local @!p0 [hbm:s0], $0x40  }
0x22d: {  	_ =	swait.ge @!p0 [sflag:s30], $0x40  }
0x22e: {  	[sflag:s30] =	ssyncset.done @!p0 $0x0  }
0x22f: {  	[sflag:s30] =	ssyncadd.s32 @!p0 $0xFFFFFFC0  }
0x230: {  	[bflag:$0x0] =	sbarrier.arrive $0xFFFF  }
0x231: {  	s31 =	rddreg [dreg:$0x5]  }
0x232: {  	[tilespmem:s28], [sflag:$0x9] =	stream.linear.gather [hbm4b:s31+s28], $0x2710, $0x38;
	[tilespmem:$0x16440] =	vst v63  }
0x233: {  	_ =	swait.ge [sflag:s4], $0x2710  }
0x234: {  	[sflag:s4] =	ssyncset.done $0x0  }
0x235: {  	s31 =	rddreg [dreg:$0x6];
	[sflag:s4] =	ssyncadd.s32 $0xFFFFD8F0  }
0x236: {  	[tilespmem:s29], [sflag:$0x9] =	stream.linear.gather [hbm4b:s31+s28], $0x2710, $0x38;
	[tilespmem:$0x16440] =	vst v63  }
0x237: {  	_ =	swait.ge [sflag:s4], $0x2710  }
0x238: {  	[sflag:s4] =	ssyncset.done $0x0  }
0x239: {  	[sflag:s4] =	ssyncadd.s32 $0xFFFFD8F0  }
0x23a: {  	[tilespmem:s8], [sflag:$0x1] =	stream.indirect.gather [hbm4b:s3+s7], $0x20, s28, s7, $0xb8;
	[tilespmem:$0x16440] =	vst v63  }
0x23b: {  	_ = 	snop  }
0x23c: {  	[tilespmem:s13], [sflag:$0x2] =	stream.indirect.gather [hbm4b:s3+s7], $0x20, s7, s7, $0xb8;
	[tilespmem:$0x16440] =	vst v63  }
0x23d: {  	s28 =	rddreg [dreg:$0x9]  }
0x23e: {  	[tilespmem:s11], [sflag:$0x3] =	stream.indirect.gather [hbm4b:s3+s7], $0x20, s28, s7, $0xb8;
	[tilespmem:$0x16440] =	vst v63  }
0x23f: {  	_ =	swait.ge [sflag:s10], $0x3200  }
0x240: {  	[sflag:s10] =	ssyncset.done $0x0  }
0x241: {  	[sflag:s10] =	ssyncadd.s32 $0xFFFFCE00  }
0x242: {  	[spmem:s1] =	stream.indirect.scatter.add.f32 [tilespmem:s8], [sflag:$0x5], $0x20, s29, s7, $0xb8;
	[tilespmem:$0x16440] =	vst v63  }
0x243: {  	s31 =	rddreg [dreg:$0xa]  }
0x244: {  	[tilespmem:s12], [sflag:$0x4] =	stream.indirect.gather [hbm4b:s3+s7], $0x20, s31, s7, $0xb8;
	[tilespmem:$0x16440] =	vst v63  }
0x245: {  	_ =	swait.ge [sflag:s18], $0x3200  }
0x246: {  	[sflag:s18] =	ssyncset.done $0x0  }
0x247: {  	s28 =	rddreg [dreg:$0xb];
	[sflag:s18] =	ssyncadd.s32 $0xFFFFCE00  }
0x248: {  	[spmem:s1] =	stream.indirect.scatter.add.f32 [tilespmem:s13], [sflag:$0x6], $0x20, s28, s7, $0xb8;
	[tilespmem:$0x16440] =	vst v63  }
0x249: {  	_ =	swait.ge [sflag:s9], $0x3200  }
0x24a: {  	[sflag:s9] =	ssyncset.done $0x0  }
0x24b: {  	s29 =	rddreg [dreg:$0xc];
	[sflag:s9] =	ssyncadd.s32 $0xFFFFCE00  }
0x24c: {  	[tilespmem:s8], [sflag:$0x1] =	stream.indirect.gather [hbm4b:s3+s7], $0x20, s29, s7, $0xb8;
	[tilespmem:$0x16440] =	vst v63  }
0x24d: {  	_ =	swait.ge [sflag:s17], $0x3200  }
0x24e: {  	[sflag:s17] =	ssyncset.done $0x0  }
0x24f: {  	s31 =	rddreg [dreg:$0xd];
	[sflag:s17] =	ssyncadd.s32 $0xFFFFCE00  }
0x250: {  	[spmem:s1] =	stream.indirect.scatter.add.f32 [tilespmem:s11], [sflag:$0x7], $0x20, s31, s7, $0xb8;
	[tilespmem:$0x16440] =	vst v63  }
0x251: {  	_ =	swait.ge [sflag:s14], $0x3200  }
0x252: {  	[sflag:s14] =	ssyncset.done $0x0  }
0x253: {  	s28 =	rddreg [dreg:$0xe];
	[sflag:s14] =	ssyncadd.s32 $0xFFFFCE00  }
0x254: {  	[tilespmem:s13], [sflag:$0x2] =	stream.indirect.gather [hbm4b:s3+s7], $0x20, s28, s7, $0xb8;
	[tilespmem:$0x16440] =	vst v63  }
0x255: {  	_ =	swait.ge [sflag:s19], $0x3200  }
0x256: {  	[sflag:s19] =	ssyncset.done $0x0  }
0x257: {  	s29 =	rddreg [dreg:$0xf];
	[sflag:s19] =	ssyncadd.s32 $0xFFFFCE00  }
0x258: {  	[spmem:s1] =	stream.indirect.scatter.add.f32 [tilespmem:s12], [sflag:$0x8], $0x20, s29, s7, $0xb8;
	[tilespmem:$0x16440] =	vst v63  }
0x259: {  	_ =	swait.ge [sflag:s15], $0x3200  }
0x25a: {  	[sflag:s15] =	ssyncset.done $0x0  }
0x25b: {  	s31 =	rddreg [dreg:$0x10];
	[sflag:s15] =	ssyncadd.s32 $0xFFFFCE00  }
0x25c: {  	[tilespmem:s11], [sflag:$0x3] =	stream.indirect.gather [hbm4b:s3+s7], $0x20, s31, s7, $0xb8;
	[tilespmem:$0x16440] =	vst v63  }
0x25d: {  	_ =	swait.ge [sflag:s10], $0x3200  }
0x25e: {  	[sflag:s10] =	ssyncset.done $0x0  }
0x25f: {  	s28 =	rddreg [dreg:$0x11];
	[sflag:s10] =	ssyncadd.s32 $0xFFFFCE00  }
0x260: {  	[spmem:s1] =	stream.indirect.scatter.add.f32 [tilespmem:s8], [sflag:$0x5], $0x20, s28, s7, $0xb8;
	[tilespmem:$0x16440] =	vst v63  }
0x261: {  	_ =	swait.ge [sflag:s16], $0x3200  }
0x262: {  	[sflag:s16] =	ssyncset.done $0x0  }
0x263: {  	s29 =	rddreg [dreg:$0x12];
	[sflag:s16] =	ssyncadd.s32 $0xFFFFCE00  }
0x264: {  	[tilespmem:s12], [sflag:$0x4] =	stream.indirect.gather [hbm4b:s3+s7], $0x20, s29, s7, $0xb8;
	[tilespmem:$0x16440] =	vst v63  }
0x265: {  	_ =	swait.ge [sflag:s18], $0x3200  }
0x266: {  	[sflag:s18] =	ssyncset.done $0x0  }
0x267: {  	s31 =	rddreg [dreg:$0x13];
	[sflag:s18] =	ssyncadd.s32 $0xFFFFCE00  }
0x268: {  	[spmem:s1] =	stream.indirect.scatter.add.f32 [tilespmem:s13], [sflag:$0x6], $0x20, s31, s7, $0xb8;
	[tilespmem:$0x16440] =	vst v63  }
0x269: {  	_ =	swait.ge [sflag:s9], $0x3200  }
0x26a: {  	[sflag:s9] =	ssyncset.done $0x0  }
0x26b: {  	s28 =	rddreg [dreg:$0x14];
	[sflag:s9] =	ssyncadd.s32 $0xFFFFCE00  }
0x26c: {  	[tilespmem:s8], [sflag:$0x1] =	stream.indirect.gather [hbm4b:s3+s7], $0x20, s28, s7, $0xb8;
	[tilespmem:$0x16440] =	vst v63  }
0x26d: {  	_ =	swait.ge [sflag:s17], $0x3200  }
0x26e: {  	[sflag:s17] =	ssyncset.done $0x0  }
0x26f: {  	s29 =	rddreg [dreg:$0x15];
	[sflag:s17] =	ssyncadd.s32 $0xFFFFCE00  }
0x270: {  	[spmem:s1] =	stream.indirect.scatter.add.f32 [tilespmem:s11], [sflag:$0x7], $0x20, s29, s7, $0xb8;
	[tilespmem:$0x16440] =	vst v63  }
0x271: {  	_ =	swait.ge [sflag:s14], $0x3200  }
0x272: {  	[sflag:s14] =	ssyncset.done $0x0  }
0x273: {  	s31 =	rddreg [dreg:$0x16];
	[sflag:s14] =	ssyncadd.s32 $0xFFFFCE00  }
0x274: {  	[tilespmem:s13], [sflag:$0x2] =	stream.indirect.gather [hbm4b:s3+s7], $0x20, s31, s7, $0xb8;
	[tilespmem:$0x16440] =	vst v63  }
0x275: {  	_ =	swait.ge [sflag:s19], $0x3200  }
0x276: {  	[sflag:s19] =	ssyncset.done $0x0  }
0x277: {  	s28 =	rddreg [dreg:$0x17];
	[sflag:s19] =	ssyncadd.s32 $0xFFFFCE00  }
0x278: {  	[spmem:s1] =	stream.indirect.scatter.add.f32 [tilespmem:s12], [sflag:$0x8], $0x20, s28, s7, $0xb8;
	[tilespmem:$0x16440] =	vst v63  }
0x279: {  	_ =	swait.ge [sflag:s15], $0x3200  }
0x27a: {  	[sflag:s15] =	ssyncset.done $0x0  }
0x27b: {  	s29 =	rddreg [dreg:$0x18];
	[sflag:s15] =	ssyncadd.s32 $0xFFFFCE00  }
0x27c: {  	[tilespmem:s11], [sflag:$0x3] =	stream.indirect.gather [hbm4b:s3+s7], $0x20, s29, s7, $0xb8;
	[tilespmem:$0x16440] =	vst v63  }
0x27d: {  	_ =	swait.ge [sflag:s10], $0x3200  }
0x27e: {  	[sflag:s10] =	ssyncset.done $0x0  }
0x27f: {  	s31 =	rddreg [dreg:$0x19];
	[sflag:s10] =	ssyncadd.s32 $0xFFFFCE00  }
0x280: {  	[spmem:s1] =	stream.indirect.scatter.add.f32 [tilespmem:s8], [sflag:$0x5], $0x20, s31, s7, $0xb8;
	[tilespmem:$0x16440] =	vst v63  }
0x281: {  	_ =	swait.ge [sflag:s16], $0x3200  }
0x282: {  	[sflag:s16] =	ssyncset.done $0x0  }
0x283: {  	s28 =	rddreg [dreg:$0x1a];
	[sflag:s16] =	ssyncadd.s32 $0xFFFFCE00  }
0x284: {  	[tilespmem:s12], [sflag:$0x4] =	stream.indirect.gather [hbm4b:s3+s7], $0x20, s28, s7, $0xb8;
	[tilespmem:$0x16440] =	vst v63  }
0x285: {  	_ =	swait.ge [sflag:s18], $0x3200  }
0x286: {  	[sflag:s18] =	ssyncset.done $0x0  }
0x287: {  	s29 =	rddreg [dreg:$0x1b];
	[sflag:s18] =	ssyncadd.s32 $0xFFFFCE00  }
0x288: {  	[spmem:s1] =	stream.indirect.scatter.add.f32 [tilespmem:s13], [sflag:$0x6], $0x20, s29, s7, $0xb8;
	[tilespmem:$0x16440] =	vst v63  }
0x289: {  	_ =	swait.ge [sflag:s9], $0x3200  }
0x28a: {  	[sflag:s9] =	ssyncset.done $0x0  }
0x28b: {  	s31 =	rddreg [dreg:$0x1c];
	[sflag:s9] =	ssyncadd.s32 $0xFFFFCE00  }
0x28c: {  	[tilespmem:s8], [sflag:$0x1] =	stream.indirect.gather [hbm4b:s3+s7], $0x20, s31, s7, $0xb8;
	[tilespmem:$0x16440] =	vst v63  }
0x28d: {  	_ =	swait.ge [sflag:s17], $0x3200  }
0x28e: {  	[sflag:s17] =	ssyncset.done $0x0  }
0x28f: {  	s28 =	rddreg [dreg:$0x1d];
	[sflag:s17] =	ssyncadd.s32 $0xFFFFCE00  }
0x290: {  	[spmem:s1] =	stream.indirect.scatter.add.f32 [tilespmem:s11], [sflag:$0x7], $0x20, s28, s7, $0xb8;
	[tilespmem:$0x16440] =	vst v63  }
0x291: {  	_ =	swait.ge [sflag:s14], $0x3200  }
0x292: {  	[sflag:s14] =	ssyncset.done $0x0  }
0x293: {  	s29 =	rddreg [dreg:$0x1e];
	[sflag:s14] =	ssyncadd.s32 $0xFFFFCE00  }
0x294: {  	[tilespmem:s13], [sflag:$0x2] =	stream.indirect.gather [hbm4b:s3+s7], $0x20, s29, s7, $0xb8;
	[tilespmem:$0x16440] =	vst v63  }
0x295: {  	_ =	swait.ge [sflag:s19], $0x3200  }
0x296: {  	[sflag:s19] =	ssyncset.done $0x0  }
0x297: {  	s31 =	rddreg [dreg:$0x1f];
	[sflag:s19] =	ssyncadd.s32 $0xFFFFCE00  }
0x298: {  	[spmem:s1] =	stream.indirect.scatter.add.f32 [tilespmem:s12], [sflag:$0x8], $0x20, s31, s7, $0xb8;
	[tilespmem:$0x16440] =	vst v63  }
0x299: {  	_ =	swait.ge [sflag:s15], $0x3200  }
0x29a: {  	s28 =	sld [smem:$0x7ED]  }
0x29b: {  	[sflag:s15] =	ssyncset.done $0x0  }
0x29c: {  	[sflag:s15] =	ssyncadd.s32 $0xFFFFCE00  }
0x29d: {  	[tilespmem:s11], [sflag:$0x3] =	stream.indirect.gather [hbm4b:s3+s7], $0x20, s28, s7, $0xb8;
	[tilespmem:$0x16440] =	vst v63  }
0x29e: {  	_ =	swait.ge [sflag:s10], $0x3200  }
0x29f: {  	s29 =	sld [smem:$0x7EE]  }
0x2a0: {  	[sflag:s10] =	ssyncset.done $0x0  }
0x2a1: {  	[sflag:s10] =	ssyncadd.s32 $0xFFFFCE00  }
0x2a2: {  	[spmem:s1] =	stream.indirect.scatter.add.f32 [tilespmem:s8], [sflag:$0x5], $0x20, s29, s7, $0xb8;
	[tilespmem:$0x16440] =	vst v63  }
0x2a3: {  	_ =	swait.ge [sflag:s16], $0x3200  }
0x2a4: {  	s31 =	sld [smem:$0x7EF]  }
0x2a5: {  	[sflag:s16] =	ssyncset.done $0x0  }
0x2a6: {  	[sflag:s16] =	ssyncadd.s32 $0xFFFFCE00  }
0x2a7: {  	[tilespmem:s12], [sflag:$0x4] =	stream.indirect.gather [hbm4b:s3+s7], $0x20, s31, s7, $0xb8;
	[tilespmem:$0x16440] =	vst v63  }
0x2a8: {  	_ =	swait.ge [sflag:s18], $0x3200  }
0x2a9: {  	s28 =	sld [smem:$0x7F0]  }
0x2aa: {  	[sflag:s18] =	ssyncset.done $0x0  }
0x2ab: {  	[sflag:s18] =	ssyncadd.s32 $0xFFFFCE00  }
0x2ac: {  	[spmem:s1] =	stream.indirect.scatter.add.f32 [tilespmem:s13], [sflag:$0x6], $0x20, s28, s7, $0xb8;
	[tilespmem:$0x16440] =	vst v63  }
0x2ad: {  	_ =	swait.ge [sflag:s9], $0x3200  }
0x2ae: {  	s29 =	sld [smem:$0x7F1]  }
0x2af: {  	[sflag:s9] =	ssyncset.done $0x0  }
0x2b0: {  	[sflag:s9] =	ssyncadd.s32 $0xFFFFCE00  }
0x2b1: {  	[tilespmem:s8], [sflag:$0x1] =	stream.indirect.gather [hbm4b:s3+s7], $0x20, s29, s7, $0xb8;
	[tilespmem:$0x16440] =	vst v63  }
0x2b2: {  	_ =	swait.ge [sflag:s17], $0x3200  }
0x2b3: {  	s31 =	sld [smem:$0x7F2]  }
0x2b4: {  	[sflag:s17] =	ssyncset.done $0x0  }
0x2b5: {  	[sflag:s17] =	ssyncadd.s32 $0xFFFFCE00  }
0x2b6: {  	[spmem:s1] =	stream.indirect.scatter.add.f32 [tilespmem:s11], [sflag:$0x7], $0x20, s31, s7, $0xb8;
	[tilespmem:$0x16440] =	vst v63  }
0x2b7: {  	_ =	swait.ge [sflag:s14], $0x3200  }
0x2b8: {  	s28 =	sld [smem:$0x7F3]  }
0x2b9: {  	[sflag:s14] =	ssyncset.done $0x0  }
0x2ba: {  	[sflag:s14] =	ssyncadd.s32 $0xFFFFCE00  }
0x2bb: {  	[tilespmem:s13], [sflag:$0x2] =	stream.indirect.gather [hbm4b:s3+s7], $0x20, s28, s7, $0xb8;
	[tilespmem:$0x16440] =	vst v63  }
0x2bc: {  	_ =	swait.ge [sflag:s19], $0x3200  }
0x2bd: {  	s29 =	sld [smem:$0x7F4]  }
0x2be: {  	[sflag:s19] =	ssyncset.done $0x0  }
0x2bf: {  	[sflag:s19] =	ssyncadd.s32 $0xFFFFCE00  }
0x2c0: {  	[spmem:s1] =	stream.indirect.scatter.add.f32 [tilespmem:s12], [sflag:$0x8], $0x20, s29, s7, $0xb8;
	[tilespmem:$0x16440] =	vst v63  }
0x2c1: {  	_ =	swait.ge [sflag:s15], $0x3200  }
0x2c2: {  	s31 =	sld [smem:$0x7F5]  }
0x2c3: {  	[sflag:s15] =	ssyncset.done $0x0  }
0x2c4: {  	[sflag:s15] =	ssyncadd.s32 $0xFFFFCE00  }
0x2c5: {  	[tilespmem:s11], [sflag:$0x3] =	stream.indirect.gather [hbm4b:s3+s7], $0x20, s31, s7, $0xb8;
	[tilespmem:$0x16440] =	vst v63  }
0x2c6: {  	_ =	swait.ge [sflag:s10], $0x3200  }
0x2c7: {  	s28 =	sld [smem:$0x7F6]  }
0x2c8: {  	[sflag:s10] =	ssyncset.done $0x0  }
0x2c9: {  	[sflag:s10] =	ssyncadd.s32 $0xFFFFCE00  }
0x2ca: {  	[spmem:s1] =	stream.indirect.scatter.add.f32 [tilespmem:s8], [sflag:$0x5], $0x20, s28, s7, $0xb8;
	[tilespmem:$0x16440] =	vst v63  }
0x2cb: {  	_ =	swait.ge [sflag:s16], $0x3200  }
0x2cc: {  	s29 =	sld [smem:$0x7F7]  }
0x2cd: {  	[sflag:s16] =	ssyncset.done $0x0  }
0x2ce: {  	[sflag:s16] =	ssyncadd.s32 $0xFFFFCE00  }
0x2cf: {  	[tilespmem:s12], [sflag:$0x4] =	stream.indirect.gather [hbm4b:s3+s7], $0x20, s29, s7, $0xb8;
	[tilespmem:$0x16440] =	vst v63  }
0x2d0: {  	_ =	swait.ge [sflag:s18], $0x3200  }
0x2d1: {  	s31 =	sld [smem:$0x7F8]  }
0x2d2: {  	[sflag:s18] =	ssyncset.done $0x0  }
0x2d3: {  	[sflag:s18] =	ssyncadd.s32 $0xFFFFCE00  }
0x2d4: {  	[spmem:s1] =	stream.indirect.scatter.add.f32 [tilespmem:s13], [sflag:$0x6], $0x20, s31, s7, $0xb8;
	[tilespmem:$0x16440] =	vst v63  }
0x2d5: {  	_ =	swait.ge [sflag:s9], $0x3200  }
0x2d6: {  	s28 =	sld [smem:$0x7F9]  }
0x2d7: {  	[sflag:s9] =	ssyncset.done $0x0  }
0x2d8: {  	[sflag:s9] =	ssyncadd.s32 $0xFFFFCE00  }
0x2d9: {  	[tilespmem:s8], [sflag:$0x1] =	stream.indirect.gather [hbm4b:s3+s7], $0x20, s28, s7, $0xb8;
	[tilespmem:$0x16440] =	vst v63  }
0x2da: {  	_ =	swait.ge [sflag:s17], $0x3200  }
0x2db: {  	s29 =	sld [smem:$0x7FA]  }
0x2dc: {  	[sflag:s17] =	ssyncset.done $0x0  }
0x2dd: {  	[sflag:s17] =	ssyncadd.s32 $0xFFFFCE00  }
0x2de: {  	[spmem:s1] =	stream.indirect.scatter.add.f32 [tilespmem:s11], [sflag:$0x7], $0x20, s29, s7, $0xb8;
	[tilespmem:$0x16440] =	vst v63  }
0x2df: {  	_ =	swait.ge [sflag:s14], $0x3200  }
0x2e0: {  	s31 =	sld [smem:$0x7FB]  }
0x2e1: {  	[sflag:s14] =	ssyncset.done $0x0  }
0x2e2: {  	[sflag:s14] =	ssyncadd.s32 $0xFFFFCE00  }
0x2e3: {  	[tilespmem:s13], [sflag:$0x2] =	stream.indirect.gather [hbm4b:s3+s7], $0x20, s31, s7, $0xb8;
	[tilespmem:$0x16440] =	vst v63  }
0x2e4: {  	_ =	swait.ge [sflag:s19], $0x3200  }
0x2e5: {  	s28 =	sld [smem:$0x7FC]  }
0x2e6: {  	[sflag:s19] =	ssyncset.done $0x0  }
0x2e7: {  	[sflag:s19] =	ssyncadd.s32 $0xFFFFCE00  }
0x2e8: {  	[spmem:s1] =	stream.indirect.scatter.add.f32 [tilespmem:s12], [sflag:$0x8], $0x20, s28, s7, $0xb8;
	[tilespmem:$0x16440] =	vst v63  }
0x2e9: {  	_ =	swait.ge [sflag:s15], $0x3200  }
0x2ea: {  	s29 =	sld [smem:$0x7FD]  }
0x2eb: {  	[sflag:s15] =	ssyncset.done $0x0  }
0x2ec: {  	[sflag:s15] =	ssyncadd.s32 $0xFFFFCE00  }
0x2ed: {  	[tilespmem:s11], [sflag:$0x3] =	stream.indirect.gather [hbm4b:s3+s7], $0x20, s29, s7, $0xb8;
	[tilespmem:$0x16440] =	vst v63  }
0x2ee: {  	_ =	swait.ge [sflag:s10], $0x3200  }
0x2ef: {  	[sflag:s10] =	ssyncset.done $0x0  }
0x2f0: {  	[sflag:s10] =	ssyncadd.s32 $0xFFFFCE00  }
0x2f1: {  	[spmem:s1] =	stream.indirect.scatter.add.f32 [tilespmem:s8], [sflag:$0x5], $0x20, s26, s7, $0xb8;
	[tilespmem:$0x16440] =	vst v63  }
0x2f2: {  	_ =	swait.ge [sflag:s16], $0x3200  }
0x2f3: {  	[sflag:s16] =	ssyncset.done $0x0  }
0x2f4: {  	[sflag:s16] =	ssyncadd.s32 $0xFFFFCE00  }
0x2f5: {  	[tilespmem:s12], [sflag:$0x4] =	stream.indirect.gather [hbm4b:s3+s7], $0x20, s25, s7, $0xb8;
	[tilespmem:$0x16440] =	vst v63  }
0x2f6: {  	_ =	swait.ge [sflag:s18], $0x3200  }
0x2f7: {  	[sflag:s18] =	ssyncset.done $0x0  }
0x2f8: {  	[sflag:s18] =	ssyncadd.s32 $0xFFFFCE00  }
0x2f9: {  	[spmem:s1] =	stream.indirect.scatter.add.f32 [tilespmem:s13], [sflag:$0x6], $0x20, s24, s7, $0xb8;
	[tilespmem:$0x16440] =	vst v63  }
0x2fa: {  	_ =	swait.ge [sflag:s9], $0x3200  }
0x2fb: {  	[sflag:s9] =	ssyncset.done $0x0  }
0x2fc: {  	[sflag:s9] =	ssyncadd.s32 $0xFFFFCE00  }
0x2fd: {  	[tilespmem:s8], [sflag:$0x1] =	stream.indirect.gather [hbm4b:s3+s7], $0x20, s23, s7, $0xb8;
	[tilespmem:$0x16440] =	vst v63  }
0x2fe: {  	_ =	swait.ge [sflag:s17], $0x3200  }
0x2ff: {  	[sflag:s17] =	ssyncset.done $0x0  }
0x300: {  	[sflag:s17] =	ssyncadd.s32 $0xFFFFCE00  }
0x301: {  	[spmem:s1] =	stream.indirect.scatter.add.f32 [tilespmem:s11], [sflag:$0x7], $0x20, s22, s7, $0xb8;
	[tilespmem:$0x16440] =	vst v63  }
0x302: {  	_ =	swait.ge [sflag:s19], $0x3200  }
0x303: {  	[sflag:s19] =	ssyncset.done $0x0  }
0x304: {  	[sflag:s19] =	ssyncadd.s32 $0xFFFFCE00  }
0x305: {  	[spmem:s1] =	stream.indirect.scatter.add.f32 [tilespmem:s12], [sflag:$0x8], $0x20, s21, s7, $0xb8;
	[tilespmem:$0x16440] =	vst v63  }
0x306: {  	_ =	swait.ge [sflag:s10], $0x3200  }
0x307: {  	[sflag:s10] =	ssyncset.done $0x0  }
0x308: {  	[sflag:s10] =	ssyncadd.s32 $0xFFFFCE00  }
0x309: {  	[spmem:s1] =	stream.indirect.scatter.add.f32 [tilespmem:s8], [sflag:$0x5], $0x20, s20, s7, $0xb8;
	[tilespmem:$0x16440] =	vst v63  }
0x30a: {  	_ =	swait.ge [sflag:s14], $0x3200  }
0x30b: {  	[sflag:s14] =	ssyncset.done $0x0  }
0x30c: {  	[sflag:s14] =	ssyncadd.s32 $0xFFFFCE00  }
0x30d: {  	_ =	swait.ge [sflag:s15], $0x3200  }
0x30e: {  	[sflag:s15] =	ssyncset.done $0x0  }
0x30f: {  	[sflag:s15] =	ssyncadd.s32 $0xFFFFCE00  }
0x310: {  	_ =	swait.ge [sflag:s16], $0x3200  }
0x311: {  	[sflag:s16] =	ssyncset.done $0x0  }
0x312: {  	[sflag:s16] =	ssyncadd.s32 $0xFFFFCE00  }
0x313: {  	_ =	swait.ge [sflag:s9], $0x3200  }
0x314: {  	[sflag:s9] =	ssyncset.done $0x0  }
0x315: {  	[sflag:s9] =	ssyncadd.s32 $0xFFFFCE00  }
0x316: {  	[bflag:$0x0] =	sbarrier.arrive $0xFFFF  }
0x317: {  	s31 =	rddreg [dreg:$0x7]  }
0x318: {  	[hbm:s31], [sflag:s2] =	dma.local [spmem:s5], $0x9C0  }
0x319: {  	_ =	swait.ge [sflag:s4], $0x9C0  }
0x31a: {  	[sflag:s4] =	ssyncset.done $0x0  }
0x31b: {  	s0 =	rddreg [dreg:$0x8];
	[sflag:s4] =	ssyncadd.s32 $0xFFFFF640  }
0x31c: {  	[hbm:s0], [sflag:s2] =	dma.local @!p0 [spmem:s6], $0x40  }
0x31d: {  	_ =	swait.ge @!p0 [sflag:s30], $0x40  }
0x31e: {  	[sflag:s30] =	ssyncset.done @!p0 $0x0  }
0x31f: {  	[sflag:s30] =	ssyncadd.s32 @!p0 $0xFFFFFFC0  }
0x320: {  	_ =	sfence.sel $0x180000  }
0x321: {  	[bflag:$0x0] =	sbarrier.arrive $0xFFFF  }
0x322: {  	_ =	strace $0x9000004D  }
0x323: {  	[bflag:$0x2] =	sbarrier.arrive $0xFFFF  }
0x324: {  	s0 =	rddreg [dreg:$0x2]  }
0x325: {  	s0 =	sadd.s32 @!p0 $0x100000, s0  }
0x326: {  	[sflag:s0] =	ssyncadd.tile.s32 @!p0 $0x1;
	_ =	shalt  }
.LBB2_1:
.Ltmp3:
0x327: {  	(pc) =	sbr.rel .LBB2_4-.Ltmp3, $2  }
0x328: {  	_ =	sdelay $0x2  }
0x329: {  	_ = 	snop  }
.Lfunc_end2:
_tile_overlayer_lowered:
.L_overlay_start_2:
0x32a: {  	(tag) =	ssettag $0x2  }
0x32b: {  	s0 =	rddreg [dreg:$0x0];
	s2 =	stileid.u32  }
0x32c: {  	s1 =	rddreg [dreg:$0x1];
	p0 =	sne.s32 s2, $0x0  }
0x32d: {  	s3 =	rddreg [dreg:$0x2];
	[bflag:$0x3] =	sbarrier.arrive $0xFFFF;
	s2 =	simm.s32 @!p0 $0x1C09  }
0x32e: {  	[timem:s3], [sflag:s2] =	dma.local @!p0 [hbm:s0], s1  }
0x32f: {  	s0 =	simm.s32 @!p0 $0x9  }
0x330: {  	_ =	swait.ge @!p0 [sflag:s0], s1  }
0x331: {  	s1 =	ssub.s32 @!p0 $0x0, s1;
	[sflag:s0] =	ssyncset.done @!p0 $0x0  }
0x332: {  	[sflag:s0] =	ssyncadd.s32 @!p0 s1  }
0x333: {  	[bflag:$0x3] =	sbarrier.arrive $0xFFFF  }
0x334: {  	_ =	shalt  }

// kernel: kernel.21.cloned.1.call-start
scs
__scs_entry_jumppad:
0x0: {  	(pc) =	sbr.rel $0x88, $3  }
0x1: {  	(tag) =	ssettag $0x0;
	lr =	simm.s32 $0x1  }
0x2: {  	[smem:$0x3F90] =	sst lr;
	_ =	strace $0xD0000000  }
0x3: {  	_ = 	snop  }
0x4: {  	_ = 	snop  }
0x5: {  	_ = 	snop  }
0x6: {  	_ = 	snop  }
0x7: {  	_ = 	snop  }
__scs_overlays_trampoline_lowered:
0x8: {  	[smem:$0x3F9F] =	sst s0  }
0x9: {  	[smem:$0x3FA0] =	sst s1  }
0xa: {  	[smem:$0x3FA1] =	sst s2  }
0xb: {  	[smem:$0x3FA2] =	sst s3  }
0xc: {  	[smem:$0x3FA3] =	sst s4  }
0xd: {  	[smem:$0x3FA4] =	sst s5  }
0xe: {  	[smem:$0x3FA5] =	sst s6  }
0xf: {  	[smem:$0x3FA6] =	sst s7  }
0x10: {  	[smem:$0x3FA7] =	sst s8  }
0x11: {  	[smem:$0x3FA8] =	sst s9;
	s0 =	simm.s32 @!p0 $0x0  }
0x12: {  	s1 =	sld [smem:$0x3F8E];
	s0 =	simm.s32 @p0 $0x1  }
0x13: {  	[smem:$0x3FA9] =	sst s0;
	s0 =	simm.s32 @!p1 $0x0  }
0x14: {  	s2 =	sld [smem:$0x3F8D];
	s0 =	simm.s32 @p1 $0x1  }
0x15: {  	[smem:$0x3FAA] =	sst s0;
	s0 =	simm.s32 @!p2 $0x0  }
0x16: {  	s3 =	sld [smem:$0x3FDB];
	s0 =	simm.s32 @p2 $0x1  }
0x17: {  	s4 =	simm.s32 $0x1BF5;
	[smem:$0x3FAC] =	sst s0  }
0x18: {  	s0 =	sld [smem:$0x3F8F];
	_ =	swait.ge [sflag:s4], $0x0  }
0x19: {  	s7 =	sld [smem:$0x3F90]  }
0x1a: {  	s8 =	sadd.s32 $0xFFFFE003, lr  }
0x1b: {  	s9 =	sadd.s32 $0xFFFFFEF7, lr;
	s5 =	simm.s32 $0xFFFFFFFF;
	p2 =	slt.u32 s8, $0xFFFFF086  }
0x1c: {  	p1 =	slt.u32 s9, $0xF7A;
	s5 =	simm.s32 @!p2 $0x0  }
0x1d: {  	s5 =	simm.s32 @p1 $0x1;
	p0 =	seq.s32 s7, s2  }
0x1e: {  	s7 =	smul.u32 @!p0 $0xF7A, s2;
	p2 =	seq.s32 @!p0 s5, $0x0  }
0x1f: {  	s9 =	smul.u32 $0xF7A, s1;
	s8 =	simm.s32 @!p0 $0x1BF5;
	p2 =	por !p2, p0  }
0x20: {  	[sflag:s8] =	ssyncset.s32 @!p0 $0xFFFFF086;
	s6 =	sadd.s32 @!p0 s3, s7;
	s7 =	simm.s32 @!p0 $0x108  }
0x21: {  	s3 =	sadd.s32 s3, s9;
	s6 =	sadd.s32 @!p0 $0x88, s6;
	s7 =	simm.s32 @p2 $0x1082  }
0x22: {  	[simem:s7], [sflag:s8] =	dma.local @!p0 [hbm:s6], $0xF7A  }
0x23: {  	s9 =	sor.u32 $0xD0000000, s2;
	s6 =	simm.s32 $0x108;
	_ =	swait.ge @!p0 [sflag:s8], $0x0  }
0x24: {  	s3 =	sadd.s32 $0x88, s3;
	s6 =	simm.s32 @!p1 $0x1082;
	[sflag:s4] =	ssyncset.s32 $0xFFFFF086  }
0x25: {  	[simem:s6], [sflag:s4] =	dma.local [hbm:s3], $0xF7A  }
0x26: {  	[smem:$0x3F90] =	sst s1;
	(tag) =	ssettag s2;
	_ =	strace s9  }
0x27: {  	s1 =	sld [smem:$0x3FA0]  }
0x28: {  	s2 =	sld [smem:$0x3FA1]  }
0x29: {  	s4 =	sld [smem:$0x3FA3]  }
0x2a: {  	p0 =	seq.s32 s5, $0x0;
	s5 =	sld [smem:$0x3FA4]  }
0x2b: {  	s6 =	sld [smem:$0x3FA5]  }
0x2c: {  	s7 =	sld [smem:$0x3FA6]  }
0x2d: {  	s3 =	simm.s32 $0x108;
	s8 =	sld [smem:$0x3FA7]  }
0x2e: {  	s3 =	simm.s32 @!p0 $0x1082;
	s9 =	sld [smem:$0x3FA8]  }
0x2f: {  	lr =	sadd.s32 s0, s3;
	s0 =	sld [smem:$0x3F9F]  }
0x30: {  	s3 =	sld [smem:$0x3FA2]  }
0x31: {  	[smem:$0x3FAB] =	sst s10  }
0x32: {  	s10 =	sld [smem:$0x3FA9];
	_ =	sdelay $0x3  }
0x33: {  	p0 =	seq.s32 s10, $0x1;
	s10 =	sld [smem:$0x3FAB];
	_ =	sdelay $0x3  }
0x34: {  	[smem:$0x3FAB] =	sst s10  }
0x35: {  	s10 =	sld [smem:$0x3FAA];
	_ =	sdelay $0x3  }
0x36: {  	p1 =	seq.s32 s10, $0x1;
	s10 =	sld [smem:$0x3FAB];
	_ =	sdelay $0x3  }
0x37: {  	[smem:$0x3FAB] =	sst s10  }
0x38: {  	s10 =	sld [smem:$0x3FAC]  }
0x39: {  	_ = 	snop;
	(pc) =	sbr.ind lr, $3  }
0x3a: {  	_ = 	snop  }
0x3b: {  	_ = 	snop  }
0x3c: {  	p2 =	seq.s32 s10, $0x1;
	s10 =	sld [smem:$0x3FAB]  }
0x3d: {  	_ =	shalt  }
0x3e: {  	_ =	shalt  }
0x3f: {  	_ =	shalt  }
0x40: {  	_ =	shalt  }
0x41: {  	_ =	shalt  }
0x42: {  	_ =	shalt  }
0x43: {  	_ =	shalt  }
0x44: {  	_ =	shalt  }
0x45: {  	_ =	shalt  }
0x46: {  	_ =	shalt  }
0x47: {  	_ =	shalt  }
0x48: {  	_ =	shalt  }
0x49: {  	_ =	shalt  }
0x4a: {  	_ =	shalt  }
0x4b: {  	_ =	shalt  }
0x4c: {  	_ =	shalt  }
0x4d: {  	_ =	shalt  }
0x4e: {  	_ =	shalt  }
0x4f: {  	_ =	shalt  }
0x50: {  	_ =	shalt  }
0x51: {  	_ =	shalt  }
0x52: {  	_ =	shalt  }
0x53: {  	_ =	shalt  }
0x54: {  	_ =	shalt  }
0x55: {  	_ =	shalt  }
0x56: {  	_ =	shalt  }
0x57: {  	_ =	shalt  }
0x58: {  	_ =	shalt  }
0x59: {  	_ =	shalt  }
0x5a: {  	_ =	shalt  }
0x5b: {  	_ =	shalt  }
0x5c: {  	_ =	shalt  }
0x5d: {  	_ =	shalt  }
0x5e: {  	_ =	shalt  }
0x5f: {  	_ =	shalt  }
0x60: {  	_ =	shalt  }
0x61: {  	_ =	shalt  }
0x62: {  	_ =	shalt  }
0x63: {  	_ =	shalt  }
0x64: {  	_ =	shalt  }
0x65: {  	_ =	shalt  }
0x66: {  	_ =	shalt  }
0x67: {  	_ =	shalt  }
0x68: {  	_ =	shalt  }
0x69: {  	_ =	shalt  }
0x6a: {  	_ =	shalt  }
0x6b: {  	_ =	shalt  }
0x6c: {  	_ =	shalt  }
0x6d: {  	_ =	shalt  }
0x6e: {  	_ =	shalt  }
0x6f: {  	_ =	shalt  }
0x70: {  	_ =	shalt  }
0x71: {  	_ =	shalt  }
0x72: {  	_ =	shalt  }
0x73: {  	_ =	shalt  }
0x74: {  	_ =	shalt  }
0x75: {  	_ =	shalt  }
0x76: {  	_ =	shalt  }
0x77: {  	_ =	shalt  }
0x78: {  	_ =	shalt  }
0x79: {  	_ =	shalt  }
0x7a: {  	_ =	shalt  }
0x7b: {  	_ =	shalt  }
0x7c: {  	_ =	shalt  }
0x7d: {  	_ =	shalt  }
0x7e: {  	_ =	shalt  }
0x7f: {  	_ =	shalt  }
0x80: {  	_ =	shalt  }
0x81: {  	_ =	shalt  }
0x82: {  	_ =	shalt  }
0x83: {  	_ =	shalt  }
0x84: {  	_ =	shalt  }
0x85: {  	_ =	shalt  }
0x86: {  	_ =	shalt  }
0x87: {  	_ =	shalt  }
.Lfunc_end0:
.L_simem_size_0:
called_computation.3_lowered:
.L_overlay_start_0:
0x88: {  	s2 =	sld [smem:$0x3FD9]  }
0x89: {  	s3 =	sld [smem:$0x3FFE];
	_ =	sdelay $0x1  }
0x8a: {  	s1 =	srdreg.scid  }
0x8b: {  	s0 =	sand.u32 $0x1, s1  }
0x8c: {  	s16 =	sshll.u32 s0, $0xA;
	s2 =	sadd.s32 s3, s2  }
0x8d: {  	s2 =	sadd.s32 s2, s16  }
0x8e: {  	[smem:$0x3FB7] =	sst s2  }
0x8f: {  	_ = 	snop  }
0x90: {  	(tm) =	ssettm $0x1  }
0x91: {  	s17 =	sld [smem:$0x3FFB];
	_ =	sdelay $0x3  }
0x92: {  	_ =	strace s17  }
0x93: {  	s2 =	sld [smem:$0x3FFC];
	_ =	sdelay $0x3  }
0x94: {  	_ =	strace s2  }
0x95: {  	s2 =	sld [smem:$0x3FFD];
	_ =	sdelay $0x3  }
0x96: {  	_ =	strace s2  }
0x97: {  	_ =	strace $0x8FFFFFFF  }
0x98: {  	s18 =	sld [smem:$0x3FDB];
	_ =	sdelay $0x1  }
0x99: {  	s19 =	simm.s32 $_scs_section_size  }
0x9a: {  	s4 =	simm.s32 $_size__tile_overlayer_lowered;
	s5 =	simm.s32 $_tile_overlayer_lowered  }
0x9b: {  	s22 =	simm.s32 $0x1BFF;
	s21 =	sshll.u32 s5, $0x1;
	s2 =	sadd.s32 s19, s18  }
0x9c: {  	s6 =	simm.s32 $0x0;
	s20 =	sshll.u32 s4, $0x1;
	s4 =	sadd.s32 s21, s2  }
0x9d: {  	[timem:s6], [sflag:s22] =	dma.local [hbm:s4], s20  }
0x9e: {  	_ =	swait.ge [sflag:s22], s20  }
0x9f: {  	s3 =	ssub.s32 $0x0, s20;
	[sflag:s22] =	ssyncset.done $0x0  }
0xa0: {  	[sflag:s22] =	ssyncadd.s32 s3;
	_ =	sdelay $0x1  }
0xa1: {  	s23 =	simm.s32 $0x1B8B  }
0xa2: {  	_ =	swait.ge [sflag:s23], $0x1  }
0xa3: {  	[sflag:s23] =	ssyncset.done $0x0  }
0xa4: {  	s25 =	simm.s32 $0x1B8E;
	s24 =	sld [smem:$0x3FFE];
	[sflag:s23] =	ssyncadd.s32 $0xFFFFFFFF  }
0xa5: {  	s26 =	simm.s32 $execute0_lowered;
	[smem:$0x3FD2] =	sst s25  }
0xa6: {  	s4 =	sshll.u32 s26, $0x1;
	_ =	strace $0x8000004F;
	[dreg:$0x1] =	wrdreg $0xFFFFFFFF  }
0xa7: {  	s28 =	simm.s32 $_size_execute0_lowered;
	s2 =	sadd.s32 s2, s4;
	[dreg:$0x0] =	wrdreg $0x0  }
0xa8: {  	s4 =	sshll.u32 s28, $0x1;
	[dreg:$0x2] =	wrdreg s2  }
0xa9: {  	[dreg:$0x3] =	wrdreg s4  }
0xaa: {  	[dreg:$0x4] =	wrdreg $0xC0  }
0xab: {  	_ =	task [dreg:s6], $0x5FFFF  }
0xac: {  	[dreg:$0x1] =	wrdreg $0xFFFFFFFF  }
0xad: {  	[dreg:$0x0] =	wrdreg $0x60  }
0xae: {  	[dreg:$0x2] =	wrdreg s24  }
0xaf: {  	[dreg:$0x3] =	wrdreg $0x116200  }
0xb0: {  	[dreg:$0x4] =	wrdreg $0x9  }
0xb1: {  	_ =	task.clear_ibuf [dreg:s6], $0x5FFFF;
	_ =	strace $0x9000004F  }
0xb2: {  	s29 =	simm.s32 $0x9;
	_ =	strace $0x80000051  }
0xb3: {  	_ =	swait.ge [sflag:s29], $0x1  }
0xb4: {  	[sflag:s29] =	ssyncadd.s32 $0xFFFFFFFF  }
0xb5: {  	_ =	strace $0x90000051  }
0xb6: {  	_ =	sfence  }
0xb7: {  	s30 =	sld [smem:$0x0];
	_ =	sdelay $0x2  }
0xb8: {  	s31 =	sshll.u32 s1, $0xD;
	s1 =	sshrl.u32 s1, $0x2  }
0xb9: {  	s3 =	sand.u32 $0x4000, s31;
	s1 =	sadd.s32 s1, s30  }
0xba: {  	s0 =	sor.u32 s3, s0;
	s1 =	sshll.u32 s1, $0x11  }
0xbb: {  	s0 =	sor.u32 s1, s0  }
0xbc: {  	s0 =	sadd.s32 $0x8F2B, s0  }
0xbd: {  	[sflag:s0] =	ssyncadd.remote.s32 $0x1  }
0xbe: {  	_ =	sfence.sel $0xFFFF  }
0xbf: {  	[dreg:$0x0] =	wrdreg $0xFFFFFFFF;
	(pc) =	sbr.abs _section_cstart, $3  }
0xc0: {  	[dreg:$0x1] =	wrdreg $0xFFFFFFFF  }
0xc1: {  	_ =	task.clear_ibuf [dreg:s6], $0x2FFFF;
	_ =	strace $0x9FFFFFFF  }
0xc2: {  	(tm) =	ssettm $0x7FFFFFFF  }
0xc3: {  	_ =	shalt  }
tec
execute0_lowered:
.L_overlay_start_1:
0x0: {  	(tag) =	ssettag $0x1  }
0x1: {  	s0 =	srdreg.scid;
	s6 =	rddreg [dreg:$0x0]  }
0x2: {  	s12 =	stileid.u32;
	s1 =	rddreg [dreg:$0x1];
	s15 =	simm.s32 $0x2710  }
0x3: {  	s16 =	simm.s32 $0xC8;
	s17 =	simm.s32 $0x4E20;
	s18 =	simm.s32 $0x8020  }
0x4: {  	s20 =	simm.s32 $0xB220;
	s21 =	simm.s32 $0x1;
	s23 =	simm.s32 $0xE420  }
0x5: {  	s24 =	simm.s32 $0x2;
	s29 =	simm.s32 $0x3;
	s31 =	simm.s32 $0x6  }
0x6: {  	s19 =	simm.s32 $0x4;
	s25 =	simm.s32 $0x7;
	s28 =	simm.s32 $0x8  }
0x7: {  	s22 =	simm.s32 $0x0;
	s0 =	sand.u32 $0x1, s0;
	s2 =	sshll.u32 s12, $0x1  }
0x8: {  	s7 =	smul.u32 $0x9C00, s12;
	s10 =	sadd.s32 $0x3D800, s6;
	s26 =	sshll.u32 s12, $0x6  }
0x9: {  	s14 =	sadd.s32 $0x9C000, s1;
	p0 =	sne.s32 s12, $0x0;
	s3 =	sor.u32 s0, s2  }
0xa: {  	s2 =	simm.s32 $0x0;
	s5 =	ssub.s32 $0x2, s0;
	s0 =	smul.u32 $0x9C400, s0  }
0xb: {  	s14 =	sshrl.u32 @!p0 s14, $0x3;
	s3 =	smul.u32 $0x4E2, s3;
	[smem:$0x7FF] =	sst s2  }
0xc: {  	s4 =	sshrl.u32 s7, $0x3;
	s9 =	sshrl.u32 s5, $0x1;
	s13 =	sadd.s32 s7, s1  }
0xd: {  	_ =	strace $0x80000050;
	s4 =	sadd.s32 s4, s6;
	s11 =	ssub.s32 s5, s9  }
0xe: {  	s5 =	sor.u32 $0x1C09, s26;
	s30 =	sadd.s32 s7, s0;
	s0 =	sshrl.u32 s0, $0x3  }
0xf: {  	s12 =	sshrl.u32 s13, $0x3;
	s13 =	simm.s32 $0x9;
	s26 =	simm.s32 $0x5  }
0x10: {  	s8 =	sadd.s32 s3, s6;
	s3 =	sadd.s32 $0x16400, s6;
	s4 =	sadd.s32 $0x29E00, s4  }
0x11: {  	s6 =	sadd.s32 $0x3D600, s6;
	s9 =	sshrl.u32 s30, $0x3;
	s0 =	sadd.s32 s10, s0  }
0x12: {  	s11 =	smax.u32 s11, $0x1;
	[dreg:$0x3] =	wrdreg s4;
	s7 =	sadd.s32 $0xC600, s8  }
0x13: {  	s8 =	sadd.s32 $0x2800, s8;
	s9 =	sadd.s32 s10, s9;
	s10 =	sadd.s32 $0x13800, s0  }
.LBB2_1:
0x14: {  	s0 =	rddreg [dreg:$0x3]  }
0x15: {  	[spmem:s12], [sflag:s5] =	dma.local [hbm:s0], $0x1380  }
0x16: {  	_ =	swait.ge [sflag:s13], $0x1380  }
0x17: {  	[sflag:s13] =	ssyncset.done $0x0  }
0x18: {  	s0 =	simm.s32 @!p0 $0x9;
	[sflag:s13] =	ssyncadd.s32 $0xFFFFEC80  }
0x19: {  	[spmem:s14], [sflag:s5] =	dma.local @!p0 [hbm:s6], $0x80  }
0x1a: {  	_ =	swait.ge @!p0 [sflag:s0], $0x80  }
0x1b: {  	[sflag:s0] =	ssyncset.done @!p0 $0x0  }
0x1c: {  	[sflag:s0] =	ssyncadd.s32 @!p0 $0xFFFFFF80  }
0x1d: {  	[bflag:$0x0] =	sbarrier.arrive $0xFFFF  }
0x1e: {  	[tilespmem:s2], [sflag:$0x9] =	stream.linear.gather [hbm4b:s7+s2], $0x2710, $0x38;
	[tilespmem:$0x1B260] =	vst v63  }
0x1f: {  	_ =	swait.ge [sflag:s13], $0x2710  }
0x20: {  	[sflag:s13] =	ssyncset.done $0x0  }
0x21: {  	[sflag:s13] =	ssyncadd.s32 $0xFFFFD8F0  }
0x22: {  	[tilespmem:s15], [sflag:$0x9] =	stream.linear.gather [hbm4b:s8+s2], $0x2710, $0x38;
	[tilespmem:$0x1B260] =	vst v63  }
0x23: {  	_ =	swait.ge [sflag:s13], $0x2710  }
0x24: {  	[sflag:s13] =	ssyncset.done $0x0  }
0x25: {  	[sflag:s13] =	ssyncadd.s32 $0xFFFFD8F0  }
0x26: {  	[tilespmem:s17], [sflag:$0x1] =	stream.indirect.gather [hbm4b:s3+s16], $0x40, s2, s16, $0xb8;
	[tilespmem:$0x1B260] =	vst v63  }
0x27: {  	_ = 	snop  }
0x28: {  	[tilespmem:s18], [sflag:$0x2] =	stream.indirect.gather [hbm4b:s3+s16], $0x40, s16, s16, $0xb8;
	[tilespmem:$0x1B260] =	vst v63  }
0x29: {  	s4 =	simm.s32 $0x190  }
0x2a: {  	[tilespmem:s20], [sflag:$0x3] =	stream.indirect.gather [hbm4b:s3+s16], $0x40, s4, s16, $0xb8;
	[tilespmem:$0x1B260] =	vst v63  }
0x2b: {  	_ =	swait.ge [sflag:s21], $0x3200  }
0x2c: {  	[sflag:s21] =	ssyncset.done $0x0  }
0x2d: {  	[sflag:s21] =	ssyncadd.s32 $0xFFFFCE00  }
0x2e: {  	[spmem:s1] =	stream.indirect.scatter.add.f32 [tilespmem:s17], [sflag:$0x5], $0x40, s15, s16, $0xb8;
	[tilespmem:$0x1B260] =	vst v63  }
0x2f: {  	s4 =	simm.s32 $0x258  }
0x30: {  	[tilespmem:s23], [sflag:$0x4] =	stream.indirect.gather [hbm4b:s3+s16], $0x40, s4, s16, $0xb8;
	[tilespmem:$0x1B260] =	vst v63  }
0x31: {  	_ =	swait.ge [sflag:s24], $0x3200  }
0x32: {  	[sflag:s24] =	ssyncset.done $0x0  }
0x33: {  	s4 =	simm.s32 $0x27D8;
	[sflag:s24] =	ssyncadd.s32 $0xFFFFCE00  }
0x34: {  	[spmem:s1] =	stream.indirect.scatter.add.f32 [tilespmem:s18], [sflag:$0x6], $0x40, s4, s16, $0xb8;
	[tilespmem:$0x1B260] =	vst v63  }
0x35: {  	_ =	swait.ge [sflag:s26], $0x3200  }
0x36: {  	[sflag:s26] =	ssyncset.done $0x0  }
0x37: {  	s4 =	simm.s32 $0x320;
	[sflag:s26] =	ssyncadd.s32 $0xFFFFCE00  }
0x38: {  	[tilespmem:s17], [sflag:$0x1] =	stream.indirect.gather [hbm4b:s3+s16], $0x40, s4, s16, $0xb8;
	[tilespmem:$0x1B260] =	vst v63  }
0x39: {  	_ =	swait.ge [sflag:s29], $0x3200  }
0x3a: {  	[sflag:s29] =	ssyncset.done $0x0  }
0x3b: {  	s4 =	simm.s32 $0x28A0;
	[sflag:s29] =	ssyncadd.s32 $0xFFFFCE00  }
0x3c: {  	[spmem:s1] =	stream.indirect.scatter.add.f32 [tilespmem:s20], [sflag:$0x7], $0x40, s4, s16, $0xb8;
	[tilespmem:$0x1B260] =	vst v63  }
0x3d: {  	_ =	swait.ge [sflag:s31], $0x3200  }
0x3e: {  	[sflag:s31] =	ssyncset.done $0x0  }
0x3f: {  	s4 =	simm.s32 $0x3E8;
	[sflag:s31] =	ssyncadd.s32 $0xFFFFCE00  }
0x40: {  	[tilespmem:s18], [sflag:$0x2] =	stream.indirect.gather [hbm4b:s3+s16], $0x40, s4, s16, $0xb8;
	[tilespmem:$0x1B260] =	vst v63  }
0x41: {  	_ =	swait.ge [sflag:s19], $0x3200  }
0x42: {  	[sflag:s19] =	ssyncset.done $0x0  }
0x43: {  	s4 =	simm.s32 $0x2968;
	[sflag:s19] =	ssyncadd.s32 $0xFFFFCE00  }
0x44: {  	[spmem:s1] =	stream.indirect.scatter.add.f32 [tilespmem:s23], [sflag:$0x8], $0x40, s4, s16, $0xb8;
	[tilespmem:$0x1B260] =	vst v63  }
0x45: {  	_ =	swait.ge [sflag:s25], $0x3200  }
0x46: {  	[sflag:s25] =	ssyncset.done $0x0  }
0x47: {  	s4 =	simm.s32 $0x4B0;
	[sflag:s25] =	ssyncadd.s32 $0xFFFFCE00  }
0x48: {  	[tilespmem:s20], [sflag:$0x3] =	stream.indirect.gather [hbm4b:s3+s16], $0x40, s4, s16, $0xb8;
	[tilespmem:$0x1B260] =	vst v63  }
0x49: {  	_ =	swait.ge [sflag:s21], $0x3200  }
0x4a: {  	[sflag:s21] =	ssyncset.done $0x0  }
0x4b: {  	s4 =	simm.s32 $0x2A30;
	[sflag:s21] =	ssyncadd.s32 $0xFFFFCE00  }
0x4c: {  	[spmem:s1] =	stream.indirect.scatter.add.f32 [tilespmem:s17], [sflag:$0x5], $0x40, s4, s16, $0xb8;
	[tilespmem:$0x1B260] =	vst v63  }
0x4d: {  	_ =	swait.ge [sflag:s28], $0x3200  }
0x4e: {  	[sflag:s28] =	ssyncset.done $0x0  }
0x4f: {  	s4 =	simm.s32 $0x578;
	[sflag:s28] =	ssyncadd.s32 $0xFFFFCE00  }
0x50: {  	[tilespmem:s23], [sflag:$0x4] =	stream.indirect.gather [hbm4b:s3+s16], $0x40, s4, s16, $0xb8;
	[tilespmem:$0x1B260] =	vst v63  }
0x51: {  	_ =	swait.ge [sflag:s24], $0x3200  }
0x52: {  	[sflag:s24] =	ssyncset.done $0x0  }
0x53: {  	s4 =	simm.s32 $0x2AF8;
	[sflag:s24] =	ssyncadd.s32 $0xFFFFCE00  }
0x54: {  	[spmem:s1] =	stream.indirect.scatter.add.f32 [tilespmem:s18], [sflag:$0x6], $0x40, s4, s16, $0xb8;
	[tilespmem:$0x1B260] =	vst v63  }
0x55: {  	_ =	swait.ge [sflag:s26], $0x3200  }
0x56: {  	[sflag:s26] =	ssyncset.done $0x0  }
0x57: {  	s4 =	simm.s32 $0x640;
	[sflag:s26] =	ssyncadd.s32 $0xFFFFCE00  }
0x58: {  	[tilespmem:s17], [sflag:$0x1] =	stream.indirect.gather [hbm4b:s3+s16], $0x40, s4, s16, $0xb8;
	[tilespmem:$0x1B260] =	vst v63  }
0x59: {  	_ =	swait.ge [sflag:s29], $0x3200  }
0x5a: {  	[sflag:s29] =	ssyncset.done $0x0  }
0x5b: {  	s4 =	simm.s32 $0x2BC0;
	[sflag:s29] =	ssyncadd.s32 $0xFFFFCE00  }
0x5c: {  	[spmem:s1] =	stream.indirect.scatter.add.f32 [tilespmem:s20], [sflag:$0x7], $0x40, s4, s16, $0xb8;
	[tilespmem:$0x1B260] =	vst v63  }
0x5d: {  	_ =	swait.ge [sflag:s31], $0x3200  }
0x5e: {  	[sflag:s31] =	ssyncset.done $0x0  }
0x5f: {  	s4 =	simm.s32 $0x708;
	[sflag:s31] =	ssyncadd.s32 $0xFFFFCE00  }
0x60: {  	[tilespmem:s18], [sflag:$0x2] =	stream.indirect.gather [hbm4b:s3+s16], $0x40, s4, s16, $0xb8;
	[tilespmem:$0x1B260] =	vst v63  }
0x61: {  	_ =	swait.ge [sflag:s19], $0x3200  }
0x62: {  	[sflag:s19] =	ssyncset.done $0x0  }
0x63: {  	s30 =	simm.s32 $0xC80;
	s0 =	simm.s32 $0x2C88;
	[sflag:s19] =	ssyncadd.s32 $0xFFFFCE00  }
.LBB2_2:
0x64: {  	[spmem:s1] =	stream.indirect.scatter.add.f32 [tilespmem:s23], [sflag:$0x8], $0x40, s0, s16, $0xb8;
	[tilespmem:$0x1B260] =	vst v63  }
0x65: {  	s0 =	smov.u32 s30  }
0x66: {  	p1 =	sne.s32 s30, $0x7D00;
	s30 =	sadd.s32 $0xC80, s30;
	_ =	swait.ge [sflag:s25], $0x3200  }
0x67: {  	s0 =	sshra.s32 s0, $0x2;
	[sflag:s25] =	ssyncset.done $0x0  }
0x68: {  	s4 =	sadd.s32 $0x4B0, s0;
	[sflag:s25] =	ssyncadd.s32 $0xFFFFCE00  }
0x69: {  	[tilespmem:s20], [sflag:$0x3] =	stream.indirect.gather [hbm4b:s3+s16], $0x40, s4, s16, $0xb8;
	[tilespmem:$0x1B260] =	vst v63  }
0x6a: {  	_ =	swait.ge [sflag:s21], $0x3200  }
0x6b: {  	[sflag:s21] =	ssyncset.done $0x0  }
0x6c: {  	s4 =	sadd.s32 $0x2A30, s0;
	[sflag:s21] =	ssyncadd.s32 $0xFFFFCE00  }
0x6d: {  	[spmem:s1] =	stream.indirect.scatter.add.f32 [tilespmem:s17], [sflag:$0x5], $0x40, s4, s16, $0xb8;
	[tilespmem:$0x1B260] =	vst v63  }
0x6e: {  	_ =	swait.ge [sflag:s28], $0x3200  }
0x6f: {  	[sflag:s28] =	ssyncset.done $0x0  }
0x70: {  	s4 =	sadd.s32 $0x578, s0;
	[sflag:s28] =	ssyncadd.s32 $0xFFFFCE00  }
0x71: {  	[tilespmem:s23], [sflag:$0x4] =	stream.indirect.gather [hbm4b:s3+s16], $0x40, s4, s16, $0xb8;
	[tilespmem:$0x1B260] =	vst v63  }
0x72: {  	_ =	swait.ge [sflag:s24], $0x3200  }
0x73: {  	[sflag:s24] =	ssyncset.done $0x0  }
0x74: {  	s4 =	sadd.s32 $0x2AF8, s0;
	[sflag:s24] =	ssyncadd.s32 $0xFFFFCE00  }
0x75: {  	[spmem:s1] =	stream.indirect.scatter.add.f32 [tilespmem:s18], [sflag:$0x6], $0x40, s4, s16, $0xb8;
	[tilespmem:$0x1B260] =	vst v63  }
0x76: {  	_ =	swait.ge [sflag:s26], $0x3200  }
0x77: {  	[sflag:s26] =	ssyncset.done $0x0  }
0x78: {  	s4 =	sadd.s32 $0x640, s0;
	[sflag:s26] =	ssyncadd.s32 $0xFFFFCE00  }
0x79: {  	[tilespmem:s17], [sflag:$0x1] =	stream.indirect.gather [hbm4b:s3+s16], $0x40, s4, s16, $0xb8;
	[tilespmem:$0x1B260] =	vst v63  }
0x7a: {  	_ =	swait.ge [sflag:s29], $0x3200  }
0x7b: {  	[sflag:s29] =	ssyncset.done $0x0  }
0x7c: {  	s4 =	sadd.s32 $0x2BC0, s0;
	[sflag:s29] =	ssyncadd.s32 $0xFFFFCE00  }
0x7d: {  	[spmem:s1] =	stream.indirect.scatter.add.f32 [tilespmem:s20], [sflag:$0x7], $0x40, s4, s16, $0xb8;
	[tilespmem:$0x1B260] =	vst v63  }
0x7e: {  	_ =	swait.ge [sflag:s31], $0x3200  }
0x7f: {  	[sflag:s31] =	ssyncset.done $0x0  }
.Ltmp0:
0x80: {  	s4 =	sadd.s32 $0x708, s0;
	[sflag:s31] =	ssyncadd.s32 $0xFFFFCE00;
	(pc) =	sbr.rel @p1 .LBB2_2-.Ltmp0, $4  }
0x81: {  	[tilespmem:s18], [sflag:$0x2] =	stream.indirect.gather [hbm4b:s3+s16], $0x40, s4, s16, $0xb8;
	[tilespmem:$0x1B260] =	vst v63  }
0x82: {  	_ =	swait.ge [sflag:s19], $0x3200  }
0x83: {  	[sflag:s19] =	ssyncset.done $0x0  }
0x84: {  	s0 =	sadd.s32 $0x2C88, s0;
	[sflag:s19] =	ssyncadd.s32 $0xFFFFCE00  }
0x85: {  	[spmem:s1] =	stream.indirect.scatter.add.f32 [tilespmem:s23], [sflag:$0x8], $0x40, s0, s16, $0xb8;
	[tilespmem:$0x1B260] =	vst v63  }
0x86: {  	_ =	swait.ge [sflag:s21], $0x3200  }
0x87: {  	[sflag:s21] =	ssyncset.done $0x0  }
0x88: {  	s4 =	simm.s32 $0x4C90;
	[sflag:s21] =	ssyncadd.s32 $0xFFFFCE00  }
0x89: {  	[spmem:s1] =	stream.indirect.scatter.add.f32 [tilespmem:s17], [sflag:$0x5], $0x40, s4, s16, $0xb8;
	[tilespmem:$0x1B260] =	vst v63  }
0x8a: {  	_ =	swait.ge [sflag:s24], $0x3200  }
0x8b: {  	[sflag:s24] =	ssyncset.done $0x0  }
0x8c: {  	s30 =	simm.s32 $0x4D58;
	[sflag:s24] =	ssyncadd.s32 $0xFFFFCE00  }
0x8d: {  	[spmem:s1] =	stream.indirect.scatter.add.f32 [tilespmem:s18], [sflag:$0x6], $0x40, s30, s16, $0xb8;
	[tilespmem:$0x1B260] =	vst v63  }
0x8e: {  	_ =	swait.ge [sflag:s25], $0x3200  }
0x8f: {  	[sflag:s25] =	ssyncset.done $0x0  }
0x90: {  	[sflag:s25] =	ssyncadd.s32 $0xFFFFCE00  }
0x91: {  	_ =	swait.ge [sflag:s28], $0x3200  }
0x92: {  	[sflag:s28] =	ssyncset.done $0x0  }
0x93: {  	[sflag:s28] =	ssyncadd.s32 $0xFFFFCE00  }
0x94: {  	_ =	swait.ge [sflag:s26], $0x3200  }
0x95: {  	[sflag:s26] =	ssyncset.done $0x0  }
0x96: {  	[sflag:s26] =	ssyncadd.s32 $0xFFFFCE00  }
0x97: {  	_ =	swait.ge [sflag:s31], $0x3200  }
0x98: {  	[sflag:s31] =	ssyncset.done $0x0  }
0x99: {  	[sflag:s31] =	ssyncadd.s32 $0xFFFFCE00  }
0x9a: {  	[bflag:$0x0] =	sbarrier.arrive $0xFFFF  }
0x9b: {  	[hbm:s9], [sflag:s5] =	dma.local [spmem:s12], $0x1380  }
0x9c: {  	s22 =	sadd.s32 $0x1, s22;
	_ =	swait.ge [sflag:s13], $0x1380  }
0x9d: {  	p1 =	sne.s32 s22, s11;
	[sflag:s13] =	ssyncset.done $0x0  }
.Ltmp1:
0x9e: {  	s0 =	simm.s32 @!p0 $0x9;
	[sflag:s13] =	ssyncadd.s32 $0xFFFFEC80;
	(pc) =	sbr.rel @p1 .LBB2_1-.Ltmp1, $4  }
0x9f: {  	[hbm:s10], [sflag:s5] =	dma.local @!p0 [spmem:s14], $0x80  }
0xa0: {  	_ =	swait.ge @!p0 [sflag:s0], $0x80  }
0xa1: {  	[sflag:s0] =	ssyncset.done @!p0 $0x0  }
0xa2: {  	[sflag:s0] =	ssyncadd.s32 @!p0 $0xFFFFFF80  }
0xa3: {  	_ =	sfence.sel $0x180000  }
0xa4: {  	[bflag:$0x0] =	sbarrier.arrive $0xFFFF  }
0xa5: {  	_ =	strace $0x90000050  }
0xa6: {  	[bflag:$0x2] =	sbarrier.arrive $0xFFFF  }
0xa7: {  	s0 =	rddreg [dreg:$0x2]  }
0xa8: {  	s0 =	sadd.s32 @!p0 $0x100000, s0  }
0xa9: {  	[sflag:s0] =	ssyncadd.tile.s32 @!p0 $0x1;
	_ =	shalt  }
.Lfunc_end2:
_tile_overlayer_lowered:
.L_overlay_start_2:
0xaa: {  	(tag) =	ssettag $0x2  }
0xab: {  	s0 =	rddreg [dreg:$0x0];
	s2 =	stileid.u32  }
0xac: {  	s1 =	rddreg [dreg:$0x1];
	p0 =	sne.s32 s2, $0x0  }
0xad: {  	s3 =	rddreg [dreg:$0x2];
	[bflag:$0x3] =	sbarrier.arrive $0xFFFF;
	s2 =	simm.s32 @!p0 $0x1C09  }
0xae: {  	[timem:s3], [sflag:s2] =	dma.local @!p0 [hbm:s0], s1  }
0xaf: {  	s0 =	simm.s32 @!p0 $0x9  }
0xb0: {  	_ =	swait.ge @!p0 [sflag:s0], s1  }
0xb1: {  	s1 =	ssub.s32 @!p0 $0x0, s1;
	[sflag:s0] =	ssyncset.done @!p0 $0x0  }
0xb2: {  	[sflag:s0] =	ssyncadd.s32 @!p0 s1  }
0xb3: {  	[bflag:$0x3] =	sbarrier.arrive $0xFFFF  }
0xb4: {  	_ =	shalt  }

</sc_bundles>
